<compile_context>
chip_gen: v7x
topology: tpu7x:2x2x1
jax: 0.10.2.dev20260603
libtpu: 0.0.44.dev20260713+nightly
codegen_flags: <defaults>
</compile_context>

<pallas_src>
import functools

import jax
import jax.numpy as jnp
from jax import lax
from jax.experimental import pallas as pl
from jax.experimental.pallas import tpu as pltpu
from jax.experimental.pallas import tpu_sc as plsc

N = 10000
E = 320000
D = 128
G = 64

NC = 2
NS = 16
NW = NC * NS
EPW = E // NW
CH = 80
NCHUNK = EPW // CH
N_PAD = 10240
RPT = N_PAD // NS


NRB = 4
NIB = 5
ZR = 40


def _seg_sum_body(h_hbm, src3, dst3, out_hbm,
                  sidx, didx, rows, zbuf, agg_sh,
                  isem, gsem, ssem, zsem):
    c = lax.axis_index("c")
    s = lax.axis_index("s")
    wid = s * NC + c

    def fire_idx(i):
        pltpu.async_copy(src3.at[wid, i], sidx.at[i % NIB], isem)
        pltpu.async_copy(dst3.at[wid, i], didx.at[i % NIB], isem)

    def wait_idx():
        pltpu.make_async_copy(src3.at[wid, 0], sidx.at[0], isem).wait()
        pltpu.make_async_copy(dst3.at[wid, 0], didx.at[0], isem).wait()

    def fire_gather(i):
        pltpu.async_copy(h_hbm.at[sidx.at[i % NIB]], rows.at[i % NRB], gsem)

    def wait_gather():
        pltpu.make_async_copy(h_hbm.at[sidx.at[0]], rows.at[0], gsem).wait()

    def fire_scatter(i):
        pltpu.async_copy(rows.at[i % NRB], agg_sh.at[didx.at[i % NIB]],
                         ssem, add=True)

    def wait_scatter():
        pltpu.make_async_copy(rows.at[0], agg_sh.at[didx.at[0]], ssem).wait()

    fire_idx(0); fire_idx(1); fire_idx(2); fire_idx(3)
    wait_idx(); fire_gather(0)
    wait_idx(); fire_gather(1)
    wait_idx(); fire_gather(2)
    fire_idx(4)

    def zstore(r, carry):
        for k in range(D // 16):
            zbuf[r, pl.ds(k * 16, 16)] = jnp.zeros((16,), jnp.float32)
        return carry

    lax.fori_loop(0, ZR, zstore, 0)
    for k in range(RPT // ZR):
        pltpu.async_copy(zbuf, agg_sh.at[pl.ds(s * RPT + k * ZR, ZR)], zsem)
    for k in range(RPT // ZR):
        pltpu.make_async_copy(zbuf, agg_sh.at[pl.ds(s * RPT, ZR)],
                              zsem).wait()
    plsc.subcore_barrier()

    wait_idx(); fire_gather(3)
    wait_gather(); fire_scatter(0)

    def body(i, carry):
        wait_scatter()
        fire_idx(i + 4)
        wait_idx()
        fire_gather(i + 3)
        wait_gather()
        fire_scatter(i)
        return carry

    lax.fori_loop(1, NCHUNK - 4, body, 0)
    wait_scatter(); wait_idx(); fire_gather(NCHUNK - 1)
    wait_gather(); fire_scatter(NCHUNK - 4)
    wait_scatter(); wait_gather(); fire_scatter(NCHUNK - 3)
    wait_scatter(); wait_gather(); fire_scatter(NCHUNK - 2)
    wait_scatter(); wait_gather(); fire_scatter(NCHUNK - 1)
    wait_scatter()

    plsc.subcore_barrier()
    pltpu.sync_copy(agg_sh.at[pl.ds(s * RPT, RPT)],
                    out_hbm.at[pl.ds(c * N_PAD + s * RPT, RPT)])


def _sc_segment_sum(h, src3, dst3):
    mesh = plsc.VectorSubcoreMesh(core_axis_name="c", subcore_axis_name="s",
                                  num_cores=NC, num_subcores=NS)
    f = pl.kernel(
        _seg_sum_body,
        out_type=jax.ShapeDtypeStruct((NC * N_PAD, D), jnp.float32),
        mesh=mesh,
        scratch_types=[
            pltpu.VMEM((NIB, CH), jnp.int32),
            pltpu.VMEM((NIB, CH), jnp.int32),
            pltpu.VMEM((NRB, CH, D), jnp.float32),
            pltpu.VMEM((ZR, D), jnp.float32),
            pltpu.VMEM_SHARED((N_PAD, D), jnp.float32),
            pltpu.SemaphoreType.DMA,
            pltpu.SemaphoreType.DMA,
            pltpu.SemaphoreType.DMA,
            pltpu.SemaphoreType.DMA,
        ],
    )
    return f(h, src3, dst3).reshape(NC, N_PAD, D)


def _mlp_body(h_ref, a0_ref, a1_ref, w1_ref, b1_ref, w2_ref, b2_ref, o_ref,
              *, relu_out):
    z = h_ref[...] + a0_ref[0] + a1_ref[0]
    z1 = jnp.dot(z, w1_ref[...], preferred_element_type=jnp.float32)
    z1 = jnp.maximum(z1 + b1_ref[...], 0.0)
    z2 = jnp.dot(z1, w2_ref[...], preferred_element_type=jnp.float32)
    z2 = z2 + b2_ref[...]
    if relu_out:
        z2 = jnp.maximum(z2, 0.0)
    o_ref[...] = z2


MLP_BLK = 2000
MLP_NB = N // MLP_BLK


def _tc_mlp(h, agg2, W1, b1, W2, b2, relu_out):
    grid = (MLP_NB,)
    return pl.pallas_call(
        functools.partial(_mlp_body, relu_out=relu_out),
        grid=grid,
        in_specs=[
            pl.BlockSpec((MLP_BLK, D), lambda i: (i, 0)),
            pl.BlockSpec((1, MLP_BLK, D), lambda i: (0, i, 0)),
            pl.BlockSpec((1, MLP_BLK, D), lambda i: (1, i, 0)),
            pl.BlockSpec((D, D), lambda i: (0, 0)),
            pl.BlockSpec((1, D), lambda i: (0, 0)),
            pl.BlockSpec((D, D), lambda i: (0, 0)),
            pl.BlockSpec((1, D), lambda i: (0, 0)),
        ],
        out_specs=pl.BlockSpec((MLP_BLK, D), lambda i: (i, 0)),
        out_shape=jax.ShapeDtypeStruct((N, D), jnp.float32),
    )(h, agg2, agg2, W1, b1, W2, b2)


def _mlp_pool_body(h_ref, a0_ref, a1_ref, w1_ref, b1_ref, w2_ref, b2_ref,
                   batch_ref, g_ref, bb_ref, o_ref, acc_ref, cnt_ref):
    i = pl.program_id(0)

    @pl.when(i == 0)
    def _init():
        acc_ref[...] = jnp.zeros_like(acc_ref)
        cnt_ref[...] = jnp.zeros_like(cnt_ref)

    z = h_ref[...] + a0_ref[0] + a1_ref[0]
    z1 = jnp.dot(z, w1_ref[...], preferred_element_type=jnp.float32)
    z1 = jnp.maximum(z1 + b1_ref[...], 0.0)
    z2 = jnp.dot(z1, w2_ref[...], preferred_element_type=jnp.float32)
    z2 = z2 + b2_ref[...]

    b = batch_ref[...]
    onehot = (b == lax.broadcasted_iota(jnp.int32, (1, G), 1)
              ).astype(jnp.float32)
    acc_ref[...] += lax.dot_general(
        onehot, z2, (((0,), (0,)), ((), ())),
        preferred_element_type=jnp.float32)
    cnt_ref[...] += lax.dot_general(
        onehot, jnp.ones_like(z2), (((0,), (0,)), ((), ())),
        preferred_element_type=jnp.float32)

    @pl.when(i == MLP_NB - 1)
    def _final():
        pooled = acc_ref[...] / jnp.maximum(cnt_ref[...], 1.0)
        mu = jnp.mean(pooled, axis=1, keepdims=True)
        var = jnp.mean((pooled - mu) ** 2, axis=1, keepdims=True)
        o_ref[...] = ((pooled - mu) * lax.rsqrt(var + 1e-5) * g_ref[...]
                      + bb_ref[...])


def _tc_mlp_pool(h, agg2, W1, b1, W2, b2, batch2d, ln_g, ln_b):
    return pl.pallas_call(
        _mlp_pool_body,
        grid=(MLP_NB,),
        in_specs=[
            pl.BlockSpec((MLP_BLK, D), lambda i: (i, 0)),
            pl.BlockSpec((1, MLP_BLK, D), lambda i: (0, i, 0)),
            pl.BlockSpec((1, MLP_BLK, D), lambda i: (1, i, 0)),
            pl.BlockSpec((D, D), lambda i: (0, 0)),
            pl.BlockSpec((1, D), lambda i: (0, 0)),
            pl.BlockSpec((D, D), lambda i: (0, 0)),
            pl.BlockSpec((1, D), lambda i: (0, 0)),
            pl.BlockSpec((MLP_BLK, 1), lambda i: (i, 0)),
            pl.BlockSpec((1, D), lambda i: (0, 0)),
            pl.BlockSpec((1, D), lambda i: (0, 0)),
        ],
        out_specs=pl.BlockSpec((G, D), lambda i: (0, 0)),
        out_shape=jax.ShapeDtypeStruct((G, D), jnp.float32),
        scratch_shapes=[
            pltpu.VMEM((G, D), jnp.float32),
            pltpu.VMEM((G, D), jnp.float32),
        ],
    )(h, agg2, agg2, W1, b1, W2, b2, batch2d, ln_g, ln_b)


def kernel(x, edge_index, batch, W1_0, b1_0, W2_0, b2_0, W1_1, b1_1, W2_1,
           b2_1, W1_2, b1_2, W2_2, b2_2, ln_g, ln_b):
    src = edge_index[0].reshape(NW, NCHUNK, CH)
    dst = edge_index[1].reshape(NW, NCHUNK, CH)
    batch2d = batch.reshape(N, 1)
    params = [
        (W1_0, b1_0.reshape(1, D), W2_0, b2_0.reshape(1, D)),
        (W1_1, b1_1.reshape(1, D), W2_1, b2_1.reshape(1, D)),
        (W1_2, b1_2.reshape(1, D), W2_2, b2_2.reshape(1, D)),
    ]
    h = x
    for li, (W1, b1, W2, b2) in enumerate(params[:2]):
        agg2 = _sc_segment_sum(h, src, dst)
        h = _tc_mlp(h, agg2, W1, b1, W2, b2, relu_out=True)
    W1, b1, W2, b2 = params[2]
    agg2 = _sc_segment_sum(h, src, dst)
    return _tc_mlp_pool(h, agg2, W1, b1, W2, b2, batch2d,
                        ln_g.reshape(1, D), ln_b.reshape(1, D))

# --- scband reference (transcript-rebuilt; emitter-appended) ---
"""Pipeline reference for scband-base-graph-encoder-86569360818240 (READ-ONLY COPY).

The authoritative reference and input builder live on the scoring server;
editing this copy changes nothing except your own understanding.
"""

import jax, jax.numpy as jnp
import numpy as np

N = 10000
E = 320000
D = 128
HID = 128
NOUT = 128
G = 64

def setup_inputs(seed: int = 0):
    key = jax.random.key(seed)
    ks = jax.random.split(key, 20)
    x = jax.random.normal(ks[0], (N, D), dtype=jnp.float32)
    edge_index = jax.random.randint(ks[1], (2, E), 0, N, dtype=jnp.int32)
    batch = jnp.sort(jax.random.randint(ks[2], (N,), 0, G, dtype=jnp.int32))
    def lin(k, fan_in, fan_out):
        return jax.random.normal(k, (fan_in, fan_out), dtype=jnp.float32) * (1.0 / np.sqrt(fan_in))
    inp = {"x": x, "edge_index": edge_index, "batch": batch}
    dims = [(D, HID, HID), (HID, HID, HID), (HID, HID, NOUT)]
    ki = 3
    for i, (din, dh, dout) in enumerate(dims):
        inp[f"W1_{i}"] = lin(ks[ki], din, dh); ki += 1
        inp[f"b1_{i}"] = jnp.zeros((dh,), dtype=jnp.float32)
        inp[f"W2_{i}"] = lin(ks[ki], dh, dout); ki += 1
        inp[f"b2_{i}"] = jnp.zeros((dout,), dtype=jnp.float32)
    inp["ln_g"] = jnp.ones((NOUT,), dtype=jnp.float32)
    inp["ln_b"] = jnp.zeros((NOUT,), dtype=jnp.float32)
    return inp

def reference(x, edge_index, batch, W1_0, b1_0, W2_0, b2_0, W1_1, b1_1, W2_1, b2_1, W1_2, b1_2, W2_2, b2_2, ln_g, ln_b):
    src = edge_index[0]
    dst = edge_index[1]
    def gin_conv(h, W1, b1, W2, b2):
        # GINConv with eps=0: MLP(x + sum_{j in N(i)} x_j)
        agg = jax.ops.segment_sum(h[src], dst, num_segments=h.shape[0])
        z = h + agg
        z = jnp.dot(z, W1) + b1
        z = jax.nn.relu(z)
        z = jnp.dot(z, W2) + b2
        return z
    h = gin_conv(x, W1_0, b1_0, W2_0, b2_0)
    h = jax.nn.relu(h)  # BasicGNN inter-layer act (dropout=identity in eval)
    h = gin_conv(h, W1_1, b1_1, W2_1, b2_1)
    h = jax.nn.relu(h)
    h = gin_conv(h, W1_2, b1_2, W2_2, b2_2)  # final layer: no act
    # global_mean_pool
    sums = jax.ops.segment_sum(h, batch, num_segments=G)
    cnt = jax.ops.segment_sum(jnp.ones((h.shape[0], 1), dtype=h.dtype), batch, num_segments=G)
    pooled = sums / jnp.maximum(cnt, 1.0)
    # LayerNorm(nout)
    mu = jnp.mean(pooled, axis=-1, keepdims=True)
    var = jnp.var(pooled, axis=-1, keepdims=True)
    out = (pooled - mu) / jnp.sqrt(var + 1e-5) * ln_g + ln_b
    return out

if __name__ == "__main__":
    import jax
    _d = setup_inputs()
    print(jax.jit(kernel)(*tuple(_d.values())))

</pallas_src>

<mosaic_0001>
#map = affine_map<(d0, d1) -> (0, 0)>
#map1 = affine_map<(d0, d1) -> (0, 0, 0)>
module attributes {stable_mosaic.version = 14 : i64} {
  func.func @_seg_sum_body(%arg0: i32, %arg1: i32, %arg2: memref<10000x128xf32, #tpu.memory_space<hbm>>, %arg3: memref<32x125x80xi32, #tpu.memory_space<hbm>>, %arg4: memref<32x125x80xi32, #tpu.memory_space<hbm>>, %arg5: memref<20480x128xf32, #tpu.memory_space<hbm>>, %arg6: memref<5x80xi32, #tpu.memory_space<vmem>>, %arg7: memref<5x80xi32, #tpu.memory_space<vmem>>, %arg8: memref<4x80x128xf32, #tpu.memory_space<vmem>>, %arg9: memref<40x128xf32, #tpu.memory_space<vmem>>, %arg10: memref<10240x128xf32, #tpu.memory_space<vmem_shared>>, %arg11: memref<!tpu.dma_semaphore, #tpu.memory_space<semaphore_mem>>, %arg12: memref<!tpu.dma_semaphore, #tpu.memory_space<semaphore_mem>>, %arg13: memref<!tpu.dma_semaphore, #tpu.memory_space<semaphore_mem>>, %arg14: memref<!tpu.dma_semaphore, #tpu.memory_space<semaphore_mem>>) attributes {dimension_semantics = [#tpu.dimension_semantics<core_parallel>, #tpu.dimension_semantics<subcore_parallel>], iteration_bounds = array<i64: 2, 16>, scalar_prefetch = 0 : i64, scratch_operands = 9 : i64, tpu.core_type = #tpu.core_type<sc_vector_subcore>, window_params = [{transform_indices = #map}, {transform_indices = #map1}, {transform_indices = #map1}, {transform_indices = #map}]} {
    %mul3A = arith.constant 2 : i32
    %mul3A_0 = arith.muli %arg1, %mul3A : i32
    %add3A = arith.addi %mul3A_0, %arg0 : i32
    %dma_start3A = arith.constant 0 : i32
    %dma_start3A_1 = arith.constant 0 : i32
    %dma_start3A_2 = arith.constant 0 : i32
    %dma_start3A_3 = tpu.memref_slice %arg6[%dma_start3A_1, %dma_start3A_2] : memref<5x80xi32, #tpu.memory_space<vmem>> -> memref<1x80xi32, #tpu.memory_space<vmem>>
    %dma_start3A_4 = tpu.memref_squeeze %dma_start3A_3 : memref<1x80xi32, #tpu.memory_space<vmem>> -> memref<80xi32, #tpu.memory_space<vmem>>
    %dma_start3A_5 = arith.constant 0 : i32
    %dma_start3A_6 = tpu.memref_slice %arg3[%add3A, %dma_start3A, %dma_start3A_5] : memref<32x125x80xi32, #tpu.memory_space<hbm>> -> memref<1x1x80xi32, #tpu.memory_space<hbm>>
    %dma_start3A_7 = tpu.memref_squeeze %dma_start3A_6 : memref<1x1x80xi32, #tpu.memory_space<hbm>> -> memref<80xi32, #tpu.memory_space<hbm>>
    %dma_start3A_8 = arith.constant 0 : i32
    %dma_start3A_9 = tpu.memref_slice %arg6[%dma_start3A_1, %dma_start3A_8] : memref<5x80xi32, #tpu.memory_space<vmem>> -> memref<1x80xi32, #tpu.memory_space<vmem>>
    %dma_start3A_10 = tpu.memref_squeeze %dma_start3A_9 : memref<1x80xi32, #tpu.memory_space<vmem>> -> memref<80xi32, #tpu.memory_space<vmem>>
    %dma_start3A_11 = arith.constant 0 : i32
    %dma_start3A_12 = tpu.memref_slice %arg3[%add3A, %dma_start3A, %dma_start3A_11] : memref<32x125x80xi32, #tpu.memory_space<hbm>> -> memref<1x1x80xi32, #tpu.memory_space<hbm>>
    %dma_start3A_13 = tpu.memref_squeeze %dma_start3A_12 : memref<1x1x80xi32, #tpu.memory_space<hbm>> -> memref<80xi32, #tpu.memory_space<hbm>>
    tpu.enqueue_dma source(%dma_start3A_13 : memref<80xi32, #tpu.memory_space<hbm>>) target(%dma_start3A_10 : memref<80xi32, #tpu.memory_space<vmem>>) target_semaphore(%arg11 : memref<!tpu.dma_semaphore, #tpu.memory_space<semaphore_mem>>)
    %dma_start3A_14 = arith.constant 0 : i32
    %dma_start3A_15 = arith.constant 0 : i32
    %dma_start3A_16 = arith.constant 0 : i32
    %dma_start3A_17 = tpu.memref_slice %arg7[%dma_start3A_15, %dma_start3A_16] : memref<5x80xi32, #tpu.memory_space<vmem>> -> memref<1x80xi32, #tpu.memory_space<vmem>>
    %dma_start3A_18 = tpu.memref_squeeze %dma_start3A_17 : memref<1x80xi32, #tpu.memory_space<vmem>> -> memref<80xi32, #tpu.memory_space<vmem>>
    %dma_start3A_19 = arith.constant 0 : i32
    %dma_start3A_20 = tpu.memref_slice %arg4[%add3A, %dma_start3A_14, %dma_start3A_19] : memref<32x125x80xi32, #tpu.memory_space<hbm>> -> memref<1x1x80xi32, #tpu.memory_space<hbm>>
    %dma_start3A_21 = tpu.memref_squeeze %dma_start3A_20 : memref<1x1x80xi32, #tpu.memory_space<hbm>> -> memref<80xi32, #tpu.memory_space<hbm>>
    %dma_start3A_22 = arith.constant 0 : i32
    %dma_start3A_23 = tpu.memref_slice %arg7[%dma_start3A_15, %dma_start3A_22] : memref<5x80xi32, #tpu.memory_space<vmem>> -> memref<1x80xi32, #tpu.memory_space<vmem>>
    %dma_start3A_24 = tpu.memref_squeeze %dma_start3A_23 : memref<1x80xi32, #tpu.memory_space<vmem>> -> memref<80xi32, #tpu.memory_space<vmem>>
    %dma_start3A_25 = arith.constant 0 : i32
    %dma_start3A_26 = tpu.memref_slice %arg4[%add3A, %dma_start3A_14, %dma_start3A_25] : memref<32x125x80xi32, #tpu.memory_space<hbm>> -> memref<1x1x80xi32, #tpu.memory_space<hbm>>
    %dma_start3A_27 = tpu.memref_squeeze %dma_start3A_26 : memref<1x1x80xi32, #tpu.memory_space<hbm>> -> memref<80xi32, #tpu.memory_space<hbm>>
    tpu.enqueue_dma source(%dma_start3A_27 : memref<80xi32, #tpu.memory_space<hbm>>) target(%dma_start3A_24 : memref<80xi32, #tpu.memory_space<vmem>>) target_semaphore(%arg11 : memref<!tpu.dma_semaphore, #tpu.memory_space<semaphore_mem>>)
    %dma_start3A_28 = arith.constant 1 : i32
    %dma_start3A_29 = arith.constant 1 : i32
    %dma_start3A_30 = arith.constant 0 : i32
    %dma_start3A_31 = tpu.memref_slice %arg6[%dma_start3A_29, %dma_start3A_30] : memref<5x80xi32, #tpu.memory_space<vmem>> -> memref<1x80xi32, #tpu.memory_space<vmem>>
    %dma_start3A_32 = tpu.memref_squeeze %dma_start3A_31 : memref<1x80xi32, #tpu.memory_space<vmem>> -> memref<80xi32, #tpu.memory_space<vmem>>
    %dma_start3A_33 = arith.constant 0 : i32
    %dma_start3A_34 = tpu.memref_slice %arg3[%add3A, %dma_start3A_28, %dma_start3A_33] : memref<32x125x80xi32, #tpu.memory_space<hbm>> -> memref<1x1x80xi32, #tpu.memory_space<hbm>>
    %dma_start3A_35 = tpu.memref_squeeze %dma_start3A_34 : memref<1x1x80xi32, #tpu.memory_space<hbm>> -> memref<80xi32, #tpu.memory_space<hbm>>
    %dma_start3A_36 = arith.constant 0 : i32
    %dma_start3A_37 = tpu.memref_slice %arg6[%dma_start3A_29, %dma_start3A_36] : memref<5x80xi32, #tpu.memory_space<vmem>> -> memref<1x80xi32, #tpu.memory_space<vmem>>
    %dma_start3A_38 = tpu.memref_squeeze %dma_start3A_37 : memref<1x80xi32, #tpu.memory_space<vmem>> -> memref<80xi32, #tpu.memory_space<vmem>>
    %dma_start3A_39 = arith.constant 0 : i32
    %dma_start3A_40 = tpu.memref_slice %arg3[%add3A, %dma_start3A_28, %dma_start3A_39] : memref<32x125x80xi32, #tpu.memory_space<hbm>> -> memref<1x1x80xi32, #tpu.memory_space<hbm>>
    %dma_start3A_41 = tpu.memref_squeeze %dma_start3A_40 : memref<1x1x80xi32, #tpu.memory_space<hbm>> -> memref<80xi32, #tpu.memory_space<hbm>>
    tpu.enqueue_dma source(%dma_start3A_41 : memref<80xi32, #tpu.memory_space<hbm>>) target(%dma_start3A_38 : memref<80xi32, #tpu.memory_space<vmem>>) target_semaphore(%arg11 : memref<!tpu.dma_semaphore, #tpu.memory_space<semaphore_mem>>)
    %dma_start3A_42 = arith.constant 1 : i32
    %dma_start3A_43 = arith.constant 1 : i32
    %dma_start3A_44 = arith.constant 0 : i32
    %dma_start3A_45 = tpu.memref_slice %arg7[%dma_start3A_43, %dma_start3A_44] : memref<5x80xi32, #tpu.memory_space<vmem>> -> memref<1x80xi32, #tpu.memory_space<vmem>>
    %dma_start3A_46 = tpu.memref_squeeze %dma_start3A_45 : memref<1x80xi32, #tpu.memory_space<vmem>> -> memref<80xi32, #tpu.memory_space<vmem>>
    %dma_start3A_47 = arith.constant 0 : i32
    %dma_start3A_48 = tpu.memref_slice %arg4[%add3A, %dma_start3A_42, %dma_start3A_47] : memref<32x125x80xi32, #tpu.memory_space<hbm>> -> memref<1x1x80xi32, #tpu.memory_space<hbm>>
    %dma_start3A_49 = tpu.memref_squeeze %dma_start3A_48 : memref<1x1x80xi32, #tpu.memory_space<hbm>> -> memref<80xi32, #tpu.memory_space<hbm>>
    %dma_start3A_50 = arith.constant 0 : i32
    %dma_start3A_51 = tpu.memref_slice %arg7[%dma_start3A_43, %dma_start3A_50] : memref<5x80xi32, #tpu.memory_space<vmem>> -> memref<1x80xi32, #tpu.memory_space<vmem>>
    %dma_start3A_52 = tpu.memref_squeeze %dma_start3A_51 : memref<1x80xi32, #tpu.memory_space<vmem>> -> memref<80xi32, #tpu.memory_space<vmem>>
    %dma_start3A_53 = arith.constant 0 : i32
    %dma_start3A_54 = tpu.memref_slice %arg4[%add3A, %dma_start3A_42, %dma_start3A_53] : memref<32x125x80xi32, #tpu.memory_space<hbm>> -> memref<1x1x80xi32, #tpu.memory_space<hbm>>
    %dma_start3A_55 = tpu.memref_squeeze %dma_start3A_54 : memref<1x1x80xi32, #tpu.memory_space<hbm>> -> memref<80xi32, #tpu.memory_space<hbm>>
    tpu.enqueue_dma source(%dma_start3A_55 : memref<80xi32, #tpu.memory_space<hbm>>) target(%dma_start3A_52 : memref<80xi32, #tpu.memory_space<vmem>>) target_semaphore(%arg11 : memref<!tpu.dma_semaphore, #tpu.memory_space<semaphore_mem>>)
    %dma_start3A_56 = arith.constant 2 : i32
    %dma_start3A_57 = arith.constant 2 : i32
    %dma_start3A_58 = arith.constant 0 : i32
    %dma_start3A_59 = tpu.memref_slice %arg6[%dma_start3A_57, %dma_start3A_58] : memref<5x80xi32, #tpu.memory_space<vmem>> -> memref<1x80xi32, #tpu.memory_space<vmem>>
    %dma_start3A_60 = tpu.memref_squeeze %dma_start3A_59 : memref<1x80xi32, #tpu.memory_space<vmem>> -> memref<80xi32, #tpu.memory_space<vmem>>
    %dma_start3A_61 = arith.constant 0 : i32
    %dma_start3A_62 = tpu.memref_slice %arg3[%add3A, %dma_start3A_56, %dma_start3A_61] : memref<32x125x80xi32, #tpu.memory_space<hbm>> -> memref<1x1x80xi32, #tpu.memory_space<hbm>>
    %dma_start3A_63 = tpu.memref_squeeze %dma_start3A_62 : memref<1x1x80xi32, #tpu.memory_space<hbm>> -> memref<80xi32, #tpu.memory_space<hbm>>
    %dma_start3A_64 = arith.constant 0 : i32
    %dma_start3A_65 = tpu.memref_slice %arg6[%dma_start3A_57, %dma_start3A_64] : memref<5x80xi32, #tpu.memory_space<vmem>> -> memref<1x80xi32, #tpu.memory_space<vmem>>
    %dma_start3A_66 = tpu.memref_squeeze %dma_start3A_65 : memref<1x80xi32, #tpu.memory_space<vmem>> -> memref<80xi32, #tpu.memory_space<vmem>>
    %dma_start3A_67 = arith.constant 0 : i32
    %dma_start3A_68 = tpu.memref_slice %arg3[%add3A, %dma_start3A_56, %dma_start3A_67] : memref<32x125x80xi32, #tpu.memory_space<hbm>> -> memref<1x1x80xi32, #tpu.memory_space<hbm>>
    %dma_start3A_69 = tpu.memref_squeeze %dma_start3A_68 : memref<1x1x80xi32, #tpu.memory_space<hbm>> -> memref<80xi32, #tpu.memory_space<hbm>>
    tpu.enqueue_dma source(%dma_start3A_69 : memref<80xi32, #tpu.memory_space<hbm>>) target(%dma_start3A_66 : memref<80xi32, #tpu.memory_space<vmem>>) target_semaphore(%arg11 : memref<!tpu.dma_semaphore, #tpu.memory_space<semaphore_mem>>)
    %dma_start3A_70 = arith.constant 2 : i32
    %dma_start3A_71 = arith.constant 2 : i32
    %dma_start3A_72 = arith.constant 0 : i32
    %dma_start3A_73 = tpu.memref_slice %arg7[%dma_start3A_71, %dma_start3A_72] : memref<5x80xi32, #tpu.memory_space<vmem>> -> memref<1x80xi32, #tpu.memory_space<vmem>>
    %dma_start3A_74 = tpu.memref_squeeze %dma_start3A_73 : memref<1x80xi32, #tpu.memory_space<vmem>> -> memref<80xi32, #tpu.memory_space<vmem>>
    %dma_start3A_75 = arith.constant 0 : i32
    %dma_start3A_76 = tpu.memref_slice %arg4[%add3A, %dma_start3A_70, %dma_start3A_75] : memref<32x125x80xi32, #tpu.memory_space<hbm>> -> memref<1x1x80xi32, #tpu.memory_space<hbm>>
    %dma_start3A_77 = tpu.memref_squeeze %dma_start3A_76 : memref<1x1x80xi32, #tpu.memory_space<hbm>> -> memref<80xi32, #tpu.memory_space<hbm>>
    %dma_start3A_78 = arith.constant 0 : i32
    %dma_start3A_79 = tpu.memref_slice %arg7[%dma_start3A_71, %dma_start3A_78] : memref<5x80xi32, #tpu.memory_space<vmem>> -> memref<1x80xi32, #tpu.memory_space<vmem>>
    %dma_start3A_80 = tpu.memref_squeeze %dma_start3A_79 : memref<1x80xi32, #tpu.memory_space<vmem>> -> memref<80xi32, #tpu.memory_space<vmem>>
    %dma_start3A_81 = arith.constant 0 : i32
    %dma_start3A_82 = tpu.memref_slice %arg4[%add3A, %dma_start3A_70, %dma_start3A_81] : memref<32x125x80xi32, #tpu.memory_space<hbm>> -> memref<1x1x80xi32, #tpu.memory_space<hbm>>
    %dma_start3A_83 = tpu.memref_squeeze %dma_start3A_82 : memref<1x1x80xi32, #tpu.memory_space<hbm>> -> memref<80xi32, #tpu.memory_space<hbm>>
    tpu.enqueue_dma source(%dma_start3A_83 : memref<80xi32, #tpu.memory_space<hbm>>) target(%dma_start3A_80 : memref<80xi32, #tpu.memory_space<vmem>>) target_semaphore(%arg11 : memref<!tpu.dma_semaphore, #tpu.memory_space<semaphore_mem>>)
    %dma_start3A_84 = arith.constant 3 : i32
    %dma_start3A_85 = arith.constant 3 : i32
    %dma_start3A_86 = arith.constant 0 : i32
    %dma_start3A_87 = tpu.memref_slice %arg6[%dma_start3A_85, %dma_start3A_86] : memref<5x80xi32, #tpu.memory_space<vmem>> -> memref<1x80xi32, #tpu.memory_space<vmem>>
    %dma_start3A_88 = tpu.memref_squeeze %dma_start3A_87 : memref<1x80xi32, #tpu.memory_space<vmem>> -> memref<80xi32, #tpu.memory_space<vmem>>
    %dma_start3A_89 = arith.constant 0 : i32
    %dma_start3A_90 = tpu.memref_slice %arg3[%add3A, %dma_start3A_84, %dma_start3A_89] : memref<32x125x80xi32, #tpu.memory_space<hbm>> -> memref<1x1x80xi32, #tpu.memory_space<hbm>>
    %dma_start3A_91 = tpu.memref_squeeze %dma_start3A_90 : memref<1x1x80xi32, #tpu.memory_space<hbm>> -> memref<80xi32, #tpu.memory_space<hbm>>
    %dma_start3A_92 = arith.constant 0 : i32
    %dma_start3A_93 = tpu.memref_slice %arg6[%dma_start3A_85, %dma_start3A_92] : memref<5x80xi32, #tpu.memory_space<vmem>> -> memref<1x80xi32, #tpu.memory_space<vmem>>
    %dma_start3A_94 = tpu.memref_squeeze %dma_start3A_93 : memref<1x80xi32, #tpu.memory_space<vmem>> -> memref<80xi32, #tpu.memory_space<vmem>>
    %dma_start3A_95 = arith.constant 0 : i32
    %dma_start3A_96 = tpu.memref_slice %arg3[%add3A, %dma_start3A_84, %dma_start3A_95] : memref<32x125x80xi32, #tpu.memory_space<hbm>> -> memref<1x1x80xi32, #tpu.memory_space<hbm>>
    %dma_start3A_97 = tpu.memref_squeeze %dma_start3A_96 : memref<1x1x80xi32, #tpu.memory_space<hbm>> -> memref<80xi32, #tpu.memory_space<hbm>>
    tpu.enqueue_dma source(%dma_start3A_97 : memref<80xi32, #tpu.memory_space<hbm>>) target(%dma_start3A_94 : memref<80xi32, #tpu.memory_space<vmem>>) target_semaphore(%arg11 : memref<!tpu.dma_semaphore, #tpu.memory_space<semaphore_mem>>)
    %dma_start3A_98 = arith.constant 3 : i32
    %dma_start3A_99 = arith.constant 3 : i32
    %dma_start3A_100 = arith.constant 0 : i32
    %dma_start3A_101 = tpu.memref_slice %arg7[%dma_start3A_99, %dma_start3A_100] : memref<5x80xi32, #tpu.memory_space<vmem>> -> memref<1x80xi32, #tpu.memory_space<vmem>>
    %dma_start3A_102 = tpu.memref_squeeze %dma_start3A_101 : memref<1x80xi32, #tpu.memory_space<vmem>> -> memref<80xi32, #tpu.memory_space<vmem>>
    %dma_start3A_103 = arith.constant 0 : i32
    %dma_start3A_104 = tpu.memref_slice %arg4[%add3A, %dma_start3A_98, %dma_start3A_103] : memref<32x125x80xi32, #tpu.memory_space<hbm>> -> memref<1x1x80xi32, #tpu.memory_space<hbm>>
    %dma_start3A_105 = tpu.memref_squeeze %dma_start3A_104 : memref<1x1x80xi32, #tpu.memory_space<hbm>> -> memref<80xi32, #tpu.memory_space<hbm>>
    %dma_start3A_106 = arith.constant 0 : i32
    %dma_start3A_107 = tpu.memref_slice %arg7[%dma_start3A_99, %dma_start3A_106] : memref<5x80xi32, #tpu.memory_space<vmem>> -> memref<1x80xi32, #tpu.memory_space<vmem>>
    %dma_start3A_108 = tpu.memref_squeeze %dma_start3A_107 : memref<1x80xi32, #tpu.memory_space<vmem>> -> memref<80xi32, #tpu.memory_space<vmem>>
    %dma_start3A_109 = arith.constant 0 : i32
    %dma_start3A_110 = tpu.memref_slice %arg4[%add3A, %dma_start3A_98, %dma_start3A_109] : memref<32x125x80xi32, #tpu.memory_space<hbm>> -> memref<1x1x80xi32, #tpu.memory_space<hbm>>
    %dma_start3A_111 = tpu.memref_squeeze %dma_start3A_110 : memref<1x1x80xi32, #tpu.memory_space<hbm>> -> memref<80xi32, #tpu.memory_space<hbm>>
    tpu.enqueue_dma source(%dma_start3A_111 : memref<80xi32, #tpu.memory_space<hbm>>) target(%dma_start3A_108 : memref<80xi32, #tpu.memory_space<vmem>>) target_semaphore(%arg11 : memref<!tpu.dma_semaphore, #tpu.memory_space<semaphore_mem>>)
    %dma_wait3A = arith.constant 0 : i32
    %dma_wait3A_112 = arith.constant 0 : i32
    %dma_wait3A_113 = arith.constant 0 : i32
    %dma_wait3A_114 = tpu.memref_slice %arg6[%dma_wait3A_112, %dma_wait3A_113] : memref<5x80xi32, #tpu.memory_space<vmem>> -> memref<1x80xi32, #tpu.memory_space<vmem>>
    %dma_wait3A_115 = tpu.memref_squeeze %dma_wait3A_114 : memref<1x80xi32, #tpu.memory_space<vmem>> -> memref<80xi32, #tpu.memory_space<vmem>>
    %dma_wait3A_116 = arith.constant 0 : i32
    %dma_wait3A_117 = tpu.memref_slice %arg3[%add3A, %dma_wait3A, %dma_wait3A_116] : memref<32x125x80xi32, #tpu.memory_space<hbm>> -> memref<1x1x80xi32, #tpu.memory_space<hbm>>
    %dma_wait3A_118 = tpu.memref_squeeze %dma_wait3A_117 : memref<1x1x80xi32, #tpu.memory_space<hbm>> -> memref<80xi32, #tpu.memory_space<hbm>>
    %dma_wait3A_119 = arith.constant 0 : i32
    %dma_wait3A_120 = tpu.memref_slice %arg6[%dma_wait3A_112, %dma_wait3A_119] : memref<5x80xi32, #tpu.memory_space<vmem>> -> memref<1x80xi32, #tpu.memory_space<vmem>>
    %dma_wait3A_121 = tpu.memref_squeeze %dma_wait3A_120 : memref<1x80xi32, #tpu.memory_space<vmem>> -> memref<80xi32, #tpu.memory_space<vmem>>
    %dma_wait3A_122 = arith.constant 0 : i32
    %dma_wait3A_123 = tpu.memref_slice %arg3[%add3A, %dma_wait3A, %dma_wait3A_122] : memref<32x125x80xi32, #tpu.memory_space<hbm>> -> memref<1x1x80xi32, #tpu.memory_space<hbm>>
    %dma_wait3A_124 = tpu.memref_squeeze %dma_wait3A_123 : memref<1x1x80xi32, #tpu.memory_space<hbm>> -> memref<80xi32, #tpu.memory_space<hbm>>
    tpu.wait_dma2 semaphore(%arg11 : memref<!tpu.dma_semaphore, #tpu.memory_space<semaphore_mem>>) src(%dma_wait3A_124 : memref<80xi32, #tpu.memory_space<hbm>>) dst(%dma_wait3A_121 : memref<80xi32, #tpu.memory_space<vmem>>)
    %dma_wait3A_125 = arith.constant 0 : i32
    %dma_wait3A_126 = arith.constant 0 : i32
    %dma_wait3A_127 = arith.constant 0 : i32
    %dma_wait3A_128 = tpu.memref_slice %arg7[%dma_wait3A_126, %dma_wait3A_127] : memref<5x80xi32, #tpu.memory_space<vmem>> -> memref<1x80xi32, #tpu.memory_space<vmem>>
    %dma_wait3A_129 = tpu.memref_squeeze %dma_wait3A_128 : memref<1x80xi32, #tpu.memory_space<vmem>> -> memref<80xi32, #tpu.memory_space<vmem>>
    %dma_wait3A_130 = arith.constant 0 : i32
    %dma_wait3A_131 = tpu.memref_slice %arg4[%add3A, %dma_wait3A_125, %dma_wait3A_130] : memref<32x125x80xi32, #tpu.memory_space<hbm>> -> memref<1x1x80xi32, #tpu.memory_space<hbm>>
    %dma_wait3A_132 = tpu.memref_squeeze %dma_wait3A_131 : memref<1x1x80xi32, #tpu.memory_space<hbm>> -> memref<80xi32, #tpu.memory_space<hbm>>
    %dma_wait3A_133 = arith.constant 0 : i32
    %dma_wait3A_134 = tpu.memref_slice %arg7[%dma_wait3A_126, %dma_wait3A_133] : memref<5x80xi32, #tpu.memory_space<vmem>> -> memref<1x80xi32, #tpu.memory_space<vmem>>
    %dma_wait3A_135 = tpu.memref_squeeze %dma_wait3A_134 : memref<1x80xi32, #tpu.memory_space<vmem>> -> memref<80xi32, #tpu.memory_space<vmem>>
    %dma_wait3A_136 = arith.constant 0 : i32
    %dma_wait3A_137 = tpu.memref_slice %arg4[%add3A, %dma_wait3A_125, %dma_wait3A_136] : memref<32x125x80xi32, #tpu.memory_space<hbm>> -> memref<1x1x80xi32, #tpu.memory_space<hbm>>
    %dma_wait3A_138 = tpu.memref_squeeze %dma_wait3A_137 : memref<1x1x80xi32, #tpu.memory_space<hbm>> -> memref<80xi32, #tpu.memory_space<hbm>>
    tpu.wait_dma2 semaphore(%arg11 : memref<!tpu.dma_semaphore, #tpu.memory_space<semaphore_mem>>) src(%dma_wait3A_138 : memref<80xi32, #tpu.memory_space<hbm>>) dst(%dma_wait3A_135 : memref<80xi32, #tpu.memory_space<vmem>>)
    %dma_start3A_139 = arith.constant 0 : i32
    %dma_start3A_140 = arith.constant 0 : i32
    %dma_start3A_141 = arith.constant 0 : i32
    %dma_start3A_142 = arith.constant 0 : i32
    %dma_start3A_143 = tpu.memref_slice %arg8[%dma_start3A_140, %dma_start3A_141, %dma_start3A_142] : memref<4x80x128xf32, #tpu.memory_space<vmem>> -> memref<1x80x128xf32, #tpu.memory_space<vmem>>
    %dma_start3A_144 = tpu.memref_squeeze %dma_start3A_143 : memref<1x80x128xf32, #tpu.memory_space<vmem>> -> memref<80x128xf32, #tpu.memory_space<vmem>>
    %dma_start3A_145 = arith.constant 0 : i32
    %dma_start3A_146 = tpu.memref_slice %arg6[%dma_start3A_139, %dma_start3A_145] : memref<5x80xi32, #tpu.memory_space<vmem>> -> memref<1x80xi32, #tpu.memory_space<vmem>>
    %dma_start3A_147 = tpu.memref_squeeze %dma_start3A_146 : memref<1x80xi32, #tpu.memory_space<vmem>> -> memref<80xi32, #tpu.memory_space<vmem>>
    %dma_start3A_148 = arith.constant 0 : i32
    %dma_start3A_149 = arith.constant 0 : i32
    %dma_start3A_150 = tpu.memref_slice %arg2[%dma_start3A_148, %dma_start3A_149] : memref<10000x128xf32, #tpu.memory_space<hbm>> -> memref<10000x128xf32, #tpu.memory_space<hbm>>
    tpu.enqueue_indirect_dma source(%dma_start3A_150 : memref<10000x128xf32, #tpu.memory_space<hbm>>) target(%dma_start3A_144 : memref<80x128xf32, #tpu.memory_space<vmem>>) offsets(%dma_start3A_147 : memref<80xi32, #tpu.memory_space<vmem>>) semaphore(%arg12 : memref<!tpu.dma_semaphore, #tpu.memory_space<semaphore_mem>>)
    %dma_wait3A_151 = arith.constant 0 : i32
    %dma_wait3A_152 = arith.constant 0 : i32
    %dma_wait3A_153 = arith.constant 0 : i32
    %dma_wait3A_154 = tpu.memref_slice %arg6[%dma_wait3A_152, %dma_wait3A_153] : memref<5x80xi32, #tpu.memory_space<vmem>> -> memref<1x80xi32, #tpu.memory_space<vmem>>
    %dma_wait3A_155 = tpu.memref_squeeze %dma_wait3A_154 : memref<1x80xi32, #tpu.memory_space<vmem>> -> memref<80xi32, #tpu.memory_space<vmem>>
    %dma_wait3A_156 = arith.constant 0 : i32
    %dma_wait3A_157 = tpu.memref_slice %arg3[%add3A, %dma_wait3A_151, %dma_wait3A_156] : memref<32x125x80xi32, #tpu.memory_space<hbm>> -> memref<1x1x80xi32, #tpu.memory_space<hbm>>
    %dma_wait3A_158 = tpu.memref_squeeze %dma_wait3A_157 : memref<1x1x80xi32, #tpu.memory_space<hbm>> -> memref<80xi32, #tpu.memory_space<hbm>>
    %dma_wait3A_159 = arith.constant 0 : i32
    %dma_wait3A_160 = tpu.memref_slice %arg6[%dma_wait3A_152, %dma_wait3A_159] : memref<5x80xi32, #tpu.memory_space<vmem>> -> memref<1x80xi32, #tpu.memory_space<vmem>>
    %dma_wait3A_161 = tpu.memref_squeeze %dma_wait3A_160 : memref<1x80xi32, #tpu.memory_space<vmem>> -> memref<80xi32, #tpu.memory_space<vmem>>
    %dma_wait3A_162 = arith.constant 0 : i32
    %dma_wait3A_163 = tpu.memref_slice %arg3[%add3A, %dma_wait3A_151, %dma_wait3A_162] : memref<32x125x80xi32, #tpu.memory_space<hbm>> -> memref<1x1x80xi32, #tpu.memory_space<hbm>>
    %dma_wait3A_164 = tpu.memref_squeeze %dma_wait3A_163 : memref<1x1x80xi32, #tpu.memory_space<hbm>> -> memref<80xi32, #tpu.memory_space<hbm>>
    tpu.wait_dma2 semaphore(%arg11 : memref<!tpu.dma_semaphore, #tpu.memory_space<semaphore_mem>>) src(%dma_wait3A_164 : memref<80xi32, #tpu.memory_space<hbm>>) dst(%dma_wait3A_161 : memref<80xi32, #tpu.memory_space<vmem>>)
    %dma_wait3A_165 = arith.constant 0 : i32
    %dma_wait3A_166 = arith.constant 0 : i32
    %dma_wait3A_167 = arith.constant 0 : i32
    %dma_wait3A_168 = tpu.memref_slice %arg7[%dma_wait3A_166, %dma_wait3A_167] : memref<5x80xi32, #tpu.memory_space<vmem>> -> memref<1x80xi32, #tpu.memory_space<vmem>>
    %dma_wait3A_169 = tpu.memref_squeeze %dma_wait3A_168 : memref<1x80xi32, #tpu.memory_space<vmem>> -> memref<80xi32, #tpu.memory_space<vmem>>
    %dma_wait3A_170 = arith.constant 0 : i32
    %dma_wait3A_171 = tpu.memref_slice %arg4[%add3A, %dma_wait3A_165, %dma_wait3A_170] : memref<32x125x80xi32, #tpu.memory_space<hbm>> -> memref<1x1x80xi32, #tpu.memory_space<hbm>>
    %dma_wait3A_172 = tpu.memref_squeeze %dma_wait3A_171 : memref<1x1x80xi32, #tpu.memory_space<hbm>> -> memref<80xi32, #tpu.memory_space<hbm>>
    %dma_wait3A_173 = arith.constant 0 : i32
    %dma_wait3A_174 = tpu.memref_slice %arg7[%dma_wait3A_166, %dma_wait3A_173] : memref<5x80xi32, #tpu.memory_space<vmem>> -> memref<1x80xi32, #tpu.memory_space<vmem>>
    %dma_wait3A_175 = tpu.memref_squeeze %dma_wait3A_174 : memref<1x80xi32, #tpu.memory_space<vmem>> -> memref<80xi32, #tpu.memory_space<vmem>>
    %dma_wait3A_176 = arith.constant 0 : i32
    %dma_wait3A_177 = tpu.memref_slice %arg4[%add3A, %dma_wait3A_165, %dma_wait3A_176] : memref<32x125x80xi32, #tpu.memory_space<hbm>> -> memref<1x1x80xi32, #tpu.memory_space<hbm>>
    %dma_wait3A_178 = tpu.memref_squeeze %dma_wait3A_177 : memref<1x1x80xi32, #tpu.memory_space<hbm>> -> memref<80xi32, #tpu.memory_space<hbm>>
    tpu.wait_dma2 semaphore(%arg11 : memref<!tpu.dma_semaphore, #tpu.memory_space<semaphore_mem>>) src(%dma_wait3A_178 : memref<80xi32, #tpu.memory_space<hbm>>) dst(%dma_wait3A_175 : memref<80xi32, #tpu.memory_space<vmem>>)
    %dma_start3A_179 = arith.constant 1 : i32
    %dma_start3A_180 = arith.constant 1 : i32
    %dma_start3A_181 = arith.constant 0 : i32
    %dma_start3A_182 = arith.constant 0 : i32
    %dma_start3A_183 = tpu.memref_slice %arg8[%dma_start3A_180, %dma_start3A_181, %dma_start3A_182] : memref<4x80x128xf32, #tpu.memory_space<vmem>> -> memref<1x80x128xf32, #tpu.memory_space<vmem>>
    %dma_start3A_184 = tpu.memref_squeeze %dma_start3A_183 : memref<1x80x128xf32, #tpu.memory_space<vmem>> -> memref<80x128xf32, #tpu.memory_space<vmem>>
    %dma_start3A_185 = arith.constant 0 : i32
    %dma_start3A_186 = tpu.memref_slice %arg6[%dma_start3A_179, %dma_start3A_185] : memref<5x80xi32, #tpu.memory_space<vmem>> -> memref<1x80xi32, #tpu.memory_space<vmem>>
    %dma_start3A_187 = tpu.memref_squeeze %dma_start3A_186 : memref<1x80xi32, #tpu.memory_space<vmem>> -> memref<80xi32, #tpu.memory_space<vmem>>
    %dma_start3A_188 = arith.constant 0 : i32
    %dma_start3A_189 = arith.constant 0 : i32
    %dma_start3A_190 = tpu.memref_slice %arg2[%dma_start3A_188, %dma_start3A_189] : memref<10000x128xf32, #tpu.memory_space<hbm>> -> memref<10000x128xf32, #tpu.memory_space<hbm>>
    tpu.enqueue_indirect_dma source(%dma_start3A_190 : memref<10000x128xf32, #tpu.memory_space<hbm>>) target(%dma_start3A_184 : memref<80x128xf32, #tpu.memory_space<vmem>>) offsets(%dma_start3A_187 : memref<80xi32, #tpu.memory_space<vmem>>) semaphore(%arg12 : memref<!tpu.dma_semaphore, #tpu.memory_space<semaphore_mem>>)
    %dma_wait3A_191 = arith.constant 0 : i32
    %dma_wait3A_192 = arith.constant 0 : i32
    %dma_wait3A_193 = arith.constant 0 : i32
    %dma_wait3A_194 = tpu.memref_slice %arg6[%dma_wait3A_192, %dma_wait3A_193] : memref<5x80xi32, #tpu.memory_space<vmem>> -> memref<1x80xi32, #tpu.memory_space<vmem>>
    %dma_wait3A_195 = tpu.memref_squeeze %dma_wait3A_194 : memref<1x80xi32, #tpu.memory_space<vmem>> -> memref<80xi32, #tpu.memory_space<vmem>>
    %dma_wait3A_196 = arith.constant 0 : i32
    %dma_wait3A_197 = tpu.memref_slice %arg3[%add3A, %dma_wait3A_191, %dma_wait3A_196] : memref<32x125x80xi32, #tpu.memory_space<hbm>> -> memref<1x1x80xi32, #tpu.memory_space<hbm>>
    %dma_wait3A_198 = tpu.memref_squeeze %dma_wait3A_197 : memref<1x1x80xi32, #tpu.memory_space<hbm>> -> memref<80xi32, #tpu.memory_space<hbm>>
    %dma_wait3A_199 = arith.constant 0 : i32
    %dma_wait3A_200 = tpu.memref_slice %arg6[%dma_wait3A_192, %dma_wait3A_199] : memref<5x80xi32, #tpu.memory_space<vmem>> -> memref<1x80xi32, #tpu.memory_space<vmem>>
    %dma_wait3A_201 = tpu.memref_squeeze %dma_wait3A_200 : memref<1x80xi32, #tpu.memory_space<vmem>> -> memref<80xi32, #tpu.memory_space<vmem>>
    %dma_wait3A_202 = arith.constant 0 : i32
    %dma_wait3A_203 = tpu.memref_slice %arg3[%add3A, %dma_wait3A_191, %dma_wait3A_202] : memref<32x125x80xi32, #tpu.memory_space<hbm>> -> memref<1x1x80xi32, #tpu.memory_space<hbm>>
    %dma_wait3A_204 = tpu.memref_squeeze %dma_wait3A_203 : memref<1x1x80xi32, #tpu.memory_space<hbm>> -> memref<80xi32, #tpu.memory_space<hbm>>
    tpu.wait_dma2 semaphore(%arg11 : memref<!tpu.dma_semaphore, #tpu.memory_space<semaphore_mem>>) src(%dma_wait3A_204 : memref<80xi32, #tpu.memory_space<hbm>>) dst(%dma_wait3A_201 : memref<80xi32, #tpu.memory_space<vmem>>)
    %dma_wait3A_205 = arith.constant 0 : i32
    %dma_wait3A_206 = arith.constant 0 : i32
    %dma_wait3A_207 = arith.constant 0 : i32
    %dma_wait3A_208 = tpu.memref_slice %arg7[%dma_wait3A_206, %dma_wait3A_207] : memref<5x80xi32, #tpu.memory_space<vmem>> -> memref<1x80xi32, #tpu.memory_space<vmem>>
    %dma_wait3A_209 = tpu.memref_squeeze %dma_wait3A_208 : memref<1x80xi32, #tpu.memory_space<vmem>> -> memref<80xi32, #tpu.memory_space<vmem>>
    %dma_wait3A_210 = arith.constant 0 : i32
    %dma_wait3A_211 = tpu.memref_slice %arg4[%add3A, %dma_wait3A_205, %dma_wait3A_210] : memref<32x125x80xi32, #tpu.memory_space<hbm>> -> memref<1x1x80xi32, #tpu.memory_space<hbm>>
    %dma_wait3A_212 = tpu.memref_squeeze %dma_wait3A_211 : memref<1x1x80xi32, #tpu.memory_space<hbm>> -> memref<80xi32, #tpu.memory_space<hbm>>
    %dma_wait3A_213 = arith.constant 0 : i32
    %dma_wait3A_214 = tpu.memref_slice %arg7[%dma_wait3A_206, %dma_wait3A_213] : memref<5x80xi32, #tpu.memory_space<vmem>> -> memref<1x80xi32, #tpu.memory_space<vmem>>
    %dma_wait3A_215 = tpu.memref_squeeze %dma_wait3A_214 : memref<1x80xi32, #tpu.memory_space<vmem>> -> memref<80xi32, #tpu.memory_space<vmem>>
    %dma_wait3A_216 = arith.constant 0 : i32
    %dma_wait3A_217 = tpu.memref_slice %arg4[%add3A, %dma_wait3A_205, %dma_wait3A_216] : memref<32x125x80xi32, #tpu.memory_space<hbm>> -> memref<1x1x80xi32, #tpu.memory_space<hbm>>
    %dma_wait3A_218 = tpu.memref_squeeze %dma_wait3A_217 : memref<1x1x80xi32, #tpu.memory_space<hbm>> -> memref<80xi32, #tpu.memory_space<hbm>>
    tpu.wait_dma2 semaphore(%arg11 : memref<!tpu.dma_semaphore, #tpu.memory_space<semaphore_mem>>) src(%dma_wait3A_218 : memref<80xi32, #tpu.memory_space<hbm>>) dst(%dma_wait3A_215 : memref<80xi32, #tpu.memory_space<vmem>>)
    %dma_start3A_219 = arith.constant 2 : i32
    %dma_start3A_220 = arith.constant 2 : i32
    %dma_start3A_221 = arith.constant 0 : i32
    %dma_start3A_222 = arith.constant 0 : i32
    %dma_start3A_223 = tpu.memref_slice %arg8[%dma_start3A_220, %dma_start3A_221, %dma_start3A_222] : memref<4x80x128xf32, #tpu.memory_space<vmem>> -> memref<1x80x128xf32, #tpu.memory_space<vmem>>
    %dma_start3A_224 = tpu.memref_squeeze %dma_start3A_223 : memref<1x80x128xf32, #tpu.memory_space<vmem>> -> memref<80x128xf32, #tpu.memory_space<vmem>>
    %dma_start3A_225 = arith.constant 0 : i32
    %dma_start3A_226 = tpu.memref_slice %arg6[%dma_start3A_219, %dma_start3A_225] : memref<5x80xi32, #tpu.memory_space<vmem>> -> memref<1x80xi32, #tpu.memory_space<vmem>>
    %dma_start3A_227 = tpu.memref_squeeze %dma_start3A_226 : memref<1x80xi32, #tpu.memory_space<vmem>> -> memref<80xi32, #tpu.memory_space<vmem>>
    %dma_start3A_228 = arith.constant 0 : i32
    %dma_start3A_229 = arith.constant 0 : i32
    %dma_start3A_230 = tpu.memref_slice %arg2[%dma_start3A_228, %dma_start3A_229] : memref<10000x128xf32, #tpu.memory_space<hbm>> -> memref<10000x128xf32, #tpu.memory_space<hbm>>
    tpu.enqueue_indirect_dma source(%dma_start3A_230 : memref<10000x128xf32, #tpu.memory_space<hbm>>) target(%dma_start3A_224 : memref<80x128xf32, #tpu.memory_space<vmem>>) offsets(%dma_start3A_227 : memref<80xi32, #tpu.memory_space<vmem>>) semaphore(%arg12 : memref<!tpu.dma_semaphore, #tpu.memory_space<semaphore_mem>>)
    %dma_start3A_231 = arith.constant 4 : i32
    %dma_start3A_232 = arith.constant 4 : i32
    %dma_start3A_233 = arith.constant 0 : i32
    %dma_start3A_234 = tpu.memref_slice %arg6[%dma_start3A_232, %dma_start3A_233] : memref<5x80xi32, #tpu.memory_space<vmem>> -> memref<1x80xi32, #tpu.memory_space<vmem>>
    %dma_start3A_235 = tpu.memref_squeeze %dma_start3A_234 : memref<1x80xi32, #tpu.memory_space<vmem>> -> memref<80xi32, #tpu.memory_space<vmem>>
    %dma_start3A_236 = arith.constant 0 : i32
    %dma_start3A_237 = tpu.memref_slice %arg3[%add3A, %dma_start3A_231, %dma_start3A_236] : memref<32x125x80xi32, #tpu.memory_space<hbm>> -> memref<1x1x80xi32, #tpu.memory_space<hbm>>
    %dma_start3A_238 = tpu.memref_squeeze %dma_start3A_237 : memref<1x1x80xi32, #tpu.memory_space<hbm>> -> memref<80xi32, #tpu.memory_space<hbm>>
    %dma_start3A_239 = arith.constant 0 : i32
    %dma_start3A_240 = tpu.memref_slice %arg6[%dma_start3A_232, %dma_start3A_239] : memref<5x80xi32, #tpu.memory_space<vmem>> -> memref<1x80xi32, #tpu.memory_space<vmem>>
    %dma_start3A_241 = tpu.memref_squeeze %dma_start3A_240 : memref<1x80xi32, #tpu.memory_space<vmem>> -> memref<80xi32, #tpu.memory_space<vmem>>
    %dma_start3A_242 = arith.constant 0 : i32
    %dma_start3A_243 = tpu.memref_slice %arg3[%add3A, %dma_start3A_231, %dma_start3A_242] : memref<32x125x80xi32, #tpu.memory_space<hbm>> -> memref<1x1x80xi32, #tpu.memory_space<hbm>>
    %dma_start3A_244 = tpu.memref_squeeze %dma_start3A_243 : memref<1x1x80xi32, #tpu.memory_space<hbm>> -> memref<80xi32, #tpu.memory_space<hbm>>
    tpu.enqueue_dma source(%dma_start3A_244 : memref<80xi32, #tpu.memory_space<hbm>>) target(%dma_start3A_241 : memref<80xi32, #tpu.memory_space<vmem>>) target_semaphore(%arg11 : memref<!tpu.dma_semaphore, #tpu.memory_space<semaphore_mem>>)
    %dma_start3A_245 = arith.constant 4 : i32
    %dma_start3A_246 = arith.constant 4 : i32
    %dma_start3A_247 = arith.constant 0 : i32
    %dma_start3A_248 = tpu.memref_slice %arg7[%dma_start3A_246, %dma_start3A_247] : memref<5x80xi32, #tpu.memory_space<vmem>> -> memref<1x80xi32, #tpu.memory_space<vmem>>
    %dma_start3A_249 = tpu.memref_squeeze %dma_start3A_248 : memref<1x80xi32, #tpu.memory_space<vmem>> -> memref<80xi32, #tpu.memory_space<vmem>>
    %dma_start3A_250 = arith.constant 0 : i32
    %dma_start3A_251 = tpu.memref_slice %arg4[%add3A, %dma_start3A_245, %dma_start3A_250] : memref<32x125x80xi32, #tpu.memory_space<hbm>> -> memref<1x1x80xi32, #tpu.memory_space<hbm>>
    %dma_start3A_252 = tpu.memref_squeeze %dma_start3A_251 : memref<1x1x80xi32, #tpu.memory_space<hbm>> -> memref<80xi32, #tpu.memory_space<hbm>>
    %dma_start3A_253 = arith.constant 0 : i32
    %dma_start3A_254 = tpu.memref_slice %arg7[%dma_start3A_246, %dma_start3A_253] : memref<5x80xi32, #tpu.memory_space<vmem>> -> memref<1x80xi32, #tpu.memory_space<vmem>>
    %dma_start3A_255 = tpu.memref_squeeze %dma_start3A_254 : memref<1x80xi32, #tpu.memory_space<vmem>> -> memref<80xi32, #tpu.memory_space<vmem>>
    %dma_start3A_256 = arith.constant 0 : i32
    %dma_start3A_257 = tpu.memref_slice %arg4[%add3A, %dma_start3A_245, %dma_start3A_256] : memref<32x125x80xi32, #tpu.memory_space<hbm>> -> memref<1x1x80xi32, #tpu.memory_space<hbm>>
    %dma_start3A_258 = tpu.memref_squeeze %dma_start3A_257 : memref<1x1x80xi32, #tpu.memory_space<hbm>> -> memref<80xi32, #tpu.memory_space<hbm>>
    tpu.enqueue_dma source(%dma_start3A_258 : memref<80xi32, #tpu.memory_space<hbm>>) target(%dma_start3A_255 : memref<80xi32, #tpu.memory_space<vmem>>) target_semaphore(%arg11 : memref<!tpu.dma_semaphore, #tpu.memory_space<semaphore_mem>>)
    %scan3A = arith.constant 0 : i32
    %scan3A_259 = arith.constant 0 : i32
    %scan3A_260 = arith.constant 40 : i32
    %scan3A_261 = arith.addi %scan3A_259, %scan3A_260 : i32
    %scan3A_262 = arith.constant 1 : i32
    scf.for %scan3A_762 = %scan3A_259 to %scan3A_261 step %scan3A_262  : i32 {
      %broadcast_in_dim3A = arith.constant 0.000000e+00 : f32
      %broadcast_in_dim3A_763 = vector.broadcast %broadcast_in_dim3A : f32 to vector<16xf32>
      %swap3A = arith.index_cast %scan3A_762 : i32 to index
      %swap3A_764 = arith.constant 0 : index
      %swap3A_765 = tpu.vector_load %arg9[%swap3A, %swap3A_764] {strides = array<i32>} : memref<40x128xf32, #tpu.memory_space<vmem>>, vector<1x16xf32>,
      %swap3A_766 = vector.shape_cast %swap3A_765 : vector<1x16xf32> to vector<16xf32>
      %swap3A_767 = vector.shape_cast %broadcast_in_dim3A_763 : vector<16xf32> to vector<1x16xf32>
      tpu.vector_store %arg9[%swap3A, %swap3A_764], %swap3A_767 {strides = array<i32>} : memref<40x128xf32, #tpu.memory_space<vmem>>, vector<1x16xf32>,
      %broadcast_in_dim3A_768 = arith.constant 0.000000e+00 : f32
      %broadcast_in_dim3A_769 = vector.broadcast %broadcast_in_dim3A_768 : f32 to vector<16xf32>
      %swap3A_770 = arith.index_cast %scan3A_762 : i32 to index
      %swap3A_771 = arith.constant 16 : index
      %swap3A_772 = tpu.vector_load %arg9[%swap3A_770, %swap3A_771] {strides = array<i32>} : memref<40x128xf32, #tpu.memory_space<vmem>>, vector<1x16xf32>,
      %swap3A_773 = vector.shape_cast %swap3A_772 : vector<1x16xf32> to vector<16xf32>
      %swap3A_774 = vector.shape_cast %broadcast_in_dim3A_769 : vector<16xf32> to vector<1x16xf32>
      tpu.vector_store %arg9[%swap3A_770, %swap3A_771], %swap3A_774 {strides = array<i32>} : memref<40x128xf32, #tpu.memory_space<vmem>>, vector<1x16xf32>,
      %broadcast_in_dim3A_775 = arith.constant 0.000000e+00 : f32
      %broadcast_in_dim3A_776 = vector.broadcast %broadcast_in_dim3A_775 : f32 to vector<16xf32>
      %swap3A_777 = arith.index_cast %scan3A_762 : i32 to index
      %swap3A_778 = arith.constant 32 : index
      %swap3A_779 = tpu.vector_load %arg9[%swap3A_777, %swap3A_778] {strides = array<i32>} : memref<40x128xf32, #tpu.memory_space<vmem>>, vector<1x16xf32>,
      %swap3A_780 = vector.shape_cast %swap3A_779 : vector<1x16xf32> to vector<16xf32>
      %swap3A_781 = vector.shape_cast %broadcast_in_dim3A_776 : vector<16xf32> to vector<1x16xf32>
      tpu.vector_store %arg9[%swap3A_777, %swap3A_778], %swap3A_781 {strides = array<i32>} : memref<40x128xf32, #tpu.memory_space<vmem>>, vector<1x16xf32>,
      %broadcast_in_dim3A_782 = arith.constant 0.000000e+00 : f32
      %broadcast_in_dim3A_783 = vector.broadcast %broadcast_in_dim3A_782 : f32 to vector<16xf32>
      %swap3A_784 = arith.index_cast %scan3A_762 : i32 to index
      %swap3A_785 = arith.constant 48 : index
      %swap3A_786 = tpu.vector_load %arg9[%swap3A_784, %swap3A_785] {strides = array<i32>} : memref<40x128xf32, #tpu.memory_space<vmem>>, vector<1x16xf32>,
      %swap3A_787 = vector.shape_cast %swap3A_786 : vector<1x16xf32> to vector<16xf32>
      %swap3A_788 = vector.shape_cast %broadcast_in_dim3A_783 : vector<16xf32> to vector<1x16xf32>
      tpu.vector_store %arg9[%swap3A_784, %swap3A_785], %swap3A_788 {strides = array<i32>} : memref<40x128xf32, #tpu.memory_space<vmem>>, vector<1x16xf32>,
      %broadcast_in_dim3A_789 = arith.constant 0.000000e+00 : f32
      %broadcast_in_dim3A_790 = vector.broadcast %broadcast_in_dim3A_789 : f32 to vector<16xf32>
      %swap3A_791 = arith.index_cast %scan3A_762 : i32 to index
      %swap3A_792 = arith.constant 64 : index
      %swap3A_793 = tpu.vector_load %arg9[%swap3A_791, %swap3A_792] {strides = array<i32>} : memref<40x128xf32, #tpu.memory_space<vmem>>, vector<1x16xf32>,
      %swap3A_794 = vector.shape_cast %swap3A_793 : vector<1x16xf32> to vector<16xf32>
      %swap3A_795 = vector.shape_cast %broadcast_in_dim3A_790 : vector<16xf32> to vector<1x16xf32>
      tpu.vector_store %arg9[%swap3A_791, %swap3A_792], %swap3A_795 {strides = array<i32>} : memref<40x128xf32, #tpu.memory_space<vmem>>, vector<1x16xf32>,
      %broadcast_in_dim3A_796 = arith.constant 0.000000e+00 : f32
      %broadcast_in_dim3A_797 = vector.broadcast %broadcast_in_dim3A_796 : f32 to vector<16xf32>
      %swap3A_798 = arith.index_cast %scan3A_762 : i32 to index
      %swap3A_799 = arith.constant 80 : index
      %swap3A_800 = tpu.vector_load %arg9[%swap3A_798, %swap3A_799] {strides = array<i32>} : memref<40x128xf32, #tpu.memory_space<vmem>>, vector<1x16xf32>,
      %swap3A_801 = vector.shape_cast %swap3A_800 : vector<1x16xf32> to vector<16xf32>
      %swap3A_802 = vector.shape_cast %broadcast_in_dim3A_797 : vector<16xf32> to vector<1x16xf32>
      tpu.vector_store %arg9[%swap3A_798, %swap3A_799], %swap3A_802 {strides = array<i32>} : memref<40x128xf32, #tpu.memory_space<vmem>>, vector<1x16xf32>,
      %broadcast_in_dim3A_803 = arith.constant 0.000000e+00 : f32
      %broadcast_in_dim3A_804 = vector.broadcast %broadcast_in_dim3A_803 : f32 to vector<16xf32>
      %swap3A_805 = arith.index_cast %scan3A_762 : i32 to index
      %swap3A_806 = arith.constant 96 : index
      %swap3A_807 = tpu.vector_load %arg9[%swap3A_805, %swap3A_806] {strides = array<i32>} : memref<40x128xf32, #tpu.memory_space<vmem>>, vector<1x16xf32>,
      %swap3A_808 = vector.shape_cast %swap3A_807 : vector<1x16xf32> to vector<16xf32>
      %swap3A_809 = vector.shape_cast %broadcast_in_dim3A_804 : vector<16xf32> to vector<1x16xf32>
      tpu.vector_store %arg9[%swap3A_805, %swap3A_806], %swap3A_809 {strides = array<i32>} : memref<40x128xf32, #tpu.memory_space<vmem>>, vector<1x16xf32>,
      %broadcast_in_dim3A_810 = arith.constant 0.000000e+00 : f32
      %broadcast_in_dim3A_811 = vector.broadcast %broadcast_in_dim3A_810 : f32 to vector<16xf32>
      %swap3A_812 = arith.index_cast %scan3A_762 : i32 to index
      %swap3A_813 = arith.constant 112 : index
      %swap3A_814 = tpu.vector_load %arg9[%swap3A_812, %swap3A_813] {strides = array<i32>} : memref<40x128xf32, #tpu.memory_space<vmem>>, vector<1x16xf32>,
      %swap3A_815 = vector.shape_cast %swap3A_814 : vector<1x16xf32> to vector<16xf32>
      %swap3A_816 = vector.shape_cast %broadcast_in_dim3A_811 : vector<16xf32> to vector<1x16xf32>
      tpu.vector_store %arg9[%swap3A_812, %swap3A_813], %swap3A_816 {strides = array<i32>} : memref<40x128xf32, #tpu.memory_space<vmem>>, vector<1x16xf32>,
    }
    %scan3A_263 = arith.constant 40 : i32
    %mul3A_264 = arith.constant 640 : i32
    %mul3A_265 = arith.muli %arg1, %mul3A_264 : i32
    %add3A_266 = arith.constant 0 : i32
    %add3A_267 = arith.addi %mul3A_265, %add3A_266 : i32
    %dma_start3A_268 = arith.constant 0 : i32
    %dma_start3A_269 = tpu.memref_slice %arg10[%add3A_267, %dma_start3A_268] : memref<10240x128xf32, #tpu.memory_space<vmem_shared>> -> memref<40x128xf32, #tpu.memory_space<vmem_shared>>
    %dma_start3A_270 = arith.constant 0 : i32
    %dma_start3A_271 = tpu.memref_slice %arg10[%add3A_267, %dma_start3A_270] : memref<10240x128xf32, #tpu.memory_space<vmem_shared>> -> memref<40x128xf32, #tpu.memory_space<vmem_shared>>
    tpu.enqueue_dma source(%arg9 : memref<40x128xf32, #tpu.memory_space<vmem>>) target(%dma_start3A_271 : memref<40x128xf32, #tpu.memory_space<vmem_shared>>) target_semaphore(%arg14 : memref<!tpu.dma_semaphore, #tpu.memory_space<semaphore_mem>>)
    %mul3A_272 = arith.constant 640 : i32
    %mul3A_273 = arith.muli %arg1, %mul3A_272 : i32
    %add3A_274 = arith.constant 40 : i32
    %add3A_275 = arith.addi %mul3A_273, %add3A_274 : i32
    %dma_start3A_276 = arith.constant 0 : i32
    %dma_start3A_277 = tpu.memref_slice %arg10[%add3A_275, %dma_start3A_276] : memref<10240x128xf32, #tpu.memory_space<vmem_shared>> -> memref<40x128xf32, #tpu.memory_space<vmem_shared>>
    %dma_start3A_278 = arith.constant 0 : i32
    %dma_start3A_279 = tpu.memref_slice %arg10[%add3A_275, %dma_start3A_278] : memref<10240x128xf32, #tpu.memory_space<vmem_shared>> -> memref<40x128xf32, #tpu.memory_space<vmem_shared>>
    tpu.enqueue_dma source(%arg9 : memref<40x128xf32, #tpu.memory_space<vmem>>) target(%dma_start3A_279 : memref<40x128xf32, #tpu.memory_space<vmem_shared>>) target_semaphore(%arg14 : memref<!tpu.dma_semaphore, #tpu.memory_space<semaphore_mem>>)
    %mul3A_280 = arith.constant 640 : i32
    %mul3A_281 = arith.muli %arg1, %mul3A_280 : i32
    %add3A_282 = arith.constant 80 : i32
    %add3A_283 = arith.addi %mul3A_281, %add3A_282 : i32
    %dma_start3A_284 = arith.constant 0 : i32
    %dma_start3A_285 = tpu.memref_slice %arg10[%add3A_283, %dma_start3A_284] : memref<10240x128xf32, #tpu.memory_space<vmem_shared>> -> memref<40x128xf32, #tpu.memory_space<vmem_shared>>
    %dma_start3A_286 = arith.constant 0 : i32
    %dma_start3A_287 = tpu.memref_slice %arg10[%add3A_283, %dma_start3A_286] : memref<10240x128xf32, #tpu.memory_space<vmem_shared>> -> memref<40x128xf32, #tpu.memory_space<vmem_shared>>
    tpu.enqueue_dma source(%arg9 : memref<40x128xf32, #tpu.memory_space<vmem>>) target(%dma_start3A_287 : memref<40x128xf32, #tpu.memory_space<vmem_shared>>) target_semaphore(%arg14 : memref<!tpu.dma_semaphore, #tpu.memory_space<semaphore_mem>>)
    %mul3A_288 = arith.constant 640 : i32
    %mul3A_289 = arith.muli %arg1, %mul3A_288 : i32
    %add3A_290 = arith.constant 120 : i32
    %add3A_291 = arith.addi %mul3A_289, %add3A_290 : i32
    %dma_start3A_292 = arith.constant 0 : i32
    %dma_start3A_293 = tpu.memref_slice %arg10[%add3A_291, %dma_start3A_292] : memref<10240x128xf32, #tpu.memory_space<vmem_shared>> -> memref<40x128xf32, #tpu.memory_space<vmem_shared>>
    %dma_start3A_294 = arith.constant 0 : i32
    %dma_start3A_295 = tpu.memref_slice %arg10[%add3A_291, %dma_start3A_294] : memref<10240x128xf32, #tpu.memory_space<vmem_shared>> -> memref<40x128xf32, #tpu.memory_space<vmem_shared>>
    tpu.enqueue_dma source(%arg9 : memref<40x128xf32, #tpu.memory_space<vmem>>) target(%dma_start3A_295 : memref<40x128xf32, #tpu.memory_space<vmem_shared>>) target_semaphore(%arg14 : memref<!tpu.dma_semaphore, #tpu.memory_space<semaphore_mem>>)
    %mul3A_296 = arith.constant 640 : i32
    %mul3A_297 = arith.muli %arg1, %mul3A_296 : i32
    %add3A_298 = arith.constant 160 : i32
    %add3A_299 = arith.addi %mul3A_297, %add3A_298 : i32
    %dma_start3A_300 = arith.constant 0 : i32
    %dma_start3A_301 = tpu.memref_slice %arg10[%add3A_299, %dma_start3A_300] : memref<10240x128xf32, #tpu.memory_space<vmem_shared>> -> memref<40x128xf32, #tpu.memory_space<vmem_shared>>
    %dma_start3A_302 = arith.constant 0 : i32
    %dma_start3A_303 = tpu.memref_slice %arg10[%add3A_299, %dma_start3A_302] : memref<10240x128xf32, #tpu.memory_space<vmem_shared>> -> memref<40x128xf32, #tpu.memory_space<vmem_shared>>
    tpu.enqueue_dma source(%arg9 : memref<40x128xf32, #tpu.memory_space<vmem>>) target(%dma_start3A_303 : memref<40x128xf32, #tpu.memory_space<vmem_shared>>) target_semaphore(%arg14 : memref<!tpu.dma_semaphore, #tpu.memory_space<semaphore_mem>>)
    %mul3A_304 = arith.constant 640 : i32
    %mul3A_305 = arith.muli %arg1, %mul3A_304 : i32
    %add3A_306 = arith.constant 200 : i32
    %add3A_307 = arith.addi %mul3A_305, %add3A_306 : i32
    %dma_start3A_308 = arith.constant 0 : i32
    %dma_start3A_309 = tpu.memref_slice %arg10[%add3A_307, %dma_start3A_308] : memref<10240x128xf32, #tpu.memory_space<vmem_shared>> -> memref<40x128xf32, #tpu.memory_space<vmem_shared>>
    %dma_start3A_310 = arith.constant 0 : i32
    %dma_start3A_311 = tpu.memref_slice %arg10[%add3A_307, %dma_start3A_310] : memref<10240x128xf32, #tpu.memory_space<vmem_shared>> -> memref<40x128xf32, #tpu.memory_space<vmem_shared>>
    tpu.enqueue_dma source(%arg9 : memref<40x128xf32, #tpu.memory_space<vmem>>) target(%dma_start3A_311 : memref<40x128xf32, #tpu.memory_space<vmem_shared>>) target_semaphore(%arg14 : memref<!tpu.dma_semaphore, #tpu.memory_space<semaphore_mem>>)
    %mul3A_312 = arith.constant 640 : i32
    %mul3A_313 = arith.muli %arg1, %mul3A_312 : i32
    %add3A_314 = arith.constant 240 : i32
    %add3A_315 = arith.addi %mul3A_313, %add3A_314 : i32
    %dma_start3A_316 = arith.constant 0 : i32
    %dma_start3A_317 = tpu.memref_slice %arg10[%add3A_315, %dma_start3A_316] : memref<10240x128xf32, #tpu.memory_space<vmem_shared>> -> memref<40x128xf32, #tpu.memory_space<vmem_shared>>
    %dma_start3A_318 = arith.constant 0 : i32
    %dma_start3A_319 = tpu.memref_slice %arg10[%add3A_315, %dma_start3A_318] : memref<10240x128xf32, #tpu.memory_space<vmem_shared>> -> memref<40x128xf32, #tpu.memory_space<vmem_shared>>
    tpu.enqueue_dma source(%arg9 : memref<40x128xf32, #tpu.memory_space<vmem>>) target(%dma_start3A_319 : memref<40x128xf32, #tpu.memory_space<vmem_shared>>) target_semaphore(%arg14 : memref<!tpu.dma_semaphore, #tpu.memory_space<semaphore_mem>>)
    %mul3A_320 = arith.constant 640 : i32
    %mul3A_321 = arith.muli %arg1, %mul3A_320 : i32
    %add3A_322 = arith.constant 280 : i32
    %add3A_323 = arith.addi %mul3A_321, %add3A_322 : i32
    %dma_start3A_324 = arith.constant 0 : i32
    %dma_start3A_325 = tpu.memref_slice %arg10[%add3A_323, %dma_start3A_324] : memref<10240x128xf32, #tpu.memory_space<vmem_shared>> -> memref<40x128xf32, #tpu.memory_space<vmem_shared>>
    %dma_start3A_326 = arith.constant 0 : i32
    %dma_start3A_327 = tpu.memref_slice %arg10[%add3A_323, %dma_start3A_326] : memref<10240x128xf32, #tpu.memory_space<vmem_shared>> -> memref<40x128xf32, #tpu.memory_space<vmem_shared>>
    tpu.enqueue_dma source(%arg9 : memref<40x128xf32, #tpu.memory_space<vmem>>) target(%dma_start3A_327 : memref<40x128xf32, #tpu.memory_space<vmem_shared>>) target_semaphore(%arg14 : memref<!tpu.dma_semaphore, #tpu.memory_space<semaphore_mem>>)
    %mul3A_328 = arith.constant 640 : i32
    %mul3A_329 = arith.muli %arg1, %mul3A_328 : i32
    %add3A_330 = arith.constant 320 : i32
    %add3A_331 = arith.addi %mul3A_329, %add3A_330 : i32
    %dma_start3A_332 = arith.constant 0 : i32
    %dma_start3A_333 = tpu.memref_slice %arg10[%add3A_331, %dma_start3A_332] : memref<10240x128xf32, #tpu.memory_space<vmem_shared>> -> memref<40x128xf32, #tpu.memory_space<vmem_shared>>
    %dma_start3A_334 = arith.constant 0 : i32
    %dma_start3A_335 = tpu.memref_slice %arg10[%add3A_331, %dma_start3A_334] : memref<10240x128xf32, #tpu.memory_space<vmem_shared>> -> memref<40x128xf32, #tpu.memory_space<vmem_shared>>
    tpu.enqueue_dma source(%arg9 : memref<40x128xf32, #tpu.memory_space<vmem>>) target(%dma_start3A_335 : memref<40x128xf32, #tpu.memory_space<vmem_shared>>) target_semaphore(%arg14 : memref<!tpu.dma_semaphore, #tpu.memory_space<semaphore_mem>>)
    %mul3A_336 = arith.constant 640 : i32
    %mul3A_337 = arith.muli %arg1, %mul3A_336 : i32
    %add3A_338 = arith.constant 360 : i32
    %add3A_339 = arith.addi %mul3A_337, %add3A_338 : i32
    %dma_start3A_340 = arith.constant 0 : i32
    %dma_start3A_341 = tpu.memref_slice %arg10[%add3A_339, %dma_start3A_340] : memref<10240x128xf32, #tpu.memory_space<vmem_shared>> -> memref<40x128xf32, #tpu.memory_space<vmem_shared>>
    %dma_start3A_342 = arith.constant 0 : i32
    %dma_start3A_343 = tpu.memref_slice %arg10[%add3A_339, %dma_start3A_342] : memref<10240x128xf32, #tpu.memory_space<vmem_shared>> -> memref<40x128xf32, #tpu.memory_space<vmem_shared>>
    tpu.enqueue_dma source(%arg9 : memref<40x128xf32, #tpu.memory_space<vmem>>) target(%dma_start3A_343 : memref<40x128xf32, #tpu.memory_space<vmem_shared>>) target_semaphore(%arg14 : memref<!tpu.dma_semaphore, #tpu.memory_space<semaphore_mem>>)
    %mul3A_344 = arith.constant 640 : i32
    %mul3A_345 = arith.muli %arg1, %mul3A_344 : i32
    %add3A_346 = arith.constant 400 : i32
    %add3A_347 = arith.addi %mul3A_345, %add3A_346 : i32
    %dma_start3A_348 = arith.constant 0 : i32
    %dma_start3A_349 = tpu.memref_slice %arg10[%add3A_347, %dma_start3A_348] : memref<10240x128xf32, #tpu.memory_space<vmem_shared>> -> memref<40x128xf32, #tpu.memory_space<vmem_shared>>
    %dma_start3A_350 = arith.constant 0 : i32
    %dma_start3A_351 = tpu.memref_slice %arg10[%add3A_347, %dma_start3A_350] : memref<10240x128xf32, #tpu.memory_space<vmem_shared>> -> memref<40x128xf32, #tpu.memory_space<vmem_shared>>
    tpu.enqueue_dma source(%arg9 : memref<40x128xf32, #tpu.memory_space<vmem>>) target(%dma_start3A_351 : memref<40x128xf32, #tpu.memory_space<vmem_shared>>) target_semaphore(%arg14 : memref<!tpu.dma_semaphore, #tpu.memory_space<semaphore_mem>>)
    %mul3A_352 = arith.constant 640 : i32
    %mul3A_353 = arith.muli %arg1, %mul3A_352 : i32
    %add3A_354 = arith.constant 440 : i32
    %add3A_355 = arith.addi %mul3A_353, %add3A_354 : i32
    %dma_start3A_356 = arith.constant 0 : i32
    %dma_start3A_357 = tpu.memref_slice %arg10[%add3A_355, %dma_start3A_356] : memref<10240x128xf32, #tpu.memory_space<vmem_shared>> -> memref<40x128xf32, #tpu.memory_space<vmem_shared>>
    %dma_start3A_358 = arith.constant 0 : i32
    %dma_start3A_359 = tpu.memref_slice %arg10[%add3A_355, %dma_start3A_358] : memref<10240x128xf32, #tpu.memory_space<vmem_shared>> -> memref<40x128xf32, #tpu.memory_space<vmem_shared>>
    tpu.enqueue_dma source(%arg9 : memref<40x128xf32, #tpu.memory_space<vmem>>) target(%dma_start3A_359 : memref<40x128xf32, #tpu.memory_space<vmem_shared>>) target_semaphore(%arg14 : memref<!tpu.dma_semaphore, #tpu.memory_space<semaphore_mem>>)
    %mul3A_360 = arith.constant 640 : i32
    %mul3A_361 = arith.muli %arg1, %mul3A_360 : i32
    %add3A_362 = arith.constant 480 : i32
    %add3A_363 = arith.addi %mul3A_361, %add3A_362 : i32
    %dma_start3A_364 = arith.constant 0 : i32
    %dma_start3A_365 = tpu.memref_slice %arg10[%add3A_363, %dma_start3A_364] : memref<10240x128xf32, #tpu.memory_space<vmem_shared>> -> memref<40x128xf32, #tpu.memory_space<vmem_shared>>
    %dma_start3A_366 = arith.constant 0 : i32
    %dma_start3A_367 = tpu.memref_slice %arg10[%add3A_363, %dma_start3A_366] : memref<10240x128xf32, #tpu.memory_space<vmem_shared>> -> memref<40x128xf32, #tpu.memory_space<vmem_shared>>
    tpu.enqueue_dma source(%arg9 : memref<40x128xf32, #tpu.memory_space<vmem>>) target(%dma_start3A_367 : memref<40x128xf32, #tpu.memory_space<vmem_shared>>) target_semaphore(%arg14 : memref<!tpu.dma_semaphore, #tpu.memory_space<semaphore_mem>>)
    %mul3A_368 = arith.constant 640 : i32
    %mul3A_369 = arith.muli %arg1, %mul3A_368 : i32
    %add3A_370 = arith.constant 520 : i32
    %add3A_371 = arith.addi %mul3A_369, %add3A_370 : i32
    %dma_start3A_372 = arith.constant 0 : i32
    %dma_start3A_373 = tpu.memref_slice %arg10[%add3A_371, %dma_start3A_372] : memref<10240x128xf32, #tpu.memory_space<vmem_shared>> -> memref<40x128xf32, #tpu.memory_space<vmem_shared>>
    %dma_start3A_374 = arith.constant 0 : i32
    %dma_start3A_375 = tpu.memref_slice %arg10[%add3A_371, %dma_start3A_374] : memref<10240x128xf32, #tpu.memory_space<vmem_shared>> -> memref<40x128xf32, #tpu.memory_space<vmem_shared>>
    tpu.enqueue_dma source(%arg9 : memref<40x128xf32, #tpu.memory_space<vmem>>) target(%dma_start3A_375 : memref<40x128xf32, #tpu.memory_space<vmem_shared>>) target_semaphore(%arg14 : memref<!tpu.dma_semaphore, #tpu.memory_space<semaphore_mem>>)
    %mul3A_376 = arith.constant 640 : i32
    %mul3A_377 = arith.muli %arg1, %mul3A_376 : i32
    %add3A_378 = arith.constant 560 : i32
    %add3A_379 = arith.addi %mul3A_377, %add3A_378 : i32
    %dma_start3A_380 = arith.constant 0 : i32
    %dma_start3A_381 = tpu.memref_slice %arg10[%add3A_379, %dma_start3A_380] : memref<10240x128xf32, #tpu.memory_space<vmem_shared>> -> memref<40x128xf32, #tpu.memory_space<vmem_shared>>
    %dma_start3A_382 = arith.constant 0 : i32
    %dma_start3A_383 = tpu.memref_slice %arg10[%add3A_379, %dma_start3A_382] : memref<10240x128xf32, #tpu.memory_space<vmem_shared>> -> memref<40x128xf32, #tpu.memory_space<vmem_shared>>
    tpu.enqueue_dma source(%arg9 : memref<40x128xf32, #tpu.memory_space<vmem>>) target(%dma_start3A_383 : memref<40x128xf32, #tpu.memory_space<vmem_shared>>) target_semaphore(%arg14 : memref<!tpu.dma_semaphore, #tpu.memory_space<semaphore_mem>>)
    %mul3A_384 = arith.constant 640 : i32
    %mul3A_385 = arith.muli %arg1, %mul3A_384 : i32
    %add3A_386 = arith.constant 600 : i32
    %add3A_387 = arith.addi %mul3A_385, %add3A_386 : i32
    %dma_start3A_388 = arith.constant 0 : i32
    %dma_start3A_389 = tpu.memref_slice %arg10[%add3A_387, %dma_start3A_388] : memref<10240x128xf32, #tpu.memory_space<vmem_shared>> -> memref<40x128xf32, #tpu.memory_space<vmem_shared>>
    %dma_start3A_390 = arith.constant 0 : i32
    %dma_start3A_391 = tpu.memref_slice %arg10[%add3A_387, %dma_start3A_390] : memref<10240x128xf32, #tpu.memory_space<vmem_shared>> -> memref<40x128xf32, #tpu.memory_space<vmem_shared>>
    tpu.enqueue_dma source(%arg9 : memref<40x128xf32, #tpu.memory_space<vmem>>) target(%dma_start3A_391 : memref<40x128xf32, #tpu.memory_space<vmem_shared>>) target_semaphore(%arg14 : memref<!tpu.dma_semaphore, #tpu.memory_space<semaphore_mem>>)
    %mul3A_392 = arith.constant 640 : i32
    %mul3A_393 = arith.muli %arg1, %mul3A_392 : i32
    %dma_wait3A_394 = arith.constant 0 : i32
    %dma_wait3A_395 = tpu.memref_slice %arg10[%mul3A_393, %dma_wait3A_394] : memref<10240x128xf32, #tpu.memory_space<vmem_shared>> -> memref<40x128xf32, #tpu.memory_space<vmem_shared>>
    %dma_wait3A_396 = arith.constant 0 : i32
    %dma_wait3A_397 = tpu.memref_slice %arg10[%mul3A_393, %dma_wait3A_396] : memref<10240x128xf32, #tpu.memory_space<vmem_shared>> -> memref<40x128xf32, #tpu.memory_space<vmem_shared>>
    tpu.wait_dma2 semaphore(%arg14 : memref<!tpu.dma_semaphore, #tpu.memory_space<semaphore_mem>>) src(%arg9 : memref<40x128xf32, #tpu.memory_space<vmem>>) dst(%dma_wait3A_397 : memref<40x128xf32, #tpu.memory_space<vmem_shared>>)
    %mul3A_398 = arith.constant 640 : i32
    %mul3A_399 = arith.muli %arg1, %mul3A_398 : i32
    %dma_wait3A_400 = arith.constant 0 : i32
    %dma_wait3A_401 = tpu.memref_slice %arg10[%mul3A_399, %dma_wait3A_400] : memref<10240x128xf32, #tpu.memory_space<vmem_shared>> -> memref<40x128xf32, #tpu.memory_space<vmem_shared>>
    %dma_wait3A_402 = arith.constant 0 : i32
    %dma_wait3A_403 = tpu.memref_slice %arg10[%mul3A_399, %dma_wait3A_402] : memref<10240x128xf32, #tpu.memory_space<vmem_shared>> -> memref<40x128xf32, #tpu.memory_space<vmem_shared>>
    tpu.wait_dma2 semaphore(%arg14 : memref<!tpu.dma_semaphore, #tpu.memory_space<semaphore_mem>>) src(%arg9 : memref<40x128xf32, #tpu.memory_space<vmem>>) dst(%dma_wait3A_403 : memref<40x128xf32, #tpu.memory_space<vmem_shared>>)
    %mul3A_404 = arith.constant 640 : i32
    %mul3A_405 = arith.muli %arg1, %mul3A_404 : i32
    %dma_wait3A_406 = arith.constant 0 : i32
    %dma_wait3A_407 = tpu.memref_slice %arg10[%mul3A_405, %dma_wait3A_406] : memref<10240x128xf32, #tpu.memory_space<vmem_shared>> -> memref<40x128xf32, #tpu.memory_space<vmem_shared>>
    %dma_wait3A_408 = arith.constant 0 : i32
    %dma_wait3A_409 = tpu.memref_slice %arg10[%mul3A_405, %dma_wait3A_408] : memref<10240x128xf32, #tpu.memory_space<vmem_shared>> -> memref<40x128xf32, #tpu.memory_space<vmem_shared>>
    tpu.wait_dma2 semaphore(%arg14 : memref<!tpu.dma_semaphore, #tpu.memory_space<semaphore_mem>>) src(%arg9 : memref<40x128xf32, #tpu.memory_space<vmem>>) dst(%dma_wait3A_409 : memref<40x128xf32, #tpu.memory_space<vmem_shared>>)
    %mul3A_410 = arith.constant 640 : i32
    %mul3A_411 = arith.muli %arg1, %mul3A_410 : i32
    %dma_wait3A_412 = arith.constant 0 : i32
    %dma_wait3A_413 = tpu.memref_slice %arg10[%mul3A_411, %dma_wait3A_412] : memref<10240x128xf32, #tpu.memory_space<vmem_shared>> -> memref<40x128xf32, #tpu.memory_space<vmem_shared>>
    %dma_wait3A_414 = arith.constant 0 : i32
    %dma_wait3A_415 = tpu.memref_slice %arg10[%mul3A_411, %dma_wait3A_414] : memref<10240x128xf32, #tpu.memory_space<vmem_shared>> -> memref<40x128xf32, #tpu.memory_space<vmem_shared>>
    tpu.wait_dma2 semaphore(%arg14 : memref<!tpu.dma_semaphore, #tpu.memory_space<semaphore_mem>>) src(%arg9 : memref<40x128xf32, #tpu.memory_space<vmem>>) dst(%dma_wait3A_415 : memref<40x128xf32, #tpu.memory_space<vmem_shared>>)
    %mul3A_416 = arith.constant 640 : i32
    %mul3A_417 = arith.muli %arg1, %mul3A_416 : i32
    %dma_wait3A_418 = arith.constant 0 : i32
    %dma_wait3A_419 = tpu.memref_slice %arg10[%mul3A_417, %dma_wait3A_418] : memref<10240x128xf32, #tpu.memory_space<vmem_shared>> -> memref<40x128xf32, #tpu.memory_space<vmem_shared>>
    %dma_wait3A_420 = arith.constant 0 : i32
    %dma_wait3A_421 = tpu.memref_slice %arg10[%mul3A_417, %dma_wait3A_420] : memref<10240x128xf32, #tpu.memory_space<vmem_shared>> -> memref<40x128xf32, #tpu.memory_space<vmem_shared>>
    tpu.wait_dma2 semaphore(%arg14 : memref<!tpu.dma_semaphore, #tpu.memory_space<semaphore_mem>>) src(%arg9 : memref<40x128xf32, #tpu.memory_space<vmem>>) dst(%dma_wait3A_421 : memref<40x128xf32, #tpu.memory_space<vmem_shared>>)
    %mul3A_422 = arith.constant 640 : i32
    %mul3A_423 = arith.muli %arg1, %mul3A_422 : i32
    %dma_wait3A_424 = arith.constant 0 : i32
    %dma_wait3A_425 = tpu.memref_slice %arg10[%mul3A_423, %dma_wait3A_424] : memref<10240x128xf32, #tpu.memory_space<vmem_shared>> -> memref<40x128xf32, #tpu.memory_space<vmem_shared>>
    %dma_wait3A_426 = arith.constant 0 : i32
    %dma_wait3A_427 = tpu.memref_slice %arg10[%mul3A_423, %dma_wait3A_426] : memref<10240x128xf32, #tpu.memory_space<vmem_shared>> -> memref<40x128xf32, #tpu.memory_space<vmem_shared>>
    tpu.wait_dma2 semaphore(%arg14 : memref<!tpu.dma_semaphore, #tpu.memory_space<semaphore_mem>>) src(%arg9 : memref<40x128xf32, #tpu.memory_space<vmem>>) dst(%dma_wait3A_427 : memref<40x128xf32, #tpu.memory_space<vmem_shared>>)
    %mul3A_428 = arith.constant 640 : i32
    %mul3A_429 = arith.muli %arg1, %mul3A_428 : i32
    %dma_wait3A_430 = arith.constant 0 : i32
    %dma_wait3A_431 = tpu.memref_slice %arg10[%mul3A_429, %dma_wait3A_430] : memref<10240x128xf32, #tpu.memory_space<vmem_shared>> -> memref<40x128xf32, #tpu.memory_space<vmem_shared>>
    %dma_wait3A_432 = arith.constant 0 : i32
    %dma_wait3A_433 = tpu.memref_slice %arg10[%mul3A_429, %dma_wait3A_432] : memref<10240x128xf32, #tpu.memory_space<vmem_shared>> -> memref<40x128xf32, #tpu.memory_space<vmem_shared>>
    tpu.wait_dma2 semaphore(%arg14 : memref<!tpu.dma_semaphore, #tpu.memory_space<semaphore_mem>>) src(%arg9 : memref<40x128xf32, #tpu.memory_space<vmem>>) dst(%dma_wait3A_433 : memref<40x128xf32, #tpu.memory_space<vmem_shared>>)
    %mul3A_434 = arith.constant 640 : i32
    %mul3A_435 = arith.muli %arg1, %mul3A_434 : i32
    %dma_wait3A_436 = arith.constant 0 : i32
    %dma_wait3A_437 = tpu.memref_slice %arg10[%mul3A_435, %dma_wait3A_436] : memref<10240x128xf32, #tpu.memory_space<vmem_shared>> -> memref<40x128xf32, #tpu.memory_space<vmem_shared>>
    %dma_wait3A_438 = arith.constant 0 : i32
    %dma_wait3A_439 = tpu.memref_slice %arg10[%mul3A_435, %dma_wait3A_438] : memref<10240x128xf32, #tpu.memory_space<vmem_shared>> -> memref<40x128xf32, #tpu.memory_space<vmem_shared>>
    tpu.wait_dma2 semaphore(%arg14 : memref<!tpu.dma_semaphore, #tpu.memory_space<semaphore_mem>>) src(%arg9 : memref<40x128xf32, #tpu.memory_space<vmem>>) dst(%dma_wait3A_439 : memref<40x128xf32, #tpu.memory_space<vmem_shared>>)
    %mul3A_440 = arith.constant 640 : i32
    %mul3A_441 = arith.muli %arg1, %mul3A_440 : i32
    %dma_wait3A_442 = arith.constant 0 : i32
    %dma_wait3A_443 = tpu.memref_slice %arg10[%mul3A_441, %dma_wait3A_442] : memref<10240x128xf32, #tpu.memory_space<vmem_shared>> -> memref<40x128xf32, #tpu.memory_space<vmem_shared>>
    %dma_wait3A_444 = arith.constant 0 : i32
    %dma_wait3A_445 = tpu.memref_slice %arg10[%mul3A_441, %dma_wait3A_444] : memref<10240x128xf32, #tpu.memory_space<vmem_shared>> -> memref<40x128xf32, #tpu.memory_space<vmem_shared>>
    tpu.wait_dma2 semaphore(%arg14 : memref<!tpu.dma_semaphore, #tpu.memory_space<semaphore_mem>>) src(%arg9 : memref<40x128xf32, #tpu.memory_space<vmem>>) dst(%dma_wait3A_445 : memref<40x128xf32, #tpu.memory_space<vmem_shared>>)
    %mul3A_446 = arith.constant 640 : i32
    %mul3A_447 = arith.muli %arg1, %mul3A_446 : i32
    %dma_wait3A_448 = arith.constant 0 : i32
    %dma_wait3A_449 = tpu.memref_slice %arg10[%mul3A_447, %dma_wait3A_448] : memref<10240x128xf32, #tpu.memory_space<vmem_shared>> -> memref<40x128xf32, #tpu.memory_space<vmem_shared>>
    %dma_wait3A_450 = arith.constant 0 : i32
    %dma_wait3A_451 = tpu.memref_slice %arg10[%mul3A_447, %dma_wait3A_450] : memref<10240x128xf32, #tpu.memory_space<vmem_shared>> -> memref<40x128xf32, #tpu.memory_space<vmem_shared>>
    tpu.wait_dma2 semaphore(%arg14 : memref<!tpu.dma_semaphore, #tpu.memory_space<semaphore_mem>>) src(%arg9 : memref<40x128xf32, #tpu.memory_space<vmem>>) dst(%dma_wait3A_451 : memref<40x128xf32, #tpu.memory_space<vmem_shared>>)
    %mul3A_452 = arith.constant 640 : i32
    %mul3A_453 = arith.muli %arg1, %mul3A_452 : i32
    %dma_wait3A_454 = arith.constant 0 : i32
    %dma_wait3A_455 = tpu.memref_slice %arg10[%mul3A_453, %dma_wait3A_454] : memref<10240x128xf32, #tpu.memory_space<vmem_shared>> -> memref<40x128xf32, #tpu.memory_space<vmem_shared>>
    %dma_wait3A_456 = arith.constant 0 : i32
    %dma_wait3A_457 = tpu.memref_slice %arg10[%mul3A_453, %dma_wait3A_456] : memref<10240x128xf32, #tpu.memory_space<vmem_shared>> -> memref<40x128xf32, #tpu.memory_space<vmem_shared>>
    tpu.wait_dma2 semaphore(%arg14 : memref<!tpu.dma_semaphore, #tpu.memory_space<semaphore_mem>>) src(%arg9 : memref<40x128xf32, #tpu.memory_space<vmem>>) dst(%dma_wait3A_457 : memref<40x128xf32, #tpu.memory_space<vmem_shared>>)
    %mul3A_458 = arith.constant 640 : i32
    %mul3A_459 = arith.muli %arg1, %mul3A_458 : i32
    %dma_wait3A_460 = arith.constant 0 : i32
    %dma_wait3A_461 = tpu.memref_slice %arg10[%mul3A_459, %dma_wait3A_460] : memref<10240x128xf32, #tpu.memory_space<vmem_shared>> -> memref<40x128xf32, #tpu.memory_space<vmem_shared>>
    %dma_wait3A_462 = arith.constant 0 : i32
    %dma_wait3A_463 = tpu.memref_slice %arg10[%mul3A_459, %dma_wait3A_462] : memref<10240x128xf32, #tpu.memory_space<vmem_shared>> -> memref<40x128xf32, #tpu.memory_space<vmem_shared>>
    tpu.wait_dma2 semaphore(%arg14 : memref<!tpu.dma_semaphore, #tpu.memory_space<semaphore_mem>>) src(%arg9 : memref<40x128xf32, #tpu.memory_space<vmem>>) dst(%dma_wait3A_463 : memref<40x128xf32, #tpu.memory_space<vmem_shared>>)
    %mul3A_464 = arith.constant 640 : i32
    %mul3A_465 = arith.muli %arg1, %mul3A_464 : i32
    %dma_wait3A_466 = arith.constant 0 : i32
    %dma_wait3A_467 = tpu.memref_slice %arg10[%mul3A_465, %dma_wait3A_466] : memref<10240x128xf32, #tpu.memory_space<vmem_shared>> -> memref<40x128xf32, #tpu.memory_space<vmem_shared>>
    %dma_wait3A_468 = arith.constant 0 : i32
    %dma_wait3A_469 = tpu.memref_slice %arg10[%mul3A_465, %dma_wait3A_468] : memref<10240x128xf32, #tpu.memory_space<vmem_shared>> -> memref<40x128xf32, #tpu.memory_space<vmem_shared>>
    tpu.wait_dma2 semaphore(%arg14 : memref<!tpu.dma_semaphore, #tpu.memory_space<semaphore_mem>>) src(%arg9 : memref<40x128xf32, #tpu.memory_space<vmem>>) dst(%dma_wait3A_469 : memref<40x128xf32, #tpu.memory_space<vmem_shared>>)
    %mul3A_470 = arith.constant 640 : i32
    %mul3A_471 = arith.muli %arg1, %mul3A_470 : i32
    %dma_wait3A_472 = arith.constant 0 : i32
    %dma_wait3A_473 = tpu.memref_slice %arg10[%mul3A_471, %dma_wait3A_472] : memref<10240x128xf32, #tpu.memory_space<vmem_shared>> -> memref<40x128xf32, #tpu.memory_space<vmem_shared>>
    %dma_wait3A_474 = arith.constant 0 : i32
    %dma_wait3A_475 = tpu.memref_slice %arg10[%mul3A_471, %dma_wait3A_474] : memref<10240x128xf32, #tpu.memory_space<vmem_shared>> -> memref<40x128xf32, #tpu.memory_space<vmem_shared>>
    tpu.wait_dma2 semaphore(%arg14 : memref<!tpu.dma_semaphore, #tpu.memory_space<semaphore_mem>>) src(%arg9 : memref<40x128xf32, #tpu.memory_space<vmem>>) dst(%dma_wait3A_475 : memref<40x128xf32, #tpu.memory_space<vmem_shared>>)
    %mul3A_476 = arith.constant 640 : i32
    %mul3A_477 = arith.muli %arg1, %mul3A_476 : i32
    %dma_wait3A_478 = arith.constant 0 : i32
    %dma_wait3A_479 = tpu.memref_slice %arg10[%mul3A_477, %dma_wait3A_478] : memref<10240x128xf32, #tpu.memory_space<vmem_shared>> -> memref<40x128xf32, #tpu.memory_space<vmem_shared>>
    %dma_wait3A_480 = arith.constant 0 : i32
    %dma_wait3A_481 = tpu.memref_slice %arg10[%mul3A_477, %dma_wait3A_480] : memref<10240x128xf32, #tpu.memory_space<vmem_shared>> -> memref<40x128xf32, #tpu.memory_space<vmem_shared>>
    tpu.wait_dma2 semaphore(%arg14 : memref<!tpu.dma_semaphore, #tpu.memory_space<semaphore_mem>>) src(%arg9 : memref<40x128xf32, #tpu.memory_space<vmem>>) dst(%dma_wait3A_481 : memref<40x128xf32, #tpu.memory_space<vmem_shared>>)
    %mul3A_482 = arith.constant 640 : i32
    %mul3A_483 = arith.muli %arg1, %mul3A_482 : i32
    %dma_wait3A_484 = arith.constant 0 : i32
    %dma_wait3A_485 = tpu.memref_slice %arg10[%mul3A_483, %dma_wait3A_484] : memref<10240x128xf32, #tpu.memory_space<vmem_shared>> -> memref<40x128xf32, #tpu.memory_space<vmem_shared>>
    %dma_wait3A_486 = arith.constant 0 : i32
    %dma_wait3A_487 = tpu.memref_slice %arg10[%mul3A_483, %dma_wait3A_486] : memref<10240x128xf32, #tpu.memory_space<vmem_shared>> -> memref<40x128xf32, #tpu.memory_space<vmem_shared>>
    tpu.wait_dma2 semaphore(%arg14 : memref<!tpu.dma_semaphore, #tpu.memory_space<semaphore_mem>>) src(%arg9 : memref<40x128xf32, #tpu.memory_space<vmem>>) dst(%dma_wait3A_487 : memref<40x128xf32, #tpu.memory_space<vmem_shared>>)
    %barrier3A = arith.constant 0 : index
    tpu.barrier barrier_id(%barrier3A)
    %dma_wait3A_488 = arith.constant 0 : i32
    %dma_wait3A_489 = arith.constant 0 : i32
    %dma_wait3A_490 = arith.constant 0 : i32
    %dma_wait3A_491 = tpu.memref_slice %arg6[%dma_wait3A_489, %dma_wait3A_490] : memref<5x80xi32, #tpu.memory_space<vmem>> -> memref<1x80xi32, #tpu.memory_space<vmem>>
    %dma_wait3A_492 = tpu.memref_squeeze %dma_wait3A_491 : memref<1x80xi32, #tpu.memory_space<vmem>> -> memref<80xi32, #tpu.memory_space<vmem>>
    %dma_wait3A_493 = arith.constant 0 : i32
    %dma_wait3A_494 = tpu.memref_slice %arg3[%add3A, %dma_wait3A_488, %dma_wait3A_493] : memref<32x125x80xi32, #tpu.memory_space<hbm>> -> memref<1x1x80xi32, #tpu.memory_space<hbm>>
    %dma_wait3A_495 = tpu.memref_squeeze %dma_wait3A_494 : memref<1x1x80xi32, #tpu.memory_space<hbm>> -> memref<80xi32, #tpu.memory_space<hbm>>
    %dma_wait3A_496 = arith.constant 0 : i32
    %dma_wait3A_497 = tpu.memref_slice %arg6[%dma_wait3A_489, %dma_wait3A_496] : memref<5x80xi32, #tpu.memory_space<vmem>> -> memref<1x80xi32, #tpu.memory_space<vmem>>
    %dma_wait3A_498 = tpu.memref_squeeze %dma_wait3A_497 : memref<1x80xi32, #tpu.memory_space<vmem>> -> memref<80xi32, #tpu.memory_space<vmem>>
    %dma_wait3A_499 = arith.constant 0 : i32
    %dma_wait3A_500 = tpu.memref_slice %arg3[%add3A, %dma_wait3A_488, %dma_wait3A_499] : memref<32x125x80xi32, #tpu.memory_space<hbm>> -> memref<1x1x80xi32, #tpu.memory_space<hbm>>
    %dma_wait3A_501 = tpu.memref_squeeze %dma_wait3A_500 : memref<1x1x80xi32, #tpu.memory_space<hbm>> -> memref<80xi32, #tpu.memory_space<hbm>>
    tpu.wait_dma2 semaphore(%arg11 : memref<!tpu.dma_semaphore, #tpu.memory_space<semaphore_mem>>) src(%dma_wait3A_501 : memref<80xi32, #tpu.memory_space<hbm>>) dst(%dma_wait3A_498 : memref<80xi32, #tpu.memory_space<vmem>>)
    %dma_wait3A_502 = arith.constant 0 : i32
    %dma_wait3A_503 = arith.constant 0 : i32
    %dma_wait3A_504 = arith.constant 0 : i32
    %dma_wait3A_505 = tpu.memref_slice %arg7[%dma_wait3A_503, %dma_wait3A_504] : memref<5x80xi32, #tpu.memory_space<vmem>> -> memref<1x80xi32, #tpu.memory_space<vmem>>
    %dma_wait3A_506 = tpu.memref_squeeze %dma_wait3A_505 : memref<1x80xi32, #tpu.memory_space<vmem>> -> memref<80xi32, #tpu.memory_space<vmem>>
    %dma_wait3A_507 = arith.constant 0 : i32
    %dma_wait3A_508 = tpu.memref_slice %arg4[%add3A, %dma_wait3A_502, %dma_wait3A_507] : memref<32x125x80xi32, #tpu.memory_space<hbm>> -> memref<1x1x80xi32, #tpu.memory_space<hbm>>
    %dma_wait3A_509 = tpu.memref_squeeze %dma_wait3A_508 : memref<1x1x80xi32, #tpu.memory_space<hbm>> -> memref<80xi32, #tpu.memory_space<hbm>>
    %dma_wait3A_510 = arith.constant 0 : i32
    %dma_wait3A_511 = tpu.memref_slice %arg7[%dma_wait3A_503, %dma_wait3A_510] : memref<5x80xi32, #tpu.memory_space<vmem>> -> memref<1x80xi32, #tpu.memory_space<vmem>>
    %dma_wait3A_512 = tpu.memref_squeeze %dma_wait3A_511 : memref<1x80xi32, #tpu.memory_space<vmem>> -> memref<80xi32, #tpu.memory_space<vmem>>
    %dma_wait3A_513 = arith.constant 0 : i32
    %dma_wait3A_514 = tpu.memref_slice %arg4[%add3A, %dma_wait3A_502, %dma_wait3A_513] : memref<32x125x80xi32, #tpu.memory_space<hbm>> -> memref<1x1x80xi32, #tpu.memory_space<hbm>>
    %dma_wait3A_515 = tpu.memref_squeeze %dma_wait3A_514 : memref<1x1x80xi32, #tpu.memory_space<hbm>> -> memref<80xi32, #tpu.memory_space<hbm>>
    tpu.wait_dma2 semaphore(%arg11 : memref<!tpu.dma_semaphore, #tpu.memory_space<semaphore_mem>>) src(%dma_wait3A_515 : memref<80xi32, #tpu.memory_space<hbm>>) dst(%dma_wait3A_512 : memref<80xi32, #tpu.memory_space<vmem>>)
    %dma_start3A_516 = arith.constant 3 : i32
    %dma_start3A_517 = arith.constant 3 : i32
    %dma_start3A_518 = arith.constant 0 : i32
    %dma_start3A_519 = arith.constant 0 : i32
    %dma_start3A_520 = tpu.memref_slice %arg8[%dma_start3A_517, %dma_start3A_518, %dma_start3A_519] : memref<4x80x128xf32, #tpu.memory_space<vmem>> -> memref<1x80x128xf32, #tpu.memory_space<vmem>>
    %dma_start3A_521 = tpu.memref_squeeze %dma_start3A_520 : memref<1x80x128xf32, #tpu.memory_space<vmem>> -> memref<80x128xf32, #tpu.memory_space<vmem>>
    %dma_start3A_522 = arith.constant 0 : i32
    %dma_start3A_523 = tpu.memref_slice %arg6[%dma_start3A_516, %dma_start3A_522] : memref<5x80xi32, #tpu.memory_space<vmem>> -> memref<1x80xi32, #tpu.memory_space<vmem>>
    %dma_start3A_524 = tpu.memref_squeeze %dma_start3A_523 : memref<1x80xi32, #tpu.memory_space<vmem>> -> memref<80xi32, #tpu.memory_space<vmem>>
    %dma_start3A_525 = arith.constant 0 : i32
    %dma_start3A_526 = arith.constant 0 : i32
    %dma_start3A_527 = tpu.memref_slice %arg2[%dma_start3A_525, %dma_start3A_526] : memref<10000x128xf32, #tpu.memory_space<hbm>> -> memref<10000x128xf32, #tpu.memory_space<hbm>>
    tpu.enqueue_indirect_dma source(%dma_start3A_527 : memref<10000x128xf32, #tpu.memory_space<hbm>>) target(%dma_start3A_521 : memref<80x128xf32, #tpu.memory_space<vmem>>) offsets(%dma_start3A_524 : memref<80xi32, #tpu.memory_space<vmem>>) semaphore(%arg12 : memref<!tpu.dma_semaphore, #tpu.memory_space<semaphore_mem>>)
    %dma_wait3A_528 = arith.constant 0 : i32
    %dma_wait3A_529 = arith.constant 0 : i32
    %dma_wait3A_530 = arith.constant 0 : i32
    %dma_wait3A_531 = arith.constant 0 : i32
    %dma_wait3A_532 = tpu.memref_slice %arg8[%dma_wait3A_529, %dma_wait3A_530, %dma_wait3A_531] : memref<4x80x128xf32, #tpu.memory_space<vmem>> -> memref<1x80x128xf32, #tpu.memory_space<vmem>>
    %dma_wait3A_533 = tpu.memref_squeeze %dma_wait3A_532 : memref<1x80x128xf32, #tpu.memory_space<vmem>> -> memref<80x128xf32, #tpu.memory_space<vmem>>
    %dma_wait3A_534 = arith.constant 0 : i32
    %dma_wait3A_535 = tpu.memref_slice %arg6[%dma_wait3A_528, %dma_wait3A_534] : memref<5x80xi32, #tpu.memory_space<vmem>> -> memref<1x80xi32, #tpu.memory_space<vmem>>
    %dma_wait3A_536 = tpu.memref_squeeze %dma_wait3A_535 : memref<1x80xi32, #tpu.memory_space<vmem>> -> memref<80xi32, #tpu.memory_space<vmem>>
    %dma_wait3A_537 = arith.constant 0 : i32
    %dma_wait3A_538 = arith.constant 0 : i32
    %dma_wait3A_539 = tpu.memref_slice %arg2[%dma_wait3A_537, %dma_wait3A_538] : memref<10000x128xf32, #tpu.memory_space<hbm>> -> memref<10000x128xf32, #tpu.memory_space<hbm>>
    tpu.wait_indirect_dma semaphore(%arg12 : memref<!tpu.dma_semaphore, #tpu.memory_space<semaphore_mem>>) src(%dma_wait3A_539 : memref<10000x128xf32, #tpu.memory_space<hbm>>) dst(%dma_wait3A_533 : memref<80x128xf32, #tpu.memory_space<vmem>>)
    %dma_start3A_540 = arith.constant 0 : i32
    %dma_start3A_541 = arith.constant 0 : i32
    %dma_start3A_542 = arith.constant 0 : i32
    %dma_start3A_543 = arith.constant 0 : i32
    %dma_start3A_544 = tpu.memref_slice %arg8[%dma_start3A_540, %dma_start3A_542, %dma_start3A_543] : memref<4x80x128xf32, #tpu.memory_space<vmem>> -> memref<1x80x128xf32, #tpu.memory_space<vmem>>
    %dma_start3A_545 = tpu.memref_squeeze %dma_start3A_544 : memref<1x80x128xf32, #tpu.memory_space<vmem>> -> memref<80x128xf32, #tpu.memory_space<vmem>>
    %dma_start3A_546 = arith.constant 0 : i32
    %dma_start3A_547 = tpu.memref_slice %arg7[%dma_start3A_541, %dma_start3A_546] : memref<5x80xi32, #tpu.memory_space<vmem>> -> memref<1x80xi32, #tpu.memory_space<vmem>>
    %dma_start3A_548 = tpu.memref_squeeze %dma_start3A_547 : memref<1x80xi32, #tpu.memory_space<vmem>> -> memref<80xi32, #tpu.memory_space<vmem>>
    %dma_start3A_549 = arith.constant 0 : i32
    %dma_start3A_550 = arith.constant 0 : i32
    %dma_start3A_551 = tpu.memref_slice %arg10[%dma_start3A_549, %dma_start3A_550] : memref<10240x128xf32, #tpu.memory_space<vmem_shared>> -> memref<10240x128xf32, #tpu.memory_space<vmem_shared>>
    tpu.enqueue_indirect_dma source(%dma_start3A_545 : memref<80x128xf32, #tpu.memory_space<vmem>>) target(%dma_start3A_551 : memref<10240x128xf32, #tpu.memory_space<vmem_shared>>) offsets(%dma_start3A_548 : memref<80xi32, #tpu.memory_space<vmem>>) semaphore(%arg13 : memref<!tpu.dma_semaphore, #tpu.memory_space<semaphore_mem>>) {add = true}
    %scan3A_552 = arith.constant 0 : i32
    %scan3A_553 = arith.constant 1 : i32
    %scan3A_554 = arith.constant 120 : i32
    %scan3A_555 = arith.addi %scan3A_553, %scan3A_554 : i32
    %scan3A_556 = arith.constant 1 : i32
    scf.for %scan3A_762 = %scan3A_553 to %scan3A_555 step %scan3A_556  : i32 {
      %dma_wait3A_763 = arith.constant 0 : i32
      %dma_wait3A_764 = arith.constant 0 : i32
      %dma_wait3A_765 = arith.constant 0 : i32
      %dma_wait3A_766 = arith.constant 0 : i32
      %dma_wait3A_767 = tpu.memref_slice %arg8[%dma_wait3A_763, %dma_wait3A_765, %dma_wait3A_766] : memref<4x80x128xf32, #tpu.memory_space<vmem>> -> memref<1x80x128xf32, #tpu.memory_space<vmem>>
      %dma_wait3A_768 = tpu.memref_squeeze %dma_wait3A_767 : memref<1x80x128xf32, #tpu.memory_space<vmem>> -> memref<80x128xf32, #tpu.memory_space<vmem>>
      %dma_wait3A_769 = arith.constant 0 : i32
      %dma_wait3A_770 = tpu.memref_slice %arg7[%dma_wait3A_764, %dma_wait3A_769] : memref<5x80xi32, #tpu.memory_space<vmem>> -> memref<1x80xi32, #tpu.memory_space<vmem>>
      %dma_wait3A_771 = tpu.memref_squeeze %dma_wait3A_770 : memref<1x80xi32, #tpu.memory_space<vmem>> -> memref<80xi32, #tpu.memory_space<vmem>>
      %dma_wait3A_772 = arith.constant 0 : i32
      %dma_wait3A_773 = arith.constant 0 : i32
      %dma_wait3A_774 = tpu.memref_slice %arg10[%dma_wait3A_772, %dma_wait3A_773] : memref<10240x128xf32, #tpu.memory_space<vmem_shared>> -> memref<10240x128xf32, #tpu.memory_space<vmem_shared>>
      tpu.wait_indirect_dma semaphore(%arg13 : memref<!tpu.dma_semaphore, #tpu.memory_space<semaphore_mem>>) src(%dma_wait3A_768 : memref<80x128xf32, #tpu.memory_space<vmem>>) dst(%dma_wait3A_774 : memref<10240x128xf32, #tpu.memory_space<vmem_shared>>)
      %add3A_775 = arith.constant 4 : i32
      %add3A_776 = arith.addi %scan3A_762, %add3A_775 : i32
      %jit3A = arith.constant 5 : i32
      %eq3A = arith.constant 0 : i32
      %eq3A_777 = arith.cmpi eq, %jit3A, %eq3A : i32
      %jit3A_778 = arith.constant 1 : i32
      %select_n3A = arith.select %eq3A_777, %jit3A_778, %jit3A : i32
      %rem3A = arith.remsi %add3A_776, %select_n3A : i32
      %ne3A = arith.constant 0 : i32
      %ne3A_779 = arith.cmpi ne, %rem3A, %ne3A : i32
      %lt3A = arith.constant 0 : i32
      %lt3A_780 = arith.cmpi slt, %rem3A, %lt3A : i32
      %lt3A_781 = arith.constant 0 : i32
      %lt3A_782 = arith.cmpi slt, %select_n3A, %lt3A_781 : i32
      %ne3A_783 = arith.xori %lt3A_780, %lt3A_782 : i1
      %and3A = arith.andi %ne3A_783, %ne3A_779 : i1
      %add3A_784 = arith.addi %rem3A, %select_n3A : i32
      %select_n3A_785 = arith.select %and3A, %add3A_784, %rem3A : i32
      %dma_start3A_786 = arith.constant 0 : i32
      %dma_start3A_787 = tpu.memref_slice %arg6[%select_n3A_785, %dma_start3A_786] : memref<5x80xi32, #tpu.memory_space<vmem>> -> memref<1x80xi32, #tpu.memory_space<vmem>>
      %dma_start3A_788 = tpu.memref_squeeze %dma_start3A_787 : memref<1x80xi32, #tpu.memory_space<vmem>> -> memref<80xi32, #tpu.memory_space<vmem>>
      %dma_start3A_789 = arith.constant 0 : i32
      %dma_start3A_790 = tpu.memref_slice %arg3[%add3A, %add3A_776, %dma_start3A_789] : memref<32x125x80xi32, #tpu.memory_space<hbm>> -> memref<1x1x80xi32, #tpu.memory_space<hbm>>
      %dma_start3A_791 = tpu.memref_squeeze %dma_start3A_790 : memref<1x1x80xi32, #tpu.memory_space<hbm>> -> memref<80xi32, #tpu.memory_space<hbm>>
      %dma_start3A_792 = arith.constant 0 : i32
      %dma_start3A_793 = tpu.memref_slice %arg6[%select_n3A_785, %dma_start3A_792] : memref<5x80xi32, #tpu.memory_space<vmem>> -> memref<1x80xi32, #tpu.memory_space<vmem>>
      %dma_start3A_794 = tpu.memref_squeeze %dma_start3A_793 : memref<1x80xi32, #tpu.memory_space<vmem>> -> memref<80xi32, #tpu.memory_space<vmem>>
      %dma_start3A_795 = arith.constant 0 : i32
      %dma_start3A_796 = tpu.memref_slice %arg3[%add3A, %add3A_776, %dma_start3A_795] : memref<32x125x80xi32, #tpu.memory_space<hbm>> -> memref<1x1x80xi32, #tpu.memory_space<hbm>>
      %dma_start3A_797 = tpu.memref_squeeze %dma_start3A_796 : memref<1x1x80xi32, #tpu.memory_space<hbm>> -> memref<80xi32, #tpu.memory_space<hbm>>
      tpu.enqueue_dma source(%dma_start3A_797 : memref<80xi32, #tpu.memory_space<hbm>>) target(%dma_start3A_794 : memref<80xi32, #tpu.memory_space<vmem>>) target_semaphore(%arg11 : memref<!tpu.dma_semaphore, #tpu.memory_space<semaphore_mem>>)
      %jit3A_798 = arith.constant 5 : i32
      %eq3A_799 = arith.constant 0 : i32
      %eq3A_800 = arith.cmpi eq, %jit3A_798, %eq3A_799 : i32
      %jit3A_801 = arith.constant 1 : i32
      %select_n3A_802 = arith.select %eq3A_800, %jit3A_801, %jit3A_798 : i32
      %rem3A_803 = arith.remsi %add3A_776, %select_n3A_802 : i32
      %ne3A_804 = arith.constant 0 : i32
      %ne3A_805 = arith.cmpi ne, %rem3A_803, %ne3A_804 : i32
      %lt3A_806 = arith.constant 0 : i32
      %lt3A_807 = arith.cmpi slt, %rem3A_803, %lt3A_806 : i32
      %lt3A_808 = arith.constant 0 : i32
      %lt3A_809 = arith.cmpi slt, %select_n3A_802, %lt3A_808 : i32
      %ne3A_810 = arith.xori %lt3A_807, %lt3A_809 : i1
      %and3A_811 = arith.andi %ne3A_810, %ne3A_805 : i1
      %add3A_812 = arith.addi %rem3A_803, %select_n3A_802 : i32
      %select_n3A_813 = arith.select %and3A_811, %add3A_812, %rem3A_803 : i32
      %dma_start3A_814 = arith.constant 0 : i32
      %dma_start3A_815 = tpu.memref_slice %arg7[%select_n3A_813, %dma_start3A_814] : memref<5x80xi32, #tpu.memory_space<vmem>> -> memref<1x80xi32, #tpu.memory_space<vmem>>
      %dma_start3A_816 = tpu.memref_squeeze %dma_start3A_815 : memref<1x80xi32, #tpu.memory_space<vmem>> -> memref<80xi32, #tpu.memory_space<vmem>>
      %dma_start3A_817 = arith.constant 0 : i32
      %dma_start3A_818 = tpu.memref_slice %arg4[%add3A, %add3A_776, %dma_start3A_817] : memref<32x125x80xi32, #tpu.memory_space<hbm>> -> memref<1x1x80xi32, #tpu.memory_space<hbm>>
      %dma_start3A_819 = tpu.memref_squeeze %dma_start3A_818 : memref<1x1x80xi32, #tpu.memory_space<hbm>> -> memref<80xi32, #tpu.memory_space<hbm>>
      %dma_start3A_820 = arith.constant 0 : i32
      %dma_start3A_821 = tpu.memref_slice %arg7[%select_n3A_813, %dma_start3A_820] : memref<5x80xi32, #tpu.memory_space<vmem>> -> memref<1x80xi32, #tpu.memory_space<vmem>>
      %dma_start3A_822 = tpu.memref_squeeze %dma_start3A_821 : memref<1x80xi32, #tpu.memory_space<vmem>> -> memref<80xi32, #tpu.memory_space<vmem>>
      %dma_start3A_823 = arith.constant 0 : i32
      %dma_start3A_824 = tpu.memref_slice %arg4[%add3A, %add3A_776, %dma_start3A_823] : memref<32x125x80xi32, #tpu.memory_space<hbm>> -> memref<1x1x80xi32, #tpu.memory_space<hbm>>
      %dma_start3A_825 = tpu.memref_squeeze %dma_start3A_824 : memref<1x1x80xi32, #tpu.memory_space<hbm>> -> memref<80xi32, #tpu.memory_space<hbm>>
      tpu.enqueue_dma source(%dma_start3A_825 : memref<80xi32, #tpu.memory_space<hbm>>) target(%dma_start3A_822 : memref<80xi32, #tpu.memory_space<vmem>>) target_semaphore(%arg11 : memref<!tpu.dma_semaphore, #tpu.memory_space<semaphore_mem>>)
      %dma_wait3A_826 = arith.constant 0 : i32
      %dma_wait3A_827 = arith.constant 0 : i32
      %dma_wait3A_828 = arith.constant 0 : i32
      %dma_wait3A_829 = tpu.memref_slice %arg6[%dma_wait3A_827, %dma_wait3A_828] : memref<5x80xi32, #tpu.memory_space<vmem>> -> memref<1x80xi32, #tpu.memory_space<vmem>>
      %dma_wait3A_830 = tpu.memref_squeeze %dma_wait3A_829 : memref<1x80xi32, #tpu.memory_space<vmem>> -> memref<80xi32, #tpu.memory_space<vmem>>
      %dma_wait3A_831 = arith.constant 0 : i32
      %dma_wait3A_832 = tpu.memref_slice %arg3[%add3A, %dma_wait3A_826, %dma_wait3A_831] : memref<32x125x80xi32, #tpu.memory_space<hbm>> -> memref<1x1x80xi32, #tpu.memory_space<hbm>>
      %dma_wait3A_833 = tpu.memref_squeeze %dma_wait3A_832 : memref<1x1x80xi32, #tpu.memory_space<hbm>> -> memref<80xi32, #tpu.memory_space<hbm>>
      %dma_wait3A_834 = arith.constant 0 : i32
      %dma_wait3A_835 = tpu.memref_slice %arg6[%dma_wait3A_827, %dma_wait3A_834] : memref<5x80xi32, #tpu.memory_space<vmem>> -> memref<1x80xi32, #tpu.memory_space<vmem>>
      %dma_wait3A_836 = tpu.memref_squeeze %dma_wait3A_835 : memref<1x80xi32, #tpu.memory_space<vmem>> -> memref<80xi32, #tpu.memory_space<vmem>>
      %dma_wait3A_837 = arith.constant 0 : i32
      %dma_wait3A_838 = tpu.memref_slice %arg3[%add3A, %dma_wait3A_826, %dma_wait3A_837] : memref<32x125x80xi32, #tpu.memory_space<hbm>> -> memref<1x1x80xi32, #tpu.memory_space<hbm>>
      %dma_wait3A_839 = tpu.memref_squeeze %dma_wait3A_838 : memref<1x1x80xi32, #tpu.memory_space<hbm>> -> memref<80xi32, #tpu.memory_space<hbm>>
      tpu.wait_dma2 semaphore(%arg11 : memref<!tpu.dma_semaphore, #tpu.memory_space<semaphore_mem>>) src(%dma_wait3A_839 : memref<80xi32, #tpu.memory_space<hbm>>) dst(%dma_wait3A_836 : memref<80xi32, #tpu.memory_space<vmem>>)
      %dma_wait3A_840 = arith.constant 0 : i32
      %dma_wait3A_841 = arith.constant 0 : i32
      %dma_wait3A_842 = arith.constant 0 : i32
      %dma_wait3A_843 = tpu.memref_slice %arg7[%dma_wait3A_841, %dma_wait3A_842] : memref<5x80xi32, #tpu.memory_space<vmem>> -> memref<1x80xi32, #tpu.memory_space<vmem>>
      %dma_wait3A_844 = tpu.memref_squeeze %dma_wait3A_843 : memref<1x80xi32, #tpu.memory_space<vmem>> -> memref<80xi32, #tpu.memory_space<vmem>>
      %dma_wait3A_845 = arith.constant 0 : i32
      %dma_wait3A_846 = tpu.memref_slice %arg4[%add3A, %dma_wait3A_840, %dma_wait3A_845] : memref<32x125x80xi32, #tpu.memory_space<hbm>> -> memref<1x1x80xi32, #tpu.memory_space<hbm>>
      %dma_wait3A_847 = tpu.memref_squeeze %dma_wait3A_846 : memref<1x1x80xi32, #tpu.memory_space<hbm>> -> memref<80xi32, #tpu.memory_space<hbm>>
      %dma_wait3A_848 = arith.constant 0 : i32
      %dma_wait3A_849 = tpu.memref_slice %arg7[%dma_wait3A_841, %dma_wait3A_848] : memref<5x80xi32, #tpu.memory_space<vmem>> -> memref<1x80xi32, #tpu.memory_space<vmem>>
      %dma_wait3A_850 = tpu.memref_squeeze %dma_wait3A_849 : memref<1x80xi32, #tpu.memory_space<vmem>> -> memref<80xi32, #tpu.memory_space<vmem>>
      %dma_wait3A_851 = arith.constant 0 : i32
      %dma_wait3A_852 = tpu.memref_slice %arg4[%add3A, %dma_wait3A_840, %dma_wait3A_851] : memref<32x125x80xi32, #tpu.memory_space<hbm>> -> memref<1x1x80xi32, #tpu.memory_space<hbm>>
      %dma_wait3A_853 = tpu.memref_squeeze %dma_wait3A_852 : memref<1x1x80xi32, #tpu.memory_space<hbm>> -> memref<80xi32, #tpu.memory_space<hbm>>
      tpu.wait_dma2 semaphore(%arg11 : memref<!tpu.dma_semaphore, #tpu.memory_space<semaphore_mem>>) src(%dma_wait3A_853 : memref<80xi32, #tpu.memory_space<hbm>>) dst(%dma_wait3A_850 : memref<80xi32, #tpu.memory_space<vmem>>)
      %add3A_854 = arith.constant 3 : i32
      %add3A_855 = arith.addi %scan3A_762, %add3A_854 : i32
      %jit3A_856 = arith.constant 5 : i32
      %eq3A_857 = arith.constant 0 : i32
      %eq3A_858 = arith.cmpi eq, %jit3A_856, %eq3A_857 : i32
      %jit3A_859 = arith.constant 1 : i32
      %select_n3A_860 = arith.select %eq3A_858, %jit3A_859, %jit3A_856 : i32
      %rem3A_861 = arith.remsi %add3A_855, %select_n3A_860 : i32
      %ne3A_862 = arith.constant 0 : i32
      %ne3A_863 = arith.cmpi ne, %rem3A_861, %ne3A_862 : i32
      %lt3A_864 = arith.constant 0 : i32
      %lt3A_865 = arith.cmpi slt, %rem3A_861, %lt3A_864 : i32
      %lt3A_866 = arith.constant 0 : i32
      %lt3A_867 = arith.cmpi slt, %select_n3A_860, %lt3A_866 : i32
      %ne3A_868 = arith.xori %lt3A_865, %lt3A_867 : i1
      %and3A_869 = arith.andi %ne3A_868, %ne3A_863 : i1
      %add3A_870 = arith.addi %rem3A_861, %select_n3A_860 : i32
      %select_n3A_871 = arith.select %and3A_869, %add3A_870, %rem3A_861 : i32
      %jit3A_872 = arith.constant 4 : i32
      %eq3A_873 = arith.constant 0 : i32
      %eq3A_874 = arith.cmpi eq, %jit3A_872, %eq3A_873 : i32
      %jit3A_875 = arith.constant 1 : i32
      %select_n3A_876 = arith.select %eq3A_874, %jit3A_875, %jit3A_872 : i32
      %rem3A_877 = arith.remsi %add3A_855, %select_n3A_876 : i32
      %ne3A_878 = arith.constant 0 : i32
      %ne3A_879 = arith.cmpi ne, %rem3A_877, %ne3A_878 : i32
      %lt3A_880 = arith.constant 0 : i32
      %lt3A_881 = arith.cmpi slt, %rem3A_877, %lt3A_880 : i32
      %lt3A_882 = arith.constant 0 : i32
      %lt3A_883 = arith.cmpi slt, %select_n3A_876, %lt3A_882 : i32
      %ne3A_884 = arith.xori %lt3A_881, %lt3A_883 : i1
      %and3A_885 = arith.andi %ne3A_884, %ne3A_879 : i1
      %add3A_886 = arith.addi %rem3A_877, %select_n3A_876 : i32
      %select_n3A_887 = arith.select %and3A_885, %add3A_886, %rem3A_877 : i32
      %dma_start3A_888 = arith.constant 0 : i32
      %dma_start3A_889 = arith.constant 0 : i32
      %dma_start3A_890 = tpu.memref_slice %arg8[%select_n3A_887, %dma_start3A_888, %dma_start3A_889] : memref<4x80x128xf32, #tpu.memory_space<vmem>> -> memref<1x80x128xf32, #tpu.memory_space<vmem>>
      %dma_start3A_891 = tpu.memref_squeeze %dma_start3A_890 : memref<1x80x128xf32, #tpu.memory_space<vmem>> -> memref<80x128xf32, #tpu.memory_space<vmem>>
      %dma_start3A_892 = arith.constant 0 : i32
      %dma_start3A_893 = tpu.memref_slice %arg6[%select_n3A_871, %dma_start3A_892] : memref<5x80xi32, #tpu.memory_space<vmem>> -> memref<1x80xi32, #tpu.memory_space<vmem>>
      %dma_start3A_894 = tpu.memref_squeeze %dma_start3A_893 : memref<1x80xi32, #tpu.memory_space<vmem>> -> memref<80xi32, #tpu.memory_space<vmem>>
      %dma_start3A_895 = arith.constant 0 : i32
      %dma_start3A_896 = arith.constant 0 : i32
      %dma_start3A_897 = tpu.memref_slice %arg2[%dma_start3A_895, %dma_start3A_896] : memref<10000x128xf32, #tpu.memory_space<hbm>> -> memref<10000x128xf32, #tpu.memory_space<hbm>>
      tpu.enqueue_indirect_dma source(%dma_start3A_897 : memref<10000x128xf32, #tpu.memory_space<hbm>>) target(%dma_start3A_891 : memref<80x128xf32, #tpu.memory_space<vmem>>) offsets(%dma_start3A_894 : memref<80xi32, #tpu.memory_space<vmem>>) semaphore(%arg12 : memref<!tpu.dma_semaphore, #tpu.memory_space<semaphore_mem>>)
      %dma_wait3A_898 = arith.constant 0 : i32
      %dma_wait3A_899 = arith.constant 0 : i32
      %dma_wait3A_900 = arith.constant 0 : i32
      %dma_wait3A_901 = arith.constant 0 : i32
      %dma_wait3A_902 = tpu.memref_slice %arg8[%dma_wait3A_899, %dma_wait3A_900, %dma_wait3A_901] : memref<4x80x128xf32, #tpu.memory_space<vmem>> -> memref<1x80x128xf32, #tpu.memory_space<vmem>>
      %dma_wait3A_903 = tpu.memref_squeeze %dma_wait3A_902 : memref<1x80x128xf32, #tpu.memory_space<vmem>> -> memref<80x128xf32, #tpu.memory_space<vmem>>
      %dma_wait3A_904 = arith.constant 0 : i32
      %dma_wait3A_905 = tpu.memref_slice %arg6[%dma_wait3A_898, %dma_wait3A_904] : memref<5x80xi32, #tpu.memory_space<vmem>> -> memref<1x80xi32, #tpu.memory_space<vmem>>
      %dma_wait3A_906 = tpu.memref_squeeze %dma_wait3A_905 : memref<1x80xi32, #tpu.memory_space<vmem>> -> memref<80xi32, #tpu.memory_space<vmem>>
      %dma_wait3A_907 = arith.constant 0 : i32
      %dma_wait3A_908 = arith.constant 0 : i32
      %dma_wait3A_909 = tpu.memref_slice %arg2[%dma_wait3A_907, %dma_wait3A_908] : memref<10000x128xf32, #tpu.memory_space<hbm>> -> memref<10000x128xf32, #tpu.memory_space<hbm>>
      tpu.wait_indirect_dma semaphore(%arg12 : memref<!tpu.dma_semaphore, #tpu.memory_space<semaphore_mem>>) src(%dma_wait3A_909 : memref<10000x128xf32, #tpu.memory_space<hbm>>) dst(%dma_wait3A_903 : memref<80x128xf32, #tpu.memory_space<vmem>>)
      %jit3A_910 = arith.constant 4 : i32
      %eq3A_911 = arith.constant 0 : i32
      %eq3A_912 = arith.cmpi eq, %jit3A_910, %eq3A_911 : i32
      %jit3A_913 = arith.constant 1 : i32
      %select_n3A_914 = arith.select %eq3A_912, %jit3A_913, %jit3A_910 : i32
      %rem3A_915 = arith.remsi %scan3A_762, %select_n3A_914 : i32
      %ne3A_916 = arith.constant 0 : i32
      %ne3A_917 = arith.cmpi ne, %rem3A_915, %ne3A_916 : i32
      %lt3A_918 = arith.constant 0 : i32
      %lt3A_919 = arith.cmpi slt, %rem3A_915, %lt3A_918 : i32
      %lt3A_920 = arith.constant 0 : i32
      %lt3A_921 = arith.cmpi slt, %select_n3A_914, %lt3A_920 : i32
      %ne3A_922 = arith.xori %lt3A_919, %lt3A_921 : i1
      %and3A_923 = arith.andi %ne3A_922, %ne3A_917 : i1
      %add3A_924 = arith.addi %rem3A_915, %select_n3A_914 : i32
      %select_n3A_925 = arith.select %and3A_923, %add3A_924, %rem3A_915 : i32
      %jit3A_926 = arith.constant 5 : i32
      %eq3A_927 = arith.constant 0 : i32
      %eq3A_928 = arith.cmpi eq, %jit3A_926, %eq3A_927 : i32
      %jit3A_929 = arith.constant 1 : i32
      %select_n3A_930 = arith.select %eq3A_928, %jit3A_929, %jit3A_926 : i32
      %rem3A_931 = arith.remsi %scan3A_762, %select_n3A_930 : i32
      %ne3A_932 = arith.constant 0 : i32
      %ne3A_933 = arith.cmpi ne, %rem3A_931, %ne3A_932 : i32
      %lt3A_934 = arith.constant 0 : i32
      %lt3A_935 = arith.cmpi slt, %rem3A_931, %lt3A_934 : i32
      %lt3A_936 = arith.constant 0 : i32
      %lt3A_937 = arith.cmpi slt, %select_n3A_930, %lt3A_936 : i32
      %ne3A_938 = arith.xori %lt3A_935, %lt3A_937 : i1
      %and3A_939 = arith.andi %ne3A_938, %ne3A_933 : i1
      %add3A_940 = arith.addi %rem3A_931, %select_n3A_930 : i32
      %select_n3A_941 = arith.select %and3A_939, %add3A_940, %rem3A_931 : i32
      %dma_start3A_942 = arith.constant 0 : i32
      %dma_start3A_943 = arith.constant 0 : i32
      %dma_start3A_944 = tpu.memref_slice %arg8[%select_n3A_925, %dma_start3A_942, %dma_start3A_943] : memref<4x80x128xf32, #tpu.memory_space<vmem>> -> memref<1x80x128xf32, #tpu.memory_space<vmem>>
      %dma_start3A_945 = tpu.memref_squeeze %dma_start3A_944 : memref<1x80x128xf32, #tpu.memory_space<vmem>> -> memref<80x128xf32, #tpu.memory_space<vmem>>
      %dma_start3A_946 = arith.constant 0 : i32
      %dma_start3A_947 = tpu.memref_slice %arg7[%select_n3A_941, %dma_start3A_946] : memref<5x80xi32, #tpu.memory_space<vmem>> -> memref<1x80xi32, #tpu.memory_space<vmem>>
      %dma_start3A_948 = tpu.memref_squeeze %dma_start3A_947 : memref<1x80xi32, #tpu.memory_space<vmem>> -> memref<80xi32, #tpu.memory_space<vmem>>
      %dma_start3A_949 = arith.constant 0 : i32
      %dma_start3A_950 = arith.constant 0 : i32
      %dma_start3A_951 = tpu.memref_slice %arg10[%dma_start3A_949, %dma_start3A_950] : memref<10240x128xf32, #tpu.memory_space<vmem_shared>> -> memref<10240x128xf32, #tpu.memory_space<vmem_shared>>
      tpu.enqueue_indirect_dma source(%dma_start3A_945 : memref<80x128xf32, #tpu.memory_space<vmem>>) target(%dma_start3A_951 : memref<10240x128xf32, #tpu.memory_space<vmem_shared>>) offsets(%dma_start3A_948 : memref<80xi32, #tpu.memory_space<vmem>>) semaphore(%arg13 : memref<!tpu.dma_semaphore, #tpu.memory_space<semaphore_mem>>) {add = true}
    }
    %scan3A_557 = arith.constant 120 : i32
    %dma_wait3A_558 = arith.constant 0 : i32
    %dma_wait3A_559 = arith.constant 0 : i32
    %dma_wait3A_560 = arith.constant 0 : i32
    %dma_wait3A_561 = arith.constant 0 : i32
    %dma_wait3A_562 = tpu.memref_slice %arg8[%dma_wait3A_558, %dma_wait3A_560, %dma_wait3A_561] : memref<4x80x128xf32, #tpu.memory_space<vmem>> -> memref<1x80x128xf32, #tpu.memory_space<vmem>>
    %dma_wait3A_563 = tpu.memref_squeeze %dma_wait3A_562 : memref<1x80x128xf32, #tpu.memory_space<vmem>> -> memref<80x128xf32, #tpu.memory_space<vmem>>
    %dma_wait3A_564 = arith.constant 0 : i32
    %dma_wait3A_565 = tpu.memref_slice %arg7[%dma_wait3A_559, %dma_wait3A_564] : memref<5x80xi32, #tpu.memory_space<vmem>> -> memref<1x80xi32, #tpu.memory_space<vmem>>
    %dma_wait3A_566 = tpu.memref_squeeze %dma_wait3A_565 : memref<1x80xi32, #tpu.memory_space<vmem>> -> memref<80xi32, #tpu.memory_space<vmem>>
    %dma_wait3A_567 = arith.constant 0 : i32
    %dma_wait3A_568 = arith.constant 0 : i32
    %dma_wait3A_569 = tpu.memref_slice %arg10[%dma_wait3A_567, %dma_wait3A_568] : memref<10240x128xf32, #tpu.memory_space<vmem_shared>> -> memref<10240x128xf32, #tpu.memory_space<vmem_shared>>
    tpu.wait_indirect_dma semaphore(%arg13 : memref<!tpu.dma_semaphore, #tpu.memory_space<semaphore_mem>>) src(%dma_wait3A_563 : memref<80x128xf32, #tpu.memory_space<vmem>>) dst(%dma_wait3A_569 : memref<10240x128xf32, #tpu.memory_space<vmem_shared>>)
    %dma_wait3A_570 = arith.constant 0 : i32
    %dma_wait3A_571 = arith.constant 0 : i32
    %dma_wait3A_572 = arith.constant 0 : i32
    %dma_wait3A_573 = tpu.memref_slice %arg6[%dma_wait3A_571, %dma_wait3A_572] : memref<5x80xi32, #tpu.memory_space<vmem>> -> memref<1x80xi32, #tpu.memory_space<vmem>>
    %dma_wait3A_574 = tpu.memref_squeeze %dma_wait3A_573 : memref<1x80xi32, #tpu.memory_space<vmem>> -> memref<80xi32, #tpu.memory_space<vmem>>
    %dma_wait3A_575 = arith.constant 0 : i32
    %dma_wait3A_576 = tpu.memref_slice %arg3[%add3A, %dma_wait3A_570, %dma_wait3A_575] : memref<32x125x80xi32, #tpu.memory_space<hbm>> -> memref<1x1x80xi32, #tpu.memory_space<hbm>>
    %dma_wait3A_577 = tpu.memref_squeeze %dma_wait3A_576 : memref<1x1x80xi32, #tpu.memory_space<hbm>> -> memref<80xi32, #tpu.memory_space<hbm>>
    %dma_wait3A_578 = arith.constant 0 : i32
    %dma_wait3A_579 = tpu.memref_slice %arg6[%dma_wait3A_571, %dma_wait3A_578] : memref<5x80xi32, #tpu.memory_space<vmem>> -> memref<1x80xi32, #tpu.memory_space<vmem>>
    %dma_wait3A_580 = tpu.memref_squeeze %dma_wait3A_579 : memref<1x80xi32, #tpu.memory_space<vmem>> -> memref<80xi32, #tpu.memory_space<vmem>>
    %dma_wait3A_581 = arith.constant 0 : i32
    %dma_wait3A_582 = tpu.memref_slice %arg3[%add3A, %dma_wait3A_570, %dma_wait3A_581] : memref<32x125x80xi32, #tpu.memory_space<hbm>> -> memref<1x1x80xi32, #tpu.memory_space<hbm>>
    %dma_wait3A_583 = tpu.memref_squeeze %dma_wait3A_582 : memref<1x1x80xi32, #tpu.memory_space<hbm>> -> memref<80xi32, #tpu.memory_space<hbm>>
    tpu.wait_dma2 semaphore(%arg11 : memref<!tpu.dma_semaphore, #tpu.memory_space<semaphore_mem>>) src(%dma_wait3A_583 : memref<80xi32, #tpu.memory_space<hbm>>) dst(%dma_wait3A_580 : memref<80xi32, #tpu.memory_space<vmem>>)
    %dma_wait3A_584 = arith.constant 0 : i32
    %dma_wait3A_585 = arith.constant 0 : i32
    %dma_wait3A_586 = arith.constant 0 : i32
    %dma_wait3A_587 = tpu.memref_slice %arg7[%dma_wait3A_585, %dma_wait3A_586] : memref<5x80xi32, #tpu.memory_space<vmem>> -> memref<1x80xi32, #tpu.memory_space<vmem>>
    %dma_wait3A_588 = tpu.memref_squeeze %dma_wait3A_587 : memref<1x80xi32, #tpu.memory_space<vmem>> -> memref<80xi32, #tpu.memory_space<vmem>>
    %dma_wait3A_589 = arith.constant 0 : i32
    %dma_wait3A_590 = tpu.memref_slice %arg4[%add3A, %dma_wait3A_584, %dma_wait3A_589] : memref<32x125x80xi32, #tpu.memory_space<hbm>> -> memref<1x1x80xi32, #tpu.memory_space<hbm>>
    %dma_wait3A_591 = tpu.memref_squeeze %dma_wait3A_590 : memref<1x1x80xi32, #tpu.memory_space<hbm>> -> memref<80xi32, #tpu.memory_space<hbm>>
    %dma_wait3A_592 = arith.constant 0 : i32
    %dma_wait3A_593 = tpu.memref_slice %arg7[%dma_wait3A_585, %dma_wait3A_592] : memref<5x80xi32, #tpu.memory_space<vmem>> -> memref<1x80xi32, #tpu.memory_space<vmem>>
    %dma_wait3A_594 = tpu.memref_squeeze %dma_wait3A_593 : memref<1x80xi32, #tpu.memory_space<vmem>> -> memref<80xi32, #tpu.memory_space<vmem>>
    %dma_wait3A_595 = arith.constant 0 : i32
    %dma_wait3A_596 = tpu.memref_slice %arg4[%add3A, %dma_wait3A_584, %dma_wait3A_595] : memref<32x125x80xi32, #tpu.memory_space<hbm>> -> memref<1x1x80xi32, #tpu.memory_space<hbm>>
    %dma_wait3A_597 = tpu.memref_squeeze %dma_wait3A_596 : memref<1x1x80xi32, #tpu.memory_space<hbm>> -> memref<80xi32, #tpu.memory_space<hbm>>
    tpu.wait_dma2 semaphore(%arg11 : memref<!tpu.dma_semaphore, #tpu.memory_space<semaphore_mem>>) src(%dma_wait3A_597 : memref<80xi32, #tpu.memory_space<hbm>>) dst(%dma_wait3A_594 : memref<80xi32, #tpu.memory_space<vmem>>)
    %dma_start3A_598 = arith.constant 4 : i32
    %dma_start3A_599 = arith.constant 0 : i32
    %dma_start3A_600 = arith.constant 0 : i32
    %dma_start3A_601 = arith.constant 0 : i32
    %dma_start3A_602 = tpu.memref_slice %arg8[%dma_start3A_599, %dma_start3A_600, %dma_start3A_601] : memref<4x80x128xf32, #tpu.memory_space<vmem>> -> memref<1x80x128xf32, #tpu.memory_space<vmem>>
    %dma_start3A_603 = tpu.memref_squeeze %dma_start3A_602 : memref<1x80x128xf32, #tpu.memory_space<vmem>> -> memref<80x128xf32, #tpu.memory_space<vmem>>
    %dma_start3A_604 = arith.constant 0 : i32
    %dma_start3A_605 = tpu.memref_slice %arg6[%dma_start3A_598, %dma_start3A_604] : memref<5x80xi32, #tpu.memory_space<vmem>> -> memref<1x80xi32, #tpu.memory_space<vmem>>
    %dma_start3A_606 = tpu.memref_squeeze %dma_start3A_605 : memref<1x80xi32, #tpu.memory_space<vmem>> -> memref<80xi32, #tpu.memory_space<vmem>>
    %dma_start3A_607 = arith.constant 0 : i32
    %dma_start3A_608 = arith.constant 0 : i32
    %dma_start3A_609 = tpu.memref_slice %arg2[%dma_start3A_607, %dma_start3A_608] : memref<10000x128xf32, #tpu.memory_space<hbm>> -> memref<10000x128xf32, #tpu.memory_space<hbm>>
    tpu.enqueue_indirect_dma source(%dma_start3A_609 : memref<10000x128xf32, #tpu.memory_space<hbm>>) target(%dma_start3A_603 : memref<80x128xf32, #tpu.memory_space<vmem>>) offsets(%dma_start3A_606 : memref<80xi32, #tpu.memory_space<vmem>>) semaphore(%arg12 : memref<!tpu.dma_semaphore, #tpu.memory_space<semaphore_mem>>)
    %dma_wait3A_610 = arith.constant 0 : i32
    %dma_wait3A_611 = arith.constant 0 : i32
    %dma_wait3A_612 = arith.constant 0 : i32
    %dma_wait3A_613 = arith.constant 0 : i32
    %dma_wait3A_614 = tpu.memref_slice %arg8[%dma_wait3A_611, %dma_wait3A_612, %dma_wait3A_613] : memref<4x80x128xf32, #tpu.memory_space<vmem>> -> memref<1x80x128xf32, #tpu.memory_space<vmem>>
    %dma_wait3A_615 = tpu.memref_squeeze %dma_wait3A_614 : memref<1x80x128xf32, #tpu.memory_space<vmem>> -> memref<80x128xf32, #tpu.memory_space<vmem>>
    %dma_wait3A_616 = arith.constant 0 : i32
    %dma_wait3A_617 = tpu.memref_slice %arg6[%dma_wait3A_610, %dma_wait3A_616] : memref<5x80xi32, #tpu.memory_space<vmem>> -> memref<1x80xi32, #tpu.memory_space<vmem>>
    %dma_wait3A_618 = tpu.memref_squeeze %dma_wait3A_617 : memref<1x80xi32, #tpu.memory_space<vmem>> -> memref<80xi32, #tpu.memory_space<vmem>>
    %dma_wait3A_619 = arith.constant 0 : i32
    %dma_wait3A_620 = arith.constant 0 : i32
    %dma_wait3A_621 = tpu.memref_slice %arg2[%dma_wait3A_619, %dma_wait3A_620] : memref<10000x128xf32, #tpu.memory_space<hbm>> -> memref<10000x128xf32, #tpu.memory_space<hbm>>
    tpu.wait_indirect_dma semaphore(%arg12 : memref<!tpu.dma_semaphore, #tpu.memory_space<semaphore_mem>>) src(%dma_wait3A_621 : memref<10000x128xf32, #tpu.memory_space<hbm>>) dst(%dma_wait3A_615 : memref<80x128xf32, #tpu.memory_space<vmem>>)
    %dma_start3A_622 = arith.constant 1 : i32
    %dma_start3A_623 = arith.constant 1 : i32
    %dma_start3A_624 = arith.constant 0 : i32
    %dma_start3A_625 = arith.constant 0 : i32
    %dma_start3A_626 = tpu.memref_slice %arg8[%dma_start3A_622, %dma_start3A_624, %dma_start3A_625] : memref<4x80x128xf32, #tpu.memory_space<vmem>> -> memref<1x80x128xf32, #tpu.memory_space<vmem>>
    %dma_start3A_627 = tpu.memref_squeeze %dma_start3A_626 : memref<1x80x128xf32, #tpu.memory_space<vmem>> -> memref<80x128xf32, #tpu.memory_space<vmem>>
    %dma_start3A_628 = arith.constant 0 : i32
    %dma_start3A_629 = tpu.memref_slice %arg7[%dma_start3A_623, %dma_start3A_628] : memref<5x80xi32, #tpu.memory_space<vmem>> -> memref<1x80xi32, #tpu.memory_space<vmem>>
    %dma_start3A_630 = tpu.memref_squeeze %dma_start3A_629 : memref<1x80xi32, #tpu.memory_space<vmem>> -> memref<80xi32, #tpu.memory_space<vmem>>
    %dma_start3A_631 = arith.constant 0 : i32
    %dma_start3A_632 = arith.constant 0 : i32
    %dma_start3A_633 = tpu.memref_slice %arg10[%dma_start3A_631, %dma_start3A_632] : memref<10240x128xf32, #tpu.memory_space<vmem_shared>> -> memref<10240x128xf32, #tpu.memory_space<vmem_shared>>
    tpu.enqueue_indirect_dma source(%dma_start3A_627 : memref<80x128xf32, #tpu.memory_space<vmem>>) target(%dma_start3A_633 : memref<10240x128xf32, #tpu.memory_space<vmem_shared>>) offsets(%dma_start3A_630 : memref<80xi32, #tpu.memory_space<vmem>>) semaphore(%arg13 : memref<!tpu.dma_semaphore, #tpu.memory_space<semaphore_mem>>) {add = true}
    %dma_wait3A_634 = arith.constant 0 : i32
    %dma_wait3A_635 = arith.constant 0 : i32
    %dma_wait3A_636 = arith.constant 0 : i32
    %dma_wait3A_637 = arith.constant 0 : i32
    %dma_wait3A_638 = tpu.memref_slice %arg8[%dma_wait3A_634, %dma_wait3A_636, %dma_wait3A_637] : memref<4x80x128xf32, #tpu.memory_space<vmem>> -> memref<1x80x128xf32, #tpu.memory_space<vmem>>
    %dma_wait3A_639 = tpu.memref_squeeze %dma_wait3A_638 : memref<1x80x128xf32, #tpu.memory_space<vmem>> -> memref<80x128xf32, #tpu.memory_space<vmem>>
    %dma_wait3A_640 = arith.constant 0 : i32
    %dma_wait3A_641 = tpu.memref_slice %arg7[%dma_wait3A_635, %dma_wait3A_640] : memref<5x80xi32, #tpu.memory_space<vmem>> -> memref<1x80xi32, #tpu.memory_space<vmem>>
    %dma_wait3A_642 = tpu.memref_squeeze %dma_wait3A_641 : memref<1x80xi32, #tpu.memory_space<vmem>> -> memref<80xi32, #tpu.memory_space<vmem>>
    %dma_wait3A_643 = arith.constant 0 : i32
    %dma_wait3A_644 = arith.constant 0 : i32
    %dma_wait3A_645 = tpu.memref_slice %arg10[%dma_wait3A_643, %dma_wait3A_644] : memref<10240x128xf32, #tpu.memory_space<vmem_shared>> -> memref<10240x128xf32, #tpu.memory_space<vmem_shared>>
    tpu.wait_indirect_dma semaphore(%arg13 : memref<!tpu.dma_semaphore, #tpu.memory_space<semaphore_mem>>) src(%dma_wait3A_639 : memref<80x128xf32, #tpu.memory_space<vmem>>) dst(%dma_wait3A_645 : memref<10240x128xf32, #tpu.memory_space<vmem_shared>>)
    %dma_wait3A_646 = arith.constant 0 : i32
    %dma_wait3A_647 = arith.constant 0 : i32
    %dma_wait3A_648 = arith.constant 0 : i32
    %dma_wait3A_649 = arith.constant 0 : i32
    %dma_wait3A_650 = tpu.memref_slice %arg8[%dma_wait3A_647, %dma_wait3A_648, %dma_wait3A_649] : memref<4x80x128xf32, #tpu.memory_space<vmem>> -> memref<1x80x128xf32, #tpu.memory_space<vmem>>
    %dma_wait3A_651 = tpu.memref_squeeze %dma_wait3A_650 : memref<1x80x128xf32, #tpu.memory_space<vmem>> -> memref<80x128xf32, #tpu.memory_space<vmem>>
    %dma_wait3A_652 = arith.constant 0 : i32
    %dma_wait3A_653 = tpu.memref_slice %arg6[%dma_wait3A_646, %dma_wait3A_652] : memref<5x80xi32, #tpu.memory_space<vmem>> -> memref<1x80xi32, #tpu.memory_space<vmem>>
    %dma_wait3A_654 = tpu.memref_squeeze %dma_wait3A_653 : memref<1x80xi32, #tpu.memory_space<vmem>> -> memref<80xi32, #tpu.memory_space<vmem>>
    %dma_wait3A_655 = arith.constant 0 : i32
    %dma_wait3A_656 = arith.constant 0 : i32
    %dma_wait3A_657 = tpu.memref_slice %arg2[%dma_wait3A_655, %dma_wait3A_656] : memref<10000x128xf32, #tpu.memory_space<hbm>> -> memref<10000x128xf32, #tpu.memory_space<hbm>>
    tpu.wait_indirect_dma semaphore(%arg12 : memref<!tpu.dma_semaphore, #tpu.memory_space<semaphore_mem>>) src(%dma_wait3A_657 : memref<10000x128xf32, #tpu.memory_space<hbm>>) dst(%dma_wait3A_651 : memref<80x128xf32, #tpu.memory_space<vmem>>)
    %dma_start3A_658 = arith.constant 2 : i32
    %dma_start3A_659 = arith.constant 2 : i32
    %dma_start3A_660 = arith.constant 0 : i32
    %dma_start3A_661 = arith.constant 0 : i32
    %dma_start3A_662 = tpu.memref_slice %arg8[%dma_start3A_658, %dma_start3A_660, %dma_start3A_661] : memref<4x80x128xf32, #tpu.memory_space<vmem>> -> memref<1x80x128xf32, #tpu.memory_space<vmem>>
    %dma_start3A_663 = tpu.memref_squeeze %dma_start3A_662 : memref<1x80x128xf32, #tpu.memory_space<vmem>> -> memref<80x128xf32, #tpu.memory_space<vmem>>
    %dma_start3A_664 = arith.constant 0 : i32
    %dma_start3A_665 = tpu.memref_slice %arg7[%dma_start3A_659, %dma_start3A_664] : memref<5x80xi32, #tpu.memory_space<vmem>> -> memref<1x80xi32, #tpu.memory_space<vmem>>
    %dma_start3A_666 = tpu.memref_squeeze %dma_start3A_665 : memref<1x80xi32, #tpu.memory_space<vmem>> -> memref<80xi32, #tpu.memory_space<vmem>>
    %dma_start3A_667 = arith.constant 0 : i32
    %dma_start3A_668 = arith.constant 0 : i32
    %dma_start3A_669 = tpu.memref_slice %arg10[%dma_start3A_667, %dma_start3A_668] : memref<10240x128xf32, #tpu.memory_space<vmem_shared>> -> memref<10240x128xf32, #tpu.memory_space<vmem_shared>>
    tpu.enqueue_indirect_dma source(%dma_start3A_663 : memref<80x128xf32, #tpu.memory_space<vmem>>) target(%dma_start3A_669 : memref<10240x128xf32, #tpu.memory_space<vmem_shared>>) offsets(%dma_start3A_666 : memref<80xi32, #tpu.memory_space<vmem>>) semaphore(%arg13 : memref<!tpu.dma_semaphore, #tpu.memory_space<semaphore_mem>>) {add = true}
    %dma_wait3A_670 = arith.constant 0 : i32
    %dma_wait3A_671 = arith.constant 0 : i32
    %dma_wait3A_672 = arith.constant 0 : i32
    %dma_wait3A_673 = arith.constant 0 : i32
    %dma_wait3A_674 = tpu.memref_slice %arg8[%dma_wait3A_670, %dma_wait3A_672, %dma_wait3A_673] : memref<4x80x128xf32, #tpu.memory_space<vmem>> -> memref<1x80x128xf32, #tpu.memory_space<vmem>>
    %dma_wait3A_675 = tpu.memref_squeeze %dma_wait3A_674 : memref<1x80x128xf32, #tpu.memory_space<vmem>> -> memref<80x128xf32, #tpu.memory_space<vmem>>
    %dma_wait3A_676 = arith.constant 0 : i32
    %dma_wait3A_677 = tpu.memref_slice %arg7[%dma_wait3A_671, %dma_wait3A_676] : memref<5x80xi32, #tpu.memory_space<vmem>> -> memref<1x80xi32, #tpu.memory_space<vmem>>
    %dma_wait3A_678 = tpu.memref_squeeze %dma_wait3A_677 : memref<1x80xi32, #tpu.memory_space<vmem>> -> memref<80xi32, #tpu.memory_space<vmem>>
    %dma_wait3A_679 = arith.constant 0 : i32
    %dma_wait3A_680 = arith.constant 0 : i32
    %dma_wait3A_681 = tpu.memref_slice %arg10[%dma_wait3A_679, %dma_wait3A_680] : memref<10240x128xf32, #tpu.memory_space<vmem_shared>> -> memref<10240x128xf32, #tpu.memory_space<vmem_shared>>
    tpu.wait_indirect_dma semaphore(%arg13 : memref<!tpu.dma_semaphore, #tpu.memory_space<semaphore_mem>>) src(%dma_wait3A_675 : memref<80x128xf32, #tpu.memory_space<vmem>>) dst(%dma_wait3A_681 : memref<10240x128xf32, #tpu.memory_space<vmem_shared>>)
    %dma_wait3A_682 = arith.constant 0 : i32
    %dma_wait3A_683 = arith.constant 0 : i32
    %dma_wait3A_684 = arith.constant 0 : i32
    %dma_wait3A_685 = arith.constant 0 : i32
    %dma_wait3A_686 = tpu.memref_slice %arg8[%dma_wait3A_683, %dma_wait3A_684, %dma_wait3A_685] : memref<4x80x128xf32, #tpu.memory_space<vmem>> -> memref<1x80x128xf32, #tpu.memory_space<vmem>>
    %dma_wait3A_687 = tpu.memref_squeeze %dma_wait3A_686 : memref<1x80x128xf32, #tpu.memory_space<vmem>> -> memref<80x128xf32, #tpu.memory_space<vmem>>
    %dma_wait3A_688 = arith.constant 0 : i32
    %dma_wait3A_689 = tpu.memref_slice %arg6[%dma_wait3A_682, %dma_wait3A_688] : memref<5x80xi32, #tpu.memory_space<vmem>> -> memref<1x80xi32, #tpu.memory_space<vmem>>
    %dma_wait3A_690 = tpu.memref_squeeze %dma_wait3A_689 : memref<1x80xi32, #tpu.memory_space<vmem>> -> memref<80xi32, #tpu.memory_space<vmem>>
    %dma_wait3A_691 = arith.constant 0 : i32
    %dma_wait3A_692 = arith.constant 0 : i32
    %dma_wait3A_693 = tpu.memref_slice %arg2[%dma_wait3A_691, %dma_wait3A_692] : memref<10000x128xf32, #tpu.memory_space<hbm>> -> memref<10000x128xf32, #tpu.memory_space<hbm>>
    tpu.wait_indirect_dma semaphore(%arg12 : memref<!tpu.dma_semaphore, #tpu.memory_space<semaphore_mem>>) src(%dma_wait3A_693 : memref<10000x128xf32, #tpu.memory_space<hbm>>) dst(%dma_wait3A_687 : memref<80x128xf32, #tpu.memory_space<vmem>>)
    %dma_start3A_694 = arith.constant 3 : i32
    %dma_start3A_695 = arith.constant 3 : i32
    %dma_start3A_696 = arith.constant 0 : i32
    %dma_start3A_697 = arith.constant 0 : i32
    %dma_start3A_698 = tpu.memref_slice %arg8[%dma_start3A_694, %dma_start3A_696, %dma_start3A_697] : memref<4x80x128xf32, #tpu.memory_space<vmem>> -> memref<1x80x128xf32, #tpu.memory_space<vmem>>
    %dma_start3A_699 = tpu.memref_squeeze %dma_start3A_698 : memref<1x80x128xf32, #tpu.memory_space<vmem>> -> memref<80x128xf32, #tpu.memory_space<vmem>>
    %dma_start3A_700 = arith.constant 0 : i32
    %dma_start3A_701 = tpu.memref_slice %arg7[%dma_start3A_695, %dma_start3A_700] : memref<5x80xi32, #tpu.memory_space<vmem>> -> memref<1x80xi32, #tpu.memory_space<vmem>>
    %dma_start3A_702 = tpu.memref_squeeze %dma_start3A_701 : memref<1x80xi32, #tpu.memory_space<vmem>> -> memref<80xi32, #tpu.memory_space<vmem>>
    %dma_start3A_703 = arith.constant 0 : i32
    %dma_start3A_704 = arith.constant 0 : i32
    %dma_start3A_705 = tpu.memref_slice %arg10[%dma_start3A_703, %dma_start3A_704] : memref<10240x128xf32, #tpu.memory_space<vmem_shared>> -> memref<10240x128xf32, #tpu.memory_space<vmem_shared>>
    tpu.enqueue_indirect_dma source(%dma_start3A_699 : memref<80x128xf32, #tpu.memory_space<vmem>>) target(%dma_start3A_705 : memref<10240x128xf32, #tpu.memory_space<vmem_shared>>) offsets(%dma_start3A_702 : memref<80xi32, #tpu.memory_space<vmem>>) semaphore(%arg13 : memref<!tpu.dma_semaphore, #tpu.memory_space<semaphore_mem>>) {add = true}
    %dma_wait3A_706 = arith.constant 0 : i32
    %dma_wait3A_707 = arith.constant 0 : i32
    %dma_wait3A_708 = arith.constant 0 : i32
    %dma_wait3A_709 = arith.constant 0 : i32
    %dma_wait3A_710 = tpu.memref_slice %arg8[%dma_wait3A_706, %dma_wait3A_708, %dma_wait3A_709] : memref<4x80x128xf32, #tpu.memory_space<vmem>> -> memref<1x80x128xf32, #tpu.memory_space<vmem>>
    %dma_wait3A_711 = tpu.memref_squeeze %dma_wait3A_710 : memref<1x80x128xf32, #tpu.memory_space<vmem>> -> memref<80x128xf32, #tpu.memory_space<vmem>>
    %dma_wait3A_712 = arith.constant 0 : i32
    %dma_wait3A_713 = tpu.memref_slice %arg7[%dma_wait3A_707, %dma_wait3A_712] : memref<5x80xi32, #tpu.memory_space<vmem>> -> memref<1x80xi32, #tpu.memory_space<vmem>>
    %dma_wait3A_714 = tpu.memref_squeeze %dma_wait3A_713 : memref<1x80xi32, #tpu.memory_space<vmem>> -> memref<80xi32, #tpu.memory_space<vmem>>
    %dma_wait3A_715 = arith.constant 0 : i32
    %dma_wait3A_716 = arith.constant 0 : i32
    %dma_wait3A_717 = tpu.memref_slice %arg10[%dma_wait3A_715, %dma_wait3A_716] : memref<10240x128xf32, #tpu.memory_space<vmem_shared>> -> memref<10240x128xf32, #tpu.memory_space<vmem_shared>>
    tpu.wait_indirect_dma semaphore(%arg13 : memref<!tpu.dma_semaphore, #tpu.memory_space<semaphore_mem>>) src(%dma_wait3A_711 : memref<80x128xf32, #tpu.memory_space<vmem>>) dst(%dma_wait3A_717 : memref<10240x128xf32, #tpu.memory_space<vmem_shared>>)
    %dma_wait3A_718 = arith.constant 0 : i32
    %dma_wait3A_719 = arith.constant 0 : i32
    %dma_wait3A_720 = arith.constant 0 : i32
    %dma_wait3A_721 = arith.constant 0 : i32
    %dma_wait3A_722 = tpu.memref_slice %arg8[%dma_wait3A_719, %dma_wait3A_720, %dma_wait3A_721] : memref<4x80x128xf32, #tpu.memory_space<vmem>> -> memref<1x80x128xf32, #tpu.memory_space<vmem>>
    %dma_wait3A_723 = tpu.memref_squeeze %dma_wait3A_722 : memref<1x80x128xf32, #tpu.memory_space<vmem>> -> memref<80x128xf32, #tpu.memory_space<vmem>>
    %dma_wait3A_724 = arith.constant 0 : i32
    %dma_wait3A_725 = tpu.memref_slice %arg6[%dma_wait3A_718, %dma_wait3A_724] : memref<5x80xi32, #tpu.memory_space<vmem>> -> memref<1x80xi32, #tpu.memory_space<vmem>>
    %dma_wait3A_726 = tpu.memref_squeeze %dma_wait3A_725 : memref<1x80xi32, #tpu.memory_space<vmem>> -> memref<80xi32, #tpu.memory_space<vmem>>
    %dma_wait3A_727 = arith.constant 0 : i32
    %dma_wait3A_728 = arith.constant 0 : i32
    %dma_wait3A_729 = tpu.memref_slice %arg2[%dma_wait3A_727, %dma_wait3A_728] : memref<10000x128xf32, #tpu.memory_space<hbm>> -> memref<10000x128xf32, #tpu.memory_space<hbm>>
    tpu.wait_indirect_dma semaphore(%arg12 : memref<!tpu.dma_semaphore, #tpu.memory_space<semaphore_mem>>) src(%dma_wait3A_729 : memref<10000x128xf32, #tpu.memory_space<hbm>>) dst(%dma_wait3A_723 : memref<80x128xf32, #tpu.memory_space<vmem>>)
    %dma_start3A_730 = arith.constant 0 : i32
    %dma_start3A_731 = arith.constant 4 : i32
    %dma_start3A_732 = arith.constant 0 : i32
    %dma_start3A_733 = arith.constant 0 : i32
    %dma_start3A_734 = tpu.memref_slice %arg8[%dma_start3A_730, %dma_start3A_732, %dma_start3A_733] : memref<4x80x128xf32, #tpu.memory_space<vmem>> -> memref<1x80x128xf32, #tpu.memory_space<vmem>>
    %dma_start3A_735 = tpu.memref_squeeze %dma_start3A_734 : memref<1x80x128xf32, #tpu.memory_space<vmem>> -> memref<80x128xf32, #tpu.memory_space<vmem>>
    %dma_start3A_736 = arith.constant 0 : i32
    %dma_start3A_737 = tpu.memref_slice %arg7[%dma_start3A_731, %dma_start3A_736] : memref<5x80xi32, #tpu.memory_space<vmem>> -> memref<1x80xi32, #tpu.memory_space<vmem>>
    %dma_start3A_738 = tpu.memref_squeeze %dma_start3A_737 : memref<1x80xi32, #tpu.memory_space<vmem>> -> memref<80xi32, #tpu.memory_space<vmem>>
    %dma_start3A_739 = arith.constant 0 : i32
    %dma_start3A_740 = arith.constant 0 : i32
    %dma_start3A_741 = tpu.memref_slice %arg10[%dma_start3A_739, %dma_start3A_740] : memref<10240x128xf32, #tpu.memory_space<vmem_shared>> -> memref<10240x128xf32, #tpu.memory_space<vmem_shared>>
    tpu.enqueue_indirect_dma source(%dma_start3A_735 : memref<80x128xf32, #tpu.memory_space<vmem>>) target(%dma_start3A_741 : memref<10240x128xf32, #tpu.memory_space<vmem_shared>>) offsets(%dma_start3A_738 : memref<80xi32, #tpu.memory_space<vmem>>) semaphore(%arg13 : memref<!tpu.dma_semaphore, #tpu.memory_space<semaphore_mem>>) {add = true}
    %dma_wait3A_742 = arith.constant 0 : i32
    %dma_wait3A_743 = arith.constant 0 : i32
    %dma_wait3A_744 = arith.constant 0 : i32
    %dma_wait3A_745 = arith.constant 0 : i32
    %dma_wait3A_746 = tpu.memref_slice %arg8[%dma_wait3A_742, %dma_wait3A_744, %dma_wait3A_745] : memref<4x80x128xf32, #tpu.memory_space<vmem>> -> memref<1x80x128xf32, #tpu.memory_space<vmem>>
    %dma_wait3A_747 = tpu.memref_squeeze %dma_wait3A_746 : memref<1x80x128xf32, #tpu.memory_space<vmem>> -> memref<80x128xf32, #tpu.memory_space<vmem>>
    %dma_wait3A_748 = arith.constant 0 : i32
    %dma_wait3A_749 = tpu.memref_slice %arg7[%dma_wait3A_743, %dma_wait3A_748] : memref<5x80xi32, #tpu.memory_space<vmem>> -> memref<1x80xi32, #tpu.memory_space<vmem>>
    %dma_wait3A_750 = tpu.memref_squeeze %dma_wait3A_749 : memref<1x80xi32, #tpu.memory_space<vmem>> -> memref<80xi32, #tpu.memory_space<vmem>>
    %dma_wait3A_751 = arith.constant 0 : i32
    %dma_wait3A_752 = arith.constant 0 : i32
    %dma_wait3A_753 = tpu.memref_slice %arg10[%dma_wait3A_751, %dma_wait3A_752] : memref<10240x128xf32, #tpu.memory_space<vmem_shared>> -> memref<10240x128xf32, #tpu.memory_space<vmem_shared>>
    tpu.wait_indirect_dma semaphore(%arg13 : memref<!tpu.dma_semaphore, #tpu.memory_space<semaphore_mem>>) src(%dma_wait3A_747 : memref<80x128xf32, #tpu.memory_space<vmem>>) dst(%dma_wait3A_753 : memref<10240x128xf32, #tpu.memory_space<vmem_shared>>)
    %barrier3A_754 = arith.constant 0 : index
    tpu.barrier barrier_id(%barrier3A_754)
    %mul3A_755 = arith.constant 640 : i32
    %mul3A_756 = arith.muli %arg1, %mul3A_755 : i32
    %mul3A_757 = arith.constant 10240 : i32
    %mul3A_758 = arith.muli %arg0, %mul3A_757 : i32
    %mul3A_759 = arith.constant 640 : i32
    %mul3A_760 = arith.muli %arg1, %mul3A_759 : i32
    %add3A_761 = arith.addi %mul3A_758, %mul3A_760 : i32
    "tpu.region"() ({
      %run_scoped3A = tpu.sem_alloc : memref<!tpu.dma_semaphore, #tpu.memory_space<semaphore_mem>>
      %dma_start3A_762 = arith.constant 0 : i32
      %dma_start3A_763 = tpu.memref_slice %arg5[%add3A_761, %dma_start3A_762] : memref<20480x128xf32, #tpu.memory_space<hbm>> -> memref<640x128xf32, #tpu.memory_space<hbm>>
      %dma_start3A_764 = arith.constant 0 : i32
      %dma_start3A_765 = tpu.memref_slice %arg10[%mul3A_756, %dma_start3A_764] : memref<10240x128xf32, #tpu.memory_space<vmem_shared>> -> memref<640x128xf32, #tpu.memory_space<vmem_shared>>
      tpu.enqueue_dma source(%dma_start3A_765 : memref<640x128xf32, #tpu.memory_space<vmem_shared>>) target(%dma_start3A_763 : memref<640x128xf32, #tpu.memory_space<hbm>>) target_semaphore(%run_scoped3A : memref<!tpu.dma_semaphore, #tpu.memory_space<semaphore_mem>>)
      %dma_wait3A_766 = arith.constant 0 : i32
      %dma_wait3A_767 = tpu.memref_slice %arg5[%add3A_761, %dma_wait3A_766] : memref<20480x128xf32, #tpu.memory_space<hbm>> -> memref<640x128xf32, #tpu.memory_space<hbm>>
      %dma_wait3A_768 = arith.constant 0 : i32
      %dma_wait3A_769 = tpu.memref_slice %arg10[%mul3A_756, %dma_wait3A_768] : memref<10240x128xf32, #tpu.memory_space<vmem_shared>> -> memref<640x128xf32, #tpu.memory_space<vmem_shared>>
      tpu.wait_dma2 semaphore(%run_scoped3A : memref<!tpu.dma_semaphore, #tpu.memory_space<semaphore_mem>>) src(%dma_wait3A_769 : memref<640x128xf32, #tpu.memory_space<vmem_shared>>) dst(%dma_wait3A_767 : memref<640x128xf32, #tpu.memory_space<hbm>>)
      tpu.yield
    }) : () -> ()
    return
  }
}

#map = affine_map<(d0, d1) -> (0, 0)>
#map1 = affine_map<(d0, d1) -> (0, 0, 0)>
module attributes {stable_mosaic.version = 14 : i64} {
  func.func @_seg_sum_body(%arg0: i32, %arg1: i32, %arg2: memref<10000x128xf32, #tpu.memory_space<hbm>>, %arg3: memref<32x125x80xi32, #tpu.memory_space<hbm>>, %arg4: memref<32x125x80xi32, #tpu.memory_space<hbm>>, %arg5: memref<20480x128xf32, #tpu.memory_space<hbm>>, %arg6: memref<5x80xi32, #tpu.memory_space<vmem>>, %arg7: memref<5x80xi32, #tpu.memory_space<vmem>>, %arg8: memref<4x80x128xf32, #tpu.memory_space<vmem>>, %arg9: memref<40x128xf32, #tpu.memory_space<vmem>>, %arg10: memref<10240x128xf32, #tpu.memory_space<vmem_shared>>, %arg11: memref<!tpu.dma_semaphore, #tpu.memory_space<semaphore_mem>>, %arg12: memref<!tpu.dma_semaphore, #tpu.memory_space<semaphore_mem>>, %arg13: memref<!tpu.dma_semaphore, #tpu.memory_space<semaphore_mem>>, %arg14: memref<!tpu.dma_semaphore, #tpu.memory_space<semaphore_mem>>) attributes {dimension_semantics = [#tpu.dimension_semantics<core_parallel>, #tpu.dimension_semantics<subcore_parallel>], iteration_bounds = array<i64: 2, 16>, scalar_prefetch = 0 : i64, scratch_operands = 9 : i64, tpu.core_type = #tpu.core_type<sc_vector_subcore>, window_params = [{transform_indices = #map}, {transform_indices = #map1}, {transform_indices = #map1}, {transform_indices = #map}]} {
    %mul3A = arith.constant 2 : i32
    %mul3A_0 = arith.muli %arg1, %mul3A : i32
    %add3A = arith.addi %mul3A_0, %arg0 : i32
    %dma_start3A = arith.constant 0 : i32
    %dma_start3A_1 = arith.constant 0 : i32
    %dma_start3A_2 = arith.constant 0 : i32
    %dma_start3A_3 = tpu.memref_slice %arg6[%dma_start3A_1, %dma_start3A_2] : memref<5x80xi32, #tpu.memory_space<vmem>> -> memref<1x80xi32, #tpu.memory_space<vmem>>
    %dma_start3A_4 = tpu.memref_squeeze %dma_start3A_3 : memref<1x80xi32, #tpu.memory_space<vmem>> -> memref<80xi32, #tpu.memory_space<vmem>>
    %dma_start3A_5 = arith.constant 0 : i32
    %dma_start3A_6 = tpu.memref_slice %arg3[%add3A, %dma_start3A, %dma_start3A_5] : memref<32x125x80xi32, #tpu.memory_space<hbm>> -> memref<1x1x80xi32, #tpu.memory_space<hbm>>
    %dma_start3A_7 = tpu.memref_squeeze %dma_start3A_6 : memref<1x1x80xi32, #tpu.memory_space<hbm>> -> memref<80xi32, #tpu.memory_space<hbm>>
    %dma_start3A_8 = arith.constant 0 : i32
    %dma_start3A_9 = tpu.memref_slice %arg6[%dma_start3A_1, %dma_start3A_8] : memref<5x80xi32, #tpu.memory_space<vmem>> -> memref<1x80xi32, #tpu.memory_space<vmem>>
    %dma_start3A_10 = tpu.memref_squeeze %dma_start3A_9 : memref<1x80xi32, #tpu.memory_space<vmem>> -> memref<80xi32, #tpu.memory_space<vmem>>
    %dma_start3A_11 = arith.constant 0 : i32
    %dma_start3A_12 = tpu.memref_slice %arg3[%add3A, %dma_start3A, %dma_start3A_11] : memref<32x125x80xi32, #tpu.memory_space<hbm>> -> memref<1x1x80xi32, #tpu.memory_space<hbm>>
    %dma_start3A_13 = tpu.memref_squeeze %dma_start3A_12 : memref<1x1x80xi32, #tpu.memory_space<hbm>> -> memref<80xi32, #tpu.memory_space<hbm>>
    tpu.enqueue_dma source(%dma_start3A_13 : memref<80xi32, #tpu.memory_space<hbm>>) target(%dma_start3A_10 : memref<80xi32, #tpu.memory_space<vmem>>) target_semaphore(%arg11 : memref<!tpu.dma_semaphore, #tpu.memory_space<semaphore_mem>>)
    %dma_start3A_14 = arith.constant 0 : i32
    %dma_start3A_15 = arith.constant 0 : i32
    %dma_start3A_16 = arith.constant 0 : i32
    %dma_start3A_17 = tpu.memref_slice %arg7[%dma_start3A_15, %dma_start3A_16] : memref<5x80xi32, #tpu.memory_space<vmem>> -> memref<1x80xi32, #tpu.memory_space<vmem>>
    %dma_start3A_18 = tpu.memref_squeeze %dma_start3A_17 : memref<1x80xi32, #tpu.memory_space<vmem>> -> memref<80xi32, #tpu.memory_space<vmem>>
    %dma_start3A_19 = arith.constant 0 : i32
    %dma_start3A_20 = tpu.memref_slice %arg4[%add3A, %dma_start3A_14, %dma_start3A_19] : memref<32x125x80xi32, #tpu.memory_space<hbm>> -> memref<1x1x80xi32, #tpu.memory_space<hbm>>
    %dma_start3A_21 = tpu.memref_squeeze %dma_start3A_20 : memref<1x1x80xi32, #tpu.memory_space<hbm>> -> memref<80xi32, #tpu.memory_space<hbm>>
    %dma_start3A_22 = arith.constant 0 : i32
    %dma_start3A_23 = tpu.memref_slice %arg7[%dma_start3A_15, %dma_start3A_22] : memref<5x80xi32, #tpu.memory_space<vmem>> -> memref<1x80xi32, #tpu.memory_space<vmem>>
    %dma_start3A_24 = tpu.memref_squeeze %dma_start3A_23 : memref<1x80xi32, #tpu.memory_space<vmem>> -> memref<80xi32, #tpu.memory_space<vmem>>
    %dma_start3A_25 = arith.constant 0 : i32
    %dma_start3A_26 = tpu.memref_slice %arg4[%add3A, %dma_start3A_14, %dma_start3A_25] : memref<32x125x80xi32, #tpu.memory_space<hbm>> -> memref<1x1x80xi32, #tpu.memory_space<hbm>>
    %dma_start3A_27 = tpu.memref_squeeze %dma_start3A_26 : memref<1x1x80xi32, #tpu.memory_space<hbm>> -> memref<80xi32, #tpu.memory_space<hbm>>
    tpu.enqueue_dma source(%dma_start3A_27 : memref<80xi32, #tpu.memory_space<hbm>>) target(%dma_start3A_24 : memref<80xi32, #tpu.memory_space<vmem>>) target_semaphore(%arg11 : memref<!tpu.dma_semaphore, #tpu.memory_space<semaphore_mem>>)
    %dma_start3A_28 = arith.constant 1 : i32
    %dma_start3A_29 = arith.constant 1 : i32
    %dma_start3A_30 = arith.constant 0 : i32
    %dma_start3A_31 = tpu.memref_slice %arg6[%dma_start3A_29, %dma_start3A_30] : memref<5x80xi32, #tpu.memory_space<vmem>> -> memref<1x80xi32, #tpu.memory_space<vmem>>
    %dma_start3A_32 = tpu.memref_squeeze %dma_start3A_31 : memref<1x80xi32, #tpu.memory_space<vmem>> -> memref<80xi32, #tpu.memory_space<vmem>>
    %dma_start3A_33 = arith.constant 0 : i32
    %dma_start3A_34 = tpu.memref_slice %arg3[%add3A, %dma_start3A_28, %dma_start3A_33] : memref<32x125x80xi32, #tpu.memory_space<hbm>> -> memref<1x1x80xi32, #tpu.memory_space<hbm>>
    %dma_start3A_35 = tpu.memref_squeeze %dma_start3A_34 : memref<1x1x80xi32, #tpu.memory_space<hbm>> -> memref<80xi32, #tpu.memory_space<hbm>>
    %dma_start3A_36 = arith.constant 0 : i32
    %dma_start3A_37 = tpu.memref_slice %arg6[%dma_start3A_29, %dma_start3A_36] : memref<5x80xi32, #tpu.memory_space<vmem>> -> memref<1x80xi32, #tpu.memory_space<vmem>>
    %dma_start3A_38 = tpu.memref_squeeze %dma_start3A_37 : memref<1x80xi32, #tpu.memory_space<vmem>> -> memref<80xi32, #tpu.memory_space<vmem>>
    %dma_start3A_39 = arith.constant 0 : i32
    %dma_start3A_40 = tpu.memref_slice %arg3[%add3A, %dma_start3A_28, %dma_start3A_39] : memref<32x125x80xi32, #tpu.memory_space<hbm>> -> memref<1x1x80xi32, #tpu.memory_space<hbm>>
    %dma_start3A_41 = tpu.memref_squeeze %dma_start3A_40 : memref<1x1x80xi32, #tpu.memory_space<hbm>> -> memref<80xi32, #tpu.memory_space<hbm>>
    tpu.enqueue_dma source(%dma_start3A_41 : memref<80xi32, #tpu.memory_space<hbm>>) target(%dma_start3A_38 : memref<80xi32, #tpu.memory_space<vmem>>) target_semaphore(%arg11 : memref<!tpu.dma_semaphore, #tpu.memory_space<semaphore_mem>>)
    %dma_start3A_42 = arith.constant 1 : i32
    %dma_start3A_43 = arith.constant 1 : i32
    %dma_start3A_44 = arith.constant 0 : i32
    %dma_start3A_45 = tpu.memref_slice %arg7[%dma_start3A_43, %dma_start3A_44] : memref<5x80xi32, #tpu.memory_space<vmem>> -> memref<1x80xi32, #tpu.memory_space<vmem>>
    %dma_start3A_46 = tpu.memref_squeeze %dma_start3A_45 : memref<1x80xi32, #tpu.memory_space<vmem>> -> memref<80xi32, #tpu.memory_space<vmem>>
    %dma_start3A_47 = arith.constant 0 : i32
    %dma_start3A_48 = tpu.memref_slice %arg4[%add3A, %dma_start3A_42, %dma_start3A_47] : memref<32x125x80xi32, #tpu.memory_space<hbm>> -> memref<1x1x80xi32, #tpu.memory_space<hbm>>
    %dma_start3A_49 = tpu.memref_squeeze %dma_start3A_48 : memref<1x1x80xi32, #tpu.memory_space<hbm>> -> memref<80xi32, #tpu.memory_space<hbm>>
    %dma_start3A_50 = arith.constant 0 : i32
    %dma_start3A_51 = tpu.memref_slice %arg7[%dma_start3A_43, %dma_start3A_50] : memref<5x80xi32, #tpu.memory_space<vmem>> -> memref<1x80xi32, #tpu.memory_space<vmem>>
    %dma_start3A_52 = tpu.memref_squeeze %dma_start3A_51 : memref<1x80xi32, #tpu.memory_space<vmem>> -> memref<80xi32, #tpu.memory_space<vmem>>
    %dma_start3A_53 = arith.constant 0 : i32
    %dma_start3A_54 = tpu.memref_slice %arg4[%add3A, %dma_start3A_42, %dma_start3A_53] : memref<32x125x80xi32, #tpu.memory_space<hbm>> -> memref<1x1x80xi32, #tpu.memory_space<hbm>>
    %dma_start3A_55 = tpu.memref_squeeze %dma_start3A_54 : memref<1x1x80xi32, #tpu.memory_space<hbm>> -> memref<80xi32, #tpu.memory_space<hbm>>
    tpu.enqueue_dma source(%dma_start3A_55 : memref<80xi32, #tpu.memory_space<hbm>>) target(%dma_start3A_52 : memref<80xi32, #tpu.memory_space<vmem>>) target_semaphore(%arg11 : memref<!tpu.dma_semaphore, #tpu.memory_space<semaphore_mem>>)
    %dma_start3A_56 = arith.constant 2 : i32
    %dma_start3A_57 = arith.constant 2 : i32
    %dma_start3A_58 = arith.constant 0 : i32
    %dma_start3A_59 = tpu.memref_slice %arg6[%dma_start3A_57, %dma_start3A_58] : memref<5x80xi32, #tpu.memory_space<vmem>> -> memref<1x80xi32, #tpu.memory_space<vmem>>
    %dma_start3A_60 = tpu.memref_squeeze %dma_start3A_59 : memref<1x80xi32, #tpu.memory_space<vmem>> -> memref<80xi32, #tpu.memory_space<vmem>>
    %dma_start3A_61 = arith.constant 0 : i32
    %dma_start3A_62 = tpu.memref_slice %arg3[%add3A, %dma_start3A_56, %dma_start3A_61] : memref<32x125x80xi32, #tpu.memory_space<hbm>> -> memref<1x1x80xi32, #tpu.memory_space<hbm>>
    %dma_start3A_63 = tpu.memref_squeeze %dma_start3A_62 : memref<1x1x80xi32, #tpu.memory_space<hbm>> -> memref<80xi32, #tpu.memory_space<hbm>>
    %dma_start3A_64 = arith.constant 0 : i32
    %dma_start3A_65 = tpu.memref_slice %arg6[%dma_start3A_57, %dma_start3A_64] : memref<5x80xi32, #tpu.memory_space<vmem>> -> memref<1x80xi32, #tpu.memory_space<vmem>>
    %dma_start3A_66 = tpu.memref_squeeze %dma_start3A_65 : memref<1x80xi32, #tpu.memory_space<vmem>> -> memref<80xi32, #tpu.memory_space<vmem>>
    %dma_start3A_67 = arith.constant 0 : i32
    %dma_start3A_68 = tpu.memref_slice %arg3[%add3A, %dma_start3A_56, %dma_start3A_67] : memref<32x125x80xi32, #tpu.memory_space<hbm>> -> memref<1x1x80xi32, #tpu.memory_space<hbm>>
    %dma_start3A_69 = tpu.memref_squeeze %dma_start3A_68 : memref<1x1x80xi32, #tpu.memory_space<hbm>> -> memref<80xi32, #tpu.memory_space<hbm>>
    tpu.enqueue_dma source(%dma_start3A_69 : memref<80xi32, #tpu.memory_space<hbm>>) target(%dma_start3A_66 : memref<80xi32, #tpu.memory_space<vmem>>) target_semaphore(%arg11 : memref<!tpu.dma_semaphore, #tpu.memory_space<semaphore_mem>>)
    %dma_start3A_70 = arith.constant 2 : i32
    %dma_start3A_71 = arith.constant 2 : i32
    %dma_start3A_72 = arith.constant 0 : i32
    %dma_start3A_73 = tpu.memref_slice %arg7[%dma_start3A_71, %dma_start3A_72] : memref<5x80xi32, #tpu.memory_space<vmem>> -> memref<1x80xi32, #tpu.memory_space<vmem>>
    %dma_start3A_74 = tpu.memref_squeeze %dma_start3A_73 : memref<1x80xi32, #tpu.memory_space<vmem>> -> memref<80xi32, #tpu.memory_space<vmem>>
    %dma_start3A_75 = arith.constant 0 : i32
    %dma_start3A_76 = tpu.memref_slice %arg4[%add3A, %dma_start3A_70, %dma_start3A_75] : memref<32x125x80xi32, #tpu.memory_space<hbm>> -> memref<1x1x80xi32, #tpu.memory_space<hbm>>
    %dma_start3A_77 = tpu.memref_squeeze %dma_start3A_76 : memref<1x1x80xi32, #tpu.memory_space<hbm>> -> memref<80xi32, #tpu.memory_space<hbm>>
    %dma_start3A_78 = arith.constant 0 : i32
    %dma_start3A_79 = tpu.memref_slice %arg7[%dma_start3A_71, %dma_start3A_78] : memref<5x80xi32, #tpu.memory_space<vmem>> -> memref<1x80xi32, #tpu.memory_space<vmem>>
    %dma_start3A_80 = tpu.memref_squeeze %dma_start3A_79 : memref<1x80xi32, #tpu.memory_space<vmem>> -> memref<80xi32, #tpu.memory_space<vmem>>
    %dma_start3A_81 = arith.constant 0 : i32
    %dma_start3A_82 = tpu.memref_slice %arg4[%add3A, %dma_start3A_70, %dma_start3A_81] : memref<32x125x80xi32, #tpu.memory_space<hbm>> -> memref<1x1x80xi32, #tpu.memory_space<hbm>>
    %dma_start3A_83 = tpu.memref_squeeze %dma_start3A_82 : memref<1x1x80xi32, #tpu.memory_space<hbm>> -> memref<80xi32, #tpu.memory_space<hbm>>
    tpu.enqueue_dma source(%dma_start3A_83 : memref<80xi32, #tpu.memory_space<hbm>>) target(%dma_start3A_80 : memref<80xi32, #tpu.memory_space<vmem>>) target_semaphore(%arg11 : memref<!tpu.dma_semaphore, #tpu.memory_space<semaphore_mem>>)
    %dma_start3A_84 = arith.constant 3 : i32
    %dma_start3A_85 = arith.constant 3 : i32
    %dma_start3A_86 = arith.constant 0 : i32
    %dma_start3A_87 = tpu.memref_slice %arg6[%dma_start3A_85, %dma_start3A_86] : memref<5x80xi32, #tpu.memory_space<vmem>> -> memref<1x80xi32, #tpu.memory_space<vmem>>
    %dma_start3A_88 = tpu.memref_squeeze %dma_start3A_87 : memref<1x80xi32, #tpu.memory_space<vmem>> -> memref<80xi32, #tpu.memory_space<vmem>>
    %dma_start3A_89 = arith.constant 0 : i32
    %dma_start3A_90 = tpu.memref_slice %arg3[%add3A, %dma_start3A_84, %dma_start3A_89] : memref<32x125x80xi32, #tpu.memory_space<hbm>> -> memref<1x1x80xi32, #tpu.memory_space<hbm>>
    %dma_start3A_91 = tpu.memref_squeeze %dma_start3A_90 : memref<1x1x80xi32, #tpu.memory_space<hbm>> -> memref<80xi32, #tpu.memory_space<hbm>>
    %dma_start3A_92 = arith.constant 0 : i32
    %dma_start3A_93 = tpu.memref_slice %arg6[%dma_start3A_85, %dma_start3A_92] : memref<5x80xi32, #tpu.memory_space<vmem>> -> memref<1x80xi32, #tpu.memory_space<vmem>>
    %dma_start3A_94 = tpu.memref_squeeze %dma_start3A_93 : memref<1x80xi32, #tpu.memory_space<vmem>> -> memref<80xi32, #tpu.memory_space<vmem>>
    %dma_start3A_95 = arith.constant 0 : i32
    %dma_start3A_96 = tpu.memref_slice %arg3[%add3A, %dma_start3A_84, %dma_start3A_95] : memref<32x125x80xi32, #tpu.memory_space<hbm>> -> memref<1x1x80xi32, #tpu.memory_space<hbm>>
    %dma_start3A_97 = tpu.memref_squeeze %dma_start3A_96 : memref<1x1x80xi32, #tpu.memory_space<hbm>> -> memref<80xi32, #tpu.memory_space<hbm>>
    tpu.enqueue_dma source(%dma_start3A_97 : memref<80xi32, #tpu.memory_space<hbm>>) target(%dma_start3A_94 : memref<80xi32, #tpu.memory_space<vmem>>) target_semaphore(%arg11 : memref<!tpu.dma_semaphore, #tpu.memory_space<semaphore_mem>>)
    %dma_start3A_98 = arith.constant 3 : i32
    %dma_start3A_99 = arith.constant 3 : i32
    %dma_start3A_100 = arith.constant 0 : i32
    %dma_start3A_101 = tpu.memref_slice %arg7[%dma_start3A_99, %dma_start3A_100] : memref<5x80xi32, #tpu.memory_space<vmem>> -> memref<1x80xi32, #tpu.memory_space<vmem>>
    %dma_start3A_102 = tpu.memref_squeeze %dma_start3A_101 : memref<1x80xi32, #tpu.memory_space<vmem>> -> memref<80xi32, #tpu.memory_space<vmem>>
    %dma_start3A_103 = arith.constant 0 : i32
    %dma_start3A_104 = tpu.memref_slice %arg4[%add3A, %dma_start3A_98, %dma_start3A_103] : memref<32x125x80xi32, #tpu.memory_space<hbm>> -> memref<1x1x80xi32, #tpu.memory_space<hbm>>
    %dma_start3A_105 = tpu.memref_squeeze %dma_start3A_104 : memref<1x1x80xi32, #tpu.memory_space<hbm>> -> memref<80xi32, #tpu.memory_space<hbm>>
    %dma_start3A_106 = arith.constant 0 : i32
    %dma_start3A_107 = tpu.memref_slice %arg7[%dma_start3A_99, %dma_start3A_106] : memref<5x80xi32, #tpu.memory_space<vmem>> -> memref<1x80xi32, #tpu.memory_space<vmem>>
    %dma_start3A_108 = tpu.memref_squeeze %dma_start3A_107 : memref<1x80xi32, #tpu.memory_space<vmem>> -> memref<80xi32, #tpu.memory_space<vmem>>
    %dma_start3A_109 = arith.constant 0 : i32
    %dma_start3A_110 = tpu.memref_slice %arg4[%add3A, %dma_start3A_98, %dma_start3A_109] : memref<32x125x80xi32, #tpu.memory_space<hbm>> -> memref<1x1x80xi32, #tpu.memory_space<hbm>>
    %dma_start3A_111 = tpu.memref_squeeze %dma_start3A_110 : memref<1x1x80xi32, #tpu.memory_space<hbm>> -> memref<80xi32, #tpu.memory_space<hbm>>
    tpu.enqueue_dma source(%dma_start3A_111 : memref<80xi32, #tpu.memory_space<hbm>>) target(%dma_start3A_108 : memref<80xi32, #tpu.memory_space<vmem>>) target_semaphore(%arg11 : memref<!tpu.dma_semaphore, #tpu.memory_space<semaphore_mem>>)
    %dma_wait3A = arith.constant 0 : i32
    %dma_wait3A_112 = arith.constant 0 : i32
    %dma_wait3A_113 = arith.constant 0 : i32
    %dma_wait3A_114 = tpu.memref_slice %arg6[%dma_wait3A_112, %dma_wait3A_113] : memref<5x80xi32, #tpu.memory_space<vmem>> -> memref<1x80xi32, #tpu.memory_space<vmem>>
    %dma_wait3A_115 = tpu.memref_squeeze %dma_wait3A_114 : memref<1x80xi32, #tpu.memory_space<vmem>> -> memref<80xi32, #tpu.memory_space<vmem>>
    %dma_wait3A_116 = arith.constant 0 : i32
    %dma_wait3A_117 = tpu.memref_slice %arg3[%add3A, %dma_wait3A, %dma_wait3A_116] : memref<32x125x80xi32, #tpu.memory_space<hbm>> -> memref<1x1x80xi32, #tpu.memory_space<hbm>>
    %dma_wait3A_118 = tpu.memref_squeeze %dma_wait3A_117 : memref<1x1x80xi32, #tpu.memory_space<hbm>> -> memref<80xi32, #tpu.memory_space<hbm>>
    %dma_wait3A_119 = arith.constant 0 : i32
    %dma_wait3A_120 = tpu.memref_slice %arg6[%dma_wait3A_112, %dma_wait3A_119] : memref<5x80xi32, #tpu.memory_space<vmem>> -> memref<1x80xi32, #tpu.memory_space<vmem>>
    %dma_wait3A_121 = tpu.memref_squeeze %dma_wait3A_120 : memref<1x80xi32, #tpu.memory_space<vmem>> -> memref<80xi32, #tpu.memory_space<vmem>>
    %dma_wait3A_122 = arith.constant 0 : i32
    %dma_wait3A_123 = tpu.memref_slice %arg3[%add3A, %dma_wait3A, %dma_wait3A_122] : memref<32x125x80xi32, #tpu.memory_space<hbm>> -> memref<1x1x80xi32, #tpu.memory_space<hbm>>
    %dma_wait3A_124 = tpu.memref_squeeze %dma_wait3A_123 : memref<1x1x80xi32, #tpu.memory_space<hbm>> -> memref<80xi32, #tpu.memory_space<hbm>>
    tpu.wait_dma2 semaphore(%arg11 : memref<!tpu.dma_semaphore, #tpu.memory_space<semaphore_mem>>) src(%dma_wait3A_124 : memref<80xi32, #tpu.memory_space<hbm>>) dst(%dma_wait3A_121 : memref<80xi32, #tpu.memory_space<vmem>>)
    %dma_wait3A_125 = arith.constant 0 : i32
    %dma_wait3A_126 = arith.constant 0 : i32
    %dma_wait3A_127 = arith.constant 0 : i32
    %dma_wait3A_128 = tpu.memref_slice %arg7[%dma_wait3A_126, %dma_wait3A_127] : memref<5x80xi32, #tpu.memory_space<vmem>> -> memref<1x80xi32, #tpu.memory_space<vmem>>
    %dma_wait3A_129 = tpu.memref_squeeze %dma_wait3A_128 : memref<1x80xi32, #tpu.memory_space<vmem>> -> memref<80xi32, #tpu.memory_space<vmem>>
    %dma_wait3A_130 = arith.constant 0 : i32
    %dma_wait3A_131 = tpu.memref_slice %arg4[%add3A, %dma_wait3A_125, %dma_wait3A_130] : memref<32x125x80xi32, #tpu.memory_space<hbm>> -> memref<1x1x80xi32, #tpu.memory_space<hbm>>
    %dma_wait3A_132 = tpu.memref_squeeze %dma_wait3A_131 : memref<1x1x80xi32, #tpu.memory_space<hbm>> -> memref<80xi32, #tpu.memory_space<hbm>>
    %dma_wait3A_133 = arith.constant 0 : i32
    %dma_wait3A_134 = tpu.memref_slice %arg7[%dma_wait3A_126, %dma_wait3A_133] : memref<5x80xi32, #tpu.memory_space<vmem>> -> memref<1x80xi32, #tpu.memory_space<vmem>>
    %dma_wait3A_135 = tpu.memref_squeeze %dma_wait3A_134 : memref<1x80xi32, #tpu.memory_space<vmem>> -> memref<80xi32, #tpu.memory_space<vmem>>
    %dma_wait3A_136 = arith.constant 0 : i32
    %dma_wait3A_137 = tpu.memref_slice %arg4[%add3A, %dma_wait3A_125, %dma_wait3A_136] : memref<32x125x80xi32, #tpu.memory_space<hbm>> -> memref<1x1x80xi32, #tpu.memory_space<hbm>>
    %dma_wait3A_138 = tpu.memref_squeeze %dma_wait3A_137 : memref<1x1x80xi32, #tpu.memory_space<hbm>> -> memref<80xi32, #tpu.memory_space<hbm>>
    tpu.wait_dma2 semaphore(%arg11 : memref<!tpu.dma_semaphore, #tpu.memory_space<semaphore_mem>>) src(%dma_wait3A_138 : memref<80xi32, #tpu.memory_space<hbm>>) dst(%dma_wait3A_135 : memref<80xi32, #tpu.memory_space<vmem>>)
    %dma_start3A_139 = arith.constant 0 : i32
    %dma_start3A_140 = arith.constant 0 : i32
    %dma_start3A_141 = arith.constant 0 : i32
    %dma_start3A_142 = arith.constant 0 : i32
    %dma_start3A_143 = tpu.memref_slice %arg8[%dma_start3A_140, %dma_start3A_141, %dma_start3A_142] : memref<4x80x128xf32, #tpu.memory_space<vmem>> -> memref<1x80x128xf32, #tpu.memory_space<vmem>>
    %dma_start3A_144 = tpu.memref_squeeze %dma_start3A_143 : memref<1x80x128xf32, #tpu.memory_space<vmem>> -> memref<80x128xf32, #tpu.memory_space<vmem>>
    %dma_start3A_145 = arith.constant 0 : i32
    %dma_start3A_146 = tpu.memref_slice %arg6[%dma_start3A_139, %dma_start3A_145] : memref<5x80xi32, #tpu.memory_space<vmem>> -> memref<1x80xi32, #tpu.memory_space<vmem>>
    %dma_start3A_147 = tpu.memref_squeeze %dma_start3A_146 : memref<1x80xi32, #tpu.memory_space<vmem>> -> memref<80xi32, #tpu.memory_space<vmem>>
    %dma_start3A_148 = arith.constant 0 : i32
    %dma_start3A_149 = arith.constant 0 : i32
    %dma_start3A_150 = tpu.memref_slice %arg2[%dma_start3A_148, %dma_start3A_149] : memref<10000x128xf32, #tpu.memory_space<hbm>> -> memref<10000x128xf32, #tpu.memory_space<hbm>>
    tpu.enqueue_indirect_dma source(%dma_start3A_150 : memref<10000x128xf32, #tpu.memory_space<hbm>>) target(%dma_start3A_144 : memref<80x128xf32, #tpu.memory_space<vmem>>) offsets(%dma_start3A_147 : memref<80xi32, #tpu.memory_space<vmem>>) semaphore(%arg12 : memref<!tpu.dma_semaphore, #tpu.memory_space<semaphore_mem>>)
    %dma_wait3A_151 = arith.constant 0 : i32
    %dma_wait3A_152 = arith.constant 0 : i32
    %dma_wait3A_153 = arith.constant 0 : i32
    %dma_wait3A_154 = tpu.memref_slice %arg6[%dma_wait3A_152, %dma_wait3A_153] : memref<5x80xi32, #tpu.memory_space<vmem>> -> memref<1x80xi32, #tpu.memory_space<vmem>>
    %dma_wait3A_155 = tpu.memref_squeeze %dma_wait3A_154 : memref<1x80xi32, #tpu.memory_space<vmem>> -> memref<80xi32, #tpu.memory_space<vmem>>
    %dma_wait3A_156 = arith.constant 0 : i32
    %dma_wait3A_157 = tpu.memref_slice %arg3[%add3A, %dma_wait3A_151, %dma_wait3A_156] : memref<32x125x80xi32, #tpu.memory_space<hbm>> -> memref<1x1x80xi32, #tpu.memory_space<hbm>>
    %dma_wait3A_158 = tpu.memref_squeeze %dma_wait3A_157 : memref<1x1x80xi32, #tpu.memory_space<hbm>> -> memref<80xi32, #tpu.memory_space<hbm>>
    %dma_wait3A_159 = arith.constant 0 : i32
    %dma_wait3A_160 = tpu.memref_slice %arg6[%dma_wait3A_152, %dma_wait3A_159] : memref<5x80xi32, #tpu.memory_space<vmem>> -> memref<1x80xi32, #tpu.memory_space<vmem>>
    %dma_wait3A_161 = tpu.memref_squeeze %dma_wait3A_160 : memref<1x80xi32, #tpu.memory_space<vmem>> -> memref<80xi32, #tpu.memory_space<vmem>>
    %dma_wait3A_162 = arith.constant 0 : i32
    %dma_wait3A_163 = tpu.memref_slice %arg3[%add3A, %dma_wait3A_151, %dma_wait3A_162] : memref<32x125x80xi32, #tpu.memory_space<hbm>> -> memref<1x1x80xi32, #tpu.memory_space<hbm>>
    %dma_wait3A_164 = tpu.memref_squeeze %dma_wait3A_163 : memref<1x1x80xi32, #tpu.memory_space<hbm>> -> memref<80xi32, #tpu.memory_space<hbm>>
    tpu.wait_dma2 semaphore(%arg11 : memref<!tpu.dma_semaphore, #tpu.memory_space<semaphore_mem>>) src(%dma_wait3A_164 : memref<80xi32, #tpu.memory_space<hbm>>) dst(%dma_wait3A_161 : memref<80xi32, #tpu.memory_space<vmem>>)
    %dma_wait3A_165 = arith.constant 0 : i32
    %dma_wait3A_166 = arith.constant 0 : i32
    %dma_wait3A_167 = arith.constant 0 : i32
    %dma_wait3A_168 = tpu.memref_slice %arg7[%dma_wait3A_166, %dma_wait3A_167] : memref<5x80xi32, #tpu.memory_space<vmem>> -> memref<1x80xi32, #tpu.memory_space<vmem>>
    %dma_wait3A_169 = tpu.memref_squeeze %dma_wait3A_168 : memref<1x80xi32, #tpu.memory_space<vmem>> -> memref<80xi32, #tpu.memory_space<vmem>>
    %dma_wait3A_170 = arith.constant 0 : i32
    %dma_wait3A_171 = tpu.memref_slice %arg4[%add3A, %dma_wait3A_165, %dma_wait3A_170] : memref<32x125x80xi32, #tpu.memory_space<hbm>> -> memref<1x1x80xi32, #tpu.memory_space<hbm>>
    %dma_wait3A_172 = tpu.memref_squeeze %dma_wait3A_171 : memref<1x1x80xi32, #tpu.memory_space<hbm>> -> memref<80xi32, #tpu.memory_space<hbm>>
    %dma_wait3A_173 = arith.constant 0 : i32
    %dma_wait3A_174 = tpu.memref_slice %arg7[%dma_wait3A_166, %dma_wait3A_173] : memref<5x80xi32, #tpu.memory_space<vmem>> -> memref<1x80xi32, #tpu.memory_space<vmem>>
    %dma_wait3A_175 = tpu.memref_squeeze %dma_wait3A_174 : memref<1x80xi32, #tpu.memory_space<vmem>> -> memref<80xi32, #tpu.memory_space<vmem>>
    %dma_wait3A_176 = arith.constant 0 : i32
    %dma_wait3A_177 = tpu.memref_slice %arg4[%add3A, %dma_wait3A_165, %dma_wait3A_176] : memref<32x125x80xi32, #tpu.memory_space<hbm>> -> memref<1x1x80xi32, #tpu.memory_space<hbm>>
    %dma_wait3A_178 = tpu.memref_squeeze %dma_wait3A_177 : memref<1x1x80xi32, #tpu.memory_space<hbm>> -> memref<80xi32, #tpu.memory_space<hbm>>
    tpu.wait_dma2 semaphore(%arg11 : memref<!tpu.dma_semaphore, #tpu.memory_space<semaphore_mem>>) src(%dma_wait3A_178 : memref<80xi32, #tpu.memory_space<hbm>>) dst(%dma_wait3A_175 : memref<80xi32, #tpu.memory_space<vmem>>)
    %dma_start3A_179 = arith.constant 1 : i32
    %dma_start3A_180 = arith.constant 1 : i32
    %dma_start3A_181 = arith.constant 0 : i32
    %dma_start3A_182 = arith.constant 0 : i32
    %dma_start3A_183 = tpu.memref_slice %arg8[%dma_start3A_180, %dma_start3A_181, %dma_start3A_182] : memref<4x80x128xf32, #tpu.memory_space<vmem>> -> memref<1x80x128xf32, #tpu.memory_space<vmem>>
    %dma_start3A_184 = tpu.memref_squeeze %dma_start3A_183 : memref<1x80x128xf32, #tpu.memory_space<vmem>> -> memref<80x128xf32, #tpu.memory_space<vmem>>
    %dma_start3A_185 = arith.constant 0 : i32
    %dma_start3A_186 = tpu.memref_slice %arg6[%dma_start3A_179, %dma_start3A_185] : memref<5x80xi32, #tpu.memory_space<vmem>> -> memref<1x80xi32, #tpu.memory_space<vmem>>
    %dma_start3A_187 = tpu.memref_squeeze %dma_start3A_186 : memref<1x80xi32, #tpu.memory_space<vmem>> -> memref<80xi32, #tpu.memory_space<vmem>>
    %dma_start3A_188 = arith.constant 0 : i32
    %dma_start3A_189 = arith.constant 0 : i32
    %dma_start3A_190 = tpu.memref_slice %arg2[%dma_start3A_188, %dma_start3A_189] : memref<10000x128xf32, #tpu.memory_space<hbm>> -> memref<10000x128xf32, #tpu.memory_space<hbm>>
    tpu.enqueue_indirect_dma source(%dma_start3A_190 : memref<10000x128xf32, #tpu.memory_space<hbm>>) target(%dma_start3A_184 : memref<80x128xf32, #tpu.memory_space<vmem>>) offsets(%dma_start3A_187 : memref<80xi32, #tpu.memory_space<vmem>>) semaphore(%arg12 : memref<!tpu.dma_semaphore, #tpu.memory_space<semaphore_mem>>)
    %dma_wait3A_191 = arith.constant 0 : i32
    %dma_wait3A_192 = arith.constant 0 : i32
    %dma_wait3A_193 = arith.constant 0 : i32
    %dma_wait3A_194 = tpu.memref_slice %arg6[%dma_wait3A_192, %dma_wait3A_193] : memref<5x80xi32, #tpu.memory_space<vmem>> -> memref<1x80xi32, #tpu.memory_space<vmem>>
    %dma_wait3A_195 = tpu.memref_squeeze %dma_wait3A_194 : memref<1x80xi32, #tpu.memory_space<vmem>> -> memref<80xi32, #tpu.memory_space<vmem>>
    %dma_wait3A_196 = arith.constant 0 : i32
    %dma_wait3A_197 = tpu.memref_slice %arg3[%add3A, %dma_wait3A_191, %dma_wait3A_196] : memref<32x125x80xi32, #tpu.memory_space<hbm>> -> memref<1x1x80xi32, #tpu.memory_space<hbm>>
    %dma_wait3A_198 = tpu.memref_squeeze %dma_wait3A_197 : memref<1x1x80xi32, #tpu.memory_space<hbm>> -> memref<80xi32, #tpu.memory_space<hbm>>
    %dma_wait3A_199 = arith.constant 0 : i32
    %dma_wait3A_200 = tpu.memref_slice %arg6[%dma_wait3A_192, %dma_wait3A_199] : memref<5x80xi32, #tpu.memory_space<vmem>> -> memref<1x80xi32, #tpu.memory_space<vmem>>
    %dma_wait3A_201 = tpu.memref_squeeze %dma_wait3A_200 : memref<1x80xi32, #tpu.memory_space<vmem>> -> memref<80xi32, #tpu.memory_space<vmem>>
    %dma_wait3A_202 = arith.constant 0 : i32
    %dma_wait3A_203 = tpu.memref_slice %arg3[%add3A, %dma_wait3A_191, %dma_wait3A_202] : memref<32x125x80xi32, #tpu.memory_space<hbm>> -> memref<1x1x80xi32, #tpu.memory_space<hbm>>
    %dma_wait3A_204 = tpu.memref_squeeze %dma_wait3A_203 : memref<1x1x80xi32, #tpu.memory_space<hbm>> -> memref<80xi32, #tpu.memory_space<hbm>>
    tpu.wait_dma2 semaphore(%arg11 : memref<!tpu.dma_semaphore, #tpu.memory_space<semaphore_mem>>) src(%dma_wait3A_204 : memref<80xi32, #tpu.memory_space<hbm>>) dst(%dma_wait3A_201 : memref<80xi32, #tpu.memory_space<vmem>>)
    %dma_wait3A_205 = arith.constant 0 : i32
    %dma_wait3A_206 = arith.constant 0 : i32
    %dma_wait3A_207 = arith.constant 0 : i32
    %dma_wait3A_208 = tpu.memref_slice %arg7[%dma_wait3A_206, %dma_wait3A_207] : memref<5x80xi32, #tpu.memory_space<vmem>> -> memref<1x80xi32, #tpu.memory_space<vmem>>
    %dma_wait3A_209 = tpu.memref_squeeze %dma_wait3A_208 : memref<1x80xi32, #tpu.memory_space<vmem>> -> memref<80xi32, #tpu.memory_space<vmem>>
    %dma_wait3A_210 = arith.constant 0 : i32
    %dma_wait3A_211 = tpu.memref_slice %arg4[%add3A, %dma_wait3A_205, %dma_wait3A_210] : memref<32x125x80xi32, #tpu.memory_space<hbm>> -> memref<1x1x80xi32, #tpu.memory_space<hbm>>
    %dma_wait3A_212 = tpu.memref_squeeze %dma_wait3A_211 : memref<1x1x80xi32, #tpu.memory_space<hbm>> -> memref<80xi32, #tpu.memory_space<hbm>>
    %dma_wait3A_213 = arith.constant 0 : i32
    %dma_wait3A_214 = tpu.memref_slice %arg7[%dma_wait3A_206, %dma_wait3A_213] : memref<5x80xi32, #tpu.memory_space<vmem>> -> memref<1x80xi32, #tpu.memory_space<vmem>>
    %dma_wait3A_215 = tpu.memref_squeeze %dma_wait3A_214 : memref<1x80xi32, #tpu.memory_space<vmem>> -> memref<80xi32, #tpu.memory_space<vmem>>
    %dma_wait3A_216 = arith.constant 0 : i32
    %dma_wait3A_217 = tpu.memref_slice %arg4[%add3A, %dma_wait3A_205, %dma_wait3A_216] : memref<32x125x80xi32, #tpu.memory_space<hbm>> -> memref<1x1x80xi32, #tpu.memory_space<hbm>>
    %dma_wait3A_218 = tpu.memref_squeeze %dma_wait3A_217 : memref<1x1x80xi32, #tpu.memory_space<hbm>> -> memref<80xi32, #tpu.memory_space<hbm>>
    tpu.wait_dma2 semaphore(%arg11 : memref<!tpu.dma_semaphore, #tpu.memory_space<semaphore_mem>>) src(%dma_wait3A_218 : memref<80xi32, #tpu.memory_space<hbm>>) dst(%dma_wait3A_215 : memref<80xi32, #tpu.memory_space<vmem>>)
    %dma_start3A_219 = arith.constant 2 : i32
    %dma_start3A_220 = arith.constant 2 : i32
    %dma_start3A_221 = arith.constant 0 : i32
    %dma_start3A_222 = arith.constant 0 : i32
    %dma_start3A_223 = tpu.memref_slice %arg8[%dma_start3A_220, %dma_start3A_221, %dma_start3A_222] : memref<4x80x128xf32, #tpu.memory_space<vmem>> -> memref<1x80x128xf32, #tpu.memory_space<vmem>>
    %dma_start3A_224 = tpu.memref_squeeze %dma_start3A_223 : memref<1x80x128xf32, #tpu.memory_space<vmem>> -> memref<80x128xf32, #tpu.memory_space<vmem>>
    %dma_start3A_225 = arith.constant 0 : i32
    %dma_start3A_226 = tpu.memref_slice %arg6[%dma_start3A_219, %dma_start3A_225] : memref<5x80xi32, #tpu.memory_space<vmem>> -> memref<1x80xi32, #tpu.memory_space<vmem>>
    %dma_start3A_227 = tpu.memref_squeeze %dma_start3A_226 : memref<1x80xi32, #tpu.memory_space<vmem>> -> memref<80xi32, #tpu.memory_space<vmem>>
    %dma_start3A_228 = arith.constant 0 : i32
    %dma_start3A_229 = arith.constant 0 : i32
    %dma_start3A_230 = tpu.memref_slice %arg2[%dma_start3A_228, %dma_start3A_229] : memref<10000x128xf32, #tpu.memory_space<hbm>> -> memref<10000x128xf32, #tpu.memory_space<hbm>>
    tpu.enqueue_indirect_dma source(%dma_start3A_230 : memref<10000x128xf32, #tpu.memory_space<hbm>>) target(%dma_start3A_224 : memref<80x128xf32, #tpu.memory_space<vmem>>) offsets(%dma_start3A_227 : memref<80xi32, #tpu.memory_space<vmem>>) semaphore(%arg12 : memref<!tpu.dma_semaphore, #tpu.memory_space<semaphore_mem>>)
    %dma_start3A_231 = arith.constant 4 : i32
    %dma_start3A_232 = arith.constant 4 : i32
    %dma_start3A_233 = arith.constant 0 : i32
    %dma_start3A_234 = tpu.memref_slice %arg6[%dma_start3A_232, %dma_start3A_233] : memref<5x80xi32, #tpu.memory_space<vmem>> -> memref<1x80xi32, #tpu.memory_space<vmem>>
    %dma_start3A_235 = tpu.memref_squeeze %dma_start3A_234 : memref<1x80xi32, #tpu.memory_space<vmem>> -> memref<80xi32, #tpu.memory_space<vmem>>
    %dma_start3A_236 = arith.constant 0 : i32
    %dma_start3A_237 = tpu.memref_slice %arg3[%add3A, %dma_start3A_231, %dma_start3A_236] : memref<32x125x80xi32, #tpu.memory_space<hbm>> -> memref<1x1x80xi32, #tpu.memory_space<hbm>>
    %dma_start3A_238 = tpu.memref_squeeze %dma_start3A_237 : memref<1x1x80xi32, #tpu.memory_space<hbm>> -> memref<80xi32, #tpu.memory_space<hbm>>
    %dma_start3A_239 = arith.constant 0 : i32
    %dma_start3A_240 = tpu.memref_slice %arg6[%dma_start3A_232, %dma_start3A_239] : memref<5x80xi32, #tpu.memory_space<vmem>> -> memref<1x80xi32, #tpu.memory_space<vmem>>
    %dma_start3A_241 = tpu.memref_squeeze %dma_start3A_240 : memref<1x80xi32, #tpu.memory_space<vmem>> -> memref<80xi32, #tpu.memory_space<vmem>>
    %dma_start3A_242 = arith.constant 0 : i32
    %dma_start3A_243 = tpu.memref_slice %arg3[%add3A, %dma_start3A_231, %dma_start3A_242] : memref<32x125x80xi32, #tpu.memory_space<hbm>> -> memref<1x1x80xi32, #tpu.memory_space<hbm>>
    %dma_start3A_244 = tpu.memref_squeeze %dma_start3A_243 : memref<1x1x80xi32, #tpu.memory_space<hbm>> -> memref<80xi32, #tpu.memory_space<hbm>>
    tpu.enqueue_dma source(%dma_start3A_244 : memref<80xi32, #tpu.memory_space<hbm>>) target(%dma_start3A_241 : memref<80xi32, #tpu.memory_space<vmem>>) target_semaphore(%arg11 : memref<!tpu.dma_semaphore, #tpu.memory_space<semaphore_mem>>)
    %dma_start3A_245 = arith.constant 4 : i32
    %dma_start3A_246 = arith.constant 4 : i32
    %dma_start3A_247 = arith.constant 0 : i32
    %dma_start3A_248 = tpu.memref_slice %arg7[%dma_start3A_246, %dma_start3A_247] : memref<5x80xi32, #tpu.memory_space<vmem>> -> memref<1x80xi32, #tpu.memory_space<vmem>>
    %dma_start3A_249 = tpu.memref_squeeze %dma_start3A_248 : memref<1x80xi32, #tpu.memory_space<vmem>> -> memref<80xi32, #tpu.memory_space<vmem>>
    %dma_start3A_250 = arith.constant 0 : i32
    %dma_start3A_251 = tpu.memref_slice %arg4[%add3A, %dma_start3A_245, %dma_start3A_250] : memref<32x125x80xi32, #tpu.memory_space<hbm>> -> memref<1x1x80xi32, #tpu.memory_space<hbm>>
    %dma_start3A_252 = tpu.memref_squeeze %dma_start3A_251 : memref<1x1x80xi32, #tpu.memory_space<hbm>> -> memref<80xi32, #tpu.memory_space<hbm>>
    %dma_start3A_253 = arith.constant 0 : i32
    %dma_start3A_254 = tpu.memref_slice %arg7[%dma_start3A_246, %dma_start3A_253] : memref<5x80xi32, #tpu.memory_space<vmem>> -> memref<1x80xi32, #tpu.memory_space<vmem>>
    %dma_start3A_255 = tpu.memref_squeeze %dma_start3A_254 : memref<1x80xi32, #tpu.memory_space<vmem>> -> memref<80xi32, #tpu.memory_space<vmem>>
    %dma_start3A_256 = arith.constant 0 : i32
    %dma_start3A_257 = tpu.memref_slice %arg4[%add3A, %dma_start3A_245, %dma_start3A_256] : memref<32x125x80xi32, #tpu.memory_space<hbm>> -> memref<1x1x80xi32, #tpu.memory_space<hbm>>
    %dma_start3A_258 = tpu.memref_squeeze %dma_start3A_257 : memref<1x1x80xi32, #tpu.memory_space<hbm>> -> memref<80xi32, #tpu.memory_space<hbm>>
    tpu.enqueue_dma source(%dma_start3A_258 : memref<80xi32, #tpu.memory_space<hbm>>) target(%dma_start3A_255 : memref<80xi32, #tpu.memory_space<vmem>>) target_semaphore(%arg11 : memref<!tpu.dma_semaphore, #tpu.memory_space<semaphore_mem>>)
    %scan3A = arith.constant 0 : i32
    %scan3A_259 = arith.constant 0 : i32
    %scan3A_260 = arith.constant 40 : i32
    %scan3A_261 = arith.addi %scan3A_259, %scan3A_260 : i32
    %scan3A_262 = arith.constant 1 : i32
    scf.for %scan3A_762 = %scan3A_259 to %scan3A_261 step %scan3A_262  : i32 {
      %broadcast_in_dim3A = arith.constant 0.000000e+00 : f32
      %broadcast_in_dim3A_763 = vector.broadcast %broadcast_in_dim3A : f32 to vector<16xf32>
      %swap3A = arith.index_cast %scan3A_762 : i32 to index
      %swap3A_764 = arith.constant 0 : index
      %swap3A_765 = tpu.vector_load %arg9[%swap3A, %swap3A_764] {strides = array<i32>} : memref<40x128xf32, #tpu.memory_space<vmem>>, vector<1x16xf32>,
      %swap3A_766 = vector.shape_cast %swap3A_765 : vector<1x16xf32> to vector<16xf32>
      %swap3A_767 = vector.shape_cast %broadcast_in_dim3A_763 : vector<16xf32> to vector<1x16xf32>
      tpu.vector_store %arg9[%swap3A, %swap3A_764], %swap3A_767 {strides = array<i32>} : memref<40x128xf32, #tpu.memory_space<vmem>>, vector<1x16xf32>,
      %broadcast_in_dim3A_768 = arith.constant 0.000000e+00 : f32
      %broadcast_in_dim3A_769 = vector.broadcast %broadcast_in_dim3A_768 : f32 to vector<16xf32>
      %swap3A_770 = arith.index_cast %scan3A_762 : i32 to index
      %swap3A_771 = arith.constant 16 : index
      %swap3A_772 = tpu.vector_load %arg9[%swap3A_770, %swap3A_771] {strides = array<i32>} : memref<40x128xf32, #tpu.memory_space<vmem>>, vector<1x16xf32>,
      %swap3A_773 = vector.shape_cast %swap3A_772 : vector<1x16xf32> to vector<16xf32>
      %swap3A_774 = vector.shape_cast %broadcast_in_dim3A_769 : vector<16xf32> to vector<1x16xf32>
      tpu.vector_store %arg9[%swap3A_770, %swap3A_771], %swap3A_774 {strides = array<i32>} : memref<40x128xf32, #tpu.memory_space<vmem>>, vector<1x16xf32>,
      %broadcast_in_dim3A_775 = arith.constant 0.000000e+00 : f32
      %broadcast_in_dim3A_776 = vector.broadcast %broadcast_in_dim3A_775 : f32 to vector<16xf32>
      %swap3A_777 = arith.index_cast %scan3A_762 : i32 to index
      %swap3A_778 = arith.constant 32 : index
      %swap3A_779 = tpu.vector_load %arg9[%swap3A_777, %swap3A_778] {strides = array<i32>} : memref<40x128xf32, #tpu.memory_space<vmem>>, vector<1x16xf32>,
      %swap3A_780 = vector.shape_cast %swap3A_779 : vector<1x16xf32> to vector<16xf32>
      %swap3A_781 = vector.shape_cast %broadcast_in_dim3A_776 : vector<16xf32> to vector<1x16xf32>
      tpu.vector_store %arg9[%swap3A_777, %swap3A_778], %swap3A_781 {strides = array<i32>} : memref<40x128xf32, #tpu.memory_space<vmem>>, vector<1x16xf32>,
      %broadcast_in_dim3A_782 = arith.constant 0.000000e+00 : f32
      %broadcast_in_dim3A_783 = vector.broadcast %broadcast_in_dim3A_782 : f32 to vector<16xf32>
      %swap3A_784 = arith.index_cast %scan3A_762 : i32 to index
      %swap3A_785 = arith.constant 48 : index
      %swap3A_786 = tpu.vector_load %arg9[%swap3A_784, %swap3A_785] {strides = array<i32>} : memref<40x128xf32, #tpu.memory_space<vmem>>, vector<1x16xf32>,
      %swap3A_787 = vector.shape_cast %swap3A_786 : vector<1x16xf32> to vector<16xf32>
      %swap3A_788 = vector.shape_cast %broadcast_in_dim3A_783 : vector<16xf32> to vector<1x16xf32>
      tpu.vector_store %arg9[%swap3A_784, %swap3A_785], %swap3A_788 {strides = array<i32>} : memref<40x128xf32, #tpu.memory_space<vmem>>, vector<1x16xf32>,
      %broadcast_in_dim3A_789 = arith.constant 0.000000e+00 : f32
      %broadcast_in_dim3A_790 = vector.broadcast %broadcast_in_dim3A_789 : f32 to vector<16xf32>
      %swap3A_791 = arith.index_cast %scan3A_762 : i32 to index
      %swap3A_792 = arith.constant 64 : index
      %swap3A_793 = tpu.vector_load %arg9[%swap3A_791, %swap3A_792] {strides = array<i32>} : memref<40x128xf32, #tpu.memory_space<vmem>>, vector<1x16xf32>,
      %swap3A_794 = vector.shape_cast %swap3A_793 : vector<1x16xf32> to vector<16xf32>
      %swap3A_795 = vector.shape_cast %broadcast_in_dim3A_790 : vector<16xf32> to vector<1x16xf32>
      tpu.vector_store %arg9[%swap3A_791, %swap3A_792], %swap3A_795 {strides = array<i32>} : memref<40x128xf32, #tpu.memory_space<vmem>>, vector<1x16xf32>,
      %broadcast_in_dim3A_796 = arith.constant 0.000000e+00 : f32
      %broadcast_in_dim3A_797 = vector.broadcast %broadcast_in_dim3A_796 : f32 to vector<16xf32>
      %swap3A_798 = arith.index_cast %scan3A_762 : i32 to index
      %swap3A_799 = arith.constant 80 : index
      %swap3A_800 = tpu.vector_load %arg9[%swap3A_798, %swap3A_799] {strides = array<i32>} : memref<40x128xf32, #tpu.memory_space<vmem>>, vector<1x16xf32>,
      %swap3A_801 = vector.shape_cast %swap3A_800 : vector<1x16xf32> to vector<16xf32>
      %swap3A_802 = vector.shape_cast %broadcast_in_dim3A_797 : vector<16xf32> to vector<1x16xf32>
      tpu.vector_store %arg9[%swap3A_798, %swap3A_799], %swap3A_802 {strides = array<i32>} : memref<40x128xf32, #tpu.memory_space<vmem>>, vector<1x16xf32>,
      %broadcast_in_dim3A_803 = arith.constant 0.000000e+00 : f32
      %broadcast_in_dim3A_804 = vector.broadcast %broadcast_in_dim3A_803 : f32 to vector<16xf32>
      %swap3A_805 = arith.index_cast %scan3A_762 : i32 to index
      %swap3A_806 = arith.constant 96 : index
      %swap3A_807 = tpu.vector_load %arg9[%swap3A_805, %swap3A_806] {strides = array<i32>} : memref<40x128xf32, #tpu.memory_space<vmem>>, vector<1x16xf32>,
      %swap3A_808 = vector.shape_cast %swap3A_807 : vector<1x16xf32> to vector<16xf32>
      %swap3A_809 = vector.shape_cast %broadcast_in_dim3A_804 : vector<16xf32> to vector<1x16xf32>
      tpu.vector_store %arg9[%swap3A_805, %swap3A_806], %swap3A_809 {strides = array<i32>} : memref<40x128xf32, #tpu.memory_space<vmem>>, vector<1x16xf32>,
      %broadcast_in_dim3A_810 = arith.constant 0.000000e+00 : f32
      %broadcast_in_dim3A_811 = vector.broadcast %broadcast_in_dim3A_810 : f32 to vector<16xf32>
      %swap3A_812 = arith.index_cast %scan3A_762 : i32 to index
      %swap3A_813 = arith.constant 112 : index
      %swap3A_814 = tpu.vector_load %arg9[%swap3A_812, %swap3A_813] {strides = array<i32>} : memref<40x128xf32, #tpu.memory_space<vmem>>, vector<1x16xf32>,
      %swap3A_815 = vector.shape_cast %swap3A_814 : vector<1x16xf32> to vector<16xf32>
      %swap3A_816 = vector.shape_cast %broadcast_in_dim3A_811 : vector<16xf32> to vector<1x16xf32>
      tpu.vector_store %arg9[%swap3A_812, %swap3A_813], %swap3A_816 {strides = array<i32>} : memref<40x128xf32, #tpu.memory_space<vmem>>, vector<1x16xf32>,
    }
    %scan3A_263 = arith.constant 40 : i32
    %mul3A_264 = arith.constant 640 : i32
    %mul3A_265 = arith.muli %arg1, %mul3A_264 : i32
    %add3A_266 = arith.constant 0 : i32
    %add3A_267 = arith.addi %mul3A_265, %add3A_266 : i32
    %dma_start3A_268 = arith.constant 0 : i32
    %dma_start3A_269 = tpu.memref_slice %arg10[%add3A_267, %dma_start3A_268] : memref<10240x128xf32, #tpu.memory_space<vmem_shared>> -> memref<40x128xf32, #tpu.memory_space<vmem_shared>>
    %dma_start3A_270 = arith.constant 0 : i32
    %dma_start3A_271 = tpu.memref_slice %arg10[%add3A_267, %dma_start3A_270] : memref<10240x128xf32, #tpu.memory_space<vmem_shared>> -> memref<40x128xf32, #tpu.memory_space<vmem_shared>>
    tpu.enqueue_dma source(%arg9 : memref<40x128xf32, #tpu.memory_space<vmem>>) target(%dma_start3A_271 : memref<40x128xf32, #tpu.memory_space<vmem_shared>>) target_semaphore(%arg14 : memref<!tpu.dma_semaphore, #tpu.memory_space<semaphore_mem>>)
    %mul3A_272 = arith.constant 640 : i32
    %mul3A_273 = arith.muli %arg1, %mul3A_272 : i32
    %add3A_274 = arith.constant 40 : i32
    %add3A_275 = arith.addi %mul3A_273, %add3A_274 : i32
    %dma_start3A_276 = arith.constant 0 : i32
    %dma_start3A_277 = tpu.memref_slice %arg10[%add3A_275, %dma_start3A_276] : memref<10240x128xf32, #tpu.memory_space<vmem_shared>> -> memref<40x128xf32, #tpu.memory_space<vmem_shared>>
    %dma_start3A_278 = arith.constant 0 : i32
    %dma_start3A_279 = tpu.memref_slice %arg10[%add3A_275, %dma_start3A_278] : memref<10240x128xf32, #tpu.memory_space<vmem_shared>> -> memref<40x128xf32, #tpu.memory_space<vmem_shared>>
    tpu.enqueue_dma source(%arg9 : memref<40x128xf32, #tpu.memory_space<vmem>>) target(%dma_start3A_279 : memref<40x128xf32, #tpu.memory_space<vmem_shared>>) target_semaphore(%arg14 : memref<!tpu.dma_semaphore, #tpu.memory_space<semaphore_mem>>)
    %mul3A_280 = arith.constant 640 : i32
    %mul3A_281 = arith.muli %arg1, %mul3A_280 : i32
    %add3A_282 = arith.constant 80 : i32
    %add3A_283 = arith.addi %mul3A_281, %add3A_282 : i32
    %dma_start3A_284 = arith.constant 0 : i32
    %dma_start3A_285 = tpu.memref_slice %arg10[%add3A_283, %dma_start3A_284] : memref<10240x128xf32, #tpu.memory_space<vmem_shared>> -> memref<40x128xf32, #tpu.memory_space<vmem_shared>>
    %dma_start3A_286 = arith.constant 0 : i32
    %dma_start3A_287 = tpu.memref_slice %arg10[%add3A_283, %dma_start3A_286] : memref<10240x128xf32, #tpu.memory_space<vmem_shared>> -> memref<40x128xf32, #tpu.memory_space<vmem_shared>>
    tpu.enqueue_dma source(%arg9 : memref<40x128xf32, #tpu.memory_space<vmem>>) target(%dma_start3A_287 : memref<40x128xf32, #tpu.memory_space<vmem_shared>>) target_semaphore(%arg14 : memref<!tpu.dma_semaphore, #tpu.memory_space<semaphore_mem>>)
    %mul3A_288 = arith.constant 640 : i32
    %mul3A_289 = arith.muli %arg1, %mul3A_288 : i32
    %add3A_290 = arith.constant 120 : i32
    %add3A_291 = arith.addi %mul3A_289, %add3A_290 : i32
    %dma_start3A_292 = arith.constant 0 : i32
    %dma_start3A_293 = tpu.memref_slice %arg10[%add3A_291, %dma_start3A_292] : memref<10240x128xf32, #tpu.memory_space<vmem_shared>> -> memref<40x128xf32, #tpu.memory_space<vmem_shared>>
    %dma_start3A_294 = arith.constant 0 : i32
    %dma_start3A_295 = tpu.memref_slice %arg10[%add3A_291, %dma_start3A_294] : memref<10240x128xf32, #tpu.memory_space<vmem_shared>> -> memref<40x128xf32, #tpu.memory_space<vmem_shared>>
    tpu.enqueue_dma source(%arg9 : memref<40x128xf32, #tpu.memory_space<vmem>>) target(%dma_start3A_295 : memref<40x128xf32, #tpu.memory_space<vmem_shared>>) target_semaphore(%arg14 : memref<!tpu.dma_semaphore, #tpu.memory_space<semaphore_mem>>)
    %mul3A_296 = arith.constant 640 : i32
    %mul3A_297 = arith.muli %arg1, %mul3A_296 : i32
    %add3A_298 = arith.constant 160 : i32
    %add3A_299 = arith.addi %mul3A_297, %add3A_298 : i32
    %dma_start3A_300 = arith.constant 0 : i32
    %dma_start3A_301 = tpu.memref_slice %arg10[%add3A_299, %dma_start3A_300] : memref<10240x128xf32, #tpu.memory_space<vmem_shared>> -> memref<40x128xf32, #tpu.memory_space<vmem_shared>>
    %dma_start3A_302 = arith.constant 0 : i32
    %dma_start3A_303 = tpu.memref_slice %arg10[%add3A_299, %dma_start3A_302] : memref<10240x128xf32, #tpu.memory_space<vmem_shared>> -> memref<40x128xf32, #tpu.memory_space<vmem_shared>>
    tpu.enqueue_dma source(%arg9 : memref<40x128xf32, #tpu.memory_space<vmem>>) target(%dma_start3A_303 : memref<40x128xf32, #tpu.memory_space<vmem_shared>>) target_semaphore(%arg14 : memref<!tpu.dma_semaphore, #tpu.memory_space<semaphore_mem>>)
    %mul3A_304 = arith.constant 640 : i32
    %mul3A_305 = arith.muli %arg1, %mul3A_304 : i32
    %add3A_306 = arith.constant 200 : i32
    %add3A_307 = arith.addi %mul3A_305, %add3A_306 : i32
    %dma_start3A_308 = arith.constant 0 : i32
    %dma_start3A_309 = tpu.memref_slice %arg10[%add3A_307, %dma_start3A_308] : memref<10240x128xf32, #tpu.memory_space<vmem_shared>> -> memref<40x128xf32, #tpu.memory_space<vmem_shared>>
    %dma_start3A_310 = arith.constant 0 : i32
    %dma_start3A_311 = tpu.memref_slice %arg10[%add3A_307, %dma_start3A_310] : memref<10240x128xf32, #tpu.memory_space<vmem_shared>> -> memref<40x128xf32, #tpu.memory_space<vmem_shared>>
    tpu.enqueue_dma source(%arg9 : memref<40x128xf32, #tpu.memory_space<vmem>>) target(%dma_start3A_311 : memref<40x128xf32, #tpu.memory_space<vmem_shared>>) target_semaphore(%arg14 : memref<!tpu.dma_semaphore, #tpu.memory_space<semaphore_mem>>)
    %mul3A_312 = arith.constant 640 : i32
    %mul3A_313 = arith.muli %arg1, %mul3A_312 : i32
    %add3A_314 = arith.constant 240 : i32
    %add3A_315 = arith.addi %mul3A_313, %add3A_314 : i32
    %dma_start3A_316 = arith.constant 0 : i32
    %dma_start3A_317 = tpu.memref_slice %arg10[%add3A_315, %dma_start3A_316] : memref<10240x128xf32, #tpu.memory_space<vmem_shared>> -> memref<40x128xf32, #tpu.memory_space<vmem_shared>>
    %dma_start3A_318 = arith.constant 0 : i32
    %dma_start3A_319 = tpu.memref_slice %arg10[%add3A_315, %dma_start3A_318] : memref<10240x128xf32, #tpu.memory_space<vmem_shared>> -> memref<40x128xf32, #tpu.memory_space<vmem_shared>>
    tpu.enqueue_dma source(%arg9 : memref<40x128xf32, #tpu.memory_space<vmem>>) target(%dma_start3A_319 : memref<40x128xf32, #tpu.memory_space<vmem_shared>>) target_semaphore(%arg14 : memref<!tpu.dma_semaphore, #tpu.memory_space<semaphore_mem>>)
    %mul3A_320 = arith.constant 640 : i32
    %mul3A_321 = arith.muli %arg1, %mul3A_320 : i32
    %add3A_322 = arith.constant 280 : i32
    %add3A_323 = arith.addi %mul3A_321, %add3A_322 : i32
    %dma_start3A_324 = arith.constant 0 : i32
    %dma_start3A_325 = tpu.memref_slice %arg10[%add3A_323, %dma_start3A_324] : memref<10240x128xf32, #tpu.memory_space<vmem_shared>> -> memref<40x128xf32, #tpu.memory_space<vmem_shared>>
    %dma_start3A_326 = arith.constant 0 : i32
    %dma_start3A_327 = tpu.memref_slice %arg10[%add3A_323, %dma_start3A_326] : memref<10240x128xf32, #tpu.memory_space<vmem_shared>> -> memref<40x128xf32, #tpu.memory_space<vmem_shared>>
    tpu.enqueue_dma source(%arg9 : memref<40x128xf32, #tpu.memory_space<vmem>>) target(%dma_start3A_327 : memref<40x128xf32, #tpu.memory_space<vmem_shared>>) target_semaphore(%arg14 : memref<!tpu.dma_semaphore, #tpu.memory_space<semaphore_mem>>)
    %mul3A_328 = arith.constant 640 : i32
    %mul3A_329 = arith.muli %arg1, %mul3A_328 : i32
    %add3A_330 = arith.constant 320 : i32
    %add3A_331 = arith.addi %mul3A_329, %add3A_330 : i32
    %dma_start3A_332 = arith.constant 0 : i32
    %dma_start3A_333 = tpu.memref_slice %arg10[%add3A_331, %dma_start3A_332] : memref<10240x128xf32, #tpu.memory_space<vmem_shared>> -> memref<40x128xf32, #tpu.memory_space<vmem_shared>>
    %dma_start3A_334 = arith.constant 0 : i32
    %dma_start3A_335 = tpu.memref_slice %arg10[%add3A_331, %dma_start3A_334] : memref<10240x128xf32, #tpu.memory_space<vmem_shared>> -> memref<40x128xf32, #tpu.memory_space<vmem_shared>>
    tpu.enqueue_dma source(%arg9 : memref<40x128xf32, #tpu.memory_space<vmem>>) target(%dma_start3A_335 : memref<40x128xf32, #tpu.memory_space<vmem_shared>>) target_semaphore(%arg14 : memref<!tpu.dma_semaphore, #tpu.memory_space<semaphore_mem>>)
    %mul3A_336 = arith.constant 640 : i32
    %mul3A_337 = arith.muli %arg1, %mul3A_336 : i32
    %add3A_338 = arith.constant 360 : i32
    %add3A_339 = arith.addi %mul3A_337, %add3A_338 : i32
    %dma_start3A_340 = arith.constant 0 : i32
    %dma_start3A_341 = tpu.memref_slice %arg10[%add3A_339, %dma_start3A_340] : memref<10240x128xf32, #tpu.memory_space<vmem_shared>> -> memref<40x128xf32, #tpu.memory_space<vmem_shared>>
    %dma_start3A_342 = arith.constant 0 : i32
    %dma_start3A_343 = tpu.memref_slice %arg10[%add3A_339, %dma_start3A_342] : memref<10240x128xf32, #tpu.memory_space<vmem_shared>> -> memref<40x128xf32, #tpu.memory_space<vmem_shared>>
    tpu.enqueue_dma source(%arg9 : memref<40x128xf32, #tpu.memory_space<vmem>>) target(%dma_start3A_343 : memref<40x128xf32, #tpu.memory_space<vmem_shared>>) target_semaphore(%arg14 : memref<!tpu.dma_semaphore, #tpu.memory_space<semaphore_mem>>)
    %mul3A_344 = arith.constant 640 : i32
    %mul3A_345 = arith.muli %arg1, %mul3A_344 : i32
    %add3A_346 = arith.constant 400 : i32
    %add3A_347 = arith.addi %mul3A_345, %add3A_346 : i32
    %dma_start3A_348 = arith.constant 0 : i32
    %dma_start3A_349 = tpu.memref_slice %arg10[%add3A_347, %dma_start3A_348] : memref<10240x128xf32, #tpu.memory_space<vmem_shared>> -> memref<40x128xf32, #tpu.memory_space<vmem_shared>>
    %dma_start3A_350 = arith.constant 0 : i32
    %dma_start3A_351 = tpu.memref_slice %arg10[%add3A_347, %dma_start3A_350] : memref<10240x128xf32, #tpu.memory_space<vmem_shared>> -> memref<40x128xf32, #tpu.memory_space<vmem_shared>>
    tpu.enqueue_dma source(%arg9 : memref<40x128xf32, #tpu.memory_space<vmem>>) target(%dma_start3A_351 : memref<40x128xf32, #tpu.memory_space<vmem_shared>>) target_semaphore(%arg14 : memref<!tpu.dma_semaphore, #tpu.memory_space<semaphore_mem>>)
    %mul3A_352 = arith.constant 640 : i32
    %mul3A_353 = arith.muli %arg1, %mul3A_352 : i32
    %add3A_354 = arith.constant 440 : i32
    %add3A_355 = arith.addi %mul3A_353, %add3A_354 : i32
    %dma_start3A_356 = arith.constant 0 : i32
    %dma_start3A_357 = tpu.memref_slice %arg10[%add3A_355, %dma_start3A_356] : memref<10240x128xf32, #tpu.memory_space<vmem_shared>> -> memref<40x128xf32, #tpu.memory_space<vmem_shared>>
    %dma_start3A_358 = arith.constant 0 : i32
    %dma_start3A_359 = tpu.memref_slice %arg10[%add3A_355, %dma_start3A_358] : memref<10240x128xf32, #tpu.memory_space<vmem_shared>> -> memref<40x128xf32, #tpu.memory_space<vmem_shared>>
    tpu.enqueue_dma source(%arg9 : memref<40x128xf32, #tpu.memory_space<vmem>>) target(%dma_start3A_359 : memref<40x128xf32, #tpu.memory_space<vmem_shared>>) target_semaphore(%arg14 : memref<!tpu.dma_semaphore, #tpu.memory_space<semaphore_mem>>)
    %mul3A_360 = arith.constant 640 : i32
    %mul3A_361 = arith.muli %arg1, %mul3A_360 : i32
    %add3A_362 = arith.constant 480 : i32
    %add3A_363 = arith.addi %mul3A_361, %add3A_362 : i32
    %dma_start3A_364 = arith.constant 0 : i32
    %dma_start3A_365 = tpu.memref_slice %arg10[%add3A_363, %dma_start3A_364] : memref<10240x128xf32, #tpu.memory_space<vmem_shared>> -> memref<40x128xf32, #tpu.memory_space<vmem_shared>>
    %dma_start3A_366 = arith.constant 0 : i32
    %dma_start3A_367 = tpu.memref_slice %arg10[%add3A_363, %dma_start3A_366] : memref<10240x128xf32, #tpu.memory_space<vmem_shared>> -> memref<40x128xf32, #tpu.memory_space<vmem_shared>>
    tpu.enqueue_dma source(%arg9 : memref<40x128xf32, #tpu.memory_space<vmem>>) target(%dma_start3A_367 : memref<40x128xf32, #tpu.memory_space<vmem_shared>>) target_semaphore(%arg14 : memref<!tpu.dma_semaphore, #tpu.memory_space<semaphore_mem>>)
    %mul3A_368 = arith.constant 640 : i32
    %mul3A_369 = arith.muli %arg1, %mul3A_368 : i32
    %add3A_370 = arith.constant 520 : i32
    %add3A_371 = arith.addi %mul3A_369, %add3A_370 : i32
    %dma_start3A_372 = arith.constant 0 : i32
    %dma_start3A_373 = tpu.memref_slice %arg10[%add3A_371, %dma_start3A_372] : memref<10240x128xf32, #tpu.memory_space<vmem_shared>> -> memref<40x128xf32, #tpu.memory_space<vmem_shared>>
    %dma_start3A_374 = arith.constant 0 : i32
    %dma_start3A_375 = tpu.memref_slice %arg10[%add3A_371, %dma_start3A_374] : memref<10240x128xf32, #tpu.memory_space<vmem_shared>> -> memref<40x128xf32, #tpu.memory_space<vmem_shared>>
    tpu.enqueue_dma source(%arg9 : memref<40x128xf32, #tpu.memory_space<vmem>>) target(%dma_start3A_375 : memref<40x128xf32, #tpu.memory_space<vmem_shared>>) target_semaphore(%arg14 : memref<!tpu.dma_semaphore, #tpu.memory_space<semaphore_mem>>)
    %mul3A_376 = arith.constant 640 : i32
    %mul3A_377 = arith.muli %arg1, %mul3A_376 : i32
    %add3A_378 = arith.constant 560 : i32
    %add3A_379 = arith.addi %mul3A_377, %add3A_378 : i32
    %dma_start3A_380 = arith.constant 0 : i32
    %dma_start3A_381 = tpu.memref_slice %arg10[%add3A_379, %dma_start3A_380] : memref<10240x128xf32, #tpu.memory_space<vmem_shared>> -> memref<40x128xf32, #tpu.memory_space<vmem_shared>>
    %dma_start3A_382 = arith.constant 0 : i32
    %dma_start3A_383 = tpu.memref_slice %arg10[%add3A_379, %dma_start3A_382] : memref<10240x128xf32, #tpu.memory_space<vmem_shared>> -> memref<40x128xf32, #tpu.memory_space<vmem_shared>>
    tpu.enqueue_dma source(%arg9 : memref<40x128xf32, #tpu.memory_space<vmem>>) target(%dma_start3A_383 : memref<40x128xf32, #tpu.memory_space<vmem_shared>>) target_semaphore(%arg14 : memref<!tpu.dma_semaphore, #tpu.memory_space<semaphore_mem>>)
    %mul3A_384 = arith.constant 640 : i32
    %mul3A_385 = arith.muli %arg1, %mul3A_384 : i32
    %add3A_386 = arith.constant 600 : i32
    %add3A_387 = arith.addi %mul3A_385, %add3A_386 : i32
    %dma_start3A_388 = arith.constant 0 : i32
    %dma_start3A_389 = tpu.memref_slice %arg10[%add3A_387, %dma_start3A_388] : memref<10240x128xf32, #tpu.memory_space<vmem_shared>> -> memref<40x128xf32, #tpu.memory_space<vmem_shared>>
    %dma_start3A_390 = arith.constant 0 : i32
    %dma_start3A_391 = tpu.memref_slice %arg10[%add3A_387, %dma_start3A_390] : memref<10240x128xf32, #tpu.memory_space<vmem_shared>> -> memref<40x128xf32, #tpu.memory_space<vmem_shared>>
    tpu.enqueue_dma source(%arg9 : memref<40x128xf32, #tpu.memory_space<vmem>>) target(%dma_start3A_391 : memref<40x128xf32, #tpu.memory_space<vmem_shared>>) target_semaphore(%arg14 : memref<!tpu.dma_semaphore, #tpu.memory_space<semaphore_mem>>)
    %mul3A_392 = arith.constant 640 : i32
    %mul3A_393 = arith.muli %arg1, %mul3A_392 : i32
    %dma_wait3A_394 = arith.constant 0 : i32
    %dma_wait3A_395 = tpu.memref_slice %arg10[%mul3A_393, %dma_wait3A_394] : memref<10240x128xf32, #tpu.memory_space<vmem_shared>> -> memref<40x128xf32, #tpu.memory_space<vmem_shared>>
    %dma_wait3A_396 = arith.constant 0 : i32
    %dma_wait3A_397 = tpu.memref_slice %arg10[%mul3A_393, %dma_wait3A_396] : memref<10240x128xf32, #tpu.memory_space<vmem_shared>> -> memref<40x128xf32, #tpu.memory_space<vmem_shared>>
    tpu.wait_dma2 semaphore(%arg14 : memref<!tpu.dma_semaphore, #tpu.memory_space<semaphore_mem>>) src(%arg9 : memref<40x128xf32, #tpu.memory_space<vmem>>) dst(%dma_wait3A_397 : memref<40x128xf32, #tpu.memory_space<vmem_shared>>)
    %mul3A_398 = arith.constant 640 : i32
    %mul3A_399 = arith.muli %arg1, %mul3A_398 : i32
    %dma_wait3A_400 = arith.constant 0 : i32
    %dma_wait3A_401 = tpu.memref_slice %arg10[%mul3A_399, %dma_wait3A_400] : memref<10240x128xf32, #tpu.memory_space<vmem_shared>> -> memref<40x128xf32, #tpu.memory_space<vmem_shared>>
    %dma_wait3A_402 = arith.constant 0 : i32
    %dma_wait3A_403 = tpu.memref_slice %arg10[%mul3A_399, %dma_wait3A_402] : memref<10240x128xf32, #tpu.memory_space<vmem_shared>> -> memref<40x128xf32, #tpu.memory_space<vmem_shared>>
    tpu.wait_dma2 semaphore(%arg14 : memref<!tpu.dma_semaphore, #tpu.memory_space<semaphore_mem>>) src(%arg9 : memref<40x128xf32, #tpu.memory_space<vmem>>) dst(%dma_wait3A_403 : memref<40x128xf32, #tpu.memory_space<vmem_shared>>)
    %mul3A_404 = arith.constant 640 : i32
    %mul3A_405 = arith.muli %arg1, %mul3A_404 : i32
    %dma_wait3A_406 = arith.constant 0 : i32
    %dma_wait3A_407 = tpu.memref_slice %arg10[%mul3A_405, %dma_wait3A_406] : memref<10240x128xf32, #tpu.memory_space<vmem_shared>> -> memref<40x128xf32, #tpu.memory_space<vmem_shared>>
    %dma_wait3A_408 = arith.constant 0 : i32
    %dma_wait3A_409 = tpu.memref_slice %arg10[%mul3A_405, %dma_wait3A_408] : memref<10240x128xf32, #tpu.memory_space<vmem_shared>> -> memref<40x128xf32, #tpu.memory_space<vmem_shared>>
    tpu.wait_dma2 semaphore(%arg14 : memref<!tpu.dma_semaphore, #tpu.memory_space<semaphore_mem>>) src(%arg9 : memref<40x128xf32, #tpu.memory_space<vmem>>) dst(%dma_wait3A_409 : memref<40x128xf32, #tpu.memory_space<vmem_shared>>)
    %mul3A_410 = arith.constant 640 : i32
    %mul3A_411 = arith.muli %arg1, %mul3A_410 : i32
    %dma_wait3A_412 = arith.constant 0 : i32
    %dma_wait3A_413 = tpu.memref_slice %arg10[%mul3A_411, %dma_wait3A_412] : memref<10240x128xf32, #tpu.memory_space<vmem_shared>> -> memref<40x128xf32, #tpu.memory_space<vmem_shared>>
    %dma_wait3A_414 = arith.constant 0 : i32
    %dma_wait3A_415 = tpu.memref_slice %arg10[%mul3A_411, %dma_wait3A_414] : memref<10240x128xf32, #tpu.memory_space<vmem_shared>> -> memref<40x128xf32, #tpu.memory_space<vmem_shared>>
    tpu.wait_dma2 semaphore(%arg14 : memref<!tpu.dma_semaphore, #tpu.memory_space<semaphore_mem>>) src(%arg9 : memref<40x128xf32, #tpu.memory_space<vmem>>) dst(%dma_wait3A_415 : memref<40x128xf32, #tpu.memory_space<vmem_shared>>)
    %mul3A_416 = arith.constant 640 : i32
    %mul3A_417 = arith.muli %arg1, %mul3A_416 : i32
    %dma_wait3A_418 = arith.constant 0 : i32
    %dma_wait3A_419 = tpu.memref_slice %arg10[%mul3A_417, %dma_wait3A_418] : memref<10240x128xf32, #tpu.memory_space<vmem_shared>> -> memref<40x128xf32, #tpu.memory_space<vmem_shared>>
    %dma_wait3A_420 = arith.constant 0 : i32
    %dma_wait3A_421 = tpu.memref_slice %arg10[%mul3A_417, %dma_wait3A_420] : memref<10240x128xf32, #tpu.memory_space<vmem_shared>> -> memref<40x128xf32, #tpu.memory_space<vmem_shared>>
    tpu.wait_dma2 semaphore(%arg14 : memref<!tpu.dma_semaphore, #tpu.memory_space<semaphore_mem>>) src(%arg9 : memref<40x128xf32, #tpu.memory_space<vmem>>) dst(%dma_wait3A_421 : memref<40x128xf32, #tpu.memory_space<vmem_shared>>)
    %mul3A_422 = arith.constant 640 : i32
    %mul3A_423 = arith.muli %arg1, %mul3A_422 : i32
    %dma_wait3A_424 = arith.constant 0 : i32
    %dma_wait3A_425 = tpu.memref_slice %arg10[%mul3A_423, %dma_wait3A_424] : memref<10240x128xf32, #tpu.memory_space<vmem_shared>> -> memref<40x128xf32, #tpu.memory_space<vmem_shared>>
    %dma_wait3A_426 = arith.constant 0 : i32
    %dma_wait3A_427 = tpu.memref_slice %arg10[%mul3A_423, %dma_wait3A_426] : memref<10240x128xf32, #tpu.memory_space<vmem_shared>> -> memref<40x128xf32, #tpu.memory_space<vmem_shared>>
    tpu.wait_dma2 semaphore(%arg14 : memref<!tpu.dma_semaphore, #tpu.memory_space<semaphore_mem>>) src(%arg9 : memref<40x128xf32, #tpu.memory_space<vmem>>) dst(%dma_wait3A_427 : memref<40x128xf32, #tpu.memory_space<vmem_shared>>)
    %mul3A_428 = arith.constant 640 : i32
    %mul3A_429 = arith.muli %arg1, %mul3A_428 : i32
    %dma_wait3A_430 = arith.constant 0 : i32
    %dma_wait3A_431 = tpu.memref_slice %arg10[%mul3A_429, %dma_wait3A_430] : memref<10240x128xf32, #tpu.memory_space<vmem_shared>> -> memref<40x128xf32, #tpu.memory_space<vmem_shared>>
    %dma_wait3A_432 = arith.constant 0 : i32
    %dma_wait3A_433 = tpu.memref_slice %arg10[%mul3A_429, %dma_wait3A_432] : memref<10240x128xf32, #tpu.memory_space<vmem_shared>> -> memref<40x128xf32, #tpu.memory_space<vmem_shared>>
    tpu.wait_dma2 semaphore(%arg14 : memref<!tpu.dma_semaphore, #tpu.memory_space<semaphore_mem>>) src(%arg9 : memref<40x128xf32, #tpu.memory_space<vmem>>) dst(%dma_wait3A_433 : memref<40x128xf32, #tpu.memory_space<vmem_shared>>)
    %mul3A_434 = arith.constant 640 : i32
    %mul3A_435 = arith.muli %arg1, %mul3A_434 : i32
    %dma_wait3A_436 = arith.constant 0 : i32
    %dma_wait3A_437 = tpu.memref_slice %arg10[%mul3A_435, %dma_wait3A_436] : memref<10240x128xf32, #tpu.memory_space<vmem_shared>> -> memref<40x128xf32, #tpu.memory_space<vmem_shared>>
    %dma_wait3A_438 = arith.constant 0 : i32
    %dma_wait3A_439 = tpu.memref_slice %arg10[%mul3A_435, %dma_wait3A_438] : memref<10240x128xf32, #tpu.memory_space<vmem_shared>> -> memref<40x128xf32, #tpu.memory_space<vmem_shared>>
    tpu.wait_dma2 semaphore(%arg14 : memref<!tpu.dma_semaphore, #tpu.memory_space<semaphore_mem>>) src(%arg9 : memref<40x128xf32, #tpu.memory_space<vmem>>) dst(%dma_wait3A_439 : memref<40x128xf32, #tpu.memory_space<vmem_shared>>)
    %mul3A_440 = arith.constant 640 : i32
    %mul3A_441 = arith.muli %arg1, %mul3A_440 : i32
    %dma_wait3A_442 = arith.constant 0 : i32
    %dma_wait3A_443 = tpu.memref_slice %arg10[%mul3A_441, %dma_wait3A_442] : memref<10240x128xf32, #tpu.memory_space<vmem_shared>> -> memref<40x128xf32, #tpu.memory_space<vmem_shared>>
    %dma_wait3A_444 = arith.constant 0 : i32
    %dma_wait3A_445 = tpu.memref_slice %arg10[%mul3A_441, %dma_wait3A_444] : memref<10240x128xf32, #tpu.memory_space<vmem_shared>> -> memref<40x128xf32, #tpu.memory_space<vmem_shared>>
    tpu.wait_dma2 semaphore(%arg14 : memref<!tpu.dma_semaphore, #tpu.memory_space<semaphore_mem>>) src(%arg9 : memref<40x128xf32, #tpu.memory_space<vmem>>) dst(%dma_wait3A_445 : memref<40x128xf32, #tpu.memory_space<vmem_shared>>)
    %mul3A_446 = arith.constant 640 : i32
    %mul3A_447 = arith.muli %arg1, %mul3A_446 : i32
    %dma_wait3A_448 = arith.constant 0 : i32
    %dma_wait3A_449 = tpu.memref_slice %arg10[%mul3A_447, %dma_wait3A_448] : memref<10240x128xf32, #tpu.memory_space<vmem_shared>> -> memref<40x128xf32, #tpu.memory_space<vmem_shared>>
    %dma_wait3A_450 = arith.constant 0 : i32
    %dma_wait3A_451 = tpu.memref_slice %arg10[%mul3A_447, %dma_wait3A_450] : memref<10240x128xf32, #tpu.memory_space<vmem_shared>> -> memref<40x128xf32, #tpu.memory_space<vmem_shared>>
    tpu.wait_dma2 semaphore(%arg14 : memref<!tpu.dma_semaphore, #tpu.memory_space<semaphore_mem>>) src(%arg9 : memref<40x128xf32, #tpu.memory_space<vmem>>) dst(%dma_wait3A_451 : memref<40x128xf32, #tpu.memory_space<vmem_shared>>)
    %mul3A_452 = arith.constant 640 : i32
    %mul3A_453 = arith.muli %arg1, %mul3A_452 : i32
    %dma_wait3A_454 = arith.constant 0 : i32
    %dma_wait3A_455 = tpu.memref_slice %arg10[%mul3A_453, %dma_wait3A_454] : memref<10240x128xf32, #tpu.memory_space<vmem_shared>> -> memref<40x128xf32, #tpu.memory_space<vmem_shared>>
    %dma_wait3A_456 = arith.constant 0 : i32
    %dma_wait3A_457 = tpu.memref_slice %arg10[%mul3A_453, %dma_wait3A_456] : memref<10240x128xf32, #tpu.memory_space<vmem_shared>> -> memref<40x128xf32, #tpu.memory_space<vmem_shared>>
    tpu.wait_dma2 semaphore(%arg14 : memref<!tpu.dma_semaphore, #tpu.memory_space<semaphore_mem>>) src(%arg9 : memref<40x128xf32, #tpu.memory_space<vmem>>) dst(%dma_wait3A_457 : memref<40x128xf32, #tpu.memory_space<vmem_shared>>)
    %mul3A_458 = arith.constant 640 : i32
    %mul3A_459 = arith.muli %arg1, %mul3A_458 : i32
    %dma_wait3A_460 = arith.constant 0 : i32
    %dma_wait3A_461 = tpu.memref_slice %arg10[%mul3A_459, %dma_wait3A_460] : memref<10240x128xf32, #tpu.memory_space<vmem_shared>> -> memref<40x128xf32, #tpu.memory_space<vmem_shared>>
    %dma_wait3A_462 = arith.constant 0 : i32
    %dma_wait3A_463 = tpu.memref_slice %arg10[%mul3A_459, %dma_wait3A_462] : memref<10240x128xf32, #tpu.memory_space<vmem_shared>> -> memref<40x128xf32, #tpu.memory_space<vmem_shared>>
    tpu.wait_dma2 semaphore(%arg14 : memref<!tpu.dma_semaphore, #tpu.memory_space<semaphore_mem>>) src(%arg9 : memref<40x128xf32, #tpu.memory_space<vmem>>) dst(%dma_wait3A_463 : memref<40x128xf32, #tpu.memory_space<vmem_shared>>)
    %mul3A_464 = arith.constant 640 : i32
    %mul3A_465 = arith.muli %arg1, %mul3A_464 : i32
    %dma_wait3A_466 = arith.constant 0 : i32
    %dma_wait3A_467 = tpu.memref_slice %arg10[%mul3A_465, %dma_wait3A_466] : memref<10240x128xf32, #tpu.memory_space<vmem_shared>> -> memref<40x128xf32, #tpu.memory_space<vmem_shared>>
    %dma_wait3A_468 = arith.constant 0 : i32
    %dma_wait3A_469 = tpu.memref_slice %arg10[%mul3A_465, %dma_wait3A_468] : memref<10240x128xf32, #tpu.memory_space<vmem_shared>> -> memref<40x128xf32, #tpu.memory_space<vmem_shared>>
    tpu.wait_dma2 semaphore(%arg14 : memref<!tpu.dma_semaphore, #tpu.memory_space<semaphore_mem>>) src(%arg9 : memref<40x128xf32, #tpu.memory_space<vmem>>) dst(%dma_wait3A_469 : memref<40x128xf32, #tpu.memory_space<vmem_shared>>)
    %mul3A_470 = arith.constant 640 : i32
    %mul3A_471 = arith.muli %arg1, %mul3A_470 : i32
    %dma_wait3A_472 = arith.constant 0 : i32
    %dma_wait3A_473 = tpu.memref_slice %arg10[%mul3A_471, %dma_wait3A_472] : memref<10240x128xf32, #tpu.memory_space<vmem_shared>> -> memref<40x128xf32, #tpu.memory_space<vmem_shared>>
    %dma_wait3A_474 = arith.constant 0 : i32
    %dma_wait3A_475 = tpu.memref_slice %arg10[%mul3A_471, %dma_wait3A_474] : memref<10240x128xf32, #tpu.memory_space<vmem_shared>> -> memref<40x128xf32, #tpu.memory_space<vmem_shared>>
    tpu.wait_dma2 semaphore(%arg14 : memref<!tpu.dma_semaphore, #tpu.memory_space<semaphore_mem>>) src(%arg9 : memref<40x128xf32, #tpu.memory_space<vmem>>) dst(%dma_wait3A_475 : memref<40x128xf32, #tpu.memory_space<vmem_shared>>)
    %mul3A_476 = arith.constant 640 : i32
    %mul3A_477 = arith.muli %arg1, %mul3A_476 : i32
    %dma_wait3A_478 = arith.constant 0 : i32
    %dma_wait3A_479 = tpu.memref_slice %arg10[%mul3A_477, %dma_wait3A_478] : memref<10240x128xf32, #tpu.memory_space<vmem_shared>> -> memref<40x128xf32, #tpu.memory_space<vmem_shared>>
    %dma_wait3A_480 = arith.constant 0 : i32
    %dma_wait3A_481 = tpu.memref_slice %arg10[%mul3A_477, %dma_wait3A_480] : memref<10240x128xf32, #tpu.memory_space<vmem_shared>> -> memref<40x128xf32, #tpu.memory_space<vmem_shared>>
    tpu.wait_dma2 semaphore(%arg14 : memref<!tpu.dma_semaphore, #tpu.memory_space<semaphore_mem>>) src(%arg9 : memref<40x128xf32, #tpu.memory_space<vmem>>) dst(%dma_wait3A_481 : memref<40x128xf32, #tpu.memory_space<vmem_shared>>)
    %mul3A_482 = arith.constant 640 : i32
    %mul3A_483 = arith.muli %arg1, %mul3A_482 : i32
    %dma_wait3A_484 = arith.constant 0 : i32
    %dma_wait3A_485 = tpu.memref_slice %arg10[%mul3A_483, %dma_wait3A_484] : memref<10240x128xf32, #tpu.memory_space<vmem_shared>> -> memref<40x128xf32, #tpu.memory_space<vmem_shared>>
    %dma_wait3A_486 = arith.constant 0 : i32
    %dma_wait3A_487 = tpu.memref_slice %arg10[%mul3A_483, %dma_wait3A_486] : memref<10240x128xf32, #tpu.memory_space<vmem_shared>> -> memref<40x128xf32, #tpu.memory_space<vmem_shared>>
    tpu.wait_dma2 semaphore(%arg14 : memref<!tpu.dma_semaphore, #tpu.memory_space<semaphore_mem>>) src(%arg9 : memref<40x128xf32, #tpu.memory_space<vmem>>) dst(%dma_wait3A_487 : memref<40x128xf32, #tpu.memory_space<vmem_shared>>)
    %barrier3A = arith.constant 0 : index
    tpu.barrier barrier_id(%barrier3A)
    %dma_wait3A_488 = arith.constant 0 : i32
    %dma_wait3A_489 = arith.constant 0 : i32
    %dma_wait3A_490 = arith.constant 0 : i32
    %dma_wait3A_491 = tpu.memref_slice %arg6[%dma_wait3A_489, %dma_wait3A_490] : memref<5x80xi32, #tpu.memory_space<vmem>> -> memref<1x80xi32, #tpu.memory_space<vmem>>
    %dma_wait3A_492 = tpu.memref_squeeze %dma_wait3A_491 : memref<1x80xi32, #tpu.memory_space<vmem>> -> memref<80xi32, #tpu.memory_space<vmem>>
    %dma_wait3A_493 = arith.constant 0 : i32
    %dma_wait3A_494 = tpu.memref_slice %arg3[%add3A, %dma_wait3A_488, %dma_wait3A_493] : memref<32x125x80xi32, #tpu.memory_space<hbm>> -> memref<1x1x80xi32, #tpu.memory_space<hbm>>
    %dma_wait3A_495 = tpu.memref_squeeze %dma_wait3A_494 : memref<1x1x80xi32, #tpu.memory_space<hbm>> -> memref<80xi32, #tpu.memory_space<hbm>>
    %dma_wait3A_496 = arith.constant 0 : i32
    %dma_wait3A_497 = tpu.memref_slice %arg6[%dma_wait3A_489, %dma_wait3A_496] : memref<5x80xi32, #tpu.memory_space<vmem>> -> memref<1x80xi32, #tpu.memory_space<vmem>>
    %dma_wait3A_498 = tpu.memref_squeeze %dma_wait3A_497 : memref<1x80xi32, #tpu.memory_space<vmem>> -> memref<80xi32, #tpu.memory_space<vmem>>
    %dma_wait3A_499 = arith.constant 0 : i32
    %dma_wait3A_500 = tpu.memref_slice %arg3[%add3A, %dma_wait3A_488, %dma_wait3A_499] : memref<32x125x80xi32, #tpu.memory_space<hbm>> -> memref<1x1x80xi32, #tpu.memory_space<hbm>>
    %dma_wait3A_501 = tpu.memref_squeeze %dma_wait3A_500 : memref<1x1x80xi32, #tpu.memory_space<hbm>> -> memref<80xi32, #tpu.memory_space<hbm>>
    tpu.wait_dma2 semaphore(%arg11 : memref<!tpu.dma_semaphore, #tpu.memory_space<semaphore_mem>>) src(%dma_wait3A_501 : memref<80xi32, #tpu.memory_space<hbm>>) dst(%dma_wait3A_498 : memref<80xi32, #tpu.memory_space<vmem>>)
    %dma_wait3A_502 = arith.constant 0 : i32
    %dma_wait3A_503 = arith.constant 0 : i32
    %dma_wait3A_504 = arith.constant 0 : i32
    %dma_wait3A_505 = tpu.memref_slice %arg7[%dma_wait3A_503, %dma_wait3A_504] : memref<5x80xi32, #tpu.memory_space<vmem>> -> memref<1x80xi32, #tpu.memory_space<vmem>>
    %dma_wait3A_506 = tpu.memref_squeeze %dma_wait3A_505 : memref<1x80xi32, #tpu.memory_space<vmem>> -> memref<80xi32, #tpu.memory_space<vmem>>
    %dma_wait3A_507 = arith.constant 0 : i32
    %dma_wait3A_508 = tpu.memref_slice %arg4[%add3A, %dma_wait3A_502, %dma_wait3A_507] : memref<32x125x80xi32, #tpu.memory_space<hbm>> -> memref<1x1x80xi32, #tpu.memory_space<hbm>>
    %dma_wait3A_509 = tpu.memref_squeeze %dma_wait3A_508 : memref<1x1x80xi32, #tpu.memory_space<hbm>> -> memref<80xi32, #tpu.memory_space<hbm>>
    %dma_wait3A_510 = arith.constant 0 : i32
    %dma_wait3A_511 = tpu.memref_slice %arg7[%dma_wait3A_503, %dma_wait3A_510] : memref<5x80xi32, #tpu.memory_space<vmem>> -> memref<1x80xi32, #tpu.memory_space<vmem>>
    %dma_wait3A_512 = tpu.memref_squeeze %dma_wait3A_511 : memref<1x80xi32, #tpu.memory_space<vmem>> -> memref<80xi32, #tpu.memory_space<vmem>>
    %dma_wait3A_513 = arith.constant 0 : i32
    %dma_wait3A_514 = tpu.memref_slice %arg4[%add3A, %dma_wait3A_502, %dma_wait3A_513] : memref<32x125x80xi32, #tpu.memory_space<hbm>> -> memref<1x1x80xi32, #tpu.memory_space<hbm>>
    %dma_wait3A_515 = tpu.memref_squeeze %dma_wait3A_514 : memref<1x1x80xi32, #tpu.memory_space<hbm>> -> memref<80xi32, #tpu.memory_space<hbm>>
    tpu.wait_dma2 semaphore(%arg11 : memref<!tpu.dma_semaphore, #tpu.memory_space<semaphore_mem>>) src(%dma_wait3A_515 : memref<80xi32, #tpu.memory_space<hbm>>) dst(%dma_wait3A_512 : memref<80xi32, #tpu.memory_space<vmem>>)
    %dma_start3A_516 = arith.constant 3 : i32
    %dma_start3A_517 = arith.constant 3 : i32
    %dma_start3A_518 = arith.constant 0 : i32
    %dma_start3A_519 = arith.constant 0 : i32
    %dma_start3A_520 = tpu.memref_slice %arg8[%dma_start3A_517, %dma_start3A_518, %dma_start3A_519] : memref<4x80x128xf32, #tpu.memory_space<vmem>> -> memref<1x80x128xf32, #tpu.memory_space<vmem>>
    %dma_start3A_521 = tpu.memref_squeeze %dma_start3A_520 : memref<1x80x128xf32, #tpu.memory_space<vmem>> -> memref<80x128xf32, #tpu.memory_space<vmem>>
    %dma_start3A_522 = arith.constant 0 : i32
    %dma_start3A_523 = tpu.memref_slice %arg6[%dma_start3A_516, %dma_start3A_522] : memref<5x80xi32, #tpu.memory_space<vmem>> -> memref<1x80xi32, #tpu.memory_space<vmem>>
    %dma_start3A_524 = tpu.memref_squeeze %dma_start3A_523 : memref<1x80xi32, #tpu.memory_space<vmem>> -> memref<80xi32, #tpu.memory_space<vmem>>
    %dma_start3A_525 = arith.constant 0 : i32
    %dma_start3A_526 = arith.constant 0 : i32
    %dma_start3A_527 = tpu.memref_slice %arg2[%dma_start3A_525, %dma_start3A_526] : memref<10000x128xf32, #tpu.memory_space<hbm>> -> memref<10000x128xf32, #tpu.memory_space<hbm>>
    tpu.enqueue_indirect_dma source(%dma_start3A_527 : memref<10000x128xf32, #tpu.memory_space<hbm>>) target(%dma_start3A_521 : memref<80x128xf32, #tpu.memory_space<vmem>>) offsets(%dma_start3A_524 : memref<80xi32, #tpu.memory_space<vmem>>) semaphore(%arg12 : memref<!tpu.dma_semaphore, #tpu.memory_space<semaphore_mem>>)
    %dma_wait3A_528 = arith.constant 0 : i32
    %dma_wait3A_529 = arith.constant 0 : i32
    %dma_wait3A_530 = arith.constant 0 : i32
    %dma_wait3A_531 = arith.constant 0 : i32
    %dma_wait3A_532 = tpu.memref_slice %arg8[%dma_wait3A_529, %dma_wait3A_530, %dma_wait3A_531] : memref<4x80x128xf32, #tpu.memory_space<vmem>> -> memref<1x80x128xf32, #tpu.memory_space<vmem>>
    %dma_wait3A_533 = tpu.memref_squeeze %dma_wait3A_532 : memref<1x80x128xf32, #tpu.memory_space<vmem>> -> memref<80x128xf32, #tpu.memory_space<vmem>>
    %dma_wait3A_534 = arith.constant 0 : i32
    %dma_wait3A_535 = tpu.memref_slice %arg6[%dma_wait3A_528, %dma_wait3A_534] : memref<5x80xi32, #tpu.memory_space<vmem>> -> memref<1x80xi32, #tpu.memory_space<vmem>>
    %dma_wait3A_536 = tpu.memref_squeeze %dma_wait3A_535 : memref<1x80xi32, #tpu.memory_space<vmem>> -> memref<80xi32, #tpu.memory_space<vmem>>
    %dma_wait3A_537 = arith.constant 0 : i32
    %dma_wait3A_538 = arith.constant 0 : i32
    %dma_wait3A_539 = tpu.memref_slice %arg2[%dma_wait3A_537, %dma_wait3A_538] : memref<10000x128xf32, #tpu.memory_space<hbm>> -> memref<10000x128xf32, #tpu.memory_space<hbm>>
    tpu.wait_indirect_dma semaphore(%arg12 : memref<!tpu.dma_semaphore, #tpu.memory_space<semaphore_mem>>) src(%dma_wait3A_539 : memref<10000x128xf32, #tpu.memory_space<hbm>>) dst(%dma_wait3A_533 : memref<80x128xf32, #tpu.memory_space<vmem>>)
    %dma_start3A_540 = arith.constant 0 : i32
    %dma_start3A_541 = arith.constant 0 : i32
    %dma_start3A_542 = arith.constant 0 : i32
    %dma_start3A_543 = arith.constant 0 : i32
    %dma_start3A_544 = tpu.memref_slice %arg8[%dma_start3A_540, %dma_start3A_542, %dma_start3A_543] : memref<4x80x128xf32, #tpu.memory_space<vmem>> -> memref<1x80x128xf32, #tpu.memory_space<vmem>>
    %dma_start3A_545 = tpu.memref_squeeze %dma_start3A_544 : memref<1x80x128xf32, #tpu.memory_space<vmem>> -> memref<80x128xf32, #tpu.memory_space<vmem>>
    %dma_start3A_546 = arith.constant 0 : i32
    %dma_start3A_547 = tpu.memref_slice %arg7[%dma_start3A_541, %dma_start3A_546] : memref<5x80xi32, #tpu.memory_space<vmem>> -> memref<1x80xi32, #tpu.memory_space<vmem>>
    %dma_start3A_548 = tpu.memref_squeeze %dma_start3A_547 : memref<1x80xi32, #tpu.memory_space<vmem>> -> memref<80xi32, #tpu.memory_space<vmem>>
    %dma_start3A_549 = arith.constant 0 : i32
    %dma_start3A_550 = arith.constant 0 : i32
    %dma_start3A_551 = tpu.memref_slice %arg10[%dma_start3A_549, %dma_start3A_550] : memref<10240x128xf32, #tpu.memory_space<vmem_shared>> -> memref<10240x128xf32, #tpu.memory_space<vmem_shared>>
    tpu.enqueue_indirect_dma source(%dma_start3A_545 : memref<80x128xf32, #tpu.memory_space<vmem>>) target(%dma_start3A_551 : memref<10240x128xf32, #tpu.memory_space<vmem_shared>>) offsets(%dma_start3A_548 : memref<80xi32, #tpu.memory_space<vmem>>) semaphore(%arg13 : memref<!tpu.dma_semaphore, #tpu.memory_space<semaphore_mem>>) {add = true}
    %scan3A_552 = arith.constant 0 : i32
    %scan3A_553 = arith.constant 1 : i32
    %scan3A_554 = arith.constant 120 : i32
    %scan3A_555 = arith.addi %scan3A_553, %scan3A_554 : i32
    %scan3A_556 = arith.constant 1 : i32
    scf.for %scan3A_762 = %scan3A_553 to %scan3A_555 step %scan3A_556  : i32 {
      %dma_wait3A_763 = arith.constant 0 : i32
      %dma_wait3A_764 = arith.constant 0 : i32
      %dma_wait3A_765 = arith.constant 0 : i32
      %dma_wait3A_766 = arith.constant 0 : i32
      %dma_wait3A_767 = tpu.memref_slice %arg8[%dma_wait3A_763, %dma_wait3A_765, %dma_wait3A_766] : memref<4x80x128xf32, #tpu.memory_space<vmem>> -> memref<1x80x128xf32, #tpu.memory_space<vmem>>
      %dma_wait3A_768 = tpu.memref_squeeze %dma_wait3A_767 : memref<1x80x128xf32, #tpu.memory_space<vmem>> -> memref<80x128xf32, #tpu.memory_space<vmem>>
      %dma_wait3A_769 = arith.constant 0 : i32
      %dma_wait3A_770 = tpu.memref_slice %arg7[%dma_wait3A_764, %dma_wait3A_769] : memref<5x80xi32, #tpu.memory_space<vmem>> -> memref<1x80xi32, #tpu.memory_space<vmem>>
      %dma_wait3A_771 = tpu.memref_squeeze %dma_wait3A_770 : memref<1x80xi32, #tpu.memory_space<vmem>> -> memref<80xi32, #tpu.memory_space<vmem>>
      %dma_wait3A_772 = arith.constant 0 : i32
      %dma_wait3A_773 = arith.constant 0 : i32
      %dma_wait3A_774 = tpu.memref_slice %arg10[%dma_wait3A_772, %dma_wait3A_773] : memref<10240x128xf32, #tpu.memory_space<vmem_shared>> -> memref<10240x128xf32, #tpu.memory_space<vmem_shared>>
      tpu.wait_indirect_dma semaphore(%arg13 : memref<!tpu.dma_semaphore, #tpu.memory_space<semaphore_mem>>) src(%dma_wait3A_768 : memref<80x128xf32, #tpu.memory_space<vmem>>) dst(%dma_wait3A_774 : memref<10240x128xf32, #tpu.memory_space<vmem_shared>>)
      %add3A_775 = arith.constant 4 : i32
      %add3A_776 = arith.addi %scan3A_762, %add3A_775 : i32
      %jit3A = arith.constant 5 : i32
      %eq3A = arith.constant 0 : i32
      %eq3A_777 = arith.cmpi eq, %jit3A, %eq3A : i32
      %jit3A_778 = arith.constant 1 : i32
      %select_n3A = arith.select %eq3A_777, %jit3A_778, %jit3A : i32
      %rem3A = arith.remsi %add3A_776, %select_n3A : i32
      %ne3A = arith.constant 0 : i32
      %ne3A_779 = arith.cmpi ne, %rem3A, %ne3A : i32
      %lt3A = arith.constant 0 : i32
      %lt3A_780 = arith.cmpi slt, %rem3A, %lt3A : i32
      %lt3A_781 = arith.constant 0 : i32
      %lt3A_782 = arith.cmpi slt, %select_n3A, %lt3A_781 : i32
      %ne3A_783 = arith.xori %lt3A_780, %lt3A_782 : i1
      %and3A = arith.andi %ne3A_783, %ne3A_779 : i1
      %add3A_784 = arith.addi %rem3A, %select_n3A : i32
      %select_n3A_785 = arith.select %and3A, %add3A_784, %rem3A : i32
      %dma_start3A_786 = arith.constant 0 : i32
      %dma_start3A_787 = tpu.memref_slice %arg6[%select_n3A_785, %dma_start3A_786] : memref<5x80xi32, #tpu.memory_space<vmem>> -> memref<1x80xi32, #tpu.memory_space<vmem>>
      %dma_start3A_788 = tpu.memref_squeeze %dma_start3A_787 : memref<1x80xi32, #tpu.memory_space<vmem>> -> memref<80xi32, #tpu.memory_space<vmem>>
      %dma_start3A_789 = arith.constant 0 : i32
      %dma_start3A_790 = tpu.memref_slice %arg3[%add3A, %add3A_776, %dma_start3A_789] : memref<32x125x80xi32, #tpu.memory_space<hbm>> -> memref<1x1x80xi32, #tpu.memory_space<hbm>>
      %dma_start3A_791 = tpu.memref_squeeze %dma_start3A_790 : memref<1x1x80xi32, #tpu.memory_space<hbm>> -> memref<80xi32, #tpu.memory_space<hbm>>
      %dma_start3A_792 = arith.constant 0 : i32
      %dma_start3A_793 = tpu.memref_slice %arg6[%select_n3A_785, %dma_start3A_792] : memref<5x80xi32, #tpu.memory_space<vmem>> -> memref<1x80xi32, #tpu.memory_space<vmem>>
      %dma_start3A_794 = tpu.memref_squeeze %dma_start3A_793 : memref<1x80xi32, #tpu.memory_space<vmem>> -> memref<80xi32, #tpu.memory_space<vmem>>
      %dma_start3A_795 = arith.constant 0 : i32
      %dma_start3A_796 = tpu.memref_slice %arg3[%add3A, %add3A_776, %dma_start3A_795] : memref<32x125x80xi32, #tpu.memory_space<hbm>> -> memref<1x1x80xi32, #tpu.memory_space<hbm>>
      %dma_start3A_797 = tpu.memref_squeeze %dma_start3A_796 : memref<1x1x80xi32, #tpu.memory_space<hbm>> -> memref<80xi32, #tpu.memory_space<hbm>>
      tpu.enqueue_dma source(%dma_start3A_797 : memref<80xi32, #tpu.memory_space<hbm>>) target(%dma_start3A_794 : memref<80xi32, #tpu.memory_space<vmem>>) target_semaphore(%arg11 : memref<!tpu.dma_semaphore, #tpu.memory_space<semaphore_mem>>)
      %jit3A_798 = arith.constant 5 : i32
      %eq3A_799 = arith.constant 0 : i32
      %eq3A_800 = arith.cmpi eq, %jit3A_798, %eq3A_799 : i32
      %jit3A_801 = arith.constant 1 : i32
      %select_n3A_802 = arith.select %eq3A_800, %jit3A_801, %jit3A_798 : i32
      %rem3A_803 = arith.remsi %add3A_776, %select_n3A_802 : i32
      %ne3A_804 = arith.constant 0 : i32
      %ne3A_805 = arith.cmpi ne, %rem3A_803, %ne3A_804 : i32
      %lt3A_806 = arith.constant 0 : i32
      %lt3A_807 = arith.cmpi slt, %rem3A_803, %lt3A_806 : i32
      %lt3A_808 = arith.constant 0 : i32
      %lt3A_809 = arith.cmpi slt, %select_n3A_802, %lt3A_808 : i32
      %ne3A_810 = arith.xori %lt3A_807, %lt3A_809 : i1
      %and3A_811 = arith.andi %ne3A_810, %ne3A_805 : i1
      %add3A_812 = arith.addi %rem3A_803, %select_n3A_802 : i32
      %select_n3A_813 = arith.select %and3A_811, %add3A_812, %rem3A_803 : i32
      %dma_start3A_814 = arith.constant 0 : i32
      %dma_start3A_815 = tpu.memref_slice %arg7[%select_n3A_813, %dma_start3A_814] : memref<5x80xi32, #tpu.memory_space<vmem>> -> memref<1x80xi32, #tpu.memory_space<vmem>>
      %dma_start3A_816 = tpu.memref_squeeze %dma_start3A_815 : memref<1x80xi32, #tpu.memory_space<vmem>> -> memref<80xi32, #tpu.memory_space<vmem>>
      %dma_start3A_817 = arith.constant 0 : i32
      %dma_start3A_818 = tpu.memref_slice %arg4[%add3A, %add3A_776, %dma_start3A_817] : memref<32x125x80xi32, #tpu.memory_space<hbm>> -> memref<1x1x80xi32, #tpu.memory_space<hbm>>
      %dma_start3A_819 = tpu.memref_squeeze %dma_start3A_818 : memref<1x1x80xi32, #tpu.memory_space<hbm>> -> memref<80xi32, #tpu.memory_space<hbm>>
      %dma_start3A_820 = arith.constant 0 : i32
      %dma_start3A_821 = tpu.memref_slice %arg7[%select_n3A_813, %dma_start3A_820] : memref<5x80xi32, #tpu.memory_space<vmem>> -> memref<1x80xi32, #tpu.memory_space<vmem>>
      %dma_start3A_822 = tpu.memref_squeeze %dma_start3A_821 : memref<1x80xi32, #tpu.memory_space<vmem>> -> memref<80xi32, #tpu.memory_space<vmem>>
      %dma_start3A_823 = arith.constant 0 : i32
      %dma_start3A_824 = tpu.memref_slice %arg4[%add3A, %add3A_776, %dma_start3A_823] : memref<32x125x80xi32, #tpu.memory_space<hbm>> -> memref<1x1x80xi32, #tpu.memory_space<hbm>>
      %dma_start3A_825 = tpu.memref_squeeze %dma_start3A_824 : memref<1x1x80xi32, #tpu.memory_space<hbm>> -> memref<80xi32, #tpu.memory_space<hbm>>
      tpu.enqueue_dma source(%dma_start3A_825 : memref<80xi32, #tpu.memory_space<hbm>>) target(%dma_start3A_822 : memref<80xi32, #tpu.memory_space<vmem>>) target_semaphore(%arg11 : memref<!tpu.dma_semaphore, #tpu.memory_space<semaphore_mem>>)
      %dma_wait3A_826 = arith.constant 0 : i32
      %dma_wait3A_827 = arith.constant 0 : i32
      %dma_wait3A_828 = arith.constant 0 : i32
      %dma_wait3A_829 = tpu.memref_slice %arg6[%dma_wait3A_827, %dma_wait3A_828] : memref<5x80xi32, #tpu.memory_space<vmem>> -> memref<1x80xi32, #tpu.memory_space<vmem>>
      %dma_wait3A_830 = tpu.memref_squeeze %dma_wait3A_829 : memref<1x80xi32, #tpu.memory_space<vmem>> -> memref<80xi32, #tpu.memory_space<vmem>>
      %dma_wait3A_831 = arith.constant 0 : i32
      %dma_wait3A_832 = tpu.memref_slice %arg3[%add3A, %dma_wait3A_826, %dma_wait3A_831] : memref<32x125x80xi32, #tpu.memory_space<hbm>> -> memref<1x1x80xi32, #tpu.memory_space<hbm>>
      %dma_wait3A_833 = tpu.memref_squeeze %dma_wait3A_832 : memref<1x1x80xi32, #tpu.memory_space<hbm>> -> memref<80xi32, #tpu.memory_space<hbm>>
      %dma_wait3A_834 = arith.constant 0 : i32
      %dma_wait3A_835 = tpu.memref_slice %arg6[%dma_wait3A_827, %dma_wait3A_834] : memref<5x80xi32, #tpu.memory_space<vmem>> -> memref<1x80xi32, #tpu.memory_space<vmem>>
      %dma_wait3A_836 = tpu.memref_squeeze %dma_wait3A_835 : memref<1x80xi32, #tpu.memory_space<vmem>> -> memref<80xi32, #tpu.memory_space<vmem>>
      %dma_wait3A_837 = arith.constant 0 : i32
      %dma_wait3A_838 = tpu.memref_slice %arg3[%add3A, %dma_wait3A_826, %dma_wait3A_837] : memref<32x125x80xi32, #tpu.memory_space<hbm>> -> memref<1x1x80xi32, #tpu.memory_space<hbm>>
      %dma_wait3A_839 = tpu.memref_squeeze %dma_wait3A_838 : memref<1x1x80xi32, #tpu.memory_space<hbm>> -> memref<80xi32, #tpu.memory_space<hbm>>
      tpu.wait_dma2 semaphore(%arg11 : memref<!tpu.dma_semaphore, #tpu.memory_space<semaphore_mem>>) src(%dma_wait3A_839 : memref<80xi32, #tpu.memory_space<hbm>>) dst(%dma_wait3A_836 : memref<80xi32, #tpu.memory_space<vmem>>)
      %dma_wait3A_840 = arith.constant 0 : i32
      %dma_wait3A_841 = arith.constant 0 : i32
      %dma_wait3A_842 = arith.constant 0 : i32
      %dma_wait3A_843 = tpu.memref_slice %arg7[%dma_wait3A_841, %dma_wait3A_842] : memref<5x80xi32, #tpu.memory_space<vmem>> -> memref<1x80xi32, #tpu.memory_space<vmem>>
      %dma_wait3A_844 = tpu.memref_squeeze %dma_wait3A_843 : memref<1x80xi32, #tpu.memory_space<vmem>> -> memref<80xi32, #tpu.memory_space<vmem>>
      %dma_wait3A_845 = arith.constant 0 : i32
      %dma_wait3A_846 = tpu.memref_slice %arg4[%add3A, %dma_wait3A_840, %dma_wait3A_845] : memref<32x125x80xi32, #tpu.memory_space<hbm>> -> memref<1x1x80xi32, #tpu.memory_space<hbm>>
      %dma_wait3A_847 = tpu.memref_squeeze %dma_wait3A_846 : memref<1x1x80xi32, #tpu.memory_space<hbm>> -> memref<80xi32, #tpu.memory_space<hbm>>
      %dma_wait3A_848 = arith.constant 0 : i32
      %dma_wait3A_849 = tpu.memref_slice %arg7[%dma_wait3A_841, %dma_wait3A_848] : memref<5x80xi32, #tpu.memory_space<vmem>> -> memref<1x80xi32, #tpu.memory_space<vmem>>
      %dma_wait3A_850 = tpu.memref_squeeze %dma_wait3A_849 : memref<1x80xi32, #tpu.memory_space<vmem>> -> memref<80xi32, #tpu.memory_space<vmem>>
      %dma_wait3A_851 = arith.constant 0 : i32
      %dma_wait3A_852 = tpu.memref_slice %arg4[%add3A, %dma_wait3A_840, %dma_wait3A_851] : memref<32x125x80xi32, #tpu.memory_space<hbm>> -> memref<1x1x80xi32, #tpu.memory_space<hbm>>
      %dma_wait3A_853 = tpu.memref_squeeze %dma_wait3A_852 : memref<1x1x80xi32, #tpu.memory_space<hbm>> -> memref<80xi32, #tpu.memory_space<hbm>>
      tpu.wait_dma2 semaphore(%arg11 : memref<!tpu.dma_semaphore, #tpu.memory_space<semaphore_mem>>) src(%dma_wait3A_853 : memref<80xi32, #tpu.memory_space<hbm>>) dst(%dma_wait3A_850 : memref<80xi32, #tpu.memory_space<vmem>>)
      %add3A_854 = arith.constant 3 : i32
      %add3A_855 = arith.addi %scan3A_762, %add3A_854 : i32
      %jit3A_856 = arith.constant 5 : i32
      %eq3A_857 = arith.constant 0 : i32
      %eq3A_858 = arith.cmpi eq, %jit3A_856, %eq3A_857 : i32
      %jit3A_859 = arith.constant 1 : i32
      %select_n3A_860 = arith.select %eq3A_858, %jit3A_859, %jit3A_856 : i32
      %rem3A_861 = arith.remsi %add3A_855, %select_n3A_860 : i32
      %ne3A_862 = arith.constant 0 : i32
      %ne3A_863 = arith.cmpi ne, %rem3A_861, %ne3A_862 : i32
      %lt3A_864 = arith.constant 0 : i32
      %lt3A_865 = arith.cmpi slt, %rem3A_861, %lt3A_864 : i32
      %lt3A_866 = arith.constant 0 : i32
      %lt3A_867 = arith.cmpi slt, %select_n3A_860, %lt3A_866 : i32
      %ne3A_868 = arith.xori %lt3A_865, %lt3A_867 : i1
      %and3A_869 = arith.andi %ne3A_868, %ne3A_863 : i1
      %add3A_870 = arith.addi %rem3A_861, %select_n3A_860 : i32
      %select_n3A_871 = arith.select %and3A_869, %add3A_870, %rem3A_861 : i32
      %jit3A_872 = arith.constant 4 : i32
      %eq3A_873 = arith.constant 0 : i32
      %eq3A_874 = arith.cmpi eq, %jit3A_872, %eq3A_873 : i32
      %jit3A_875 = arith.constant 1 : i32
      %select_n3A_876 = arith.select %eq3A_874, %jit3A_875, %jit3A_872 : i32
      %rem3A_877 = arith.remsi %add3A_855, %select_n3A_876 : i32
      %ne3A_878 = arith.constant 0 : i32
      %ne3A_879 = arith.cmpi ne, %rem3A_877, %ne3A_878 : i32
      %lt3A_880 = arith.constant 0 : i32
      %lt3A_881 = arith.cmpi slt, %rem3A_877, %lt3A_880 : i32
      %lt3A_882 = arith.constant 0 : i32
      %lt3A_883 = arith.cmpi slt, %select_n3A_876, %lt3A_882 : i32
      %ne3A_884 = arith.xori %lt3A_881, %lt3A_883 : i1
      %and3A_885 = arith.andi %ne3A_884, %ne3A_879 : i1
      %add3A_886 = arith.addi %rem3A_877, %select_n3A_876 : i32
      %select_n3A_887 = arith.select %and3A_885, %add3A_886, %rem3A_877 : i32
      %dma_start3A_888 = arith.constant 0 : i32
      %dma_start3A_889 = arith.constant 0 : i32
      %dma_start3A_890 = tpu.memref_slice %arg8[%select_n3A_887, %dma_start3A_888, %dma_start3A_889] : memref<4x80x128xf32, #tpu.memory_space<vmem>> -> memref<1x80x128xf32, #tpu.memory_space<vmem>>
      %dma_start3A_891 = tpu.memref_squeeze %dma_start3A_890 : memref<1x80x128xf32, #tpu.memory_space<vmem>> -> memref<80x128xf32, #tpu.memory_space<vmem>>
      %dma_start3A_892 = arith.constant 0 : i32
      %dma_start3A_893 = tpu.memref_slice %arg6[%select_n3A_871, %dma_start3A_892] : memref<5x80xi32, #tpu.memory_space<vmem>> -> memref<1x80xi32, #tpu.memory_space<vmem>>
      %dma_start3A_894 = tpu.memref_squeeze %dma_start3A_893 : memref<1x80xi32, #tpu.memory_space<vmem>> -> memref<80xi32, #tpu.memory_space<vmem>>
      %dma_start3A_895 = arith.constant 0 : i32
      %dma_start3A_896 = arith.constant 0 : i32
      %dma_start3A_897 = tpu.memref_slice %arg2[%dma_start3A_895, %dma_start3A_896] : memref<10000x128xf32, #tpu.memory_space<hbm>> -> memref<10000x128xf32, #tpu.memory_space<hbm>>
      tpu.enqueue_indirect_dma source(%dma_start3A_897 : memref<10000x128xf32, #tpu.memory_space<hbm>>) target(%dma_start3A_891 : memref<80x128xf32, #tpu.memory_space<vmem>>) offsets(%dma_start3A_894 : memref<80xi32, #tpu.memory_space<vmem>>) semaphore(%arg12 : memref<!tpu.dma_semaphore, #tpu.memory_space<semaphore_mem>>)
      %dma_wait3A_898 = arith.constant 0 : i32
      %dma_wait3A_899 = arith.constant 0 : i32
      %dma_wait3A_900 = arith.constant 0 : i32
      %dma_wait3A_901 = arith.constant 0 : i32
      %dma_wait3A_902 = tpu.memref_slice %arg8[%dma_wait3A_899, %dma_wait3A_900, %dma_wait3A_901] : memref<4x80x128xf32, #tpu.memory_space<vmem>> -> memref<1x80x128xf32, #tpu.memory_space<vmem>>
      %dma_wait3A_903 = tpu.memref_squeeze %dma_wait3A_902 : memref<1x80x128xf32, #tpu.memory_space<vmem>> -> memref<80x128xf32, #tpu.memory_space<vmem>>
      %dma_wait3A_904 = arith.constant 0 : i32
      %dma_wait3A_905 = tpu.memref_slice %arg6[%dma_wait3A_898, %dma_wait3A_904] : memref<5x80xi32, #tpu.memory_space<vmem>> -> memref<1x80xi32, #tpu.memory_space<vmem>>
      %dma_wait3A_906 = tpu.memref_squeeze %dma_wait3A_905 : memref<1x80xi32, #tpu.memory_space<vmem>> -> memref<80xi32, #tpu.memory_space<vmem>>
      %dma_wait3A_907 = arith.constant 0 : i32
      %dma_wait3A_908 = arith.constant 0 : i32
      %dma_wait3A_909 = tpu.memref_slice %arg2[%dma_wait3A_907, %dma_wait3A_908] : memref<10000x128xf32, #tpu.memory_space<hbm>> -> memref<10000x128xf32, #tpu.memory_space<hbm>>
      tpu.wait_indirect_dma semaphore(%arg12 : memref<!tpu.dma_semaphore, #tpu.memory_space<semaphore_mem>>) src(%dma_wait3A_909 : memref<10000x128xf32, #tpu.memory_space<hbm>>) dst(%dma_wait3A_903 : memref<80x128xf32, #tpu.memory_space<vmem>>)
      %jit3A_910 = arith.constant 4 : i32
      %eq3A_911 = arith.constant 0 : i32
      %eq3A_912 = arith.cmpi eq, %jit3A_910, %eq3A_911 : i32
      %jit3A_913 = arith.constant 1 : i32
      %select_n3A_914 = arith.select %eq3A_912, %jit3A_913, %jit3A_910 : i32
      %rem3A_915 = arith.remsi %scan3A_762, %select_n3A_914 : i32
      %ne3A_916 = arith.constant 0 : i32
      %ne3A_917 = arith.cmpi ne, %rem3A_915, %ne3A_916 : i32
      %lt3A_918 = arith.constant 0 : i32
      %lt3A_919 = arith.cmpi slt, %rem3A_915, %lt3A_918 : i32
      %lt3A_920 = arith.constant 0 : i32
      %lt3A_921 = arith.cmpi slt, %select_n3A_914, %lt3A_920 : i32
      %ne3A_922 = arith.xori %lt3A_919, %lt3A_921 : i1
      %and3A_923 = arith.andi %ne3A_922, %ne3A_917 : i1
      %add3A_924 = arith.addi %rem3A_915, %select_n3A_914 : i32
      %select_n3A_925 = arith.select %and3A_923, %add3A_924, %rem3A_915 : i32
      %jit3A_926 = arith.constant 5 : i32
      %eq3A_927 = arith.constant 0 : i32
      %eq3A_928 = arith.cmpi eq, %jit3A_926, %eq3A_927 : i32
      %jit3A_929 = arith.constant 1 : i32
      %select_n3A_930 = arith.select %eq3A_928, %jit3A_929, %jit3A_926 : i32
      %rem3A_931 = arith.remsi %scan3A_762, %select_n3A_930 : i32
      %ne3A_932 = arith.constant 0 : i32
      %ne3A_933 = arith.cmpi ne, %rem3A_931, %ne3A_932 : i32
      %lt3A_934 = arith.constant 0 : i32
      %lt3A_935 = arith.cmpi slt, %rem3A_931, %lt3A_934 : i32
      %lt3A_936 = arith.constant 0 : i32
      %lt3A_937 = arith.cmpi slt, %select_n3A_930, %lt3A_936 : i32
      %ne3A_938 = arith.xori %lt3A_935, %lt3A_937 : i1
      %and3A_939 = arith.andi %ne3A_938, %ne3A_933 : i1
      %add3A_940 = arith.addi %rem3A_931, %select_n3A_930 : i32
      %select_n3A_941 = arith.select %and3A_939, %add3A_940, %rem3A_931 : i32
      %dma_start3A_942 = arith.constant 0 : i32
      %dma_start3A_943 = arith.constant 0 : i32
      %dma_start3A_944 = tpu.memref_slice %arg8[%select_n3A_925, %dma_start3A_942, %dma_start3A_943] : memref<4x80x128xf32, #tpu.memory_space<vmem>> -> memref<1x80x128xf32, #tpu.memory_space<vmem>>
      %dma_start3A_945 = tpu.memref_squeeze %dma_start3A_944 : memref<1x80x128xf32, #tpu.memory_space<vmem>> -> memref<80x128xf32, #tpu.memory_space<vmem>>
      %dma_start3A_946 = arith.constant 0 : i32
      %dma_start3A_947 = tpu.memref_slice %arg7[%select_n3A_941, %dma_start3A_946] : memref<5x80xi32, #tpu.memory_space<vmem>> -> memref<1x80xi32, #tpu.memory_space<vmem>>
      %dma_start3A_948 = tpu.memref_squeeze %dma_start3A_947 : memref<1x80xi32, #tpu.memory_space<vmem>> -> memref<80xi32, #tpu.memory_space<vmem>>
      %dma_start3A_949 = arith.constant 0 : i32
      %dma_start3A_950 = arith.constant 0 : i32
      %dma_start3A_951 = tpu.memref_slice %arg10[%dma_start3A_949, %dma_start3A_950] : memref<10240x128xf32, #tpu.memory_space<vmem_shared>> -> memref<10240x128xf32, #tpu.memory_space<vmem_shared>>
      tpu.enqueue_indirect_dma source(%dma_start3A_945 : memref<80x128xf32, #tpu.memory_space<vmem>>) target(%dma_start3A_951 : memref<10240x128xf32, #tpu.memory_space<vmem_shared>>) offsets(%dma_start3A_948 : memref<80xi32, #tpu.memory_space<vmem>>) semaphore(%arg13 : memref<!tpu.dma_semaphore, #tpu.memory_space<semaphore_mem>>) {add = true}
    }
    %scan3A_557 = arith.constant 120 : i32
    %dma_wait3A_558 = arith.constant 0 : i32
    %dma_wait3A_559 = arith.constant 0 : i32
    %dma_wait3A_560 = arith.constant 0 : i32
    %dma_wait3A_561 = arith.constant 0 : i32
    %dma_wait3A_562 = tpu.memref_slice %arg8[%dma_wait3A_558, %dma_wait3A_560, %dma_wait3A_561] : memref<4x80x128xf32, #tpu.memory_space<vmem>> -> memref<1x80x128xf32, #tpu.memory_space<vmem>>
    %dma_wait3A_563 = tpu.memref_squeeze %dma_wait3A_562 : memref<1x80x128xf32, #tpu.memory_space<vmem>> -> memref<80x128xf32, #tpu.memory_space<vmem>>
    %dma_wait3A_564 = arith.constant 0 : i32
    %dma_wait3A_565 = tpu.memref_slice %arg7[%dma_wait3A_559, %dma_wait3A_564] : memref<5x80xi32, #tpu.memory_space<vmem>> -> memref<1x80xi32, #tpu.memory_space<vmem>>
    %dma_wait3A_566 = tpu.memref_squeeze %dma_wait3A_565 : memref<1x80xi32, #tpu.memory_space<vmem>> -> memref<80xi32, #tpu.memory_space<vmem>>
    %dma_wait3A_567 = arith.constant 0 : i32
    %dma_wait3A_568 = arith.constant 0 : i32
    %dma_wait3A_569 = tpu.memref_slice %arg10[%dma_wait3A_567, %dma_wait3A_568] : memref<10240x128xf32, #tpu.memory_space<vmem_shared>> -> memref<10240x128xf32, #tpu.memory_space<vmem_shared>>
    tpu.wait_indirect_dma semaphore(%arg13 : memref<!tpu.dma_semaphore, #tpu.memory_space<semaphore_mem>>) src(%dma_wait3A_563 : memref<80x128xf32, #tpu.memory_space<vmem>>) dst(%dma_wait3A_569 : memref<10240x128xf32, #tpu.memory_space<vmem_shared>>)
    %dma_wait3A_570 = arith.constant 0 : i32
    %dma_wait3A_571 = arith.constant 0 : i32
    %dma_wait3A_572 = arith.constant 0 : i32
    %dma_wait3A_573 = tpu.memref_slice %arg6[%dma_wait3A_571, %dma_wait3A_572] : memref<5x80xi32, #tpu.memory_space<vmem>> -> memref<1x80xi32, #tpu.memory_space<vmem>>
    %dma_wait3A_574 = tpu.memref_squeeze %dma_wait3A_573 : memref<1x80xi32, #tpu.memory_space<vmem>> -> memref<80xi32, #tpu.memory_space<vmem>>
    %dma_wait3A_575 = arith.constant 0 : i32
    %dma_wait3A_576 = tpu.memref_slice %arg3[%add3A, %dma_wait3A_570, %dma_wait3A_575] : memref<32x125x80xi32, #tpu.memory_space<hbm>> -> memref<1x1x80xi32, #tpu.memory_space<hbm>>
    %dma_wait3A_577 = tpu.memref_squeeze %dma_wait3A_576 : memref<1x1x80xi32, #tpu.memory_space<hbm>> -> memref<80xi32, #tpu.memory_space<hbm>>
    %dma_wait3A_578 = arith.constant 0 : i32
    %dma_wait3A_579 = tpu.memref_slice %arg6[%dma_wait3A_571, %dma_wait3A_578] : memref<5x80xi32, #tpu.memory_space<vmem>> -> memref<1x80xi32, #tpu.memory_space<vmem>>
    %dma_wait3A_580 = tpu.memref_squeeze %dma_wait3A_579 : memref<1x80xi32, #tpu.memory_space<vmem>> -> memref<80xi32, #tpu.memory_space<vmem>>
    %dma_wait3A_581 = arith.constant 0 : i32
    %dma_wait3A_582 = tpu.memref_slice %arg3[%add3A, %dma_wait3A_570, %dma_wait3A_581] : memref<32x125x80xi32, #tpu.memory_space<hbm>> -> memref<1x1x80xi32, #tpu.memory_space<hbm>>
    %dma_wait3A_583 = tpu.memref_squeeze %dma_wait3A_582 : memref<1x1x80xi32, #tpu.memory_space<hbm>> -> memref<80xi32, #tpu.memory_space<hbm>>
    tpu.wait_dma2 semaphore(%arg11 : memref<!tpu.dma_semaphore, #tpu.memory_space<semaphore_mem>>) src(%dma_wait3A_583 : memref<80xi32, #tpu.memory_space<hbm>>) dst(%dma_wait3A_580 : memref<80xi32, #tpu.memory_space<vmem>>)
    %dma_wait3A_584 = arith.constant 0 : i32
    %dma_wait3A_585 = arith.constant 0 : i32
    %dma_wait3A_586 = arith.constant 0 : i32
    %dma_wait3A_587 = tpu.memref_slice %arg7[%dma_wait3A_585, %dma_wait3A_586] : memref<5x80xi32, #tpu.memory_space<vmem>> -> memref<1x80xi32, #tpu.memory_space<vmem>>
    %dma_wait3A_588 = tpu.memref_squeeze %dma_wait3A_587 : memref<1x80xi32, #tpu.memory_space<vmem>> -> memref<80xi32, #tpu.memory_space<vmem>>
    %dma_wait3A_589 = arith.constant 0 : i32
    %dma_wait3A_590 = tpu.memref_slice %arg4[%add3A, %dma_wait3A_584, %dma_wait3A_589] : memref<32x125x80xi32, #tpu.memory_space<hbm>> -> memref<1x1x80xi32, #tpu.memory_space<hbm>>
    %dma_wait3A_591 = tpu.memref_squeeze %dma_wait3A_590 : memref<1x1x80xi32, #tpu.memory_space<hbm>> -> memref<80xi32, #tpu.memory_space<hbm>>
    %dma_wait3A_592 = arith.constant 0 : i32
    %dma_wait3A_593 = tpu.memref_slice %arg7[%dma_wait3A_585, %dma_wait3A_592] : memref<5x80xi32, #tpu.memory_space<vmem>> -> memref<1x80xi32, #tpu.memory_space<vmem>>
    %dma_wait3A_594 = tpu.memref_squeeze %dma_wait3A_593 : memref<1x80xi32, #tpu.memory_space<vmem>> -> memref<80xi32, #tpu.memory_space<vmem>>
    %dma_wait3A_595 = arith.constant 0 : i32
    %dma_wait3A_596 = tpu.memref_slice %arg4[%add3A, %dma_wait3A_584, %dma_wait3A_595] : memref<32x125x80xi32, #tpu.memory_space<hbm>> -> memref<1x1x80xi32, #tpu.memory_space<hbm>>
    %dma_wait3A_597 = tpu.memref_squeeze %dma_wait3A_596 : memref<1x1x80xi32, #tpu.memory_space<hbm>> -> memref<80xi32, #tpu.memory_space<hbm>>
    tpu.wait_dma2 semaphore(%arg11 : memref<!tpu.dma_semaphore, #tpu.memory_space<semaphore_mem>>) src(%dma_wait3A_597 : memref<80xi32, #tpu.memory_space<hbm>>) dst(%dma_wait3A_594 : memref<80xi32, #tpu.memory_space<vmem>>)
    %dma_start3A_598 = arith.constant 4 : i32
    %dma_start3A_599 = arith.constant 0 : i32
    %dma_start3A_600 = arith.constant 0 : i32
    %dma_start3A_601 = arith.constant 0 : i32
    %dma_start3A_602 = tpu.memref_slice %arg8[%dma_start3A_599, %dma_start3A_600, %dma_start3A_601] : memref<4x80x128xf32, #tpu.memory_space<vmem>> -> memref<1x80x128xf32, #tpu.memory_space<vmem>>
    %dma_start3A_603 = tpu.memref_squeeze %dma_start3A_602 : memref<1x80x128xf32, #tpu.memory_space<vmem>> -> memref<80x128xf32, #tpu.memory_space<vmem>>
    %dma_start3A_604 = arith.constant 0 : i32
    %dma_start3A_605 = tpu.memref_slice %arg6[%dma_start3A_598, %dma_start3A_604] : memref<5x80xi32, #tpu.memory_space<vmem>> -> memref<1x80xi32, #tpu.memory_space<vmem>>
    %dma_start3A_606 = tpu.memref_squeeze %dma_start3A_605 : memref<1x80xi32, #tpu.memory_space<vmem>> -> memref<80xi32, #tpu.memory_space<vmem>>
    %dma_start3A_607 = arith.constant 0 : i32
    %dma_start3A_608 = arith.constant 0 : i32
    %dma_start3A_609 = tpu.memref_slice %arg2[%dma_start3A_607, %dma_start3A_608] : memref<10000x128xf32, #tpu.memory_space<hbm>> -> memref<10000x128xf32, #tpu.memory_space<hbm>>
    tpu.enqueue_indirect_dma source(%dma_start3A_609 : memref<10000x128xf32, #tpu.memory_space<hbm>>) target(%dma_start3A_603 : memref<80x128xf32, #tpu.memory_space<vmem>>) offsets(%dma_start3A_606 : memref<80xi32, #tpu.memory_space<vmem>>) semaphore(%arg12 : memref<!tpu.dma_semaphore, #tpu.memory_space<semaphore_mem>>)
    %dma_wait3A_610 = arith.constant 0 : i32
    %dma_wait3A_611 = arith.constant 0 : i32
    %dma_wait3A_612 = arith.constant 0 : i32
    %dma_wait3A_613 = arith.constant 0 : i32
    %dma_wait3A_614 = tpu.memref_slice %arg8[%dma_wait3A_611, %dma_wait3A_612, %dma_wait3A_613] : memref<4x80x128xf32, #tpu.memory_space<vmem>> -> memref<1x80x128xf32, #tpu.memory_space<vmem>>
    %dma_wait3A_615 = tpu.memref_squeeze %dma_wait3A_614 : memref<1x80x128xf32, #tpu.memory_space<vmem>> -> memref<80x128xf32, #tpu.memory_space<vmem>>
    %dma_wait3A_616 = arith.constant 0 : i32
    %dma_wait3A_617 = tpu.memref_slice %arg6[%dma_wait3A_610, %dma_wait3A_616] : memref<5x80xi32, #tpu.memory_space<vmem>> -> memref<1x80xi32, #tpu.memory_space<vmem>>
    %dma_wait3A_618 = tpu.memref_squeeze %dma_wait3A_617 : memref<1x80xi32, #tpu.memory_space<vmem>> -> memref<80xi32, #tpu.memory_space<vmem>>
    %dma_wait3A_619 = arith.constant 0 : i32
    %dma_wait3A_620 = arith.constant 0 : i32
    %dma_wait3A_621 = tpu.memref_slice %arg2[%dma_wait3A_619, %dma_wait3A_620] : memref<10000x128xf32, #tpu.memory_space<hbm>> -> memref<10000x128xf32, #tpu.memory_space<hbm>>
    tpu.wait_indirect_dma semaphore(%arg12 : memref<!tpu.dma_semaphore, #tpu.memory_space<semaphore_mem>>) src(%dma_wait3A_621 : memref<10000x128xf32, #tpu.memory_space<hbm>>) dst(%dma_wait3A_615 : memref<80x128xf32, #tpu.memory_space<vmem>>)
    %dma_start3A_622 = arith.constant 1 : i32
    %dma_start3A_623 = arith.constant 1 : i32
    %dma_start3A_624 = arith.constant 0 : i32
    %dma_start3A_625 = arith.constant 0 : i32
    %dma_start3A_626 = tpu.memref_slice %arg8[%dma_start3A_622, %dma_start3A_624, %dma_start3A_625] : memref<4x80x128xf32, #tpu.memory_space<vmem>> -> memref<1x80x128xf32, #tpu.memory_space<vmem>>
    %dma_start3A_627 = tpu.memref_squeeze %dma_start3A_626 : memref<1x80x128xf32, #tpu.memory_space<vmem>> -> memref<80x128xf32, #tpu.memory_space<vmem>>
    %dma_start3A_628 = arith.constant 0 : i32
    %dma_start3A_629 = tpu.memref_slice %arg7[%dma_start3A_623, %dma_start3A_628] : memref<5x80xi32, #tpu.memory_space<vmem>> -> memref<1x80xi32, #tpu.memory_space<vmem>>
    %dma_start3A_630 = tpu.memref_squeeze %dma_start3A_629 : memref<1x80xi32, #tpu.memory_space<vmem>> -> memref<80xi32, #tpu.memory_space<vmem>>
    %dma_start3A_631 = arith.constant 0 : i32
    %dma_start3A_632 = arith.constant 0 : i32
    %dma_start3A_633 = tpu.memref_slice %arg10[%dma_start3A_631, %dma_start3A_632] : memref<10240x128xf32, #tpu.memory_space<vmem_shared>> -> memref<10240x128xf32, #tpu.memory_space<vmem_shared>>
    tpu.enqueue_indirect_dma source(%dma_start3A_627 : memref<80x128xf32, #tpu.memory_space<vmem>>) target(%dma_start3A_633 : memref<10240x128xf32, #tpu.memory_space<vmem_shared>>) offsets(%dma_start3A_630 : memref<80xi32, #tpu.memory_space<vmem>>) semaphore(%arg13 : memref<!tpu.dma_semaphore, #tpu.memory_space<semaphore_mem>>) {add = true}
    %dma_wait3A_634 = arith.constant 0 : i32
    %dma_wait3A_635 = arith.constant 0 : i32
    %dma_wait3A_636 = arith.constant 0 : i32
    %dma_wait3A_637 = arith.constant 0 : i32
    %dma_wait3A_638 = tpu.memref_slice %arg8[%dma_wait3A_634, %dma_wait3A_636, %dma_wait3A_637] : memref<4x80x128xf32, #tpu.memory_space<vmem>> -> memref<1x80x128xf32, #tpu.memory_space<vmem>>
    %dma_wait3A_639 = tpu.memref_squeeze %dma_wait3A_638 : memref<1x80x128xf32, #tpu.memory_space<vmem>> -> memref<80x128xf32, #tpu.memory_space<vmem>>
    %dma_wait3A_640 = arith.constant 0 : i32
    %dma_wait3A_641 = tpu.memref_slice %arg7[%dma_wait3A_635, %dma_wait3A_640] : memref<5x80xi32, #tpu.memory_space<vmem>> -> memref<1x80xi32, #tpu.memory_space<vmem>>
    %dma_wait3A_642 = tpu.memref_squeeze %dma_wait3A_641 : memref<1x80xi32, #tpu.memory_space<vmem>> -> memref<80xi32, #tpu.memory_space<vmem>>
    %dma_wait3A_643 = arith.constant 0 : i32
    %dma_wait3A_644 = arith.constant 0 : i32
    %dma_wait3A_645 = tpu.memref_slice %arg10[%dma_wait3A_643, %dma_wait3A_644] : memref<10240x128xf32, #tpu.memory_space<vmem_shared>> -> memref<10240x128xf32, #tpu.memory_space<vmem_shared>>
    tpu.wait_indirect_dma semaphore(%arg13 : memref<!tpu.dma_semaphore, #tpu.memory_space<semaphore_mem>>) src(%dma_wait3A_639 : memref<80x128xf32, #tpu.memory_space<vmem>>) dst(%dma_wait3A_645 : memref<10240x128xf32, #tpu.memory_space<vmem_shared>>)
    %dma_wait3A_646 = arith.constant 0 : i32
    %dma_wait3A_647 = arith.constant 0 : i32
    %dma_wait3A_648 = arith.constant 0 : i32
    %dma_wait3A_649 = arith.constant 0 : i32
    %dma_wait3A_650 = tpu.memref_slice %arg8[%dma_wait3A_647, %dma_wait3A_648, %dma_wait3A_649] : memref<4x80x128xf32, #tpu.memory_space<vmem>> -> memref<1x80x128xf32, #tpu.memory_space<vmem>>
    %dma_wait3A_651 = tpu.memref_squeeze %dma_wait3A_650 : memref<1x80x128xf32, #tpu.memory_space<vmem>> -> memref<80x128xf32, #tpu.memory_space<vmem>>
    %dma_wait3A_652 = arith.constant 0 : i32
    %dma_wait3A_653 = tpu.memref_slice %arg6[%dma_wait3A_646, %dma_wait3A_652] : memref<5x80xi32, #tpu.memory_space<vmem>> -> memref<1x80xi32, #tpu.memory_space<vmem>>
    %dma_wait3A_654 = tpu.memref_squeeze %dma_wait3A_653 : memref<1x80xi32, #tpu.memory_space<vmem>> -> memref<80xi32, #tpu.memory_space<vmem>>
    %dma_wait3A_655 = arith.constant 0 : i32
    %dma_wait3A_656 = arith.constant 0 : i32
    %dma_wait3A_657 = tpu.memref_slice %arg2[%dma_wait3A_655, %dma_wait3A_656] : memref<10000x128xf32, #tpu.memory_space<hbm>> -> memref<10000x128xf32, #tpu.memory_space<hbm>>
    tpu.wait_indirect_dma semaphore(%arg12 : memref<!tpu.dma_semaphore, #tpu.memory_space<semaphore_mem>>) src(%dma_wait3A_657 : memref<10000x128xf32, #tpu.memory_space<hbm>>) dst(%dma_wait3A_651 : memref<80x128xf32, #tpu.memory_space<vmem>>)
    %dma_start3A_658 = arith.constant 2 : i32
    %dma_start3A_659 = arith.constant 2 : i32
    %dma_start3A_660 = arith.constant 0 : i32
    %dma_start3A_661 = arith.constant 0 : i32
    %dma_start3A_662 = tpu.memref_slice %arg8[%dma_start3A_658, %dma_start3A_660, %dma_start3A_661] : memref<4x80x128xf32, #tpu.memory_space<vmem>> -> memref<1x80x128xf32, #tpu.memory_space<vmem>>
    %dma_start3A_663 = tpu.memref_squeeze %dma_start3A_662 : memref<1x80x128xf32, #tpu.memory_space<vmem>> -> memref<80x128xf32, #tpu.memory_space<vmem>>
    %dma_start3A_664 = arith.constant 0 : i32
    %dma_start3A_665 = tpu.memref_slice %arg7[%dma_start3A_659, %dma_start3A_664] : memref<5x80xi32, #tpu.memory_space<vmem>> -> memref<1x80xi32, #tpu.memory_space<vmem>>
    %dma_start3A_666 = tpu.memref_squeeze %dma_start3A_665 : memref<1x80xi32, #tpu.memory_space<vmem>> -> memref<80xi32, #tpu.memory_space<vmem>>
    %dma_start3A_667 = arith.constant 0 : i32
    %dma_start3A_668 = arith.constant 0 : i32
    %dma_start3A_669 = tpu.memref_slice %arg10[%dma_start3A_667, %dma_start3A_668] : memref<10240x128xf32, #tpu.memory_space<vmem_shared>> -> memref<10240x128xf32, #tpu.memory_space<vmem_shared>>
    tpu.enqueue_indirect_dma source(%dma_start3A_663 : memref<80x128xf32, #tpu.memory_space<vmem>>) target(%dma_start3A_669 : memref<10240x128xf32, #tpu.memory_space<vmem_shared>>) offsets(%dma_start3A_666 : memref<80xi32, #tpu.memory_space<vmem>>) semaphore(%arg13 : memref<!tpu.dma_semaphore, #tpu.memory_space<semaphore_mem>>) {add = true}
    %dma_wait3A_670 = arith.constant 0 : i32
    %dma_wait3A_671 = arith.constant 0 : i32
    %dma_wait3A_672 = arith.constant 0 : i32
    %dma_wait3A_673 = arith.constant 0 : i32
    %dma_wait3A_674 = tpu.memref_slice %arg8[%dma_wait3A_670, %dma_wait3A_672, %dma_wait3A_673] : memref<4x80x128xf32, #tpu.memory_space<vmem>> -> memref<1x80x128xf32, #tpu.memory_space<vmem>>
    %dma_wait3A_675 = tpu.memref_squeeze %dma_wait3A_674 : memref<1x80x128xf32, #tpu.memory_space<vmem>> -> memref<80x128xf32, #tpu.memory_space<vmem>>
    %dma_wait3A_676 = arith.constant 0 : i32
    %dma_wait3A_677 = tpu.memref_slice %arg7[%dma_wait3A_671, %dma_wait3A_676] : memref<5x80xi32, #tpu.memory_space<vmem>> -> memref<1x80xi32, #tpu.memory_space<vmem>>
    %dma_wait3A_678 = tpu.memref_squeeze %dma_wait3A_677 : memref<1x80xi32, #tpu.memory_space<vmem>> -> memref<80xi32, #tpu.memory_space<vmem>>
    %dma_wait3A_679 = arith.constant 0 : i32
    %dma_wait3A_680 = arith.constant 0 : i32
    %dma_wait3A_681 = tpu.memref_slice %arg10[%dma_wait3A_679, %dma_wait3A_680] : memref<10240x128xf32, #tpu.memory_space<vmem_shared>> -> memref<10240x128xf32, #tpu.memory_space<vmem_shared>>
    tpu.wait_indirect_dma semaphore(%arg13 : memref<!tpu.dma_semaphore, #tpu.memory_space<semaphore_mem>>) src(%dma_wait3A_675 : memref<80x128xf32, #tpu.memory_space<vmem>>) dst(%dma_wait3A_681 : memref<10240x128xf32, #tpu.memory_space<vmem_shared>>)
    %dma_wait3A_682 = arith.constant 0 : i32
    %dma_wait3A_683 = arith.constant 0 : i32
    %dma_wait3A_684 = arith.constant 0 : i32
    %dma_wait3A_685 = arith.constant 0 : i32
    %dma_wait3A_686 = tpu.memref_slice %arg8[%dma_wait3A_683, %dma_wait3A_684, %dma_wait3A_685] : memref<4x80x128xf32, #tpu.memory_space<vmem>> -> memref<1x80x128xf32, #tpu.memory_space<vmem>>
    %dma_wait3A_687 = tpu.memref_squeeze %dma_wait3A_686 : memref<1x80x128xf32, #tpu.memory_space<vmem>> -> memref<80x128xf32, #tpu.memory_space<vmem>>
    %dma_wait3A_688 = arith.constant 0 : i32
    %dma_wait3A_689 = tpu.memref_slice %arg6[%dma_wait3A_682, %dma_wait3A_688] : memref<5x80xi32, #tpu.memory_space<vmem>> -> memref<1x80xi32, #tpu.memory_space<vmem>>
    %dma_wait3A_690 = tpu.memref_squeeze %dma_wait3A_689 : memref<1x80xi32, #tpu.memory_space<vmem>> -> memref<80xi32, #tpu.memory_space<vmem>>
    %dma_wait3A_691 = arith.constant 0 : i32
    %dma_wait3A_692 = arith.constant 0 : i32
    %dma_wait3A_693 = tpu.memref_slice %arg2[%dma_wait3A_691, %dma_wait3A_692] : memref<10000x128xf32, #tpu.memory_space<hbm>> -> memref<10000x128xf32, #tpu.memory_space<hbm>>
    tpu.wait_indirect_dma semaphore(%arg12 : memref<!tpu.dma_semaphore, #tpu.memory_space<semaphore_mem>>) src(%dma_wait3A_693 : memref<10000x128xf32, #tpu.memory_space<hbm>>) dst(%dma_wait3A_687 : memref<80x128xf32, #tpu.memory_space<vmem>>)
    %dma_start3A_694 = arith.constant 3 : i32
    %dma_start3A_695 = arith.constant 3 : i32
    %dma_start3A_696 = arith.constant 0 : i32
    %dma_start3A_697 = arith.constant 0 : i32
    %dma_start3A_698 = tpu.memref_slice %arg8[%dma_start3A_694, %dma_start3A_696, %dma_start3A_697] : memref<4x80x128xf32, #tpu.memory_space<vmem>> -> memref<1x80x128xf32, #tpu.memory_space<vmem>>
    %dma_start3A_699 = tpu.memref_squeeze %dma_start3A_698 : memref<1x80x128xf32, #tpu.memory_space<vmem>> -> memref<80x128xf32, #tpu.memory_space<vmem>>
    %dma_start3A_700 = arith.constant 0 : i32
    %dma_start3A_701 = tpu.memref_slice %arg7[%dma_start3A_695, %dma_start3A_700] : memref<5x80xi32, #tpu.memory_space<vmem>> -> memref<1x80xi32, #tpu.memory_space<vmem>>
    %dma_start3A_702 = tpu.memref_squeeze %dma_start3A_701 : memref<1x80xi32, #tpu.memory_space<vmem>> -> memref<80xi32, #tpu.memory_space<vmem>>
    %dma_start3A_703 = arith.constant 0 : i32
    %dma_start3A_704 = arith.constant 0 : i32
    %dma_start3A_705 = tpu.memref_slice %arg10[%dma_start3A_703, %dma_start3A_704] : memref<10240x128xf32, #tpu.memory_space<vmem_shared>> -> memref<10240x128xf32, #tpu.memory_space<vmem_shared>>
    tpu.enqueue_indirect_dma source(%dma_start3A_699 : memref<80x128xf32, #tpu.memory_space<vmem>>) target(%dma_start3A_705 : memref<10240x128xf32, #tpu.memory_space<vmem_shared>>) offsets(%dma_start3A_702 : memref<80xi32, #tpu.memory_space<vmem>>) semaphore(%arg13 : memref<!tpu.dma_semaphore, #tpu.memory_space<semaphore_mem>>) {add = true}
    %dma_wait3A_706 = arith.constant 0 : i32
    %dma_wait3A_707 = arith.constant 0 : i32
    %dma_wait3A_708 = arith.constant 0 : i32
    %dma_wait3A_709 = arith.constant 0 : i32
    %dma_wait3A_710 = tpu.memref_slice %arg8[%dma_wait3A_706, %dma_wait3A_708, %dma_wait3A_709] : memref<4x80x128xf32, #tpu.memory_space<vmem>> -> memref<1x80x128xf32, #tpu.memory_space<vmem>>
    %dma_wait3A_711 = tpu.memref_squeeze %dma_wait3A_710 : memref<1x80x128xf32, #tpu.memory_space<vmem>> -> memref<80x128xf32, #tpu.memory_space<vmem>>
    %dma_wait3A_712 = arith.constant 0 : i32
    %dma_wait3A_713 = tpu.memref_slice %arg7[%dma_wait3A_707, %dma_wait3A_712] : memref<5x80xi32, #tpu.memory_space<vmem>> -> memref<1x80xi32, #tpu.memory_space<vmem>>
    %dma_wait3A_714 = tpu.memref_squeeze %dma_wait3A_713 : memref<1x80xi32, #tpu.memory_space<vmem>> -> memref<80xi32, #tpu.memory_space<vmem>>
    %dma_wait3A_715 = arith.constant 0 : i32
    %dma_wait3A_716 = arith.constant 0 : i32
    %dma_wait3A_717 = tpu.memref_slice %arg10[%dma_wait3A_715, %dma_wait3A_716] : memref<10240x128xf32, #tpu.memory_space<vmem_shared>> -> memref<10240x128xf32, #tpu.memory_space<vmem_shared>>
    tpu.wait_indirect_dma semaphore(%arg13 : memref<!tpu.dma_semaphore, #tpu.memory_space<semaphore_mem>>) src(%dma_wait3A_711 : memref<80x128xf32, #tpu.memory_space<vmem>>) dst(%dma_wait3A_717 : memref<10240x128xf32, #tpu.memory_space<vmem_shared>>)
    %dma_wait3A_718 = arith.constant 0 : i32
    %dma_wait3A_719 = arith.constant 0 : i32
    %dma_wait3A_720 = arith.constant 0 : i32
    %dma_wait3A_721 = arith.constant 0 : i32
    %dma_wait3A_722 = tpu.memref_slice %arg8[%dma_wait3A_719, %dma_wait3A_720, %dma_wait3A_721] : memref<4x80x128xf32, #tpu.memory_space<vmem>> -> memref<1x80x128xf32, #tpu.memory_space<vmem>>
    %dma_wait3A_723 = tpu.memref_squeeze %dma_wait3A_722 : memref<1x80x128xf32, #tpu.memory_space<vmem>> -> memref<80x128xf32, #tpu.memory_space<vmem>>
    %dma_wait3A_724 = arith.constant 0 : i32
    %dma_wait3A_725 = tpu.memref_slice %arg6[%dma_wait3A_718, %dma_wait3A_724] : memref<5x80xi32, #tpu.memory_space<vmem>> -> memref<1x80xi32, #tpu.memory_space<vmem>>
    %dma_wait3A_726 = tpu.memref_squeeze %dma_wait3A_725 : memref<1x80xi32, #tpu.memory_space<vmem>> -> memref<80xi32, #tpu.memory_space<vmem>>
    %dma_wait3A_727 = arith.constant 0 : i32
    %dma_wait3A_728 = arith.constant 0 : i32
    %dma_wait3A_729 = tpu.memref_slice %arg2[%dma_wait3A_727, %dma_wait3A_728] : memref<10000x128xf32, #tpu.memory_space<hbm>> -> memref<10000x128xf32, #tpu.memory_space<hbm>>
    tpu.wait_indirect_dma semaphore(%arg12 : memref<!tpu.dma_semaphore, #tpu.memory_space<semaphore_mem>>) src(%dma_wait3A_729 : memref<10000x128xf32, #tpu.memory_space<hbm>>) dst(%dma_wait3A_723 : memref<80x128xf32, #tpu.memory_space<vmem>>)
    %dma_start3A_730 = arith.constant 0 : i32
    %dma_start3A_731 = arith.constant 4 : i32
    %dma_start3A_732 = arith.constant 0 : i32
    %dma_start3A_733 = arith.constant 0 : i32
    %dma_start3A_734 = tpu.memref_slice %arg8[%dma_start3A_730, %dma_start3A_732, %dma_start3A_733] : memref<4x80x128xf32, #tpu.memory_space<vmem>> -> memref<1x80x128xf32, #tpu.memory_space<vmem>>
    %dma_start3A_735 = tpu.memref_squeeze %dma_start3A_734 : memref<1x80x128xf32, #tpu.memory_space<vmem>> -> memref<80x128xf32, #tpu.memory_space<vmem>>
    %dma_start3A_736 = arith.constant 0 : i32
    %dma_start3A_737 = tpu.memref_slice %arg7[%dma_start3A_731, %dma_start3A_736] : memref<5x80xi32, #tpu.memory_space<vmem>> -> memref<1x80xi32, #tpu.memory_space<vmem>>
    %dma_start3A_738 = tpu.memref_squeeze %dma_start3A_737 : memref<1x80xi32, #tpu.memory_space<vmem>> -> memref<80xi32, #tpu.memory_space<vmem>>
    %dma_start3A_739 = arith.constant 0 : i32
    %dma_start3A_740 = arith.constant 0 : i32
    %dma_start3A_741 = tpu.memref_slice %arg10[%dma_start3A_739, %dma_start3A_740] : memref<10240x128xf32, #tpu.memory_space<vmem_shared>> -> memref<10240x128xf32, #tpu.memory_space<vmem_shared>>
    tpu.enqueue_indirect_dma source(%dma_start3A_735 : memref<80x128xf32, #tpu.memory_space<vmem>>) target(%dma_start3A_741 : memref<10240x128xf32, #tpu.memory_space<vmem_shared>>) offsets(%dma_start3A_738 : memref<80xi32, #tpu.memory_space<vmem>>) semaphore(%arg13 : memref<!tpu.dma_semaphore, #tpu.memory_space<semaphore_mem>>) {add = true}
    %dma_wait3A_742 = arith.constant 0 : i32
    %dma_wait3A_743 = arith.constant 0 : i32
    %dma_wait3A_744 = arith.constant 0 : i32
    %dma_wait3A_745 = arith.constant 0 : i32
    %dma_wait3A_746 = tpu.memref_slice %arg8[%dma_wait3A_742, %dma_wait3A_744, %dma_wait3A_745] : memref<4x80x128xf32, #tpu.memory_space<vmem>> -> memref<1x80x128xf32, #tpu.memory_space<vmem>>
    %dma_wait3A_747 = tpu.memref_squeeze %dma_wait3A_746 : memref<1x80x128xf32, #tpu.memory_space<vmem>> -> memref<80x128xf32, #tpu.memory_space<vmem>>
    %dma_wait3A_748 = arith.constant 0 : i32
    %dma_wait3A_749 = tpu.memref_slice %arg7[%dma_wait3A_743, %dma_wait3A_748] : memref<5x80xi32, #tpu.memory_space<vmem>> -> memref<1x80xi32, #tpu.memory_space<vmem>>
    %dma_wait3A_750 = tpu.memref_squeeze %dma_wait3A_749 : memref<1x80xi32, #tpu.memory_space<vmem>> -> memref<80xi32, #tpu.memory_space<vmem>>
    %dma_wait3A_751 = arith.constant 0 : i32
    %dma_wait3A_752 = arith.constant 0 : i32
    %dma_wait3A_753 = tpu.memref_slice %arg10[%dma_wait3A_751, %dma_wait3A_752] : memref<10240x128xf32, #tpu.memory_space<vmem_shared>> -> memref<10240x128xf32, #tpu.memory_space<vmem_shared>>
    tpu.wait_indirect_dma semaphore(%arg13 : memref<!tpu.dma_semaphore, #tpu.memory_space<semaphore_mem>>) src(%dma_wait3A_747 : memref<80x128xf32, #tpu.memory_space<vmem>>) dst(%dma_wait3A_753 : memref<10240x128xf32, #tpu.memory_space<vmem_shared>>)
    %barrier3A_754 = arith.constant 0 : index
    tpu.barrier barrier_id(%barrier3A_754)
    %mul3A_755 = arith.constant 640 : i32
    %mul3A_756 = arith.muli %arg1, %mul3A_755 : i32
    %mul3A_757 = arith.constant 10240 : i32
    %mul3A_758 = arith.muli %arg0, %mul3A_757 : i32
    %mul3A_759 = arith.constant 640 : i32
    %mul3A_760 = arith.muli %arg1, %mul3A_759 : i32
    %add3A_761 = arith.addi %mul3A_758, %mul3A_760 : i32
    "tpu.region"() ({
      %run_scoped3A = tpu.sem_alloc : memref<!tpu.dma_semaphore, #tpu.memory_space<semaphore_mem>>
      %dma_start3A_762 = arith.constant 0 : i32
      %dma_start3A_763 = tpu.memref_slice %arg5[%add3A_761, %dma_start3A_762] : memref<20480x128xf32, #tpu.memory_space<hbm>> -> memref<640x128xf32, #tpu.memory_space<hbm>>
      %dma_start3A_764 = arith.constant 0 : i32
      %dma_start3A_765 = tpu.memref_slice %arg10[%mul3A_756, %dma_start3A_764] : memref<10240x128xf32, #tpu.memory_space<vmem_shared>> -> memref<640x128xf32, #tpu.memory_space<vmem_shared>>
      tpu.enqueue_dma source(%dma_start3A_765 : memref<640x128xf32, #tpu.memory_space<vmem_shared>>) target(%dma_start3A_763 : memref<640x128xf32, #tpu.memory_space<hbm>>) target_semaphore(%run_scoped3A : memref<!tpu.dma_semaphore, #tpu.memory_space<semaphore_mem>>)
      %dma_wait3A_766 = arith.constant 0 : i32
      %dma_wait3A_767 = tpu.memref_slice %arg5[%add3A_761, %dma_wait3A_766] : memref<20480x128xf32, #tpu.memory_space<hbm>> -> memref<640x128xf32, #tpu.memory_space<hbm>>
      %dma_wait3A_768 = arith.constant 0 : i32
      %dma_wait3A_769 = tpu.memref_slice %arg10[%mul3A_756, %dma_wait3A_768] : memref<10240x128xf32, #tpu.memory_space<vmem_shared>> -> memref<640x128xf32, #tpu.memory_space<vmem_shared>>
      tpu.wait_dma2 semaphore(%run_scoped3A : memref<!tpu.dma_semaphore, #tpu.memory_space<semaphore_mem>>) src(%dma_wait3A_769 : memref<640x128xf32, #tpu.memory_space<vmem_shared>>) dst(%dma_wait3A_767 : memref<640x128xf32, #tpu.memory_space<hbm>>)
      tpu.yield
    }) : () -> ()
    return
  }
}

#map = affine_map<(d0, d1) -> (0, 0)>
#map1 = affine_map<(d0, d1) -> (0, 0, 0)>
module attributes {stable_mosaic.version = 14 : i64} {
  func.func @_seg_sum_body(%arg0: i32, %arg1: i32, %arg2: memref<10000x128xf32, #tpu.memory_space<hbm>>, %arg3: memref<32x125x80xi32, #tpu.memory_space<hbm>>, %arg4: memref<32x125x80xi32, #tpu.memory_space<hbm>>, %arg5: memref<20480x128xf32, #tpu.memory_space<hbm>>, %arg6: memref<5x80xi32, #tpu.memory_space<vmem>>, %arg7: memref<5x80xi32, #tpu.memory_space<vmem>>, %arg8: memref<4x80x128xf32, #tpu.memory_space<vmem>>, %arg9: memref<40x128xf32, #tpu.memory_space<vmem>>, %arg10: memref<10240x128xf32, #tpu.memory_space<vmem_shared>>, %arg11: memref<!tpu.dma_semaphore, #tpu.memory_space<semaphore_mem>>, %arg12: memref<!tpu.dma_semaphore, #tpu.memory_space<semaphore_mem>>, %arg13: memref<!tpu.dma_semaphore, #tpu.memory_space<semaphore_mem>>, %arg14: memref<!tpu.dma_semaphore, #tpu.memory_space<semaphore_mem>>) attributes {dimension_semantics = [#tpu.dimension_semantics<core_parallel>, #tpu.dimension_semantics<subcore_parallel>], iteration_bounds = array<i64: 2, 16>, scalar_prefetch = 0 : i64, scratch_operands = 9 : i64, tpu.core_type = #tpu.core_type<sc_vector_subcore>, window_params = [{transform_indices = #map}, {transform_indices = #map1}, {transform_indices = #map1}, {transform_indices = #map}]} {
    %mul3A = arith.constant 2 : i32
    %mul3A_0 = arith.muli %arg1, %mul3A : i32
    %add3A = arith.addi %mul3A_0, %arg0 : i32
    %dma_start3A = arith.constant 0 : i32
    %dma_start3A_1 = arith.constant 0 : i32
    %dma_start3A_2 = arith.constant 0 : i32
    %dma_start3A_3 = tpu.memref_slice %arg6[%dma_start3A_1, %dma_start3A_2] : memref<5x80xi32, #tpu.memory_space<vmem>> -> memref<1x80xi32, #tpu.memory_space<vmem>>
    %dma_start3A_4 = tpu.memref_squeeze %dma_start3A_3 : memref<1x80xi32, #tpu.memory_space<vmem>> -> memref<80xi32, #tpu.memory_space<vmem>>
    %dma_start3A_5 = arith.constant 0 : i32
    %dma_start3A_6 = tpu.memref_slice %arg3[%add3A, %dma_start3A, %dma_start3A_5] : memref<32x125x80xi32, #tpu.memory_space<hbm>> -> memref<1x1x80xi32, #tpu.memory_space<hbm>>
    %dma_start3A_7 = tpu.memref_squeeze %dma_start3A_6 : memref<1x1x80xi32, #tpu.memory_space<hbm>> -> memref<80xi32, #tpu.memory_space<hbm>>
    %dma_start3A_8 = arith.constant 0 : i32
    %dma_start3A_9 = tpu.memref_slice %arg6[%dma_start3A_1, %dma_start3A_8] : memref<5x80xi32, #tpu.memory_space<vmem>> -> memref<1x80xi32, #tpu.memory_space<vmem>>
    %dma_start3A_10 = tpu.memref_squeeze %dma_start3A_9 : memref<1x80xi32, #tpu.memory_space<vmem>> -> memref<80xi32, #tpu.memory_space<vmem>>
    %dma_start3A_11 = arith.constant 0 : i32
    %dma_start3A_12 = tpu.memref_slice %arg3[%add3A, %dma_start3A, %dma_start3A_11] : memref<32x125x80xi32, #tpu.memory_space<hbm>> -> memref<1x1x80xi32, #tpu.memory_space<hbm>>
    %dma_start3A_13 = tpu.memref_squeeze %dma_start3A_12 : memref<1x1x80xi32, #tpu.memory_space<hbm>> -> memref<80xi32, #tpu.memory_space<hbm>>
    tpu.enqueue_dma source(%dma_start3A_13 : memref<80xi32, #tpu.memory_space<hbm>>) target(%dma_start3A_10 : memref<80xi32, #tpu.memory_space<vmem>>) target_semaphore(%arg11 : memref<!tpu.dma_semaphore, #tpu.memory_space<semaphore_mem>>)
    %dma_start3A_14 = arith.constant 0 : i32
    %dma_start3A_15 = arith.constant 0 : i32
    %dma_start3A_16 = arith.constant 0 : i32
    %dma_start3A_17 = tpu.memref_slice %arg7[%dma_start3A_15, %dma_start3A_16] : memref<5x80xi32, #tpu.memory_space<vmem>> -> memref<1x80xi32, #tpu.memory_space<vmem>>
    %dma_start3A_18 = tpu.memref_squeeze %dma_start3A_17 : memref<1x80xi32, #tpu.memory_space<vmem>> -> memref<80xi32, #tpu.memory_space<vmem>>
    %dma_start3A_19 = arith.constant 0 : i32
    %dma_start3A_20 = tpu.memref_slice %arg4[%add3A, %dma_start3A_14, %dma_start3A_19] : memref<32x125x80xi32, #tpu.memory_space<hbm>> -> memref<1x1x80xi32, #tpu.memory_space<hbm>>
    %dma_start3A_21 = tpu.memref_squeeze %dma_start3A_20 : memref<1x1x80xi32, #tpu.memory_space<hbm>> -> memref<80xi32, #tpu.memory_space<hbm>>
    %dma_start3A_22 = arith.constant 0 : i32
    %dma_start3A_23 = tpu.memref_slice %arg7[%dma_start3A_15, %dma_start3A_22] : memref<5x80xi32, #tpu.memory_space<vmem>> -> memref<1x80xi32, #tpu.memory_space<vmem>>
    %dma_start3A_24 = tpu.memref_squeeze %dma_start3A_23 : memref<1x80xi32, #tpu.memory_space<vmem>> -> memref<80xi32, #tpu.memory_space<vmem>>
    %dma_start3A_25 = arith.constant 0 : i32
    %dma_start3A_26 = tpu.memref_slice %arg4[%add3A, %dma_start3A_14, %dma_start3A_25] : memref<32x125x80xi32, #tpu.memory_space<hbm>> -> memref<1x1x80xi32, #tpu.memory_space<hbm>>
    %dma_start3A_27 = tpu.memref_squeeze %dma_start3A_26 : memref<1x1x80xi32, #tpu.memory_space<hbm>> -> memref<80xi32, #tpu.memory_space<hbm>>
    tpu.enqueue_dma source(%dma_start3A_27 : memref<80xi32, #tpu.memory_space<hbm>>) target(%dma_start3A_24 : memref<80xi32, #tpu.memory_space<vmem>>) target_semaphore(%arg11 : memref<!tpu.dma_semaphore, #tpu.memory_space<semaphore_mem>>)
    %dma_start3A_28 = arith.constant 1 : i32
    %dma_start3A_29 = arith.constant 1 : i32
    %dma_start3A_30 = arith.constant 0 : i32
    %dma_start3A_31 = tpu.memref_slice %arg6[%dma_start3A_29, %dma_start3A_30] : memref<5x80xi32, #tpu.memory_space<vmem>> -> memref<1x80xi32, #tpu.memory_space<vmem>>
    %dma_start3A_32 = tpu.memref_squeeze %dma_start3A_31 : memref<1x80xi32, #tpu.memory_space<vmem>> -> memref<80xi32, #tpu.memory_space<vmem>>
    %dma_start3A_33 = arith.constant 0 : i32
    %dma_start3A_34 = tpu.memref_slice %arg3[%add3A, %dma_start3A_28, %dma_start3A_33] : memref<32x125x80xi32, #tpu.memory_space<hbm>> -> memref<1x1x80xi32, #tpu.memory_space<hbm>>
    %dma_start3A_35 = tpu.memref_squeeze %dma_start3A_34 : memref<1x1x80xi32, #tpu.memory_space<hbm>> -> memref<80xi32, #tpu.memory_space<hbm>>
    %dma_start3A_36 = arith.constant 0 : i32
    %dma_start3A_37 = tpu.memref_slice %arg6[%dma_start3A_29, %dma_start3A_36] : memref<5x80xi32, #tpu.memory_space<vmem>> -> memref<1x80xi32, #tpu.memory_space<vmem>>
    %dma_start3A_38 = tpu.memref_squeeze %dma_start3A_37 : memref<1x80xi32, #tpu.memory_space<vmem>> -> memref<80xi32, #tpu.memory_space<vmem>>
    %dma_start3A_39 = arith.constant 0 : i32
    %dma_start3A_40 = tpu.memref_slice %arg3[%add3A, %dma_start3A_28, %dma_start3A_39] : memref<32x125x80xi32, #tpu.memory_space<hbm>> -> memref<1x1x80xi32, #tpu.memory_space<hbm>>
    %dma_start3A_41 = tpu.memref_squeeze %dma_start3A_40 : memref<1x1x80xi32, #tpu.memory_space<hbm>> -> memref<80xi32, #tpu.memory_space<hbm>>
    tpu.enqueue_dma source(%dma_start3A_41 : memref<80xi32, #tpu.memory_space<hbm>>) target(%dma_start3A_38 : memref<80xi32, #tpu.memory_space<vmem>>) target_semaphore(%arg11 : memref<!tpu.dma_semaphore, #tpu.memory_space<semaphore_mem>>)
    %dma_start3A_42 = arith.constant 1 : i32
    %dma_start3A_43 = arith.constant 1 : i32
    %dma_start3A_44 = arith.constant 0 : i32
    %dma_start3A_45 = tpu.memref_slice %arg7[%dma_start3A_43, %dma_start3A_44] : memref<5x80xi32, #tpu.memory_space<vmem>> -> memref<1x80xi32, #tpu.memory_space<vmem>>
    %dma_start3A_46 = tpu.memref_squeeze %dma_start3A_45 : memref<1x80xi32, #tpu.memory_space<vmem>> -> memref<80xi32, #tpu.memory_space<vmem>>
    %dma_start3A_47 = arith.constant 0 : i32
    %dma_start3A_48 = tpu.memref_slice %arg4[%add3A, %dma_start3A_42, %dma_start3A_47] : memref<32x125x80xi32, #tpu.memory_space<hbm>> -> memref<1x1x80xi32, #tpu.memory_space<hbm>>
    %dma_start3A_49 = tpu.memref_squeeze %dma_start3A_48 : memref<1x1x80xi32, #tpu.memory_space<hbm>> -> memref<80xi32, #tpu.memory_space<hbm>>
    %dma_start3A_50 = arith.constant 0 : i32
    %dma_start3A_51 = tpu.memref_slice %arg7[%dma_start3A_43, %dma_start3A_50] : memref<5x80xi32, #tpu.memory_space<vmem>> -> memref<1x80xi32, #tpu.memory_space<vmem>>
    %dma_start3A_52 = tpu.memref_squeeze %dma_start3A_51 : memref<1x80xi32, #tpu.memory_space<vmem>> -> memref<80xi32, #tpu.memory_space<vmem>>
    %dma_start3A_53 = arith.constant 0 : i32
    %dma_start3A_54 = tpu.memref_slice %arg4[%add3A, %dma_start3A_42, %dma_start3A_53] : memref<32x125x80xi32, #tpu.memory_space<hbm>> -> memref<1x1x80xi32, #tpu.memory_space<hbm>>
    %dma_start3A_55 = tpu.memref_squeeze %dma_start3A_54 : memref<1x1x80xi32, #tpu.memory_space<hbm>> -> memref<80xi32, #tpu.memory_space<hbm>>
    tpu.enqueue_dma source(%dma_start3A_55 : memref<80xi32, #tpu.memory_space<hbm>>) target(%dma_start3A_52 : memref<80xi32, #tpu.memory_space<vmem>>) target_semaphore(%arg11 : memref<!tpu.dma_semaphore, #tpu.memory_space<semaphore_mem>>)
    %dma_start3A_56 = arith.constant 2 : i32
    %dma_start3A_57 = arith.constant 2 : i32
    %dma_start3A_58 = arith.constant 0 : i32
    %dma_start3A_59 = tpu.memref_slice %arg6[%dma_start3A_57, %dma_start3A_58] : memref<5x80xi32, #tpu.memory_space<vmem>> -> memref<1x80xi32, #tpu.memory_space<vmem>>
    %dma_start3A_60 = tpu.memref_squeeze %dma_start3A_59 : memref<1x80xi32, #tpu.memory_space<vmem>> -> memref<80xi32, #tpu.memory_space<vmem>>
    %dma_start3A_61 = arith.constant 0 : i32
    %dma_start3A_62 = tpu.memref_slice %arg3[%add3A, %dma_start3A_56, %dma_start3A_61] : memref<32x125x80xi32, #tpu.memory_space<hbm>> -> memref<1x1x80xi32, #tpu.memory_space<hbm>>
    %dma_start3A_63 = tpu.memref_squeeze %dma_start3A_62 : memref<1x1x80xi32, #tpu.memory_space<hbm>> -> memref<80xi32, #tpu.memory_space<hbm>>
    %dma_start3A_64 = arith.constant 0 : i32
    %dma_start3A_65 = tpu.memref_slice %arg6[%dma_start3A_57, %dma_start3A_64] : memref<5x80xi32, #tpu.memory_space<vmem>> -> memref<1x80xi32, #tpu.memory_space<vmem>>
    %dma_start3A_66 = tpu.memref_squeeze %dma_start3A_65 : memref<1x80xi32, #tpu.memory_space<vmem>> -> memref<80xi32, #tpu.memory_space<vmem>>
    %dma_start3A_67 = arith.constant 0 : i32
    %dma_start3A_68 = tpu.memref_slice %arg3[%add3A, %dma_start3A_56, %dma_start3A_67] : memref<32x125x80xi32, #tpu.memory_space<hbm>> -> memref<1x1x80xi32, #tpu.memory_space<hbm>>
    %dma_start3A_69 = tpu.memref_squeeze %dma_start3A_68 : memref<1x1x80xi32, #tpu.memory_space<hbm>> -> memref<80xi32, #tpu.memory_space<hbm>>
    tpu.enqueue_dma source(%dma_start3A_69 : memref<80xi32, #tpu.memory_space<hbm>>) target(%dma_start3A_66 : memref<80xi32, #tpu.memory_space<vmem>>) target_semaphore(%arg11 : memref<!tpu.dma_semaphore, #tpu.memory_space<semaphore_mem>>)
    %dma_start3A_70 = arith.constant 2 : i32
    %dma_start3A_71 = arith.constant 2 : i32
    %dma_start3A_72 = arith.constant 0 : i32
    %dma_start3A_73 = tpu.memref_slice %arg7[%dma_start3A_71, %dma_start3A_72] : memref<5x80xi32, #tpu.memory_space<vmem>> -> memref<1x80xi32, #tpu.memory_space<vmem>>
    %dma_start3A_74 = tpu.memref_squeeze %dma_start3A_73 : memref<1x80xi32, #tpu.memory_space<vmem>> -> memref<80xi32, #tpu.memory_space<vmem>>
    %dma_start3A_75 = arith.constant 0 : i32
    %dma_start3A_76 = tpu.memref_slice %arg4[%add3A, %dma_start3A_70, %dma_start3A_75] : memref<32x125x80xi32, #tpu.memory_space<hbm>> -> memref<1x1x80xi32, #tpu.memory_space<hbm>>
    %dma_start3A_77 = tpu.memref_squeeze %dma_start3A_76 : memref<1x1x80xi32, #tpu.memory_space<hbm>> -> memref<80xi32, #tpu.memory_space<hbm>>
    %dma_start3A_78 = arith.constant 0 : i32
    %dma_start3A_79 = tpu.memref_slice %arg7[%dma_start3A_71, %dma_start3A_78] : memref<5x80xi32, #tpu.memory_space<vmem>> -> memref<1x80xi32, #tpu.memory_space<vmem>>
    %dma_start3A_80 = tpu.memref_squeeze %dma_start3A_79 : memref<1x80xi32, #tpu.memory_space<vmem>> -> memref<80xi32, #tpu.memory_space<vmem>>
    %dma_start3A_81 = arith.constant 0 : i32
    %dma_start3A_82 = tpu.memref_slice %arg4[%add3A, %dma_start3A_70, %dma_start3A_81] : memref<32x125x80xi32, #tpu.memory_space<hbm>> -> memref<1x1x80xi32, #tpu.memory_space<hbm>>
    %dma_start3A_83 = tpu.memref_squeeze %dma_start3A_82 : memref<1x1x80xi32, #tpu.memory_space<hbm>> -> memref<80xi32, #tpu.memory_space<hbm>>
    tpu.enqueue_dma source(%dma_start3A_83 : memref<80xi32, #tpu.memory_space<hbm>>) target(%dma_start3A_80 : memref<80xi32, #tpu.memory_space<vmem>>) target_semaphore(%arg11 : memref<!tpu.dma_semaphore, #tpu.memory_space<semaphore_mem>>)
    %dma_start3A_84 = arith.constant 3 : i32
    %dma_start3A_85 = arith.constant 3 : i32
    %dma_start3A_86 = arith.constant 0 : i32
    %dma_start3A_87 = tpu.memref_slice %arg6[%dma_start3A_85, %dma_start3A_86] : memref<5x80xi32, #tpu.memory_space<vmem>> -> memref<1x80xi32, #tpu.memory_space<vmem>>
    %dma_start3A_88 = tpu.memref_squeeze %dma_start3A_87 : memref<1x80xi32, #tpu.memory_space<vmem>> -> memref<80xi32, #tpu.memory_space<vmem>>
    %dma_start3A_89 = arith.constant 0 : i32
    %dma_start3A_90 = tpu.memref_slice %arg3[%add3A, %dma_start3A_84, %dma_start3A_89] : memref<32x125x80xi32, #tpu.memory_space<hbm>> -> memref<1x1x80xi32, #tpu.memory_space<hbm>>
    %dma_start3A_91 = tpu.memref_squeeze %dma_start3A_90 : memref<1x1x80xi32, #tpu.memory_space<hbm>> -> memref<80xi32, #tpu.memory_space<hbm>>
    %dma_start3A_92 = arith.constant 0 : i32
    %dma_start3A_93 = tpu.memref_slice %arg6[%dma_start3A_85, %dma_start3A_92] : memref<5x80xi32, #tpu.memory_space<vmem>> -> memref<1x80xi32, #tpu.memory_space<vmem>>
    %dma_start3A_94 = tpu.memref_squeeze %dma_start3A_93 : memref<1x80xi32, #tpu.memory_space<vmem>> -> memref<80xi32, #tpu.memory_space<vmem>>
    %dma_start3A_95 = arith.constant 0 : i32
    %dma_start3A_96 = tpu.memref_slice %arg3[%add3A, %dma_start3A_84, %dma_start3A_95] : memref<32x125x80xi32, #tpu.memory_space<hbm>> -> memref<1x1x80xi32, #tpu.memory_space<hbm>>
    %dma_start3A_97 = tpu.memref_squeeze %dma_start3A_96 : memref<1x1x80xi32, #tpu.memory_space<hbm>> -> memref<80xi32, #tpu.memory_space<hbm>>
    tpu.enqueue_dma source(%dma_start3A_97 : memref<80xi32, #tpu.memory_space<hbm>>) target(%dma_start3A_94 : memref<80xi32, #tpu.memory_space<vmem>>) target_semaphore(%arg11 : memref<!tpu.dma_semaphore, #tpu.memory_space<semaphore_mem>>)
    %dma_start3A_98 = arith.constant 3 : i32
    %dma_start3A_99 = arith.constant 3 : i32
    %dma_start3A_100 = arith.constant 0 : i32
    %dma_start3A_101 = tpu.memref_slice %arg7[%dma_start3A_99, %dma_start3A_100] : memref<5x80xi32, #tpu.memory_space<vmem>> -> memref<1x80xi32, #tpu.memory_space<vmem>>
    %dma_start3A_102 = tpu.memref_squeeze %dma_start3A_101 : memref<1x80xi32, #tpu.memory_space<vmem>> -> memref<80xi32, #tpu.memory_space<vmem>>
    %dma_start3A_103 = arith.constant 0 : i32
    %dma_start3A_104 = tpu.memref_slice %arg4[%add3A, %dma_start3A_98, %dma_start3A_103] : memref<32x125x80xi32, #tpu.memory_space<hbm>> -> memref<1x1x80xi32, #tpu.memory_space<hbm>>
    %dma_start3A_105 = tpu.memref_squeeze %dma_start3A_104 : memref<1x1x80xi32, #tpu.memory_space<hbm>> -> memref<80xi32, #tpu.memory_space<hbm>>
    %dma_start3A_106 = arith.constant 0 : i32
    %dma_start3A_107 = tpu.memref_slice %arg7[%dma_start3A_99, %dma_start3A_106] : memref<5x80xi32, #tpu.memory_space<vmem>> -> memref<1x80xi32, #tpu.memory_space<vmem>>
    %dma_start3A_108 = tpu.memref_squeeze %dma_start3A_107 : memref<1x80xi32, #tpu.memory_space<vmem>> -> memref<80xi32, #tpu.memory_space<vmem>>
    %dma_start3A_109 = arith.constant 0 : i32
    %dma_start3A_110 = tpu.memref_slice %arg4[%add3A, %dma_start3A_98, %dma_start3A_109] : memref<32x125x80xi32, #tpu.memory_space<hbm>> -> memref<1x1x80xi32, #tpu.memory_space<hbm>>
    %dma_start3A_111 = tpu.memref_squeeze %dma_start3A_110 : memref<1x1x80xi32, #tpu.memory_space<hbm>> -> memref<80xi32, #tpu.memory_space<hbm>>
    tpu.enqueue_dma source(%dma_start3A_111 : memref<80xi32, #tpu.memory_space<hbm>>) target(%dma_start3A_108 : memref<80xi32, #tpu.memory_space<vmem>>) target_semaphore(%arg11 : memref<!tpu.dma_semaphore, #tpu.memory_space<semaphore_mem>>)
    %dma_wait3A = arith.constant 0 : i32
    %dma_wait3A_112 = arith.constant 0 : i32
    %dma_wait3A_113 = arith.constant 0 : i32
    %dma_wait3A_114 = tpu.memref_slice %arg6[%dma_wait3A_112, %dma_wait3A_113] : memref<5x80xi32, #tpu.memory_space<vmem>> -> memref<1x80xi32, #tpu.memory_space<vmem>>
    %dma_wait3A_115 = tpu.memref_squeeze %dma_wait3A_114 : memref<1x80xi32, #tpu.memory_space<vmem>> -> memref<80xi32, #tpu.memory_space<vmem>>
    %dma_wait3A_116 = arith.constant 0 : i32
    %dma_wait3A_117 = tpu.memref_slice %arg3[%add3A, %dma_wait3A, %dma_wait3A_116] : memref<32x125x80xi32, #tpu.memory_space<hbm>> -> memref<1x1x80xi32, #tpu.memory_space<hbm>>
    %dma_wait3A_118 = tpu.memref_squeeze %dma_wait3A_117 : memref<1x1x80xi32, #tpu.memory_space<hbm>> -> memref<80xi32, #tpu.memory_space<hbm>>
    %dma_wait3A_119 = arith.constant 0 : i32
    %dma_wait3A_120 = tpu.memref_slice %arg6[%dma_wait3A_112, %dma_wait3A_119] : memref<5x80xi32, #tpu.memory_space<vmem>> -> memref<1x80xi32, #tpu.memory_space<vmem>>
    %dma_wait3A_121 = tpu.memref_squeeze %dma_wait3A_120 : memref<1x80xi32, #tpu.memory_space<vmem>> -> memref<80xi32, #tpu.memory_space<vmem>>
    %dma_wait3A_122 = arith.constant 0 : i32
    %dma_wait3A_123 = tpu.memref_slice %arg3[%add3A, %dma_wait3A, %dma_wait3A_122] : memref<32x125x80xi32, #tpu.memory_space<hbm>> -> memref<1x1x80xi32, #tpu.memory_space<hbm>>
    %dma_wait3A_124 = tpu.memref_squeeze %dma_wait3A_123 : memref<1x1x80xi32, #tpu.memory_space<hbm>> -> memref<80xi32, #tpu.memory_space<hbm>>
    tpu.wait_dma2 semaphore(%arg11 : memref<!tpu.dma_semaphore, #tpu.memory_space<semaphore_mem>>) src(%dma_wait3A_124 : memref<80xi32, #tpu.memory_space<hbm>>) dst(%dma_wait3A_121 : memref<80xi32, #tpu.memory_space<vmem>>)
    %dma_wait3A_125 = arith.constant 0 : i32
    %dma_wait3A_126 = arith.constant 0 : i32
    %dma_wait3A_127 = arith.constant 0 : i32
    %dma_wait3A_128 = tpu.memref_slice %arg7[%dma_wait3A_126, %dma_wait3A_127] : memref<5x80xi32, #tpu.memory_space<vmem>> -> memref<1x80xi32, #tpu.memory_space<vmem>>
    %dma_wait3A_129 = tpu.memref_squeeze %dma_wait3A_128 : memref<1x80xi32, #tpu.memory_space<vmem>> -> memref<80xi32, #tpu.memory_space<vmem>>
    %dma_wait3A_130 = arith.constant 0 : i32
    %dma_wait3A_131 = tpu.memref_slice %arg4[%add3A, %dma_wait3A_125, %dma_wait3A_130] : memref<32x125x80xi32, #tpu.memory_space<hbm>> -> memref<1x1x80xi32, #tpu.memory_space<hbm>>
    %dma_wait3A_132 = tpu.memref_squeeze %dma_wait3A_131 : memref<1x1x80xi32, #tpu.memory_space<hbm>> -> memref<80xi32, #tpu.memory_space<hbm>>
    %dma_wait3A_133 = arith.constant 0 : i32
    %dma_wait3A_134 = tpu.memref_slice %arg7[%dma_wait3A_126, %dma_wait3A_133] : memref<5x80xi32, #tpu.memory_space<vmem>> -> memref<1x80xi32, #tpu.memory_space<vmem>>
    %dma_wait3A_135 = tpu.memref_squeeze %dma_wait3A_134 : memref<1x80xi32, #tpu.memory_space<vmem>> -> memref<80xi32, #tpu.memory_space<vmem>>
    %dma_wait3A_136 = arith.constant 0 : i32
    %dma_wait3A_137 = tpu.memref_slice %arg4[%add3A, %dma_wait3A_125, %dma_wait3A_136] : memref<32x125x80xi32, #tpu.memory_space<hbm>> -> memref<1x1x80xi32, #tpu.memory_space<hbm>>
    %dma_wait3A_138 = tpu.memref_squeeze %dma_wait3A_137 : memref<1x1x80xi32, #tpu.memory_space<hbm>> -> memref<80xi32, #tpu.memory_space<hbm>>
    tpu.wait_dma2 semaphore(%arg11 : memref<!tpu.dma_semaphore, #tpu.memory_space<semaphore_mem>>) src(%dma_wait3A_138 : memref<80xi32, #tpu.memory_space<hbm>>) dst(%dma_wait3A_135 : memref<80xi32, #tpu.memory_space<vmem>>)
    %dma_start3A_139 = arith.constant 0 : i32
    %dma_start3A_140 = arith.constant 0 : i32
    %dma_start3A_141 = arith.constant 0 : i32
    %dma_start3A_142 = arith.constant 0 : i32
    %dma_start3A_143 = tpu.memref_slice %arg8[%dma_start3A_140, %dma_start3A_141, %dma_start3A_142] : memref<4x80x128xf32, #tpu.memory_space<vmem>> -> memref<1x80x128xf32, #tpu.memory_space<vmem>>
    %dma_start3A_144 = tpu.memref_squeeze %dma_start3A_143 : memref<1x80x128xf32, #tpu.memory_space<vmem>> -> memref<80x128xf32, #tpu.memory_space<vmem>>
    %dma_start3A_145 = arith.constant 0 : i32
    %dma_start3A_146 = tpu.memref_slice %arg6[%dma_start3A_139, %dma_start3A_145] : memref<5x80xi32, #tpu.memory_space<vmem>> -> memref<1x80xi32, #tpu.memory_space<vmem>>
    %dma_start3A_147 = tpu.memref_squeeze %dma_start3A_146 : memref<1x80xi32, #tpu.memory_space<vmem>> -> memref<80xi32, #tpu.memory_space<vmem>>
    %dma_start3A_148 = arith.constant 0 : i32
    %dma_start3A_149 = arith.constant 0 : i32
    %dma_start3A_150 = tpu.memref_slice %arg2[%dma_start3A_148, %dma_start3A_149] : memref<10000x128xf32, #tpu.memory_space<hbm>> -> memref<10000x128xf32, #tpu.memory_space<hbm>>
    tpu.enqueue_indirect_dma source(%dma_start3A_150 : memref<10000x128xf32, #tpu.memory_space<hbm>>) target(%dma_start3A_144 : memref<80x128xf32, #tpu.memory_space<vmem>>) offsets(%dma_start3A_147 : memref<80xi32, #tpu.memory_space<vmem>>) semaphore(%arg12 : memref<!tpu.dma_semaphore, #tpu.memory_space<semaphore_mem>>)
    %dma_wait3A_151 = arith.constant 0 : i32
    %dma_wait3A_152 = arith.constant 0 : i32
    %dma_wait3A_153 = arith.constant 0 : i32
    %dma_wait3A_154 = tpu.memref_slice %arg6[%dma_wait3A_152, %dma_wait3A_153] : memref<5x80xi32, #tpu.memory_space<vmem>> -> memref<1x80xi32, #tpu.memory_space<vmem>>
    %dma_wait3A_155 = tpu.memref_squeeze %dma_wait3A_154 : memref<1x80xi32, #tpu.memory_space<vmem>> -> memref<80xi32, #tpu.memory_space<vmem>>
    %dma_wait3A_156 = arith.constant 0 : i32
    %dma_wait3A_157 = tpu.memref_slice %arg3[%add3A, %dma_wait3A_151, %dma_wait3A_156] : memref<32x125x80xi32, #tpu.memory_space<hbm>> -> memref<1x1x80xi32, #tpu.memory_space<hbm>>
    %dma_wait3A_158 = tpu.memref_squeeze %dma_wait3A_157 : memref<1x1x80xi32, #tpu.memory_space<hbm>> -> memref<80xi32, #tpu.memory_space<hbm>>
    %dma_wait3A_159 = arith.constant 0 : i32
    %dma_wait3A_160 = tpu.memref_slice %arg6[%dma_wait3A_152, %dma_wait3A_159] : memref<5x80xi32, #tpu.memory_space<vmem>> -> memref<1x80xi32, #tpu.memory_space<vmem>>
    %dma_wait3A_161 = tpu.memref_squeeze %dma_wait3A_160 : memref<1x80xi32, #tpu.memory_space<vmem>> -> memref<80xi32, #tpu.memory_space<vmem>>
    %dma_wait3A_162 = arith.constant 0 : i32
    %dma_wait3A_163 = tpu.memref_slice %arg3[%add3A, %dma_wait3A_151, %dma_wait3A_162] : memref<32x125x80xi32, #tpu.memory_space<hbm>> -> memref<1x1x80xi32, #tpu.memory_space<hbm>>
    %dma_wait3A_164 = tpu.memref_squeeze %dma_wait3A_163 : memref<1x1x80xi32, #tpu.memory_space<hbm>> -> memref<80xi32, #tpu.memory_space<hbm>>
    tpu.wait_dma2 semaphore(%arg11 : memref<!tpu.dma_semaphore, #tpu.memory_space<semaphore_mem>>) src(%dma_wait3A_164 : memref<80xi32, #tpu.memory_space<hbm>>) dst(%dma_wait3A_161 : memref<80xi32, #tpu.memory_space<vmem>>)
    %dma_wait3A_165 = arith.constant 0 : i32
    %dma_wait3A_166 = arith.constant 0 : i32
    %dma_wait3A_167 = arith.constant 0 : i32
    %dma_wait3A_168 = tpu.memref_slice %arg7[%dma_wait3A_166, %dma_wait3A_167] : memref<5x80xi32, #tpu.memory_space<vmem>> -> memref<1x80xi32, #tpu.memory_space<vmem>>
    %dma_wait3A_169 = tpu.memref_squeeze %dma_wait3A_168 : memref<1x80xi32, #tpu.memory_space<vmem>> -> memref<80xi32, #tpu.memory_space<vmem>>
    %dma_wait3A_170 = arith.constant 0 : i32
    %dma_wait3A_171 = tpu.memref_slice %arg4[%add3A, %dma_wait3A_165, %dma_wait3A_170] : memref<32x125x80xi32, #tpu.memory_space<hbm>> -> memref<1x1x80xi32, #tpu.memory_space<hbm>>
    %dma_wait3A_172 = tpu.memref_squeeze %dma_wait3A_171 : memref<1x1x80xi32, #tpu.memory_space<hbm>> -> memref<80xi32, #tpu.memory_space<hbm>>
    %dma_wait3A_173 = arith.constant 0 : i32
    %dma_wait3A_174 = tpu.memref_slice %arg7[%dma_wait3A_166, %dma_wait3A_173] : memref<5x80xi32, #tpu.memory_space<vmem>> -> memref<1x80xi32, #tpu.memory_space<vmem>>
    %dma_wait3A_175 = tpu.memref_squeeze %dma_wait3A_174 : memref<1x80xi32, #tpu.memory_space<vmem>> -> memref<80xi32, #tpu.memory_space<vmem>>
    %dma_wait3A_176 = arith.constant 0 : i32
    %dma_wait3A_177 = tpu.memref_slice %arg4[%add3A, %dma_wait3A_165, %dma_wait3A_176] : memref<32x125x80xi32, #tpu.memory_space<hbm>> -> memref<1x1x80xi32, #tpu.memory_space<hbm>>
    %dma_wait3A_178 = tpu.memref_squeeze %dma_wait3A_177 : memref<1x1x80xi32, #tpu.memory_space<hbm>> -> memref<80xi32, #tpu.memory_space<hbm>>
    tpu.wait_dma2 semaphore(%arg11 : memref<!tpu.dma_semaphore, #tpu.memory_space<semaphore_mem>>) src(%dma_wait3A_178 : memref<80xi32, #tpu.memory_space<hbm>>) dst(%dma_wait3A_175 : memref<80xi32, #tpu.memory_space<vmem>>)
    %dma_start3A_179 = arith.constant 1 : i32
    %dma_start3A_180 = arith.constant 1 : i32
    %dma_start3A_181 = arith.constant 0 : i32
    %dma_start3A_182 = arith.constant 0 : i32
    %dma_start3A_183 = tpu.memref_slice %arg8[%dma_start3A_180, %dma_start3A_181, %dma_start3A_182] : memref<4x80x128xf32, #tpu.memory_space<vmem>> -> memref<1x80x128xf32, #tpu.memory_space<vmem>>
    %dma_start3A_184 = tpu.memref_squeeze %dma_start3A_183 : memref<1x80x128xf32, #tpu.memory_space<vmem>> -> memref<80x128xf32, #tpu.memory_space<vmem>>
    %dma_start3A_185 = arith.constant 0 : i32
    %dma_start3A_186 = tpu.memref_slice %arg6[%dma_start3A_179, %dma_start3A_185] : memref<5x80xi32, #tpu.memory_space<vmem>> -> memref<1x80xi32, #tpu.memory_space<vmem>>
    %dma_start3A_187 = tpu.memref_squeeze %dma_start3A_186 : memref<1x80xi32, #tpu.memory_space<vmem>> -> memref<80xi32, #tpu.memory_space<vmem>>
    %dma_start3A_188 = arith.constant 0 : i32
    %dma_start3A_189 = arith.constant 0 : i32
    %dma_start3A_190 = tpu.memref_slice %arg2[%dma_start3A_188, %dma_start3A_189] : memref<10000x128xf32, #tpu.memory_space<hbm>> -> memref<10000x128xf32, #tpu.memory_space<hbm>>
    tpu.enqueue_indirect_dma source(%dma_start3A_190 : memref<10000x128xf32, #tpu.memory_space<hbm>>) target(%dma_start3A_184 : memref<80x128xf32, #tpu.memory_space<vmem>>) offsets(%dma_start3A_187 : memref<80xi32, #tpu.memory_space<vmem>>) semaphore(%arg12 : memref<!tpu.dma_semaphore, #tpu.memory_space<semaphore_mem>>)
    %dma_wait3A_191 = arith.constant 0 : i32
    %dma_wait3A_192 = arith.constant 0 : i32
    %dma_wait3A_193 = arith.constant 0 : i32
    %dma_wait3A_194 = tpu.memref_slice %arg6[%dma_wait3A_192, %dma_wait3A_193] : memref<5x80xi32, #tpu.memory_space<vmem>> -> memref<1x80xi32, #tpu.memory_space<vmem>>
    %dma_wait3A_195 = tpu.memref_squeeze %dma_wait3A_194 : memref<1x80xi32, #tpu.memory_space<vmem>> -> memref<80xi32, #tpu.memory_space<vmem>>
    %dma_wait3A_196 = arith.constant 0 : i32
    %dma_wait3A_197 = tpu.memref_slice %arg3[%add3A, %dma_wait3A_191, %dma_wait3A_196] : memref<32x125x80xi32, #tpu.memory_space<hbm>> -> memref<1x1x80xi32, #tpu.memory_space<hbm>>
    %dma_wait3A_198 = tpu.memref_squeeze %dma_wait3A_197 : memref<1x1x80xi32, #tpu.memory_space<hbm>> -> memref<80xi32, #tpu.memory_space<hbm>>
    %dma_wait3A_199 = arith.constant 0 : i32
    %dma_wait3A_200 = tpu.memref_slice %arg6[%dma_wait3A_192, %dma_wait3A_199] : memref<5x80xi32, #tpu.memory_space<vmem>> -> memref<1x80xi32, #tpu.memory_space<vmem>>
    %dma_wait3A_201 = tpu.memref_squeeze %dma_wait3A_200 : memref<1x80xi32, #tpu.memory_space<vmem>> -> memref<80xi32, #tpu.memory_space<vmem>>
    %dma_wait3A_202 = arith.constant 0 : i32
    %dma_wait3A_203 = tpu.memref_slice %arg3[%add3A, %dma_wait3A_191, %dma_wait3A_202] : memref<32x125x80xi32, #tpu.memory_space<hbm>> -> memref<1x1x80xi32, #tpu.memory_space<hbm>>
    %dma_wait3A_204 = tpu.memref_squeeze %dma_wait3A_203 : memref<1x1x80xi32, #tpu.memory_space<hbm>> -> memref<80xi32, #tpu.memory_space<hbm>>
    tpu.wait_dma2 semaphore(%arg11 : memref<!tpu.dma_semaphore, #tpu.memory_space<semaphore_mem>>) src(%dma_wait3A_204 : memref<80xi32, #tpu.memory_space<hbm>>) dst(%dma_wait3A_201 : memref<80xi32, #tpu.memory_space<vmem>>)
    %dma_wait3A_205 = arith.constant 0 : i32
    %dma_wait3A_206 = arith.constant 0 : i32
    %dma_wait3A_207 = arith.constant 0 : i32
    %dma_wait3A_208 = tpu.memref_slice %arg7[%dma_wait3A_206, %dma_wait3A_207] : memref<5x80xi32, #tpu.memory_space<vmem>> -> memref<1x80xi32, #tpu.memory_space<vmem>>
    %dma_wait3A_209 = tpu.memref_squeeze %dma_wait3A_208 : memref<1x80xi32, #tpu.memory_space<vmem>> -> memref<80xi32, #tpu.memory_space<vmem>>
    %dma_wait3A_210 = arith.constant 0 : i32
    %dma_wait3A_211 = tpu.memref_slice %arg4[%add3A, %dma_wait3A_205, %dma_wait3A_210] : memref<32x125x80xi32, #tpu.memory_space<hbm>> -> memref<1x1x80xi32, #tpu.memory_space<hbm>>
    %dma_wait3A_212 = tpu.memref_squeeze %dma_wait3A_211 : memref<1x1x80xi32, #tpu.memory_space<hbm>> -> memref<80xi32, #tpu.memory_space<hbm>>
    %dma_wait3A_213 = arith.constant 0 : i32
    %dma_wait3A_214 = tpu.memref_slice %arg7[%dma_wait3A_206, %dma_wait3A_213] : memref<5x80xi32, #tpu.memory_space<vmem>> -> memref<1x80xi32, #tpu.memory_space<vmem>>
    %dma_wait3A_215 = tpu.memref_squeeze %dma_wait3A_214 : memref<1x80xi32, #tpu.memory_space<vmem>> -> memref<80xi32, #tpu.memory_space<vmem>>
    %dma_wait3A_216 = arith.constant 0 : i32
    %dma_wait3A_217 = tpu.memref_slice %arg4[%add3A, %dma_wait3A_205, %dma_wait3A_216] : memref<32x125x80xi32, #tpu.memory_space<hbm>> -> memref<1x1x80xi32, #tpu.memory_space<hbm>>
    %dma_wait3A_218 = tpu.memref_squeeze %dma_wait3A_217 : memref<1x1x80xi32, #tpu.memory_space<hbm>> -> memref<80xi32, #tpu.memory_space<hbm>>
    tpu.wait_dma2 semaphore(%arg11 : memref<!tpu.dma_semaphore, #tpu.memory_space<semaphore_mem>>) src(%dma_wait3A_218 : memref<80xi32, #tpu.memory_space<hbm>>) dst(%dma_wait3A_215 : memref<80xi32, #tpu.memory_space<vmem>>)
    %dma_start3A_219 = arith.constant 2 : i32
    %dma_start3A_220 = arith.constant 2 : i32
    %dma_start3A_221 = arith.constant 0 : i32
    %dma_start3A_222 = arith.constant 0 : i32
    %dma_start3A_223 = tpu.memref_slice %arg8[%dma_start3A_220, %dma_start3A_221, %dma_start3A_222] : memref<4x80x128xf32, #tpu.memory_space<vmem>> -> memref<1x80x128xf32, #tpu.memory_space<vmem>>
    %dma_start3A_224 = tpu.memref_squeeze %dma_start3A_223 : memref<1x80x128xf32, #tpu.memory_space<vmem>> -> memref<80x128xf32, #tpu.memory_space<vmem>>
    %dma_start3A_225 = arith.constant 0 : i32
    %dma_start3A_226 = tpu.memref_slice %arg6[%dma_start3A_219, %dma_start3A_225] : memref<5x80xi32, #tpu.memory_space<vmem>> -> memref<1x80xi32, #tpu.memory_space<vmem>>
    %dma_start3A_227 = tpu.memref_squeeze %dma_start3A_226 : memref<1x80xi32, #tpu.memory_space<vmem>> -> memref<80xi32, #tpu.memory_space<vmem>>
    %dma_start3A_228 = arith.constant 0 : i32
    %dma_start3A_229 = arith.constant 0 : i32
    %dma_start3A_230 = tpu.memref_slice %arg2[%dma_start3A_228, %dma_start3A_229] : memref<10000x128xf32, #tpu.memory_space<hbm>> -> memref<10000x128xf32, #tpu.memory_space<hbm>>
    tpu.enqueue_indirect_dma source(%dma_start3A_230 : memref<10000x128xf32, #tpu.memory_space<hbm>>) target(%dma_start3A_224 : memref<80x128xf32, #tpu.memory_space<vmem>>) offsets(%dma_start3A_227 : memref<80xi32, #tpu.memory_space<vmem>>) semaphore(%arg12 : memref<!tpu.dma_semaphore, #tpu.memory_space<semaphore_mem>>)
    %dma_start3A_231 = arith.constant 4 : i32
    %dma_start3A_232 = arith.constant 4 : i32
    %dma_start3A_233 = arith.constant 0 : i32
    %dma_start3A_234 = tpu.memref_slice %arg6[%dma_start3A_232, %dma_start3A_233] : memref<5x80xi32, #tpu.memory_space<vmem>> -> memref<1x80xi32, #tpu.memory_space<vmem>>
    %dma_start3A_235 = tpu.memref_squeeze %dma_start3A_234 : memref<1x80xi32, #tpu.memory_space<vmem>> -> memref<80xi32, #tpu.memory_space<vmem>>
    %dma_start3A_236 = arith.constant 0 : i32
    %dma_start3A_237 = tpu.memref_slice %arg3[%add3A, %dma_start3A_231, %dma_start3A_236] : memref<32x125x80xi32, #tpu.memory_space<hbm>> -> memref<1x1x80xi32, #tpu.memory_space<hbm>>
    %dma_start3A_238 = tpu.memref_squeeze %dma_start3A_237 : memref<1x1x80xi32, #tpu.memory_space<hbm>> -> memref<80xi32, #tpu.memory_space<hbm>>
    %dma_start3A_239 = arith.constant 0 : i32
    %dma_start3A_240 = tpu.memref_slice %arg6[%dma_start3A_232, %dma_start3A_239] : memref<5x80xi32, #tpu.memory_space<vmem>> -> memref<1x80xi32, #tpu.memory_space<vmem>>
    %dma_start3A_241 = tpu.memref_squeeze %dma_start3A_240 : memref<1x80xi32, #tpu.memory_space<vmem>> -> memref<80xi32, #tpu.memory_space<vmem>>
    %dma_start3A_242 = arith.constant 0 : i32
    %dma_start3A_243 = tpu.memref_slice %arg3[%add3A, %dma_start3A_231, %dma_start3A_242] : memref<32x125x80xi32, #tpu.memory_space<hbm>> -> memref<1x1x80xi32, #tpu.memory_space<hbm>>
    %dma_start3A_244 = tpu.memref_squeeze %dma_start3A_243 : memref<1x1x80xi32, #tpu.memory_space<hbm>> -> memref<80xi32, #tpu.memory_space<hbm>>
    tpu.enqueue_dma source(%dma_start3A_244 : memref<80xi32, #tpu.memory_space<hbm>>) target(%dma_start3A_241 : memref<80xi32, #tpu.memory_space<vmem>>) target_semaphore(%arg11 : memref<!tpu.dma_semaphore, #tpu.memory_space<semaphore_mem>>)
    %dma_start3A_245 = arith.constant 4 : i32
    %dma_start3A_246 = arith.constant 4 : i32
    %dma_start3A_247 = arith.constant 0 : i32
    %dma_start3A_248 = tpu.memref_slice %arg7[%dma_start3A_246, %dma_start3A_247] : memref<5x80xi32, #tpu.memory_space<vmem>> -> memref<1x80xi32, #tpu.memory_space<vmem>>
    %dma_start3A_249 = tpu.memref_squeeze %dma_start3A_248 : memref<1x80xi32, #tpu.memory_space<vmem>> -> memref<80xi32, #tpu.memory_space<vmem>>
    %dma_start3A_250 = arith.constant 0 : i32
    %dma_start3A_251 = tpu.memref_slice %arg4[%add3A, %dma_start3A_245, %dma_start3A_250] : memref<32x125x80xi32, #tpu.memory_space<hbm>> -> memref<1x1x80xi32, #tpu.memory_space<hbm>>
    %dma_start3A_252 = tpu.memref_squeeze %dma_start3A_251 : memref<1x1x80xi32, #tpu.memory_space<hbm>> -> memref<80xi32, #tpu.memory_space<hbm>>
    %dma_start3A_253 = arith.constant 0 : i32
    %dma_start3A_254 = tpu.memref_slice %arg7[%dma_start3A_246, %dma_start3A_253] : memref<5x80xi32, #tpu.memory_space<vmem>> -> memref<1x80xi32, #tpu.memory_space<vmem>>
    %dma_start3A_255 = tpu.memref_squeeze %dma_start3A_254 : memref<1x80xi32, #tpu.memory_space<vmem>> -> memref<80xi32, #tpu.memory_space<vmem>>
    %dma_start3A_256 = arith.constant 0 : i32
    %dma_start3A_257 = tpu.memref_slice %arg4[%add3A, %dma_start3A_245, %dma_start3A_256] : memref<32x125x80xi32, #tpu.memory_space<hbm>> -> memref<1x1x80xi32, #tpu.memory_space<hbm>>
    %dma_start3A_258 = tpu.memref_squeeze %dma_start3A_257 : memref<1x1x80xi32, #tpu.memory_space<hbm>> -> memref<80xi32, #tpu.memory_space<hbm>>
    tpu.enqueue_dma source(%dma_start3A_258 : memref<80xi32, #tpu.memory_space<hbm>>) target(%dma_start3A_255 : memref<80xi32, #tpu.memory_space<vmem>>) target_semaphore(%arg11 : memref<!tpu.dma_semaphore, #tpu.memory_space<semaphore_mem>>)
    %scan3A = arith.constant 0 : i32
    %scan3A_259 = arith.constant 0 : i32
    %scan3A_260 = arith.constant 40 : i32
    %scan3A_261 = arith.addi %scan3A_259, %scan3A_260 : i32
    %scan3A_262 = arith.constant 1 : i32
    scf.for %scan3A_762 = %scan3A_259 to %scan3A_261 step %scan3A_262  : i32 {
      %broadcast_in_dim3A = arith.constant 0.000000e+00 : f32
      %broadcast_in_dim3A_763 = vector.broadcast %broadcast_in_dim3A : f32 to vector<16xf32>
      %swap3A = arith.index_cast %scan3A_762 : i32 to index
      %swap3A_764 = arith.constant 0 : index
      %swap3A_765 = tpu.vector_load %arg9[%swap3A, %swap3A_764] {strides = array<i32>} : memref<40x128xf32, #tpu.memory_space<vmem>>, vector<1x16xf32>,
      %swap3A_766 = vector.shape_cast %swap3A_765 : vector<1x16xf32> to vector<16xf32>
      %swap3A_767 = vector.shape_cast %broadcast_in_dim3A_763 : vector<16xf32> to vector<1x16xf32>
      tpu.vector_store %arg9[%swap3A, %swap3A_764], %swap3A_767 {strides = array<i32>} : memref<40x128xf32, #tpu.memory_space<vmem>>, vector<1x16xf32>,
      %broadcast_in_dim3A_768 = arith.constant 0.000000e+00 : f32
      %broadcast_in_dim3A_769 = vector.broadcast %broadcast_in_dim3A_768 : f32 to vector<16xf32>
      %swap3A_770 = arith.index_cast %scan3A_762 : i32 to index
      %swap3A_771 = arith.constant 16 : index
      %swap3A_772 = tpu.vector_load %arg9[%swap3A_770, %swap3A_771] {strides = array<i32>} : memref<40x128xf32, #tpu.memory_space<vmem>>, vector<1x16xf32>,
      %swap3A_773 = vector.shape_cast %swap3A_772 : vector<1x16xf32> to vector<16xf32>
      %swap3A_774 = vector.shape_cast %broadcast_in_dim3A_769 : vector<16xf32> to vector<1x16xf32>
      tpu.vector_store %arg9[%swap3A_770, %swap3A_771], %swap3A_774 {strides = array<i32>} : memref<40x128xf32, #tpu.memory_space<vmem>>, vector<1x16xf32>,
      %broadcast_in_dim3A_775 = arith.constant 0.000000e+00 : f32
      %broadcast_in_dim3A_776 = vector.broadcast %broadcast_in_dim3A_775 : f32 to vector<16xf32>
      %swap3A_777 = arith.index_cast %scan3A_762 : i32 to index
      %swap3A_778 = arith.constant 32 : index
      %swap3A_779 = tpu.vector_load %arg9[%swap3A_777, %swap3A_778] {strides = array<i32>} : memref<40x128xf32, #tpu.memory_space<vmem>>, vector<1x16xf32>,
      %swap3A_780 = vector.shape_cast %swap3A_779 : vector<1x16xf32> to vector<16xf32>
      %swap3A_781 = vector.shape_cast %broadcast_in_dim3A_776 : vector<16xf32> to vector<1x16xf32>
      tpu.vector_store %arg9[%swap3A_777, %swap3A_778], %swap3A_781 {strides = array<i32>} : memref<40x128xf32, #tpu.memory_space<vmem>>, vector<1x16xf32>,
      %broadcast_in_dim3A_782 = arith.constant 0.000000e+00 : f32
      %broadcast_in_dim3A_783 = vector.broadcast %broadcast_in_dim3A_782 : f32 to vector<16xf32>
      %swap3A_784 = arith.index_cast %scan3A_762 : i32 to index
      %swap3A_785 = arith.constant 48 : index
      %swap3A_786 = tpu.vector_load %arg9[%swap3A_784, %swap3A_785] {strides = array<i32>} : memref<40x128xf32, #tpu.memory_space<vmem>>, vector<1x16xf32>,
      %swap3A_787 = vector.shape_cast %swap3A_786 : vector<1x16xf32> to vector<16xf32>
      %swap3A_788 = vector.shape_cast %broadcast_in_dim3A_783 : vector<16xf32> to vector<1x16xf32>
      tpu.vector_store %arg9[%swap3A_784, %swap3A_785], %swap3A_788 {strides = array<i32>} : memref<40x128xf32, #tpu.memory_space<vmem>>, vector<1x16xf32>,
      %broadcast_in_dim3A_789 = arith.constant 0.000000e+00 : f32
      %broadcast_in_dim3A_790 = vector.broadcast %broadcast_in_dim3A_789 : f32 to vector<16xf32>
      %swap3A_791 = arith.index_cast %scan3A_762 : i32 to index
      %swap3A_792 = arith.constant 64 : index
      %swap3A_793 = tpu.vector_load %arg9[%swap3A_791, %swap3A_792] {strides = array<i32>} : memref<40x128xf32, #tpu.memory_space<vmem>>, vector<1x16xf32>,
      %swap3A_794 = vector.shape_cast %swap3A_793 : vector<1x16xf32> to vector<16xf32>
      %swap3A_795 = vector.shape_cast %broadcast_in_dim3A_790 : vector<16xf32> to vector<1x16xf32>
      tpu.vector_store %arg9[%swap3A_791, %swap3A_792], %swap3A_795 {strides = array<i32>} : memref<40x128xf32, #tpu.memory_space<vmem>>, vector<1x16xf32>,
      %broadcast_in_dim3A_796 = arith.constant 0.000000e+00 : f32
      %broadcast_in_dim3A_797 = vector.broadcast %broadcast_in_dim3A_796 : f32 to vector<16xf32>
      %swap3A_798 = arith.index_cast %scan3A_762 : i32 to index
      %swap3A_799 = arith.constant 80 : index
      %swap3A_800 = tpu.vector_load %arg9[%swap3A_798, %swap3A_799] {strides = array<i32>} : memref<40x128xf32, #tpu.memory_space<vmem>>, vector<1x16xf32>,
      %swap3A_801 = vector.shape_cast %swap3A_800 : vector<1x16xf32> to vector<16xf32>
      %swap3A_802 = vector.shape_cast %broadcast_in_dim3A_797 : vector<16xf32> to vector<1x16xf32>
      tpu.vector_store %arg9[%swap3A_798, %swap3A_799], %swap3A_802 {strides = array<i32>} : memref<40x128xf32, #tpu.memory_space<vmem>>, vector<1x16xf32>,
      %broadcast_in_dim3A_803 = arith.constant 0.000000e+00 : f32
      %broadcast_in_dim3A_804 = vector.broadcast %broadcast_in_dim3A_803 : f32 to vector<16xf32>
      %swap3A_805 = arith.index_cast %scan3A_762 : i32 to index
      %swap3A_806 = arith.constant 96 : index
      %swap3A_807 = tpu.vector_load %arg9[%swap3A_805, %swap3A_806] {strides = array<i32>} : memref<40x128xf32, #tpu.memory_space<vmem>>, vector<1x16xf32>,
      %swap3A_808 = vector.shape_cast %swap3A_807 : vector<1x16xf32> to vector<16xf32>
      %swap3A_809 = vector.shape_cast %broadcast_in_dim3A_804 : vector<16xf32> to vector<1x16xf32>
      tpu.vector_store %arg9[%swap3A_805, %swap3A_806], %swap3A_809 {strides = array<i32>} : memref<40x128xf32, #tpu.memory_space<vmem>>, vector<1x16xf32>,
      %broadcast_in_dim3A_810 = arith.constant 0.000000e+00 : f32
      %broadcast_in_dim3A_811 = vector.broadcast %broadcast_in_dim3A_810 : f32 to vector<16xf32>
      %swap3A_812 = arith.index_cast %scan3A_762 : i32 to index
      %swap3A_813 = arith.constant 112 : index
      %swap3A_814 = tpu.vector_load %arg9[%swap3A_812, %swap3A_813] {strides = array<i32>} : memref<40x128xf32, #tpu.memory_space<vmem>>, vector<1x16xf32>,
      %swap3A_815 = vector.shape_cast %swap3A_814 : vector<1x16xf32> to vector<16xf32>
      %swap3A_816 = vector.shape_cast %broadcast_in_dim3A_811 : vector<16xf32> to vector<1x16xf32>
      tpu.vector_store %arg9[%swap3A_812, %swap3A_813], %swap3A_816 {strides = array<i32>} : memref<40x128xf32, #tpu.memory_space<vmem>>, vector<1x16xf32>,
    }
    %scan3A_263 = arith.constant 40 : i32
    %mul3A_264 = arith.constant 640 : i32
    %mul3A_265 = arith.muli %arg1, %mul3A_264 : i32
    %add3A_266 = arith.constant 0 : i32
    %add3A_267 = arith.addi %mul3A_265, %add3A_266 : i32
    %dma_start3A_268 = arith.constant 0 : i32
    %dma_start3A_269 = tpu.memref_slice %arg10[%add3A_267, %dma_start3A_268] : memref<10240x128xf32, #tpu.memory_space<vmem_shared>> -> memref<40x128xf32, #tpu.memory_space<vmem_shared>>
    %dma_start3A_270 = arith.constant 0 : i32
    %dma_start3A_271 = tpu.memref_slice %arg10[%add3A_267, %dma_start3A_270] : memref<10240x128xf32, #tpu.memory_space<vmem_shared>> -> memref<40x128xf32, #tpu.memory_space<vmem_shared>>
    tpu.enqueue_dma source(%arg9 : memref<40x128xf32, #tpu.memory_space<vmem>>) target(%dma_start3A_271 : memref<40x128xf32, #tpu.memory_space<vmem_shared>>) target_semaphore(%arg14 : memref<!tpu.dma_semaphore, #tpu.memory_space<semaphore_mem>>)
    %mul3A_272 = arith.constant 640 : i32
    %mul3A_273 = arith.muli %arg1, %mul3A_272 : i32
    %add3A_274 = arith.constant 40 : i32
    %add3A_275 = arith.addi %mul3A_273, %add3A_274 : i32
    %dma_start3A_276 = arith.constant 0 : i32
    %dma_start3A_277 = tpu.memref_slice %arg10[%add3A_275, %dma_start3A_276] : memref<10240x128xf32, #tpu.memory_space<vmem_shared>> -> memref<40x128xf32, #tpu.memory_space<vmem_shared>>
    %dma_start3A_278 = arith.constant 0 : i32
    %dma_start3A_279 = tpu.memref_slice %arg10[%add3A_275, %dma_start3A_278] : memref<10240x128xf32, #tpu.memory_space<vmem_shared>> -> memref<40x128xf32, #tpu.memory_space<vmem_shared>>
    tpu.enqueue_dma source(%arg9 : memref<40x128xf32, #tpu.memory_space<vmem>>) target(%dma_start3A_279 : memref<40x128xf32, #tpu.memory_space<vmem_shared>>) target_semaphore(%arg14 : memref<!tpu.dma_semaphore, #tpu.memory_space<semaphore_mem>>)
    %mul3A_280 = arith.constant 640 : i32
    %mul3A_281 = arith.muli %arg1, %mul3A_280 : i32
    %add3A_282 = arith.constant 80 : i32
    %add3A_283 = arith.addi %mul3A_281, %add3A_282 : i32
    %dma_start3A_284 = arith.constant 0 : i32
    %dma_start3A_285 = tpu.memref_slice %arg10[%add3A_283, %dma_start3A_284] : memref<10240x128xf32, #tpu.memory_space<vmem_shared>> -> memref<40x128xf32, #tpu.memory_space<vmem_shared>>
    %dma_start3A_286 = arith.constant 0 : i32
    %dma_start3A_287 = tpu.memref_slice %arg10[%add3A_283, %dma_start3A_286] : memref<10240x128xf32, #tpu.memory_space<vmem_shared>> -> memref<40x128xf32, #tpu.memory_space<vmem_shared>>
    tpu.enqueue_dma source(%arg9 : memref<40x128xf32, #tpu.memory_space<vmem>>) target(%dma_start3A_287 : memref<40x128xf32, #tpu.memory_space<vmem_shared>>) target_semaphore(%arg14 : memref<!tpu.dma_semaphore, #tpu.memory_space<semaphore_mem>>)
    %mul3A_288 = arith.constant 640 : i32
    %mul3A_289 = arith.muli %arg1, %mul3A_288 : i32
    %add3A_290 = arith.constant 120 : i32
    %add3A_291 = arith.addi %mul3A_289, %add3A_290 : i32
    %dma_start3A_292 = arith.constant 0 : i32
    %dma_start3A_293 = tpu.memref_slice %arg10[%add3A_291, %dma_start3A_292] : memref<10240x128xf32, #tpu.memory_space<vmem_shared>> -> memref<40x128xf32, #tpu.memory_space<vmem_shared>>
    %dma_start3A_294 = arith.constant 0 : i32
    %dma_start3A_295 = tpu.memref_slice %arg10[%add3A_291, %dma_start3A_294] : memref<10240x128xf32, #tpu.memory_space<vmem_shared>> -> memref<40x128xf32, #tpu.memory_space<vmem_shared>>
    tpu.enqueue_dma source(%arg9 : memref<40x128xf32, #tpu.memory_space<vmem>>) target(%dma_start3A_295 : memref<40x128xf32, #tpu.memory_space<vmem_shared>>) target_semaphore(%arg14 : memref<!tpu.dma_semaphore, #tpu.memory_space<semaphore_mem>>)
    %mul3A_296 = arith.constant 640 : i32
    %mul3A_297 = arith.muli %arg1, %mul3A_296 : i32
    %add3A_298 = arith.constant 160 : i32
    %add3A_299 = arith.addi %mul3A_297, %add3A_298 : i32
    %dma_start3A_300 = arith.constant 0 : i32
    %dma_start3A_301 = tpu.memref_slice %arg10[%add3A_299, %dma_start3A_300] : memref<10240x128xf32, #tpu.memory_space<vmem_shared>> -> memref<40x128xf32, #tpu.memory_space<vmem_shared>>
    %dma_start3A_302 = arith.constant 0 : i32
    %dma_start3A_303 = tpu.memref_slice %arg10[%add3A_299, %dma_start3A_302] : memref<10240x128xf32, #tpu.memory_space<vmem_shared>> -> memref<40x128xf32, #tpu.memory_space<vmem_shared>>
    tpu.enqueue_dma source(%arg9 : memref<40x128xf32, #tpu.memory_space<vmem>>) target(%dma_start3A_303 : memref<40x128xf32, #tpu.memory_space<vmem_shared>>) target_semaphore(%arg14 : memref<!tpu.dma_semaphore, #tpu.memory_space<semaphore_mem>>)
    %mul3A_304 = arith.constant 640 : i32
    %mul3A_305 = arith.muli %arg1, %mul3A_304 : i32
    %add3A_306 = arith.constant 200 : i32
    %add3A_307 = arith.addi %mul3A_305, %add3A_306 : i32
    %dma_start3A_308 = arith.constant 0 : i32
    %dma_start3A_309 = tpu.memref_slice %arg10[%add3A_307, %dma_start3A_308] : memref<10240x128xf32, #tpu.memory_space<vmem_shared>> -> memref<40x128xf32, #tpu.memory_space<vmem_shared>>
    %dma_start3A_310 = arith.constant 0 : i32
    %dma_start3A_311 = tpu.memref_slice %arg10[%add3A_307, %dma_start3A_310] : memref<10240x128xf32, #tpu.memory_space<vmem_shared>> -> memref<40x128xf32, #tpu.memory_space<vmem_shared>>
    tpu.enqueue_dma source(%arg9 : memref<40x128xf32, #tpu.memory_space<vmem>>) target(%dma_start3A_311 : memref<40x128xf32, #tpu.memory_space<vmem_shared>>) target_semaphore(%arg14 : memref<!tpu.dma_semaphore, #tpu.memory_space<semaphore_mem>>)
    %mul3A_312 = arith.constant 640 : i32
    %mul3A_313 = arith.muli %arg1, %mul3A_312 : i32
    %add3A_314 = arith.constant 240 : i32
    %add3A_315 = arith.addi %mul3A_313, %add3A_314 : i32
    %dma_start3A_316 = arith.constant 0 : i32
    %dma_start3A_317 = tpu.memref_slice %arg10[%add3A_315, %dma_start3A_316] : memref<10240x128xf32, #tpu.memory_space<vmem_shared>> -> memref<40x128xf32, #tpu.memory_space<vmem_shared>>
    %dma_start3A_318 = arith.constant 0 : i32
    %dma_start3A_319 = tpu.memref_slice %arg10[%add3A_315, %dma_start3A_318] : memref<10240x128xf32, #tpu.memory_space<vmem_shared>> -> memref<40x128xf32, #tpu.memory_space<vmem_shared>>
    tpu.enqueue_dma source(%arg9 : memref<40x128xf32, #tpu.memory_space<vmem>>) target(%dma_start3A_319 : memref<40x128xf32, #tpu.memory_space<vmem_shared>>) target_semaphore(%arg14 : memref<!tpu.dma_semaphore, #tpu.memory_space<semaphore_mem>>)
    %mul3A_320 = arith.constant 640 : i32
    %mul3A_321 = arith.muli %arg1, %mul3A_320 : i32
    %add3A_322 = arith.constant 280 : i32
    %add3A_323 = arith.addi %mul3A_321, %add3A_322 : i32
    %dma_start3A_324 = arith.constant 0 : i32
    %dma_start3A_325 = tpu.memref_slice %arg10[%add3A_323, %dma_start3A_324] : memref<10240x128xf32, #tpu.memory_space<vmem_shared>> -> memref<40x128xf32, #tpu.memory_space<vmem_shared>>
    %dma_start3A_326 = arith.constant 0 : i32
    %dma_start3A_327 = tpu.memref_slice %arg10[%add3A_323, %dma_start3A_326] : memref<10240x128xf32, #tpu.memory_space<vmem_shared>> -> memref<40x128xf32, #tpu.memory_space<vmem_shared>>
    tpu.enqueue_dma source(%arg9 : memref<40x128xf32, #tpu.memory_space<vmem>>) target(%dma_start3A_327 : memref<40x128xf32, #tpu.memory_space<vmem_shared>>) target_semaphore(%arg14 : memref<!tpu.dma_semaphore, #tpu.memory_space<semaphore_mem>>)
    %mul3A_328 = arith.constant 640 : i32
    %mul3A_329 = arith.muli %arg1, %mul3A_328 : i32
    %add3A_330 = arith.constant 320 : i32
    %add3A_331 = arith.addi %mul3A_329, %add3A_330 : i32
    %dma_start3A_332 = arith.constant 0 : i32
    %dma_start3A_333 = tpu.memref_slice %arg10[%add3A_331, %dma_start3A_332] : memref<10240x128xf32, #tpu.memory_space<vmem_shared>> -> memref<40x128xf32, #tpu.memory_space<vmem_shared>>
    %dma_start3A_334 = arith.constant 0 : i32
    %dma_start3A_335 = tpu.memref_slice %arg10[%add3A_331, %dma_start3A_334] : memref<10240x128xf32, #tpu.memory_space<vmem_shared>> -> memref<40x128xf32, #tpu.memory_space<vmem_shared>>
    tpu.enqueue_dma source(%arg9 : memref<40x128xf32, #tpu.memory_space<vmem>>) target(%dma_start3A_335 : memref<40x128xf32, #tpu.memory_space<vmem_shared>>) target_semaphore(%arg14 : memref<!tpu.dma_semaphore, #tpu.memory_space<semaphore_mem>>)
    %mul3A_336 = arith.constant 640 : i32
    %mul3A_337 = arith.muli %arg1, %mul3A_336 : i32
    %add3A_338 = arith.constant 360 : i32
    %add3A_339 = arith.addi %mul3A_337, %add3A_338 : i32
    %dma_start3A_340 = arith.constant 0 : i32
    %dma_start3A_341 = tpu.memref_slice %arg10[%add3A_339, %dma_start3A_340] : memref<10240x128xf32, #tpu.memory_space<vmem_shared>> -> memref<40x128xf32, #tpu.memory_space<vmem_shared>>
    %dma_start3A_342 = arith.constant 0 : i32
    %dma_start3A_343 = tpu.memref_slice %arg10[%add3A_339, %dma_start3A_342] : memref<10240x128xf32, #tpu.memory_space<vmem_shared>> -> memref<40x128xf32, #tpu.memory_space<vmem_shared>>
    tpu.enqueue_dma source(%arg9 : memref<40x128xf32, #tpu.memory_space<vmem>>) target(%dma_start3A_343 : memref<40x128xf32, #tpu.memory_space<vmem_shared>>) target_semaphore(%arg14 : memref<!tpu.dma_semaphore, #tpu.memory_space<semaphore_mem>>)
    %mul3A_344 = arith.constant 640 : i32
    %mul3A_345 = arith.muli %arg1, %mul3A_344 : i32
    %add3A_346 = arith.constant 400 : i32
    %add3A_347 = arith.addi %mul3A_345, %add3A_346 : i32
    %dma_start3A_348 = arith.constant 0 : i32
    %dma_start3A_349 = tpu.memref_slice %arg10[%add3A_347, %dma_start3A_348] : memref<10240x128xf32, #tpu.memory_space<vmem_shared>> -> memref<40x128xf32, #tpu.memory_space<vmem_shared>>
    %dma_start3A_350 = arith.constant 0 : i32
    %dma_start3A_351 = tpu.memref_slice %arg10[%add3A_347, %dma_start3A_350] : memref<10240x128xf32, #tpu.memory_space<vmem_shared>> -> memref<40x128xf32, #tpu.memory_space<vmem_shared>>
    tpu.enqueue_dma source(%arg9 : memref<40x128xf32, #tpu.memory_space<vmem>>) target(%dma_start3A_351 : memref<40x128xf32, #tpu.memory_space<vmem_shared>>) target_semaphore(%arg14 : memref<!tpu.dma_semaphore, #tpu.memory_space<semaphore_mem>>)
    %mul3A_352 = arith.constant 640 : i32
    %mul3A_353 = arith.muli %arg1, %mul3A_352 : i32
    %add3A_354 = arith.constant 440 : i32
    %add3A_355 = arith.addi %mul3A_353, %add3A_354 : i32
    %dma_start3A_356 = arith.constant 0 : i32
    %dma_start3A_357 = tpu.memref_slice %arg10[%add3A_355, %dma_start3A_356] : memref<10240x128xf32, #tpu.memory_space<vmem_shared>> -> memref<40x128xf32, #tpu.memory_space<vmem_shared>>
    %dma_start3A_358 = arith.constant 0 : i32
    %dma_start3A_359 = tpu.memref_slice %arg10[%add3A_355, %dma_start3A_358] : memref<10240x128xf32, #tpu.memory_space<vmem_shared>> -> memref<40x128xf32, #tpu.memory_space<vmem_shared>>
    tpu.enqueue_dma source(%arg9 : memref<40x128xf32, #tpu.memory_space<vmem>>) target(%dma_start3A_359 : memref<40x128xf32, #tpu.memory_space<vmem_shared>>) target_semaphore(%arg14 : memref<!tpu.dma_semaphore, #tpu.memory_space<semaphore_mem>>)
    %mul3A_360 = arith.constant 640 : i32
    %mul3A_361 = arith.muli %arg1, %mul3A_360 : i32
    %add3A_362 = arith.constant 480 : i32
    %add3A_363 = arith.addi %mul3A_361, %add3A_362 : i32
    %dma_start3A_364 = arith.constant 0 : i32
    %dma_start3A_365 = tpu.memref_slice %arg10[%add3A_363, %dma_start3A_364] : memref<10240x128xf32, #tpu.memory_space<vmem_shared>> -> memref<40x128xf32, #tpu.memory_space<vmem_shared>>
    %dma_start3A_366 = arith.constant 0 : i32
    %dma_start3A_367 = tpu.memref_slice %arg10[%add3A_363, %dma_start3A_366] : memref<10240x128xf32, #tpu.memory_space<vmem_shared>> -> memref<40x128xf32, #tpu.memory_space<vmem_shared>>
    tpu.enqueue_dma source(%arg9 : memref<40x128xf32, #tpu.memory_space<vmem>>) target(%dma_start3A_367 : memref<40x128xf32, #tpu.memory_space<vmem_shared>>) target_semaphore(%arg14 : memref<!tpu.dma_semaphore, #tpu.memory_space<semaphore_mem>>)
    %mul3A_368 = arith.constant 640 : i32
    %mul3A_369 = arith.muli %arg1, %mul3A_368 : i32
    %add3A_370 = arith.constant 520 : i32
    %add3A_371 = arith.addi %mul3A_369, %add3A_370 : i32
    %dma_start3A_372 = arith.constant 0 : i32
    %dma_start3A_373 = tpu.memref_slice %arg10[%add3A_371, %dma_start3A_372] : memref<10240x128xf32, #tpu.memory_space<vmem_shared>> -> memref<40x128xf32, #tpu.memory_space<vmem_shared>>
    %dma_start3A_374 = arith.constant 0 : i32
    %dma_start3A_375 = tpu.memref_slice %arg10[%add3A_371, %dma_start3A_374] : memref<10240x128xf32, #tpu.memory_space<vmem_shared>> -> memref<40x128xf32, #tpu.memory_space<vmem_shared>>
    tpu.enqueue_dma source(%arg9 : memref<40x128xf32, #tpu.memory_space<vmem>>) target(%dma_start3A_375 : memref<40x128xf32, #tpu.memory_space<vmem_shared>>) target_semaphore(%arg14 : memref<!tpu.dma_semaphore, #tpu.memory_space<semaphore_mem>>)
    %mul3A_376 = arith.constant 640 : i32
    %mul3A_377 = arith.muli %arg1, %mul3A_376 : i32
    %add3A_378 = arith.constant 560 : i32
    %add3A_379 = arith.addi %mul3A_377, %add3A_378 : i32
    %dma_start3A_380 = arith.constant 0 : i32
    %dma_start3A_381 = tpu.memref_slice %arg10[%add3A_379, %dma_start3A_380] : memref<10240x128xf32, #tpu.memory_space<vmem_shared>> -> memref<40x128xf32, #tpu.memory_space<vmem_shared>>
    %dma_start3A_382 = arith.constant 0 : i32
    %dma_start3A_383 = tpu.memref_slice %arg10[%add3A_379, %dma_start3A_382] : memref<10240x128xf32, #tpu.memory_space<vmem_shared>> -> memref<40x128xf32, #tpu.memory_space<vmem_shared>>
    tpu.enqueue_dma source(%arg9 : memref<40x128xf32, #tpu.memory_space<vmem>>) target(%dma_start3A_383 : memref<40x128xf32, #tpu.memory_space<vmem_shared>>) target_semaphore(%arg14 : memref<!tpu.dma_semaphore, #tpu.memory_space<semaphore_mem>>)
    %mul3A_384 = arith.constant 640 : i32
    %mul3A_385 = arith.muli %arg1, %mul3A_384 : i32
    %add3A_386 = arith.constant 600 : i32
    %add3A_387 = arith.addi %mul3A_385, %add3A_386 : i32
    %dma_start3A_388 = arith.constant 0 : i32
    %dma_start3A_389 = tpu.memref_slice %arg10[%add3A_387, %dma_start3A_388] : memref<10240x128xf32, #tpu.memory_space<vmem_shared>> -> memref<40x128xf32, #tpu.memory_space<vmem_shared>>
    %dma_start3A_390 = arith.constant 0 : i32
    %dma_start3A_391 = tpu.memref_slice %arg10[%add3A_387, %dma_start3A_390] : memref<10240x128xf32, #tpu.memory_space<vmem_shared>> -> memref<40x128xf32, #tpu.memory_space<vmem_shared>>
    tpu.enqueue_dma source(%arg9 : memref<40x128xf32, #tpu.memory_space<vmem>>) target(%dma_start3A_391 : memref<40x128xf32, #tpu.memory_space<vmem_shared>>) target_semaphore(%arg14 : memref<!tpu.dma_semaphore, #tpu.memory_space<semaphore_mem>>)
    %mul3A_392 = arith.constant 640 : i32
    %mul3A_393 = arith.muli %arg1, %mul3A_392 : i32
    %dma_wait3A_394 = arith.constant 0 : i32
    %dma_wait3A_395 = tpu.memref_slice %arg10[%mul3A_393, %dma_wait3A_394] : memref<10240x128xf32, #tpu.memory_space<vmem_shared>> -> memref<40x128xf32, #tpu.memory_space<vmem_shared>>
    %dma_wait3A_396 = arith.constant 0 : i32
    %dma_wait3A_397 = tpu.memref_slice %arg10[%mul3A_393, %dma_wait3A_396] : memref<10240x128xf32, #tpu.memory_space<vmem_shared>> -> memref<40x128xf32, #tpu.memory_space<vmem_shared>>
    tpu.wait_dma2 semaphore(%arg14 : memref<!tpu.dma_semaphore, #tpu.memory_space<semaphore_mem>>) src(%arg9 : memref<40x128xf32, #tpu.memory_space<vmem>>) dst(%dma_wait3A_397 : memref<40x128xf32, #tpu.memory_space<vmem_shared>>)
    %mul3A_398 = arith.constant 640 : i32
    %mul3A_399 = arith.muli %arg1, %mul3A_398 : i32
    %dma_wait3A_400 = arith.constant 0 : i32
    %dma_wait3A_401 = tpu.memref_slice %arg10[%mul3A_399, %dma_wait3A_400] : memref<10240x128xf32, #tpu.memory_space<vmem_shared>> -> memref<40x128xf32, #tpu.memory_space<vmem_shared>>
    %dma_wait3A_402 = arith.constant 0 : i32
    %dma_wait3A_403 = tpu.memref_slice %arg10[%mul3A_399, %dma_wait3A_402] : memref<10240x128xf32, #tpu.memory_space<vmem_shared>> -> memref<40x128xf32, #tpu.memory_space<vmem_shared>>
    tpu.wait_dma2 semaphore(%arg14 : memref<!tpu.dma_semaphore, #tpu.memory_space<semaphore_mem>>) src(%arg9 : memref<40x128xf32, #tpu.memory_space<vmem>>) dst(%dma_wait3A_403 : memref<40x128xf32, #tpu.memory_space<vmem_shared>>)
    %mul3A_404 = arith.constant 640 : i32
    %mul3A_405 = arith.muli %arg1, %mul3A_404 : i32
    %dma_wait3A_406 = arith.constant 0 : i32
    %dma_wait3A_407 = tpu.memref_slice %arg10[%mul3A_405, %dma_wait3A_406] : memref<10240x128xf32, #tpu.memory_space<vmem_shared>> -> memref<40x128xf32, #tpu.memory_space<vmem_shared>>
    %dma_wait3A_408 = arith.constant 0 : i32
    %dma_wait3A_409 = tpu.memref_slice %arg10[%mul3A_405, %dma_wait3A_408] : memref<10240x128xf32, #tpu.memory_space<vmem_shared>> -> memref<40x128xf32, #tpu.memory_space<vmem_shared>>
    tpu.wait_dma2 semaphore(%arg14 : memref<!tpu.dma_semaphore, #tpu.memory_space<semaphore_mem>>) src(%arg9 : memref<40x128xf32, #tpu.memory_space<vmem>>) dst(%dma_wait3A_409 : memref<40x128xf32, #tpu.memory_space<vmem_shared>>)
    %mul3A_410 = arith.constant 640 : i32
    %mul3A_411 = arith.muli %arg1, %mul3A_410 : i32
    %dma_wait3A_412 = arith.constant 0 : i32
    %dma_wait3A_413 = tpu.memref_slice %arg10[%mul3A_411, %dma_wait3A_412] : memref<10240x128xf32, #tpu.memory_space<vmem_shared>> -> memref<40x128xf32, #tpu.memory_space<vmem_shared>>
    %dma_wait3A_414 = arith.constant 0 : i32
    %dma_wait3A_415 = tpu.memref_slice %arg10[%mul3A_411, %dma_wait3A_414] : memref<10240x128xf32, #tpu.memory_space<vmem_shared>> -> memref<40x128xf32, #tpu.memory_space<vmem_shared>>
    tpu.wait_dma2 semaphore(%arg14 : memref<!tpu.dma_semaphore, #tpu.memory_space<semaphore_mem>>) src(%arg9 : memref<40x128xf32, #tpu.memory_space<vmem>>) dst(%dma_wait3A_415 : memref<40x128xf32, #tpu.memory_space<vmem_shared>>)
    %mul3A_416 = arith.constant 640 : i32
    %mul3A_417 = arith.muli %arg1, %mul3A_416 : i32
    %dma_wait3A_418 = arith.constant 0 : i32
    %dma_wait3A_419 = tpu.memref_slice %arg10[%mul3A_417, %dma_wait3A_418] : memref<10240x128xf32, #tpu.memory_space<vmem_shared>> -> memref<40x128xf32, #tpu.memory_space<vmem_shared>>
    %dma_wait3A_420 = arith.constant 0 : i32
    %dma_wait3A_421 = tpu.memref_slice %arg10[%mul3A_417, %dma_wait3A_420] : memref<10240x128xf32, #tpu.memory_space<vmem_shared>> -> memref<40x128xf32, #tpu.memory_space<vmem_shared>>
    tpu.wait_dma2 semaphore(%arg14 : memref<!tpu.dma_semaphore, #tpu.memory_space<semaphore_mem>>) src(%arg9 : memref<40x128xf32, #tpu.memory_space<vmem>>) dst(%dma_wait3A_421 : memref<40x128xf32, #tpu.memory_space<vmem_shared>>)
    %mul3A_422 = arith.constant 640 : i32
    %mul3A_423 = arith.muli %arg1, %mul3A_422 : i32
    %dma_wait3A_424 = arith.constant 0 : i32
    %dma_wait3A_425 = tpu.memref_slice %arg10[%mul3A_423, %dma_wait3A_424] : memref<10240x128xf32, #tpu.memory_space<vmem_shared>> -> memref<40x128xf32, #tpu.memory_space<vmem_shared>>
    %dma_wait3A_426 = arith.constant 0 : i32
    %dma_wait3A_427 = tpu.memref_slice %arg10[%mul3A_423, %dma_wait3A_426] : memref<10240x128xf32, #tpu.memory_space<vmem_shared>> -> memref<40x128xf32, #tpu.memory_space<vmem_shared>>
    tpu.wait_dma2 semaphore(%arg14 : memref<!tpu.dma_semaphore, #tpu.memory_space<semaphore_mem>>) src(%arg9 : memref<40x128xf32, #tpu.memory_space<vmem>>) dst(%dma_wait3A_427 : memref<40x128xf32, #tpu.memory_space<vmem_shared>>)
    %mul3A_428 = arith.constant 640 : i32
    %mul3A_429 = arith.muli %arg1, %mul3A_428 : i32
    %dma_wait3A_430 = arith.constant 0 : i32
    %dma_wait3A_431 = tpu.memref_slice %arg10[%mul3A_429, %dma_wait3A_430] : memref<10240x128xf32, #tpu.memory_space<vmem_shared>> -> memref<40x128xf32, #tpu.memory_space<vmem_shared>>
    %dma_wait3A_432 = arith.constant 0 : i32
    %dma_wait3A_433 = tpu.memref_slice %arg10[%mul3A_429, %dma_wait3A_432] : memref<10240x128xf32, #tpu.memory_space<vmem_shared>> -> memref<40x128xf32, #tpu.memory_space<vmem_shared>>
    tpu.wait_dma2 semaphore(%arg14 : memref<!tpu.dma_semaphore, #tpu.memory_space<semaphore_mem>>) src(%arg9 : memref<40x128xf32, #tpu.memory_space<vmem>>) dst(%dma_wait3A_433 : memref<40x128xf32, #tpu.memory_space<vmem_shared>>)
    %mul3A_434 = arith.constant 640 : i32
    %mul3A_435 = arith.muli %arg1, %mul3A_434 : i32
    %dma_wait3A_436 = arith.constant 0 : i32
    %dma_wait3A_437 = tpu.memref_slice %arg10[%mul3A_435, %dma_wait3A_436] : memref<10240x128xf32, #tpu.memory_space<vmem_shared>> -> memref<40x128xf32, #tpu.memory_space<vmem_shared>>
    %dma_wait3A_438 = arith.constant 0 : i32
    %dma_wait3A_439 = tpu.memref_slice %arg10[%mul3A_435, %dma_wait3A_438] : memref<10240x128xf32, #tpu.memory_space<vmem_shared>> -> memref<40x128xf32, #tpu.memory_space<vmem_shared>>
    tpu.wait_dma2 semaphore(%arg14 : memref<!tpu.dma_semaphore, #tpu.memory_space<semaphore_mem>>) src(%arg9 : memref<40x128xf32, #tpu.memory_space<vmem>>) dst(%dma_wait3A_439 : memref<40x128xf32, #tpu.memory_space<vmem_shared>>)
    %mul3A_440 = arith.constant 640 : i32
    %mul3A_441 = arith.muli %arg1, %mul3A_440 : i32
    %dma_wait3A_442 = arith.constant 0 : i32
    %dma_wait3A_443 = tpu.memref_slice %arg10[%mul3A_441, %dma_wait3A_442] : memref<10240x128xf32, #tpu.memory_space<vmem_shared>> -> memref<40x128xf32, #tpu.memory_space<vmem_shared>>
    %dma_wait3A_444 = arith.constant 0 : i32
    %dma_wait3A_445 = tpu.memref_slice %arg10[%mul3A_441, %dma_wait3A_444] : memref<10240x128xf32, #tpu.memory_space<vmem_shared>> -> memref<40x128xf32, #tpu.memory_space<vmem_shared>>
    tpu.wait_dma2 semaphore(%arg14 : memref<!tpu.dma_semaphore, #tpu.memory_space<semaphore_mem>>) src(%arg9 : memref<40x128xf32, #tpu.memory_space<vmem>>) dst(%dma_wait3A_445 : memref<40x128xf32, #tpu.memory_space<vmem_shared>>)
    %mul3A_446 = arith.constant 640 : i32
    %mul3A_447 = arith.muli %arg1, %mul3A_446 : i32
    %dma_wait3A_448 = arith.constant 0 : i32
    %dma_wait3A_449 = tpu.memref_slice %arg10[%mul3A_447, %dma_wait3A_448] : memref<10240x128xf32, #tpu.memory_space<vmem_shared>> -> memref<40x128xf32, #tpu.memory_space<vmem_shared>>
    %dma_wait3A_450 = arith.constant 0 : i32
    %dma_wait3A_451 = tpu.memref_slice %arg10[%mul3A_447, %dma_wait3A_450] : memref<10240x128xf32, #tpu.memory_space<vmem_shared>> -> memref<40x128xf32, #tpu.memory_space<vmem_shared>>
    tpu.wait_dma2 semaphore(%arg14 : memref<!tpu.dma_semaphore, #tpu.memory_space<semaphore_mem>>) src(%arg9 : memref<40x128xf32, #tpu.memory_space<vmem>>) dst(%dma_wait3A_451 : memref<40x128xf32, #tpu.memory_space<vmem_shared>>)
    %mul3A_452 = arith.constant 640 : i32
    %mul3A_453 = arith.muli %arg1, %mul3A_452 : i32
    %dma_wait3A_454 = arith.constant 0 : i32
    %dma_wait3A_455 = tpu.memref_slice %arg10[%mul3A_453, %dma_wait3A_454] : memref<10240x128xf32, #tpu.memory_space<vmem_shared>> -> memref<40x128xf32, #tpu.memory_space<vmem_shared>>
    %dma_wait3A_456 = arith.constant 0 : i32
    %dma_wait3A_457 = tpu.memref_slice %arg10[%mul3A_453, %dma_wait3A_456] : memref<10240x128xf32, #tpu.memory_space<vmem_shared>> -> memref<40x128xf32, #tpu.memory_space<vmem_shared>>
    tpu.wait_dma2 semaphore(%arg14 : memref<!tpu.dma_semaphore, #tpu.memory_space<semaphore_mem>>) src(%arg9 : memref<40x128xf32, #tpu.memory_space<vmem>>) dst(%dma_wait3A_457 : memref<40x128xf32, #tpu.memory_space<vmem_shared>>)
    %mul3A_458 = arith.constant 640 : i32
    %mul3A_459 = arith.muli %arg1, %mul3A_458 : i32
    %dma_wait3A_460 = arith.constant 0 : i32
    %dma_wait3A_461 = tpu.memref_slice %arg10[%mul3A_459, %dma_wait3A_460] : memref<10240x128xf32, #tpu.memory_space<vmem_shared>> -> memref<40x128xf32, #tpu.memory_space<vmem_shared>>
    %dma_wait3A_462 = arith.constant 0 : i32
    %dma_wait3A_463 = tpu.memref_slice %arg10[%mul3A_459, %dma_wait3A_462] : memref<10240x128xf32, #tpu.memory_space<vmem_shared>> -> memref<40x128xf32, #tpu.memory_space<vmem_shared>>
    tpu.wait_dma2 semaphore(%arg14 : memref<!tpu.dma_semaphore, #tpu.memory_space<semaphore_mem>>) src(%arg9 : memref<40x128xf32, #tpu.memory_space<vmem>>) dst(%dma_wait3A_463 : memref<40x128xf32, #tpu.memory_space<vmem_shared>>)
    %mul3A_464 = arith.constant 640 : i32
    %mul3A_465 = arith.muli %arg1, %mul3A_464 : i32
    %dma_wait3A_466 = arith.constant 0 : i32
    %dma_wait3A_467 = tpu.memref_slice %arg10[%mul3A_465, %dma_wait3A_466] : memref<10240x128xf32, #tpu.memory_space<vmem_shared>> -> memref<40x128xf32, #tpu.memory_space<vmem_shared>>
    %dma_wait3A_468 = arith.constant 0 : i32
    %dma_wait3A_469 = tpu.memref_slice %arg10[%mul3A_465, %dma_wait3A_468] : memref<10240x128xf32, #tpu.memory_space<vmem_shared>> -> memref<40x128xf32, #tpu.memory_space<vmem_shared>>
    tpu.wait_dma2 semaphore(%arg14 : memref<!tpu.dma_semaphore, #tpu.memory_space<semaphore_mem>>) src(%arg9 : memref<40x128xf32, #tpu.memory_space<vmem>>) dst(%dma_wait3A_469 : memref<40x128xf32, #tpu.memory_space<vmem_shared>>)
    %mul3A_470 = arith.constant 640 : i32
    %mul3A_471 = arith.muli %arg1, %mul3A_470 : i32
    %dma_wait3A_472 = arith.constant 0 : i32
    %dma_wait3A_473 = tpu.memref_slice %arg10[%mul3A_471, %dma_wait3A_472] : memref<10240x128xf32, #tpu.memory_space<vmem_shared>> -> memref<40x128xf32, #tpu.memory_space<vmem_shared>>
    %dma_wait3A_474 = arith.constant 0 : i32
    %dma_wait3A_475 = tpu.memref_slice %arg10[%mul3A_471, %dma_wait3A_474] : memref<10240x128xf32, #tpu.memory_space<vmem_shared>> -> memref<40x128xf32, #tpu.memory_space<vmem_shared>>
    tpu.wait_dma2 semaphore(%arg14 : memref<!tpu.dma_semaphore, #tpu.memory_space<semaphore_mem>>) src(%arg9 : memref<40x128xf32, #tpu.memory_space<vmem>>) dst(%dma_wait3A_475 : memref<40x128xf32, #tpu.memory_space<vmem_shared>>)
    %mul3A_476 = arith.constant 640 : i32
    %mul3A_477 = arith.muli %arg1, %mul3A_476 : i32
    %dma_wait3A_478 = arith.constant 0 : i32
    %dma_wait3A_479 = tpu.memref_slice %arg10[%mul3A_477, %dma_wait3A_478] : memref<10240x128xf32, #tpu.memory_space<vmem_shared>> -> memref<40x128xf32, #tpu.memory_space<vmem_shared>>
    %dma_wait3A_480 = arith.constant 0 : i32
    %dma_wait3A_481 = tpu.memref_slice %arg10[%mul3A_477, %dma_wait3A_480] : memref<10240x128xf32, #tpu.memory_space<vmem_shared>> -> memref<40x128xf32, #tpu.memory_space<vmem_shared>>
    tpu.wait_dma2 semaphore(%arg14 : memref<!tpu.dma_semaphore, #tpu.memory_space<semaphore_mem>>) src(%arg9 : memref<40x128xf32, #tpu.memory_space<vmem>>) dst(%dma_wait3A_481 : memref<40x128xf32, #tpu.memory_space<vmem_shared>>)
    %mul3A_482 = arith.constant 640 : i32
    %mul3A_483 = arith.muli %arg1, %mul3A_482 : i32
    %dma_wait3A_484 = arith.constant 0 : i32
    %dma_wait3A_485 = tpu.memref_slice %arg10[%mul3A_483, %dma_wait3A_484] : memref<10240x128xf32, #tpu.memory_space<vmem_shared>> -> memref<40x128xf32, #tpu.memory_space<vmem_shared>>
    %dma_wait3A_486 = arith.constant 0 : i32
    %dma_wait3A_487 = tpu.memref_slice %arg10[%mul3A_483, %dma_wait3A_486] : memref<10240x128xf32, #tpu.memory_space<vmem_shared>> -> memref<40x128xf32, #tpu.memory_space<vmem_shared>>
    tpu.wait_dma2 semaphore(%arg14 : memref<!tpu.dma_semaphore, #tpu.memory_space<semaphore_mem>>) src(%arg9 : memref<40x128xf32, #tpu.memory_space<vmem>>) dst(%dma_wait3A_487 : memref<40x128xf32, #tpu.memory_space<vmem_shared>>)
    %barrier3A = arith.constant 0 : index
    tpu.barrier barrier_id(%barrier3A)
    %dma_wait3A_488 = arith.constant 0 : i32
    %dma_wait3A_489 = arith.constant 0 : i32
    %dma_wait3A_490 = arith.constant 0 : i32
    %dma_wait3A_491 = tpu.memref_slice %arg6[%dma_wait3A_489, %dma_wait3A_490] : memref<5x80xi32, #tpu.memory_space<vmem>> -> memref<1x80xi32, #tpu.memory_space<vmem>>
    %dma_wait3A_492 = tpu.memref_squeeze %dma_wait3A_491 : memref<1x80xi32, #tpu.memory_space<vmem>> -> memref<80xi32, #tpu.memory_space<vmem>>
    %dma_wait3A_493 = arith.constant 0 : i32
    %dma_wait3A_494 = tpu.memref_slice %arg3[%add3A, %dma_wait3A_488, %dma_wait3A_493] : memref<32x125x80xi32, #tpu.memory_space<hbm>> -> memref<1x1x80xi32, #tpu.memory_space<hbm>>
    %dma_wait3A_495 = tpu.memref_squeeze %dma_wait3A_494 : memref<1x1x80xi32, #tpu.memory_space<hbm>> -> memref<80xi32, #tpu.memory_space<hbm>>
    %dma_wait3A_496 = arith.constant 0 : i32
    %dma_wait3A_497 = tpu.memref_slice %arg6[%dma_wait3A_489, %dma_wait3A_496] : memref<5x80xi32, #tpu.memory_space<vmem>> -> memref<1x80xi32, #tpu.memory_space<vmem>>
    %dma_wait3A_498 = tpu.memref_squeeze %dma_wait3A_497 : memref<1x80xi32, #tpu.memory_space<vmem>> -> memref<80xi32, #tpu.memory_space<vmem>>
    %dma_wait3A_499 = arith.constant 0 : i32
    %dma_wait3A_500 = tpu.memref_slice %arg3[%add3A, %dma_wait3A_488, %dma_wait3A_499] : memref<32x125x80xi32, #tpu.memory_space<hbm>> -> memref<1x1x80xi32, #tpu.memory_space<hbm>>
    %dma_wait3A_501 = tpu.memref_squeeze %dma_wait3A_500 : memref<1x1x80xi32, #tpu.memory_space<hbm>> -> memref<80xi32, #tpu.memory_space<hbm>>
    tpu.wait_dma2 semaphore(%arg11 : memref<!tpu.dma_semaphore, #tpu.memory_space<semaphore_mem>>) src(%dma_wait3A_501 : memref<80xi32, #tpu.memory_space<hbm>>) dst(%dma_wait3A_498 : memref<80xi32, #tpu.memory_space<vmem>>)
    %dma_wait3A_502 = arith.constant 0 : i32
    %dma_wait3A_503 = arith.constant 0 : i32
    %dma_wait3A_504 = arith.constant 0 : i32
    %dma_wait3A_505 = tpu.memref_slice %arg7[%dma_wait3A_503, %dma_wait3A_504] : memref<5x80xi32, #tpu.memory_space<vmem>> -> memref<1x80xi32, #tpu.memory_space<vmem>>
    %dma_wait3A_506 = tpu.memref_squeeze %dma_wait3A_505 : memref<1x80xi32, #tpu.memory_space<vmem>> -> memref<80xi32, #tpu.memory_space<vmem>>
    %dma_wait3A_507 = arith.constant 0 : i32
    %dma_wait3A_508 = tpu.memref_slice %arg4[%add3A, %dma_wait3A_502, %dma_wait3A_507] : memref<32x125x80xi32, #tpu.memory_space<hbm>> -> memref<1x1x80xi32, #tpu.memory_space<hbm>>
    %dma_wait3A_509 = tpu.memref_squeeze %dma_wait3A_508 : memref<1x1x80xi32, #tpu.memory_space<hbm>> -> memref<80xi32, #tpu.memory_space<hbm>>
    %dma_wait3A_510 = arith.constant 0 : i32
    %dma_wait3A_511 = tpu.memref_slice %arg7[%dma_wait3A_503, %dma_wait3A_510] : memref<5x80xi32, #tpu.memory_space<vmem>> -> memref<1x80xi32, #tpu.memory_space<vmem>>
    %dma_wait3A_512 = tpu.memref_squeeze %dma_wait3A_511 : memref<1x80xi32, #tpu.memory_space<vmem>> -> memref<80xi32, #tpu.memory_space<vmem>>
    %dma_wait3A_513 = arith.constant 0 : i32
    %dma_wait3A_514 = tpu.memref_slice %arg4[%add3A, %dma_wait3A_502, %dma_wait3A_513] : memref<32x125x80xi32, #tpu.memory_space<hbm>> -> memref<1x1x80xi32, #tpu.memory_space<hbm>>
    %dma_wait3A_515 = tpu.memref_squeeze %dma_wait3A_514 : memref<1x1x80xi32, #tpu.memory_space<hbm>> -> memref<80xi32, #tpu.memory_space<hbm>>
    tpu.wait_dma2 semaphore(%arg11 : memref<!tpu.dma_semaphore, #tpu.memory_space<semaphore_mem>>) src(%dma_wait3A_515 : memref<80xi32, #tpu.memory_space<hbm>>) dst(%dma_wait3A_512 : memref<80xi32, #tpu.memory_space<vmem>>)
    %dma_start3A_516 = arith.constant 3 : i32
    %dma_start3A_517 = arith.constant 3 : i32
    %dma_start3A_518 = arith.constant 0 : i32
    %dma_start3A_519 = arith.constant 0 : i32
    %dma_start3A_520 = tpu.memref_slice %arg8[%dma_start3A_517, %dma_start3A_518, %dma_start3A_519] : memref<4x80x128xf32, #tpu.memory_space<vmem>> -> memref<1x80x128xf32, #tpu.memory_space<vmem>>
    %dma_start3A_521 = tpu.memref_squeeze %dma_start3A_520 : memref<1x80x128xf32, #tpu.memory_space<vmem>> -> memref<80x128xf32, #tpu.memory_space<vmem>>
    %dma_start3A_522 = arith.constant 0 : i32
    %dma_start3A_523 = tpu.memref_slice %arg6[%dma_start3A_516, %dma_start3A_522] : memref<5x80xi32, #tpu.memory_space<vmem>> -> memref<1x80xi32, #tpu.memory_space<vmem>>
    %dma_start3A_524 = tpu.memref_squeeze %dma_start3A_523 : memref<1x80xi32, #tpu.memory_space<vmem>> -> memref<80xi32, #tpu.memory_space<vmem>>
    %dma_start3A_525 = arith.constant 0 : i32
    %dma_start3A_526 = arith.constant 0 : i32
    %dma_start3A_527 = tpu.memref_slice %arg2[%dma_start3A_525, %dma_start3A_526] : memref<10000x128xf32, #tpu.memory_space<hbm>> -> memref<10000x128xf32, #tpu.memory_space<hbm>>
    tpu.enqueue_indirect_dma source(%dma_start3A_527 : memref<10000x128xf32, #tpu.memory_space<hbm>>) target(%dma_start3A_521 : memref<80x128xf32, #tpu.memory_space<vmem>>) offsets(%dma_start3A_524 : memref<80xi32, #tpu.memory_space<vmem>>) semaphore(%arg12 : memref<!tpu.dma_semaphore, #tpu.memory_space<semaphore_mem>>)
    %dma_wait3A_528 = arith.constant 0 : i32
    %dma_wait3A_529 = arith.constant 0 : i32
    %dma_wait3A_530 = arith.constant 0 : i32
    %dma_wait3A_531 = arith.constant 0 : i32
    %dma_wait3A_532 = tpu.memref_slice %arg8[%dma_wait3A_529, %dma_wait3A_530, %dma_wait3A_531] : memref<4x80x128xf32, #tpu.memory_space<vmem>> -> memref<1x80x128xf32, #tpu.memory_space<vmem>>
    %dma_wait3A_533 = tpu.memref_squeeze %dma_wait3A_532 : memref<1x80x128xf32, #tpu.memory_space<vmem>> -> memref<80x128xf32, #tpu.memory_space<vmem>>
    %dma_wait3A_534 = arith.constant 0 : i32
    %dma_wait3A_535 = tpu.memref_slice %arg6[%dma_wait3A_528, %dma_wait3A_534] : memref<5x80xi32, #tpu.memory_space<vmem>> -> memref<1x80xi32, #tpu.memory_space<vmem>>
    %dma_wait3A_536 = tpu.memref_squeeze %dma_wait3A_535 : memref<1x80xi32, #tpu.memory_space<vmem>> -> memref<80xi32, #tpu.memory_space<vmem>>
    %dma_wait3A_537 = arith.constant 0 : i32
    %dma_wait3A_538 = arith.constant 0 : i32
    %dma_wait3A_539 = tpu.memref_slice %arg2[%dma_wait3A_537, %dma_wait3A_538] : memref<10000x128xf32, #tpu.memory_space<hbm>> -> memref<10000x128xf32, #tpu.memory_space<hbm>>
    tpu.wait_indirect_dma semaphore(%arg12 : memref<!tpu.dma_semaphore, #tpu.memory_space<semaphore_mem>>) src(%dma_wait3A_539 : memref<10000x128xf32, #tpu.memory_space<hbm>>) dst(%dma_wait3A_533 : memref<80x128xf32, #tpu.memory_space<vmem>>)
    %dma_start3A_540 = arith.constant 0 : i32
    %dma_start3A_541 = arith.constant 0 : i32
    %dma_start3A_542 = arith.constant 0 : i32
    %dma_start3A_543 = arith.constant 0 : i32
    %dma_start3A_544 = tpu.memref_slice %arg8[%dma_start3A_540, %dma_start3A_542, %dma_start3A_543] : memref<4x80x128xf32, #tpu.memory_space<vmem>> -> memref<1x80x128xf32, #tpu.memory_space<vmem>>
    %dma_start3A_545 = tpu.memref_squeeze %dma_start3A_544 : memref<1x80x128xf32, #tpu.memory_space<vmem>> -> memref<80x128xf32, #tpu.memory_space<vmem>>
    %dma_start3A_546 = arith.constant 0 : i32
    %dma_start3A_547 = tpu.memref_slice %arg7[%dma_start3A_541, %dma_start3A_546] : memref<5x80xi32, #tpu.memory_space<vmem>> -> memref<1x80xi32, #tpu.memory_space<vmem>>
    %dma_start3A_548 = tpu.memref_squeeze %dma_start3A_547 : memref<1x80xi32, #tpu.memory_space<vmem>> -> memref<80xi32, #tpu.memory_space<vmem>>
    %dma_start3A_549 = arith.constant 0 : i32
    %dma_start3A_550 = arith.constant 0 : i32
    %dma_start3A_551 = tpu.memref_slice %arg10[%dma_start3A_549, %dma_start3A_550] : memref<10240x128xf32, #tpu.memory_space<vmem_shared>> -> memref<10240x128xf32, #tpu.memory_space<vmem_shared>>
    tpu.enqueue_indirect_dma source(%dma_start3A_545 : memref<80x128xf32, #tpu.memory_space<vmem>>) target(%dma_start3A_551 : memref<10240x128xf32, #tpu.memory_space<vmem_shared>>) offsets(%dma_start3A_548 : memref<80xi32, #tpu.memory_space<vmem>>) semaphore(%arg13 : memref<!tpu.dma_semaphore, #tpu.memory_space<semaphore_mem>>) {add = true}
    %scan3A_552 = arith.constant 0 : i32
    %scan3A_553 = arith.constant 1 : i32
    %scan3A_554 = arith.constant 120 : i32
    %scan3A_555 = arith.addi %scan3A_553, %scan3A_554 : i32
    %scan3A_556 = arith.constant 1 : i32
    scf.for %scan3A_762 = %scan3A_553 to %scan3A_555 step %scan3A_556  : i32 {
      %dma_wait3A_763 = arith.constant 0 : i32
      %dma_wait3A_764 = arith.constant 0 : i32
      %dma_wait3A_765 = arith.constant 0 : i32
      %dma_wait3A_766 = arith.constant 0 : i32
      %dma_wait3A_767 = tpu.memref_slice %arg8[%dma_wait3A_763, %dma_wait3A_765, %dma_wait3A_766] : memref<4x80x128xf32, #tpu.memory_space<vmem>> -> memref<1x80x128xf32, #tpu.memory_space<vmem>>
      %dma_wait3A_768 = tpu.memref_squeeze %dma_wait3A_767 : memref<1x80x128xf32, #tpu.memory_space<vmem>> -> memref<80x128xf32, #tpu.memory_space<vmem>>
      %dma_wait3A_769 = arith.constant 0 : i32
      %dma_wait3A_770 = tpu.memref_slice %arg7[%dma_wait3A_764, %dma_wait3A_769] : memref<5x80xi32, #tpu.memory_space<vmem>> -> memref<1x80xi32, #tpu.memory_space<vmem>>
      %dma_wait3A_771 = tpu.memref_squeeze %dma_wait3A_770 : memref<1x80xi32, #tpu.memory_space<vmem>> -> memref<80xi32, #tpu.memory_space<vmem>>
      %dma_wait3A_772 = arith.constant 0 : i32
      %dma_wait3A_773 = arith.constant 0 : i32
      %dma_wait3A_774 = tpu.memref_slice %arg10[%dma_wait3A_772, %dma_wait3A_773] : memref<10240x128xf32, #tpu.memory_space<vmem_shared>> -> memref<10240x128xf32, #tpu.memory_space<vmem_shared>>
      tpu.wait_indirect_dma semaphore(%arg13 : memref<!tpu.dma_semaphore, #tpu.memory_space<semaphore_mem>>) src(%dma_wait3A_768 : memref<80x128xf32, #tpu.memory_space<vmem>>) dst(%dma_wait3A_774 : memref<10240x128xf32, #tpu.memory_space<vmem_shared>>)
      %add3A_775 = arith.constant 4 : i32
      %add3A_776 = arith.addi %scan3A_762, %add3A_775 : i32
      %jit3A = arith.constant 5 : i32
      %eq3A = arith.constant 0 : i32
      %eq3A_777 = arith.cmpi eq, %jit3A, %eq3A : i32
      %jit3A_778 = arith.constant 1 : i32
      %select_n3A = arith.select %eq3A_777, %jit3A_778, %jit3A : i32
      %rem3A = arith.remsi %add3A_776, %select_n3A : i32
      %ne3A = arith.constant 0 : i32
      %ne3A_779 = arith.cmpi ne, %rem3A, %ne3A : i32
      %lt3A = arith.constant 0 : i32
      %lt3A_780 = arith.cmpi slt, %rem3A, %lt3A : i32
      %lt3A_781 = arith.constant 0 : i32
      %lt3A_782 = arith.cmpi slt, %select_n3A, %lt3A_781 : i32
      %ne3A_783 = arith.xori %lt3A_780, %lt3A_782 : i1
      %and3A = arith.andi %ne3A_783, %ne3A_779 : i1
      %add3A_784 = arith.addi %rem3A, %select_n3A : i32
      %select_n3A_785 = arith.select %and3A, %add3A_784, %rem3A : i32
      %dma_start3A_786 = arith.constant 0 : i32
      %dma_start3A_787 = tpu.memref_slice %arg6[%select_n3A_785, %dma_start3A_786] : memref<5x80xi32, #tpu.memory_space<vmem>> -> memref<1x80xi32, #tpu.memory_space<vmem>>
      %dma_start3A_788 = tpu.memref_squeeze %dma_start3A_787 : memref<1x80xi32, #tpu.memory_space<vmem>> -> memref<80xi32, #tpu.memory_space<vmem>>
      %dma_start3A_789 = arith.constant 0 : i32
      %dma_start3A_790 = tpu.memref_slice %arg3[%add3A, %add3A_776, %dma_start3A_789] : memref<32x125x80xi32, #tpu.memory_space<hbm>> -> memref<1x1x80xi32, #tpu.memory_space<hbm>>
      %dma_start3A_791 = tpu.memref_squeeze %dma_start3A_790 : memref<1x1x80xi32, #tpu.memory_space<hbm>> -> memref<80xi32, #tpu.memory_space<hbm>>
      %dma_start3A_792 = arith.constant 0 : i32
      %dma_start3A_793 = tpu.memref_slice %arg6[%select_n3A_785, %dma_start3A_792] : memref<5x80xi32, #tpu.memory_space<vmem>> -> memref<1x80xi32, #tpu.memory_space<vmem>>
      %dma_start3A_794 = tpu.memref_squeeze %dma_start3A_793 : memref<1x80xi32, #tpu.memory_space<vmem>> -> memref<80xi32, #tpu.memory_space<vmem>>
      %dma_start3A_795 = arith.constant 0 : i32
      %dma_start3A_796 = tpu.memref_slice %arg3[%add3A, %add3A_776, %dma_start3A_795] : memref<32x125x80xi32, #tpu.memory_space<hbm>> -> memref<1x1x80xi32, #tpu.memory_space<hbm>>
      %dma_start3A_797 = tpu.memref_squeeze %dma_start3A_796 : memref<1x1x80xi32, #tpu.memory_space<hbm>> -> memref<80xi32, #tpu.memory_space<hbm>>
      tpu.enqueue_dma source(%dma_start3A_797 : memref<80xi32, #tpu.memory_space<hbm>>) target(%dma_start3A_794 : memref<80xi32, #tpu.memory_space<vmem>>) target_semaphore(%arg11 : memref<!tpu.dma_semaphore, #tpu.memory_space<semaphore_mem>>)
      %jit3A_798 = arith.constant 5 : i32
      %eq3A_799 = arith.constant 0 : i32
      %eq3A_800 = arith.cmpi eq, %jit3A_798, %eq3A_799 : i32
      %jit3A_801 = arith.constant 1 : i32
      %select_n3A_802 = arith.select %eq3A_800, %jit3A_801, %jit3A_798 : i32
      %rem3A_803 = arith.remsi %add3A_776, %select_n3A_802 : i32
      %ne3A_804 = arith.constant 0 : i32
      %ne3A_805 = arith.cmpi ne, %rem3A_803, %ne3A_804 : i32
      %lt3A_806 = arith.constant 0 : i32
      %lt3A_807 = arith.cmpi slt, %rem3A_803, %lt3A_806 : i32
      %lt3A_808 = arith.constant 0 : i32
      %lt3A_809 = arith.cmpi slt, %select_n3A_802, %lt3A_808 : i32
      %ne3A_810 = arith.xori %lt3A_807, %lt3A_809 : i1
      %and3A_811 = arith.andi %ne3A_810, %ne3A_805 : i1
      %add3A_812 = arith.addi %rem3A_803, %select_n3A_802 : i32
      %select_n3A_813 = arith.select %and3A_811, %add3A_812, %rem3A_803 : i32
      %dma_start3A_814 = arith.constant 0 : i32
      %dma_start3A_815 = tpu.memref_slice %arg7[%select_n3A_813, %dma_start3A_814] : memref<5x80xi32, #tpu.memory_space<vmem>> -> memref<1x80xi32, #tpu.memory_space<vmem>>
      %dma_start3A_816 = tpu.memref_squeeze %dma_start3A_815 : memref<1x80xi32, #tpu.memory_space<vmem>> -> memref<80xi32, #tpu.memory_space<vmem>>
      %dma_start3A_817 = arith.constant 0 : i32
      %dma_start3A_818 = tpu.memref_slice %arg4[%add3A, %add3A_776, %dma_start3A_817] : memref<32x125x80xi32, #tpu.memory_space<hbm>> -> memref<1x1x80xi32, #tpu.memory_space<hbm>>
      %dma_start3A_819 = tpu.memref_squeeze %dma_start3A_818 : memref<1x1x80xi32, #tpu.memory_space<hbm>> -> memref<80xi32, #tpu.memory_space<hbm>>
      %dma_start3A_820 = arith.constant 0 : i32
      %dma_start3A_821 = tpu.memref_slice %arg7[%select_n3A_813, %dma_start3A_820] : memref<5x80xi32, #tpu.memory_space<vmem>> -> memref<1x80xi32, #tpu.memory_space<vmem>>
      %dma_start3A_822 = tpu.memref_squeeze %dma_start3A_821 : memref<1x80xi32, #tpu.memory_space<vmem>> -> memref<80xi32, #tpu.memory_space<vmem>>
      %dma_start3A_823 = arith.constant 0 : i32
      %dma_start3A_824 = tpu.memref_slice %arg4[%add3A, %add3A_776, %dma_start3A_823] : memref<32x125x80xi32, #tpu.memory_space<hbm>> -> memref<1x1x80xi32, #tpu.memory_space<hbm>>
      %dma_start3A_825 = tpu.memref_squeeze %dma_start3A_824 : memref<1x1x80xi32, #tpu.memory_space<hbm>> -> memref<80xi32, #tpu.memory_space<hbm>>
      tpu.enqueue_dma source(%dma_start3A_825 : memref<80xi32, #tpu.memory_space<hbm>>) target(%dma_start3A_822 : memref<80xi32, #tpu.memory_space<vmem>>) target_semaphore(%arg11 : memref<!tpu.dma_semaphore, #tpu.memory_space<semaphore_mem>>)
      %dma_wait3A_826 = arith.constant 0 : i32
      %dma_wait3A_827 = arith.constant 0 : i32
      %dma_wait3A_828 = arith.constant 0 : i32
      %dma_wait3A_829 = tpu.memref_slice %arg6[%dma_wait3A_827, %dma_wait3A_828] : memref<5x80xi32, #tpu.memory_space<vmem>> -> memref<1x80xi32, #tpu.memory_space<vmem>>
      %dma_wait3A_830 = tpu.memref_squeeze %dma_wait3A_829 : memref<1x80xi32, #tpu.memory_space<vmem>> -> memref<80xi32, #tpu.memory_space<vmem>>
      %dma_wait3A_831 = arith.constant 0 : i32
      %dma_wait3A_832 = tpu.memref_slice %arg3[%add3A, %dma_wait3A_826, %dma_wait3A_831] : memref<32x125x80xi32, #tpu.memory_space<hbm>> -> memref<1x1x80xi32, #tpu.memory_space<hbm>>
      %dma_wait3A_833 = tpu.memref_squeeze %dma_wait3A_832 : memref<1x1x80xi32, #tpu.memory_space<hbm>> -> memref<80xi32, #tpu.memory_space<hbm>>
      %dma_wait3A_834 = arith.constant 0 : i32
      %dma_wait3A_835 = tpu.memref_slice %arg6[%dma_wait3A_827, %dma_wait3A_834] : memref<5x80xi32, #tpu.memory_space<vmem>> -> memref<1x80xi32, #tpu.memory_space<vmem>>
      %dma_wait3A_836 = tpu.memref_squeeze %dma_wait3A_835 : memref<1x80xi32, #tpu.memory_space<vmem>> -> memref<80xi32, #tpu.memory_space<vmem>>
      %dma_wait3A_837 = arith.constant 0 : i32
      %dma_wait3A_838 = tpu.memref_slice %arg3[%add3A, %dma_wait3A_826, %dma_wait3A_837] : memref<32x125x80xi32, #tpu.memory_space<hbm>> -> memref<1x1x80xi32, #tpu.memory_space<hbm>>
      %dma_wait3A_839 = tpu.memref_squeeze %dma_wait3A_838 : memref<1x1x80xi32, #tpu.memory_space<hbm>> -> memref<80xi32, #tpu.memory_space<hbm>>
      tpu.wait_dma2 semaphore(%arg11 : memref<!tpu.dma_semaphore, #tpu.memory_space<semaphore_mem>>) src(%dma_wait3A_839 : memref<80xi32, #tpu.memory_space<hbm>>) dst(%dma_wait3A_836 : memref<80xi32, #tpu.memory_space<vmem>>)
      %dma_wait3A_840 = arith.constant 0 : i32
      %dma_wait3A_841 = arith.constant 0 : i32
      %dma_wait3A_842 = arith.constant 0 : i32
      %dma_wait3A_843 = tpu.memref_slice %arg7[%dma_wait3A_841, %dma_wait3A_842] : memref<5x80xi32, #tpu.memory_space<vmem>> -> memref<1x80xi32, #tpu.memory_space<vmem>>
      %dma_wait3A_844 = tpu.memref_squeeze %dma_wait3A_843 : memref<1x80xi32, #tpu.memory_space<vmem>> -> memref<80xi32, #tpu.memory_space<vmem>>
      %dma_wait3A_845 = arith.constant 0 : i32
      %dma_wait3A_846 = tpu.memref_slice %arg4[%add3A, %dma_wait3A_840, %dma_wait3A_845] : memref<32x125x80xi32, #tpu.memory_space<hbm>> -> memref<1x1x80xi32, #tpu.memory_space<hbm>>
      %dma_wait3A_847 = tpu.memref_squeeze %dma_wait3A_846 : memref<1x1x80xi32, #tpu.memory_space<hbm>> -> memref<80xi32, #tpu.memory_space<hbm>>
      %dma_wait3A_848 = arith.constant 0 : i32
      %dma_wait3A_849 = tpu.memref_slice %arg7[%dma_wait3A_841, %dma_wait3A_848] : memref<5x80xi32, #tpu.memory_space<vmem>> -> memref<1x80xi32, #tpu.memory_space<vmem>>
      %dma_wait3A_850 = tpu.memref_squeeze %dma_wait3A_849 : memref<1x80xi32, #tpu.memory_space<vmem>> -> memref<80xi32, #tpu.memory_space<vmem>>
      %dma_wait3A_851 = arith.constant 0 : i32
      %dma_wait3A_852 = tpu.memref_slice %arg4[%add3A, %dma_wait3A_840, %dma_wait3A_851] : memref<32x125x80xi32, #tpu.memory_space<hbm>> -> memref<1x1x80xi32, #tpu.memory_space<hbm>>
      %dma_wait3A_853 = tpu.memref_squeeze %dma_wait3A_852 : memref<1x1x80xi32, #tpu.memory_space<hbm>> -> memref<80xi32, #tpu.memory_space<hbm>>
      tpu.wait_dma2 semaphore(%arg11 : memref<!tpu.dma_semaphore, #tpu.memory_space<semaphore_mem>>) src(%dma_wait3A_853 : memref<80xi32, #tpu.memory_space<hbm>>) dst(%dma_wait3A_850 : memref<80xi32, #tpu.memory_space<vmem>>)
      %add3A_854 = arith.constant 3 : i32
      %add3A_855 = arith.addi %scan3A_762, %add3A_854 : i32
      %jit3A_856 = arith.constant 5 : i32
      %eq3A_857 = arith.constant 0 : i32
      %eq3A_858 = arith.cmpi eq, %jit3A_856, %eq3A_857 : i32
      %jit3A_859 = arith.constant 1 : i32
      %select_n3A_860 = arith.select %eq3A_858, %jit3A_859, %jit3A_856 : i32
      %rem3A_861 = arith.remsi %add3A_855, %select_n3A_860 : i32
      %ne3A_862 = arith.constant 0 : i32
      %ne3A_863 = arith.cmpi ne, %rem3A_861, %ne3A_862 : i32
      %lt3A_864 = arith.constant 0 : i32
      %lt3A_865 = arith.cmpi slt, %rem3A_861, %lt3A_864 : i32
      %lt3A_866 = arith.constant 0 : i32
      %lt3A_867 = arith.cmpi slt, %select_n3A_860, %lt3A_866 : i32
      %ne3A_868 = arith.xori %lt3A_865, %lt3A_867 : i1
      %and3A_869 = arith.andi %ne3A_868, %ne3A_863 : i1
      %add3A_870 = arith.addi %rem3A_861, %select_n3A_860 : i32
      %select_n3A_871 = arith.select %and3A_869, %add3A_870, %rem3A_861 : i32
      %jit3A_872 = arith.constant 4 : i32
      %eq3A_873 = arith.constant 0 : i32
      %eq3A_874 = arith.cmpi eq, %jit3A_872, %eq3A_873 : i32
      %jit3A_875 = arith.constant 1 : i32
      %select_n3A_876 = arith.select %eq3A_874, %jit3A_875, %jit3A_872 : i32
      %rem3A_877 = arith.remsi %add3A_855, %select_n3A_876 : i32
      %ne3A_878 = arith.constant 0 : i32
      %ne3A_879 = arith.cmpi ne, %rem3A_877, %ne3A_878 : i32
      %lt3A_880 = arith.constant 0 : i32
      %lt3A_881 = arith.cmpi slt, %rem3A_877, %lt3A_880 : i32
      %lt3A_882 = arith.constant 0 : i32
      %lt3A_883 = arith.cmpi slt, %select_n3A_876, %lt3A_882 : i32
      %ne3A_884 = arith.xori %lt3A_881, %lt3A_883 : i1
      %and3A_885 = arith.andi %ne3A_884, %ne3A_879 : i1
      %add3A_886 = arith.addi %rem3A_877, %select_n3A_876 : i32
      %select_n3A_887 = arith.select %and3A_885, %add3A_886, %rem3A_877 : i32
      %dma_start3A_888 = arith.constant 0 : i32
      %dma_start3A_889 = arith.constant 0 : i32
      %dma_start3A_890 = tpu.memref_slice %arg8[%select_n3A_887, %dma_start3A_888, %dma_start3A_889] : memref<4x80x128xf32, #tpu.memory_space<vmem>> -> memref<1x80x128xf32, #tpu.memory_space<vmem>>
      %dma_start3A_891 = tpu.memref_squeeze %dma_start3A_890 : memref<1x80x128xf32, #tpu.memory_space<vmem>> -> memref<80x128xf32, #tpu.memory_space<vmem>>
      %dma_start3A_892 = arith.constant 0 : i32
      %dma_start3A_893 = tpu.memref_slice %arg6[%select_n3A_871, %dma_start3A_892] : memref<5x80xi32, #tpu.memory_space<vmem>> -> memref<1x80xi32, #tpu.memory_space<vmem>>
      %dma_start3A_894 = tpu.memref_squeeze %dma_start3A_893 : memref<1x80xi32, #tpu.memory_space<vmem>> -> memref<80xi32, #tpu.memory_space<vmem>>
      %dma_start3A_895 = arith.constant 0 : i32
      %dma_start3A_896 = arith.constant 0 : i32
      %dma_start3A_897 = tpu.memref_slice %arg2[%dma_start3A_895, %dma_start3A_896] : memref<10000x128xf32, #tpu.memory_space<hbm>> -> memref<10000x128xf32, #tpu.memory_space<hbm>>
      tpu.enqueue_indirect_dma source(%dma_start3A_897 : memref<10000x128xf32, #tpu.memory_space<hbm>>) target(%dma_start3A_891 : memref<80x128xf32, #tpu.memory_space<vmem>>) offsets(%dma_start3A_894 : memref<80xi32, #tpu.memory_space<vmem>>) semaphore(%arg12 : memref<!tpu.dma_semaphore, #tpu.memory_space<semaphore_mem>>)
      %dma_wait3A_898 = arith.constant 0 : i32
      %dma_wait3A_899 = arith.constant 0 : i32
      %dma_wait3A_900 = arith.constant 0 : i32
      %dma_wait3A_901 = arith.constant 0 : i32
      %dma_wait3A_902 = tpu.memref_slice %arg8[%dma_wait3A_899, %dma_wait3A_900, %dma_wait3A_901] : memref<4x80x128xf32, #tpu.memory_space<vmem>> -> memref<1x80x128xf32, #tpu.memory_space<vmem>>
      %dma_wait3A_903 = tpu.memref_squeeze %dma_wait3A_902 : memref<1x80x128xf32, #tpu.memory_space<vmem>> -> memref<80x128xf32, #tpu.memory_space<vmem>>
      %dma_wait3A_904 = arith.constant 0 : i32
      %dma_wait3A_905 = tpu.memref_slice %arg6[%dma_wait3A_898, %dma_wait3A_904] : memref<5x80xi32, #tpu.memory_space<vmem>> -> memref<1x80xi32, #tpu.memory_space<vmem>>
      %dma_wait3A_906 = tpu.memref_squeeze %dma_wait3A_905 : memref<1x80xi32, #tpu.memory_space<vmem>> -> memref<80xi32, #tpu.memory_space<vmem>>
      %dma_wait3A_907 = arith.constant 0 : i32
      %dma_wait3A_908 = arith.constant 0 : i32
      %dma_wait3A_909 = tpu.memref_slice %arg2[%dma_wait3A_907, %dma_wait3A_908] : memref<10000x128xf32, #tpu.memory_space<hbm>> -> memref<10000x128xf32, #tpu.memory_space<hbm>>
      tpu.wait_indirect_dma semaphore(%arg12 : memref<!tpu.dma_semaphore, #tpu.memory_space<semaphore_mem>>) src(%dma_wait3A_909 : memref<10000x128xf32, #tpu.memory_space<hbm>>) dst(%dma_wait3A_903 : memref<80x128xf32, #tpu.memory_space<vmem>>)
      %jit3A_910 = arith.constant 4 : i32
      %eq3A_911 = arith.constant 0 : i32
      %eq3A_912 = arith.cmpi eq, %jit3A_910, %eq3A_911 : i32
      %jit3A_913 = arith.constant 1 : i32
      %select_n3A_914 = arith.select %eq3A_912, %jit3A_913, %jit3A_910 : i32
      %rem3A_915 = arith.remsi %scan3A_762, %select_n3A_914 : i32
      %ne3A_916 = arith.constant 0 : i32
      %ne3A_917 = arith.cmpi ne, %rem3A_915, %ne3A_916 : i32
      %lt3A_918 = arith.constant 0 : i32
      %lt3A_919 = arith.cmpi slt, %rem3A_915, %lt3A_918 : i32
      %lt3A_920 = arith.constant 0 : i32
      %lt3A_921 = arith.cmpi slt, %select_n3A_914, %lt3A_920 : i32
      %ne3A_922 = arith.xori %lt3A_919, %lt3A_921 : i1
      %and3A_923 = arith.andi %ne3A_922, %ne3A_917 : i1
      %add3A_924 = arith.addi %rem3A_915, %select_n3A_914 : i32
      %select_n3A_925 = arith.select %and3A_923, %add3A_924, %rem3A_915 : i32
      %jit3A_926 = arith.constant 5 : i32
      %eq3A_927 = arith.constant 0 : i32
      %eq3A_928 = arith.cmpi eq, %jit3A_926, %eq3A_927 : i32
      %jit3A_929 = arith.constant 1 : i32
      %select_n3A_930 = arith.select %eq3A_928, %jit3A_929, %jit3A_926 : i32
      %rem3A_931 = arith.remsi %scan3A_762, %select_n3A_930 : i32
      %ne3A_932 = arith.constant 0 : i32
      %ne3A_933 = arith.cmpi ne, %rem3A_931, %ne3A_932 : i32
      %lt3A_934 = arith.constant 0 : i32
      %lt3A_935 = arith.cmpi slt, %rem3A_931, %lt3A_934 : i32
      %lt3A_936 = arith.constant 0 : i32
      %lt3A_937 = arith.cmpi slt, %select_n3A_930, %lt3A_936 : i32
      %ne3A_938 = arith.xori %lt3A_935, %lt3A_937 : i1
      %and3A_939 = arith.andi %ne3A_938, %ne3A_933 : i1
      %add3A_940 = arith.addi %rem3A_931, %select_n3A_930 : i32
      %select_n3A_941 = arith.select %and3A_939, %add3A_940, %rem3A_931 : i32
      %dma_start3A_942 = arith.constant 0 : i32
      %dma_start3A_943 = arith.constant 0 : i32
      %dma_start3A_944 = tpu.memref_slice %arg8[%select_n3A_925, %dma_start3A_942, %dma_start3A_943] : memref<4x80x128xf32, #tpu.memory_space<vmem>> -> memref<1x80x128xf32, #tpu.memory_space<vmem>>
      %dma_start3A_945 = tpu.memref_squeeze %dma_start3A_944 : memref<1x80x128xf32, #tpu.memory_space<vmem>> -> memref<80x128xf32, #tpu.memory_space<vmem>>
      %dma_start3A_946 = arith.constant 0 : i32
      %dma_start3A_947 = tpu.memref_slice %arg7[%select_n3A_941, %dma_start3A_946] : memref<5x80xi32, #tpu.memory_space<vmem>> -> memref<1x80xi32, #tpu.memory_space<vmem>>
      %dma_start3A_948 = tpu.memref_squeeze %dma_start3A_947 : memref<1x80xi32, #tpu.memory_space<vmem>> -> memref<80xi32, #tpu.memory_space<vmem>>
      %dma_start3A_949 = arith.constant 0 : i32
      %dma_start3A_950 = arith.constant 0 : i32
      %dma_start3A_951 = tpu.memref_slice %arg10[%dma_start3A_949, %dma_start3A_950] : memref<10240x128xf32, #tpu.memory_space<vmem_shared>> -> memref<10240x128xf32, #tpu.memory_space<vmem_shared>>
      tpu.enqueue_indirect_dma source(%dma_start3A_945 : memref<80x128xf32, #tpu.memory_space<vmem>>) target(%dma_start3A_951 : memref<10240x128xf32, #tpu.memory_space<vmem_shared>>) offsets(%dma_start3A_948 : memref<80xi32, #tpu.memory_space<vmem>>) semaphore(%arg13 : memref<!tpu.dma_semaphore, #tpu.memory_space<semaphore_mem>>) {add = true}
    }
    %scan3A_557 = arith.constant 120 : i32
    %dma_wait3A_558 = arith.constant 0 : i32
    %dma_wait3A_559 = arith.constant 0 : i32
    %dma_wait3A_560 = arith.constant 0 : i32
    %dma_wait3A_561 = arith.constant 0 : i32
    %dma_wait3A_562 = tpu.memref_slice %arg8[%dma_wait3A_558, %dma_wait3A_560, %dma_wait3A_561] : memref<4x80x128xf32, #tpu.memory_space<vmem>> -> memref<1x80x128xf32, #tpu.memory_space<vmem>>
    %dma_wait3A_563 = tpu.memref_squeeze %dma_wait3A_562 : memref<1x80x128xf32, #tpu.memory_space<vmem>> -> memref<80x128xf32, #tpu.memory_space<vmem>>
    %dma_wait3A_564 = arith.constant 0 : i32
    %dma_wait3A_565 = tpu.memref_slice %arg7[%dma_wait3A_559, %dma_wait3A_564] : memref<5x80xi32, #tpu.memory_space<vmem>> -> memref<1x80xi32, #tpu.memory_space<vmem>>
    %dma_wait3A_566 = tpu.memref_squeeze %dma_wait3A_565 : memref<1x80xi32, #tpu.memory_space<vmem>> -> memref<80xi32, #tpu.memory_space<vmem>>
    %dma_wait3A_567 = arith.constant 0 : i32
    %dma_wait3A_568 = arith.constant 0 : i32
    %dma_wait3A_569 = tpu.memref_slice %arg10[%dma_wait3A_567, %dma_wait3A_568] : memref<10240x128xf32, #tpu.memory_space<vmem_shared>> -> memref<10240x128xf32, #tpu.memory_space<vmem_shared>>
    tpu.wait_indirect_dma semaphore(%arg13 : memref<!tpu.dma_semaphore, #tpu.memory_space<semaphore_mem>>) src(%dma_wait3A_563 : memref<80x128xf32, #tpu.memory_space<vmem>>) dst(%dma_wait3A_569 : memref<10240x128xf32, #tpu.memory_space<vmem_shared>>)
    %dma_wait3A_570 = arith.constant 0 : i32
    %dma_wait3A_571 = arith.constant 0 : i32
    %dma_wait3A_572 = arith.constant 0 : i32
    %dma_wait3A_573 = tpu.memref_slice %arg6[%dma_wait3A_571, %dma_wait3A_572] : memref<5x80xi32, #tpu.memory_space<vmem>> -> memref<1x80xi32, #tpu.memory_space<vmem>>
    %dma_wait3A_574 = tpu.memref_squeeze %dma_wait3A_573 : memref<1x80xi32, #tpu.memory_space<vmem>> -> memref<80xi32, #tpu.memory_space<vmem>>
    %dma_wait3A_575 = arith.constant 0 : i32
    %dma_wait3A_576 = tpu.memref_slice %arg3[%add3A, %dma_wait3A_570, %dma_wait3A_575] : memref<32x125x80xi32, #tpu.memory_space<hbm>> -> memref<1x1x80xi32, #tpu.memory_space<hbm>>
    %dma_wait3A_577 = tpu.memref_squeeze %dma_wait3A_576 : memref<1x1x80xi32, #tpu.memory_space<hbm>> -> memref<80xi32, #tpu.memory_space<hbm>>
    %dma_wait3A_578 = arith.constant 0 : i32
    %dma_wait3A_579 = tpu.memref_slice %arg6[%dma_wait3A_571, %dma_wait3A_578] : memref<5x80xi32, #tpu.memory_space<vmem>> -> memref<1x80xi32, #tpu.memory_space<vmem>>
    %dma_wait3A_580 = tpu.memref_squeeze %dma_wait3A_579 : memref<1x80xi32, #tpu.memory_space<vmem>> -> memref<80xi32, #tpu.memory_space<vmem>>
    %dma_wait3A_581 = arith.constant 0 : i32
    %dma_wait3A_582 = tpu.memref_slice %arg3[%add3A, %dma_wait3A_570, %dma_wait3A_581] : memref<32x125x80xi32, #tpu.memory_space<hbm>> -> memref<1x1x80xi32, #tpu.memory_space<hbm>>
    %dma_wait3A_583 = tpu.memref_squeeze %dma_wait3A_582 : memref<1x1x80xi32, #tpu.memory_space<hbm>> -> memref<80xi32, #tpu.memory_space<hbm>>
    tpu.wait_dma2 semaphore(%arg11 : memref<!tpu.dma_semaphore, #tpu.memory_space<semaphore_mem>>) src(%dma_wait3A_583 : memref<80xi32, #tpu.memory_space<hbm>>) dst(%dma_wait3A_580 : memref<80xi32, #tpu.memory_space<vmem>>)
    %dma_wait3A_584 = arith.constant 0 : i32
    %dma_wait3A_585 = arith.constant 0 : i32
    %dma_wait3A_586 = arith.constant 0 : i32
    %dma_wait3A_587 = tpu.memref_slice %arg7[%dma_wait3A_585, %dma_wait3A_586] : memref<5x80xi32, #tpu.memory_space<vmem>> -> memref<1x80xi32, #tpu.memory_space<vmem>>
    %dma_wait3A_588 = tpu.memref_squeeze %dma_wait3A_587 : memref<1x80xi32, #tpu.memory_space<vmem>> -> memref<80xi32, #tpu.memory_space<vmem>>
    %dma_wait3A_589 = arith.constant 0 : i32
    %dma_wait3A_590 = tpu.memref_slice %arg4[%add3A, %dma_wait3A_584, %dma_wait3A_589] : memref<32x125x80xi32, #tpu.memory_space<hbm>> -> memref<1x1x80xi32, #tpu.memory_space<hbm>>
    %dma_wait3A_591 = tpu.memref_squeeze %dma_wait3A_590 : memref<1x1x80xi32, #tpu.memory_space<hbm>> -> memref<80xi32, #tpu.memory_space<hbm>>
    %dma_wait3A_592 = arith.constant 0 : i32
    %dma_wait3A_593 = tpu.memref_slice %arg7[%dma_wait3A_585, %dma_wait3A_592] : memref<5x80xi32, #tpu.memory_space<vmem>> -> memref<1x80xi32, #tpu.memory_space<vmem>>
    %dma_wait3A_594 = tpu.memref_squeeze %dma_wait3A_593 : memref<1x80xi32, #tpu.memory_space<vmem>> -> memref<80xi32, #tpu.memory_space<vmem>>
    %dma_wait3A_595 = arith.constant 0 : i32
    %dma_wait3A_596 = tpu.memref_slice %arg4[%add3A, %dma_wait3A_584, %dma_wait3A_595] : memref<32x125x80xi32, #tpu.memory_space<hbm>> -> memref<1x1x80xi32, #tpu.memory_space<hbm>>
    %dma_wait3A_597 = tpu.memref_squeeze %dma_wait3A_596 : memref<1x1x80xi32, #tpu.memory_space<hbm>> -> memref<80xi32, #tpu.memory_space<hbm>>
    tpu.wait_dma2 semaphore(%arg11 : memref<!tpu.dma_semaphore, #tpu.memory_space<semaphore_mem>>) src(%dma_wait3A_597 : memref<80xi32, #tpu.memory_space<hbm>>) dst(%dma_wait3A_594 : memref<80xi32, #tpu.memory_space<vmem>>)
    %dma_start3A_598 = arith.constant 4 : i32
    %dma_start3A_599 = arith.constant 0 : i32
    %dma_start3A_600 = arith.constant 0 : i32
    %dma_start3A_601 = arith.constant 0 : i32
    %dma_start3A_602 = tpu.memref_slice %arg8[%dma_start3A_599, %dma_start3A_600, %dma_start3A_601] : memref<4x80x128xf32, #tpu.memory_space<vmem>> -> memref<1x80x128xf32, #tpu.memory_space<vmem>>
    %dma_start3A_603 = tpu.memref_squeeze %dma_start3A_602 : memref<1x80x128xf32, #tpu.memory_space<vmem>> -> memref<80x128xf32, #tpu.memory_space<vmem>>
    %dma_start3A_604 = arith.constant 0 : i32
    %dma_start3A_605 = tpu.memref_slice %arg6[%dma_start3A_598, %dma_start3A_604] : memref<5x80xi32, #tpu.memory_space<vmem>> -> memref<1x80xi32, #tpu.memory_space<vmem>>
    %dma_start3A_606 = tpu.memref_squeeze %dma_start3A_605 : memref<1x80xi32, #tpu.memory_space<vmem>> -> memref<80xi32, #tpu.memory_space<vmem>>
    %dma_start3A_607 = arith.constant 0 : i32
    %dma_start3A_608 = arith.constant 0 : i32
    %dma_start3A_609 = tpu.memref_slice %arg2[%dma_start3A_607, %dma_start3A_608] : memref<10000x128xf32, #tpu.memory_space<hbm>> -> memref<10000x128xf32, #tpu.memory_space<hbm>>
    tpu.enqueue_indirect_dma source(%dma_start3A_609 : memref<10000x128xf32, #tpu.memory_space<hbm>>) target(%dma_start3A_603 : memref<80x128xf32, #tpu.memory_space<vmem>>) offsets(%dma_start3A_606 : memref<80xi32, #tpu.memory_space<vmem>>) semaphore(%arg12 : memref<!tpu.dma_semaphore, #tpu.memory_space<semaphore_mem>>)
    %dma_wait3A_610 = arith.constant 0 : i32
    %dma_wait3A_611 = arith.constant 0 : i32
    %dma_wait3A_612 = arith.constant 0 : i32
    %dma_wait3A_613 = arith.constant 0 : i32
    %dma_wait3A_614 = tpu.memref_slice %arg8[%dma_wait3A_611, %dma_wait3A_612, %dma_wait3A_613] : memref<4x80x128xf32, #tpu.memory_space<vmem>> -> memref<1x80x128xf32, #tpu.memory_space<vmem>>
    %dma_wait3A_615 = tpu.memref_squeeze %dma_wait3A_614 : memref<1x80x128xf32, #tpu.memory_space<vmem>> -> memref<80x128xf32, #tpu.memory_space<vmem>>
    %dma_wait3A_616 = arith.constant 0 : i32
    %dma_wait3A_617 = tpu.memref_slice %arg6[%dma_wait3A_610, %dma_wait3A_616] : memref<5x80xi32, #tpu.memory_space<vmem>> -> memref<1x80xi32, #tpu.memory_space<vmem>>
    %dma_wait3A_618 = tpu.memref_squeeze %dma_wait3A_617 : memref<1x80xi32, #tpu.memory_space<vmem>> -> memref<80xi32, #tpu.memory_space<vmem>>
    %dma_wait3A_619 = arith.constant 0 : i32
    %dma_wait3A_620 = arith.constant 0 : i32
    %dma_wait3A_621 = tpu.memref_slice %arg2[%dma_wait3A_619, %dma_wait3A_620] : memref<10000x128xf32, #tpu.memory_space<hbm>> -> memref<10000x128xf32, #tpu.memory_space<hbm>>
    tpu.wait_indirect_dma semaphore(%arg12 : memref<!tpu.dma_semaphore, #tpu.memory_space<semaphore_mem>>) src(%dma_wait3A_621 : memref<10000x128xf32, #tpu.memory_space<hbm>>) dst(%dma_wait3A_615 : memref<80x128xf32, #tpu.memory_space<vmem>>)
    %dma_start3A_622 = arith.constant 1 : i32
    %dma_start3A_623 = arith.constant 1 : i32
    %dma_start3A_624 = arith.constant 0 : i32
    %dma_start3A_625 = arith.constant 0 : i32
    %dma_start3A_626 = tpu.memref_slice %arg8[%dma_start3A_622, %dma_start3A_624, %dma_start3A_625] : memref<4x80x128xf32, #tpu.memory_space<vmem>> -> memref<1x80x128xf32, #tpu.memory_space<vmem>>
    %dma_start3A_627 = tpu.memref_squeeze %dma_start3A_626 : memref<1x80x128xf32, #tpu.memory_space<vmem>> -> memref<80x128xf32, #tpu.memory_space<vmem>>
    %dma_start3A_628 = arith.constant 0 : i32
    %dma_start3A_629 = tpu.memref_slice %arg7[%dma_start3A_623, %dma_start3A_628] : memref<5x80xi32, #tpu.memory_space<vmem>> -> memref<1x80xi32, #tpu.memory_space<vmem>>
    %dma_start3A_630 = tpu.memref_squeeze %dma_start3A_629 : memref<1x80xi32, #tpu.memory_space<vmem>> -> memref<80xi32, #tpu.memory_space<vmem>>
    %dma_start3A_631 = arith.constant 0 : i32
    %dma_start3A_632 = arith.constant 0 : i32
    %dma_start3A_633 = tpu.memref_slice %arg10[%dma_start3A_631, %dma_start3A_632] : memref<10240x128xf32, #tpu.memory_space<vmem_shared>> -> memref<10240x128xf32, #tpu.memory_space<vmem_shared>>
    tpu.enqueue_indirect_dma source(%dma_start3A_627 : memref<80x128xf32, #tpu.memory_space<vmem>>) target(%dma_start3A_633 : memref<10240x128xf32, #tpu.memory_space<vmem_shared>>) offsets(%dma_start3A_630 : memref<80xi32, #tpu.memory_space<vmem>>) semaphore(%arg13 : memref<!tpu.dma_semaphore, #tpu.memory_space<semaphore_mem>>) {add = true}
    %dma_wait3A_634 = arith.constant 0 : i32
    %dma_wait3A_635 = arith.constant 0 : i32
    %dma_wait3A_636 = arith.constant 0 : i32
    %dma_wait3A_637 = arith.constant 0 : i32
    %dma_wait3A_638 = tpu.memref_slice %arg8[%dma_wait3A_634, %dma_wait3A_636, %dma_wait3A_637] : memref<4x80x128xf32, #tpu.memory_space<vmem>> -> memref<1x80x128xf32, #tpu.memory_space<vmem>>
    %dma_wait3A_639 = tpu.memref_squeeze %dma_wait3A_638 : memref<1x80x128xf32, #tpu.memory_space<vmem>> -> memref<80x128xf32, #tpu.memory_space<vmem>>
    %dma_wait3A_640 = arith.constant 0 : i32
    %dma_wait3A_641 = tpu.memref_slice %arg7[%dma_wait3A_635, %dma_wait3A_640] : memref<5x80xi32, #tpu.memory_space<vmem>> -> memref<1x80xi32, #tpu.memory_space<vmem>>
    %dma_wait3A_642 = tpu.memref_squeeze %dma_wait3A_641 : memref<1x80xi32, #tpu.memory_space<vmem>> -> memref<80xi32, #tpu.memory_space<vmem>>
    %dma_wait3A_643 = arith.constant 0 : i32
    %dma_wait3A_644 = arith.constant 0 : i32
    %dma_wait3A_645 = tpu.memref_slice %arg10[%dma_wait3A_643, %dma_wait3A_644] : memref<10240x128xf32, #tpu.memory_space<vmem_shared>> -> memref<10240x128xf32, #tpu.memory_space<vmem_shared>>
    tpu.wait_indirect_dma semaphore(%arg13 : memref<!tpu.dma_semaphore, #tpu.memory_space<semaphore_mem>>) src(%dma_wait3A_639 : memref<80x128xf32, #tpu.memory_space<vmem>>) dst(%dma_wait3A_645 : memref<10240x128xf32, #tpu.memory_space<vmem_shared>>)
    %dma_wait3A_646 = arith.constant 0 : i32
    %dma_wait3A_647 = arith.constant 0 : i32
    %dma_wait3A_648 = arith.constant 0 : i32
    %dma_wait3A_649 = arith.constant 0 : i32
    %dma_wait3A_650 = tpu.memref_slice %arg8[%dma_wait3A_647, %dma_wait3A_648, %dma_wait3A_649] : memref<4x80x128xf32, #tpu.memory_space<vmem>> -> memref<1x80x128xf32, #tpu.memory_space<vmem>>
    %dma_wait3A_651 = tpu.memref_squeeze %dma_wait3A_650 : memref<1x80x128xf32, #tpu.memory_space<vmem>> -> memref<80x128xf32, #tpu.memory_space<vmem>>
    %dma_wait3A_652 = arith.constant 0 : i32
    %dma_wait3A_653 = tpu.memref_slice %arg6[%dma_wait3A_646, %dma_wait3A_652] : memref<5x80xi32, #tpu.memory_space<vmem>> -> memref<1x80xi32, #tpu.memory_space<vmem>>
    %dma_wait3A_654 = tpu.memref_squeeze %dma_wait3A_653 : memref<1x80xi32, #tpu.memory_space<vmem>> -> memref<80xi32, #tpu.memory_space<vmem>>
    %dma_wait3A_655 = arith.constant 0 : i32
    %dma_wait3A_656 = arith.constant 0 : i32
    %dma_wait3A_657 = tpu.memref_slice %arg2[%dma_wait3A_655, %dma_wait3A_656] : memref<10000x128xf32, #tpu.memory_space<hbm>> -> memref<10000x128xf32, #tpu.memory_space<hbm>>
    tpu.wait_indirect_dma semaphore(%arg12 : memref<!tpu.dma_semaphore, #tpu.memory_space<semaphore_mem>>) src(%dma_wait3A_657 : memref<10000x128xf32, #tpu.memory_space<hbm>>) dst(%dma_wait3A_651 : memref<80x128xf32, #tpu.memory_space<vmem>>)
    %dma_start3A_658 = arith.constant 2 : i32
    %dma_start3A_659 = arith.constant 2 : i32
    %dma_start3A_660 = arith.constant 0 : i32
    %dma_start3A_661 = arith.constant 0 : i32
    %dma_start3A_662 = tpu.memref_slice %arg8[%dma_start3A_658, %dma_start3A_660, %dma_start3A_661] : memref<4x80x128xf32, #tpu.memory_space<vmem>> -> memref<1x80x128xf32, #tpu.memory_space<vmem>>
    %dma_start3A_663 = tpu.memref_squeeze %dma_start3A_662 : memref<1x80x128xf32, #tpu.memory_space<vmem>> -> memref<80x128xf32, #tpu.memory_space<vmem>>
    %dma_start3A_664 = arith.constant 0 : i32
    %dma_start3A_665 = tpu.memref_slice %arg7[%dma_start3A_659, %dma_start3A_664] : memref<5x80xi32, #tpu.memory_space<vmem>> -> memref<1x80xi32, #tpu.memory_space<vmem>>
    %dma_start3A_666 = tpu.memref_squeeze %dma_start3A_665 : memref<1x80xi32, #tpu.memory_space<vmem>> -> memref<80xi32, #tpu.memory_space<vmem>>
    %dma_start3A_667 = arith.constant 0 : i32
    %dma_start3A_668 = arith.constant 0 : i32
    %dma_start3A_669 = tpu.memref_slice %arg10[%dma_start3A_667, %dma_start3A_668] : memref<10240x128xf32, #tpu.memory_space<vmem_shared>> -> memref<10240x128xf32, #tpu.memory_space<vmem_shared>>
    tpu.enqueue_indirect_dma source(%dma_start3A_663 : memref<80x128xf32, #tpu.memory_space<vmem>>) target(%dma_start3A_669 : memref<10240x128xf32, #tpu.memory_space<vmem_shared>>) offsets(%dma_start3A_666 : memref<80xi32, #tpu.memory_space<vmem>>) semaphore(%arg13 : memref<!tpu.dma_semaphore, #tpu.memory_space<semaphore_mem>>) {add = true}
    %dma_wait3A_670 = arith.constant 0 : i32
    %dma_wait3A_671 = arith.constant 0 : i32
    %dma_wait3A_672 = arith.constant 0 : i32
    %dma_wait3A_673 = arith.constant 0 : i32
    %dma_wait3A_674 = tpu.memref_slice %arg8[%dma_wait3A_670, %dma_wait3A_672, %dma_wait3A_673] : memref<4x80x128xf32, #tpu.memory_space<vmem>> -> memref<1x80x128xf32, #tpu.memory_space<vmem>>
    %dma_wait3A_675 = tpu.memref_squeeze %dma_wait3A_674 : memref<1x80x128xf32, #tpu.memory_space<vmem>> -> memref<80x128xf32, #tpu.memory_space<vmem>>
    %dma_wait3A_676 = arith.constant 0 : i32
    %dma_wait3A_677 = tpu.memref_slice %arg7[%dma_wait3A_671, %dma_wait3A_676] : memref<5x80xi32, #tpu.memory_space<vmem>> -> memref<1x80xi32, #tpu.memory_space<vmem>>
    %dma_wait3A_678 = tpu.memref_squeeze %dma_wait3A_677 : memref<1x80xi32, #tpu.memory_space<vmem>> -> memref<80xi32, #tpu.memory_space<vmem>>
    %dma_wait3A_679 = arith.constant 0 : i32
    %dma_wait3A_680 = arith.constant 0 : i32
    %dma_wait3A_681 = tpu.memref_slice %arg10[%dma_wait3A_679, %dma_wait3A_680] : memref<10240x128xf32, #tpu.memory_space<vmem_shared>> -> memref<10240x128xf32, #tpu.memory_space<vmem_shared>>
    tpu.wait_indirect_dma semaphore(%arg13 : memref<!tpu.dma_semaphore, #tpu.memory_space<semaphore_mem>>) src(%dma_wait3A_675 : memref<80x128xf32, #tpu.memory_space<vmem>>) dst(%dma_wait3A_681 : memref<10240x128xf32, #tpu.memory_space<vmem_shared>>)
    %dma_wait3A_682 = arith.constant 0 : i32
    %dma_wait3A_683 = arith.constant 0 : i32
    %dma_wait3A_684 = arith.constant 0 : i32
    %dma_wait3A_685 = arith.constant 0 : i32
    %dma_wait3A_686 = tpu.memref_slice %arg8[%dma_wait3A_683, %dma_wait3A_684, %dma_wait3A_685] : memref<4x80x128xf32, #tpu.memory_space<vmem>> -> memref<1x80x128xf32, #tpu.memory_space<vmem>>
    %dma_wait3A_687 = tpu.memref_squeeze %dma_wait3A_686 : memref<1x80x128xf32, #tpu.memory_space<vmem>> -> memref<80x128xf32, #tpu.memory_space<vmem>>
    %dma_wait3A_688 = arith.constant 0 : i32
    %dma_wait3A_689 = tpu.memref_slice %arg6[%dma_wait3A_682, %dma_wait3A_688] : memref<5x80xi32, #tpu.memory_space<vmem>> -> memref<1x80xi32, #tpu.memory_space<vmem>>
    %dma_wait3A_690 = tpu.memref_squeeze %dma_wait3A_689 : memref<1x80xi32, #tpu.memory_space<vmem>> -> memref<80xi32, #tpu.memory_space<vmem>>
    %dma_wait3A_691 = arith.constant 0 : i32
    %dma_wait3A_692 = arith.constant 0 : i32
    %dma_wait3A_693 = tpu.memref_slice %arg2[%dma_wait3A_691, %dma_wait3A_692] : memref<10000x128xf32, #tpu.memory_space<hbm>> -> memref<10000x128xf32, #tpu.memory_space<hbm>>
    tpu.wait_indirect_dma semaphore(%arg12 : memref<!tpu.dma_semaphore, #tpu.memory_space<semaphore_mem>>) src(%dma_wait3A_693 : memref<10000x128xf32, #tpu.memory_space<hbm>>) dst(%dma_wait3A_687 : memref<80x128xf32, #tpu.memory_space<vmem>>)
    %dma_start3A_694 = arith.constant 3 : i32
    %dma_start3A_695 = arith.constant 3 : i32
    %dma_start3A_696 = arith.constant 0 : i32
    %dma_start3A_697 = arith.constant 0 : i32
    %dma_start3A_698 = tpu.memref_slice %arg8[%dma_start3A_694, %dma_start3A_696, %dma_start3A_697] : memref<4x80x128xf32, #tpu.memory_space<vmem>> -> memref<1x80x128xf32, #tpu.memory_space<vmem>>
    %dma_start3A_699 = tpu.memref_squeeze %dma_start3A_698 : memref<1x80x128xf32, #tpu.memory_space<vmem>> -> memref<80x128xf32, #tpu.memory_space<vmem>>
    %dma_start3A_700 = arith.constant 0 : i32
    %dma_start3A_701 = tpu.memref_slice %arg7[%dma_start3A_695, %dma_start3A_700] : memref<5x80xi32, #tpu.memory_space<vmem>> -> memref<1x80xi32, #tpu.memory_space<vmem>>
    %dma_start3A_702 = tpu.memref_squeeze %dma_start3A_701 : memref<1x80xi32, #tpu.memory_space<vmem>> -> memref<80xi32, #tpu.memory_space<vmem>>
    %dma_start3A_703 = arith.constant 0 : i32
    %dma_start3A_704 = arith.constant 0 : i32
    %dma_start3A_705 = tpu.memref_slice %arg10[%dma_start3A_703, %dma_start3A_704] : memref<10240x128xf32, #tpu.memory_space<vmem_shared>> -> memref<10240x128xf32, #tpu.memory_space<vmem_shared>>
    tpu.enqueue_indirect_dma source(%dma_start3A_699 : memref<80x128xf32, #tpu.memory_space<vmem>>) target(%dma_start3A_705 : memref<10240x128xf32, #tpu.memory_space<vmem_shared>>) offsets(%dma_start3A_702 : memref<80xi32, #tpu.memory_space<vmem>>) semaphore(%arg13 : memref<!tpu.dma_semaphore, #tpu.memory_space<semaphore_mem>>) {add = true}
    %dma_wait3A_706 = arith.constant 0 : i32
    %dma_wait3A_707 = arith.constant 0 : i32
    %dma_wait3A_708 = arith.constant 0 : i32
    %dma_wait3A_709 = arith.constant 0 : i32
    %dma_wait3A_710 = tpu.memref_slice %arg8[%dma_wait3A_706, %dma_wait3A_708, %dma_wait3A_709] : memref<4x80x128xf32, #tpu.memory_space<vmem>> -> memref<1x80x128xf32, #tpu.memory_space<vmem>>
    %dma_wait3A_711 = tpu.memref_squeeze %dma_wait3A_710 : memref<1x80x128xf32, #tpu.memory_space<vmem>> -> memref<80x128xf32, #tpu.memory_space<vmem>>
    %dma_wait3A_712 = arith.constant 0 : i32
    %dma_wait3A_713 = tpu.memref_slice %arg7[%dma_wait3A_707, %dma_wait3A_712] : memref<5x80xi32, #tpu.memory_space<vmem>> -> memref<1x80xi32, #tpu.memory_space<vmem>>
    %dma_wait3A_714 = tpu.memref_squeeze %dma_wait3A_713 : memref<1x80xi32, #tpu.memory_space<vmem>> -> memref<80xi32, #tpu.memory_space<vmem>>
    %dma_wait3A_715 = arith.constant 0 : i32
    %dma_wait3A_716 = arith.constant 0 : i32
    %dma_wait3A_717 = tpu.memref_slice %arg10[%dma_wait3A_715, %dma_wait3A_716] : memref<10240x128xf32, #tpu.memory_space<vmem_shared>> -> memref<10240x128xf32, #tpu.memory_space<vmem_shared>>
    tpu.wait_indirect_dma semaphore(%arg13 : memref<!tpu.dma_semaphore, #tpu.memory_space<semaphore_mem>>) src(%dma_wait3A_711 : memref<80x128xf32, #tpu.memory_space<vmem>>) dst(%dma_wait3A_717 : memref<10240x128xf32, #tpu.memory_space<vmem_shared>>)
    %dma_wait3A_718 = arith.constant 0 : i32
    %dma_wait3A_719 = arith.constant 0 : i32
    %dma_wait3A_720 = arith.constant 0 : i32
    %dma_wait3A_721 = arith.constant 0 : i32
    %dma_wait3A_722 = tpu.memref_slice %arg8[%dma_wait3A_719, %dma_wait3A_720, %dma_wait3A_721] : memref<4x80x128xf32, #tpu.memory_space<vmem>> -> memref<1x80x128xf32, #tpu.memory_space<vmem>>
    %dma_wait3A_723 = tpu.memref_squeeze %dma_wait3A_722 : memref<1x80x128xf32, #tpu.memory_space<vmem>> -> memref<80x128xf32, #tpu.memory_space<vmem>>
    %dma_wait3A_724 = arith.constant 0 : i32
    %dma_wait3A_725 = tpu.memref_slice %arg6[%dma_wait3A_718, %dma_wait3A_724] : memref<5x80xi32, #tpu.memory_space<vmem>> -> memref<1x80xi32, #tpu.memory_space<vmem>>
    %dma_wait3A_726 = tpu.memref_squeeze %dma_wait3A_725 : memref<1x80xi32, #tpu.memory_space<vmem>> -> memref<80xi32, #tpu.memory_space<vmem>>
    %dma_wait3A_727 = arith.constant 0 : i32
    %dma_wait3A_728 = arith.constant 0 : i32
    %dma_wait3A_729 = tpu.memref_slice %arg2[%dma_wait3A_727, %dma_wait3A_728] : memref<10000x128xf32, #tpu.memory_space<hbm>> -> memref<10000x128xf32, #tpu.memory_space<hbm>>
    tpu.wait_indirect_dma semaphore(%arg12 : memref<!tpu.dma_semaphore, #tpu.memory_space<semaphore_mem>>) src(%dma_wait3A_729 : memref<10000x128xf32, #tpu.memory_space<hbm>>) dst(%dma_wait3A_723 : memref<80x128xf32, #tpu.memory_space<vmem>>)
    %dma_start3A_730 = arith.constant 0 : i32
    %dma_start3A_731 = arith.constant 4 : i32
    %dma_start3A_732 = arith.constant 0 : i32
    %dma_start3A_733 = arith.constant 0 : i32
    %dma_start3A_734 = tpu.memref_slice %arg8[%dma_start3A_730, %dma_start3A_732, %dma_start3A_733] : memref<4x80x128xf32, #tpu.memory_space<vmem>> -> memref<1x80x128xf32, #tpu.memory_space<vmem>>
    %dma_start3A_735 = tpu.memref_squeeze %dma_start3A_734 : memref<1x80x128xf32, #tpu.memory_space<vmem>> -> memref<80x128xf32, #tpu.memory_space<vmem>>
    %dma_start3A_736 = arith.constant 0 : i32
    %dma_start3A_737 = tpu.memref_slice %arg7[%dma_start3A_731, %dma_start3A_736] : memref<5x80xi32, #tpu.memory_space<vmem>> -> memref<1x80xi32, #tpu.memory_space<vmem>>
    %dma_start3A_738 = tpu.memref_squeeze %dma_start3A_737 : memref<1x80xi32, #tpu.memory_space<vmem>> -> memref<80xi32, #tpu.memory_space<vmem>>
    %dma_start3A_739 = arith.constant 0 : i32
    %dma_start3A_740 = arith.constant 0 : i32
    %dma_start3A_741 = tpu.memref_slice %arg10[%dma_start3A_739, %dma_start3A_740] : memref<10240x128xf32, #tpu.memory_space<vmem_shared>> -> memref<10240x128xf32, #tpu.memory_space<vmem_shared>>
    tpu.enqueue_indirect_dma source(%dma_start3A_735 : memref<80x128xf32, #tpu.memory_space<vmem>>) target(%dma_start3A_741 : memref<10240x128xf32, #tpu.memory_space<vmem_shared>>) offsets(%dma_start3A_738 : memref<80xi32, #tpu.memory_space<vmem>>) semaphore(%arg13 : memref<!tpu.dma_semaphore, #tpu.memory_space<semaphore_mem>>) {add = true}
    %dma_wait3A_742 = arith.constant 0 : i32
    %dma_wait3A_743 = arith.constant 0 : i32
    %dma_wait3A_744 = arith.constant 0 : i32
    %dma_wait3A_745 = arith.constant 0 : i32
    %dma_wait3A_746 = tpu.memref_slice %arg8[%dma_wait3A_742, %dma_wait3A_744, %dma_wait3A_745] : memref<4x80x128xf32, #tpu.memory_space<vmem>> -> memref<1x80x128xf32, #tpu.memory_space<vmem>>
    %dma_wait3A_747 = tpu.memref_squeeze %dma_wait3A_746 : memref<1x80x128xf32, #tpu.memory_space<vmem>> -> memref<80x128xf32, #tpu.memory_space<vmem>>
    %dma_wait3A_748 = arith.constant 0 : i32
    %dma_wait3A_749 = tpu.memref_slice %arg7[%dma_wait3A_743, %dma_wait3A_748] : memref<5x80xi32, #tpu.memory_space<vmem>> -> memref<1x80xi32, #tpu.memory_space<vmem>>
    %dma_wait3A_750 = tpu.memref_squeeze %dma_wait3A_749 : memref<1x80xi32, #tpu.memory_space<vmem>> -> memref<80xi32, #tpu.memory_space<vmem>>
    %dma_wait3A_751 = arith.constant 0 : i32
    %dma_wait3A_752 = arith.constant 0 : i32
    %dma_wait3A_753 = tpu.memref_slice %arg10[%dma_wait3A_751, %dma_wait3A_752] : memref<10240x128xf32, #tpu.memory_space<vmem_shared>> -> memref<10240x128xf32, #tpu.memory_space<vmem_shared>>
    tpu.wait_indirect_dma semaphore(%arg13 : memref<!tpu.dma_semaphore, #tpu.memory_space<semaphore_mem>>) src(%dma_wait3A_747 : memref<80x128xf32, #tpu.memory_space<vmem>>) dst(%dma_wait3A_753 : memref<10240x128xf32, #tpu.memory_space<vmem_shared>>)
    %barrier3A_754 = arith.constant 0 : index
    tpu.barrier barrier_id(%barrier3A_754)
    %mul3A_755 = arith.constant 640 : i32
    %mul3A_756 = arith.muli %arg1, %mul3A_755 : i32
    %mul3A_757 = arith.constant 10240 : i32
    %mul3A_758 = arith.muli %arg0, %mul3A_757 : i32
    %mul3A_759 = arith.constant 640 : i32
    %mul3A_760 = arith.muli %arg1, %mul3A_759 : i32
    %add3A_761 = arith.addi %mul3A_758, %mul3A_760 : i32
    "tpu.region"() ({
      %run_scoped3A = tpu.sem_alloc : memref<!tpu.dma_semaphore, #tpu.memory_space<semaphore_mem>>
      %dma_start3A_762 = arith.constant 0 : i32
      %dma_start3A_763 = tpu.memref_slice %arg5[%add3A_761, %dma_start3A_762] : memref<20480x128xf32, #tpu.memory_space<hbm>> -> memref<640x128xf32, #tpu.memory_space<hbm>>
      %dma_start3A_764 = arith.constant 0 : i32
      %dma_start3A_765 = tpu.memref_slice %arg10[%mul3A_756, %dma_start3A_764] : memref<10240x128xf32, #tpu.memory_space<vmem_shared>> -> memref<640x128xf32, #tpu.memory_space<vmem_shared>>
      tpu.enqueue_dma source(%dma_start3A_765 : memref<640x128xf32, #tpu.memory_space<vmem_shared>>) target(%dma_start3A_763 : memref<640x128xf32, #tpu.memory_space<hbm>>) target_semaphore(%run_scoped3A : memref<!tpu.dma_semaphore, #tpu.memory_space<semaphore_mem>>)
      %dma_wait3A_766 = arith.constant 0 : i32
      %dma_wait3A_767 = tpu.memref_slice %arg5[%add3A_761, %dma_wait3A_766] : memref<20480x128xf32, #tpu.memory_space<hbm>> -> memref<640x128xf32, #tpu.memory_space<hbm>>
      %dma_wait3A_768 = arith.constant 0 : i32
      %dma_wait3A_769 = tpu.memref_slice %arg10[%mul3A_756, %dma_wait3A_768] : memref<10240x128xf32, #tpu.memory_space<vmem_shared>> -> memref<640x128xf32, #tpu.memory_space<vmem_shared>>
      tpu.wait_dma2 semaphore(%run_scoped3A : memref<!tpu.dma_semaphore, #tpu.memory_space<semaphore_mem>>) src(%dma_wait3A_769 : memref<640x128xf32, #tpu.memory_space<vmem_shared>>) dst(%dma_wait3A_767 : memref<640x128xf32, #tpu.memory_space<hbm>>)
      tpu.yield
    }) : () -> ()
    return
  }
}

module attributes {stable_mosaic.version = 14 : i64} {
  func.func @_mlp_body(%arg0: i32, %arg1: memref<2000x128xf32, #tpu.memory_space<vmem>>, %arg2: memref<1x2000x128xf32, #tpu.memory_space<vmem>>, %arg3: memref<1x2000x128xf32, #tpu.memory_space<vmem>>, %arg4: memref<128x128xf32, #tpu.memory_space<vmem>>, %arg5: memref<1x128xf32, #tpu.memory_space<vmem>>, %arg6: memref<128x128xf32, #tpu.memory_space<vmem>>, %arg7: memref<1x128xf32, #tpu.memory_space<vmem>>, %arg8: memref<2000x128xf32, #tpu.memory_space<vmem>>) attributes {dimension_semantics = [#tpu.dimension_semantics<arbitrary>], iteration_bounds = array<i64: 5>, scalar_prefetch = 0 : i64, scratch_operands = 0 : i64, tpu.core_type = #tpu.core_type<tc>, window_params = [{transform_indices = @transform_0, window_bounds = array<i64: 2000, 128>}, {transform_indices = @transform_1, window_bounds = array<i64: 1, 2000, 128>}, {transform_indices = @transform_2, window_bounds = array<i64: 1, 2000, 128>}, {pipeline_mode = #tpu.pipeline_mode<synchronous>, transform_indices = @transform_3, window_bounds = array<i64: 128, 128>}, {pipeline_mode = #tpu.pipeline_mode<synchronous>, transform_indices = @transform_4, window_bounds = array<i64: 1, 128>}, {pipeline_mode = #tpu.pipeline_mode<synchronous>, transform_indices = @transform_5, window_bounds = array<i64: 128, 128>}, {pipeline_mode = #tpu.pipeline_mode<synchronous>, transform_indices = @transform_6, window_bounds = array<i64: 1, 128>}, {transform_indices = @transform_7, window_bounds = array<i64: 2000, 128>}]} {
    %get3A = arith.constant 0 : index
    %get3A_0 = arith.constant 0 : index
    %get3A_1 = vector.load %arg1[%get3A, %get3A_0] : memref<2000x128xf32, #tpu.memory_space<vmem>>, vector<2000x128xf32>
    %get3A_2 = arith.constant 0 : index
    %get3A_3 = arith.constant 0 : index
    %get3A_4 = arith.constant 0 : index
    %get3A_5 = vector.load %arg2[%get3A_2, %get3A_3, %get3A_4] : memref<1x2000x128xf32, #tpu.memory_space<vmem>>, vector<1x2000x128xf32>
    %get3A_6 = vector.shape_cast %get3A_5 : vector<1x2000x128xf32> to vector<2000x128xf32>
    %add3A = arith.addf %get3A_1, %get3A_6 : vector<2000x128xf32>
    %get3A_7 = arith.constant 0 : index
    %get3A_8 = arith.constant 0 : index
    %get3A_9 = arith.constant 0 : index
    %get3A_10 = vector.load %arg3[%get3A_7, %get3A_8, %get3A_9] : memref<1x2000x128xf32, #tpu.memory_space<vmem>>, vector<1x2000x128xf32>
    %get3A_11 = vector.shape_cast %get3A_10 : vector<1x2000x128xf32> to vector<2000x128xf32>
    %add3A_12 = arith.addf %add3A, %get3A_11 : vector<2000x128xf32>
    %get3A_13 = arith.constant 0 : index
    %get3A_14 = arith.constant 0 : index
    %get3A_15 = vector.load %arg4[%get3A_13, %get3A_14] : memref<128x128xf32, #tpu.memory_space<vmem>>, vector<128x128xf32>
    %dot_general3A = arith.constant dense<0.000000e+00> : vector<2000x128xf32>
    %dot_general3A_16 = tpu.matmul %add3A_12, %get3A_15, %dot_general3A {dimension_numbers = #tpu.dot_dimension_numbers<[1], [0], [0], [1], [0, 0, 1, 1], [], []>, transpose_lhs_hint = false} : vector<2000x128xf32>, vector<128x128xf32>, vector<2000x128xf32> -> vector<2000x128xf32>
    %get3A_17 = arith.constant 0 : index
    %get3A_18 = arith.constant 0 : index
    %get3A_19 = vector.load %arg5[%get3A_17, %get3A_18] : memref<1x128xf32, #tpu.memory_space<vmem>>, vector<1x128xf32>
    %add3A_20 = vector.broadcast %get3A_19 : vector<1x128xf32> to vector<2000x128xf32>
    %add3A_21 = arith.addf %dot_general3A_16, %add3A_20 : vector<2000x128xf32>
    %max3A = arith.constant 0.000000e+00 : f32
    %max3A_22 = vector.broadcast %max3A : f32 to vector<2000x128xf32>
    %max3A_23 = arith.maximumf %add3A_21, %max3A_22 : vector<2000x128xf32>
    %get3A_24 = arith.constant 0 : index
    %get3A_25 = arith.constant 0 : index
    %get3A_26 = vector.load %arg6[%get3A_24, %get3A_25] : memref<128x128xf32, #tpu.memory_space<vmem>>, vector<128x128xf32>
    %dot_general3A_27 = arith.constant dense<0.000000e+00> : vector<2000x128xf32>
    %dot_general3A_28 = tpu.matmul %max3A_23, %get3A_26, %dot_general3A_27 {dimension_numbers = #tpu.dot_dimension_numbers<[1], [0], [0], [1], [0, 0, 1, 1], [], []>, transpose_lhs_hint = false} : vector<2000x128xf32>, vector<128x128xf32>, vector<2000x128xf32> -> vector<2000x128xf32>
    %get3A_29 = arith.constant 0 : index
    %get3A_30 = arith.constant 0 : index
    %get3A_31 = vector.load %arg7[%get3A_29, %get3A_30] : memref<1x128xf32, #tpu.memory_space<vmem>>, vector<1x128xf32>
    %add3A_32 = vector.broadcast %get3A_31 : vector<1x128xf32> to vector<2000x128xf32>
    %add3A_33 = arith.addf %dot_general3A_28, %add3A_32 : vector<2000x128xf32>
    %max3A_34 = arith.constant 0.000000e+00 : f32
    %max3A_35 = vector.broadcast %max3A_34 : f32 to vector<2000x128xf32>
    %max3A_36 = arith.maximumf %add3A_33, %max3A_35 : vector<2000x128xf32>
    %swap3A = arith.constant 0 : index
    %swap3A_37 = arith.constant 0 : index
    %swap3A_38 = vector.load %arg8[%swap3A, %swap3A_37] : memref<2000x128xf32, #tpu.memory_space<vmem>>, vector<2000x128xf32>
    tpu.vector_store %arg8[%swap3A, %swap3A_37], %max3A_36 {strides = array<i32>} : memref<2000x128xf32, #tpu.memory_space<vmem>>, vector<2000x128xf32>,
    return
  }
  func.func @transform_0(%arg0: i32) -> (i32, i32) {
    %c0_i32 = arith.constant 0 : i32
    %c0_i32_0 = arith.constant 0 : i32
    return %arg0, %c0_i32 : i32, i32
  }
  func.func @transform_1(%arg0: i32) -> (i32, i32, i32) {
    %c0_i32 = arith.constant 0 : i32
    %c0_i32_0 = arith.constant 0 : i32
    %c0_i32_1 = arith.constant 0 : i32
    return %c0_i32, %arg0, %c0_i32_0 : i32, i32, i32
  }
  func.func @transform_2(%arg0: i32) -> (i32, i32, i32) {
    %c1_i32 = arith.constant 1 : i32
    %c0_i32 = arith.constant 0 : i32
    %c0_i32_0 = arith.constant 0 : i32
    return %c1_i32, %arg0, %c0_i32 : i32, i32, i32
  }
  func.func @transform_3(%arg0: i32) -> (i32, i32) {
    %c0_i32 = arith.constant 0 : i32
    %c0_i32_0 = arith.constant 0 : i32
    %c0_i32_1 = arith.constant 0 : i32
    return %c0_i32, %c0_i32_0 : i32, i32
  }
  func.func @transform_4(%arg0: i32) -> (i32, i32) {
    %c0_i32 = arith.constant 0 : i32
    %c0_i32_0 = arith.constant 0 : i32
    %c0_i32_1 = arith.constant 0 : i32
    return %c0_i32, %c0_i32_0 : i32, i32
  }
  func.func @transform_5(%arg0: i32) -> (i32, i32) {
    %c0_i32 = arith.constant 0 : i32
    %c0_i32_0 = arith.constant 0 : i32
    %c0_i32_1 = arith.constant 0 : i32
    return %c0_i32, %c0_i32_0 : i32, i32
  }
  func.func @transform_6(%arg0: i32) -> (i32, i32) {
    %c0_i32 = arith.constant 0 : i32
    %c0_i32_0 = arith.constant 0 : i32
    %c0_i32_1 = arith.constant 0 : i32
    return %c0_i32, %c0_i32_0 : i32, i32
  }
  func.func @transform_7(%arg0: i32) -> (i32, i32) {
    %c0_i32 = arith.constant 0 : i32
    %c0_i32_0 = arith.constant 0 : i32
    return %arg0, %c0_i32 : i32, i32
  }
}

module attributes {stable_mosaic.version = 14 : i64} {
  func.func @_mlp_pool_body(%arg0: i32, %arg1: memref<2000x128xf32, #tpu.memory_space<vmem>>, %arg2: memref<1x2000x128xf32, #tpu.memory_space<vmem>>, %arg3: memref<1x2000x128xf32, #tpu.memory_space<vmem>>, %arg4: memref<128x128xf32, #tpu.memory_space<vmem>>, %arg5: memref<1x128xf32, #tpu.memory_space<vmem>>, %arg6: memref<128x128xf32, #tpu.memory_space<vmem>>, %arg7: memref<1x128xf32, #tpu.memory_space<vmem>>, %arg8: memref<2000x1xi32, #tpu.memory_space<vmem>>, %arg9: memref<1x128xf32, #tpu.memory_space<vmem>>, %arg10: memref<1x128xf32, #tpu.memory_space<vmem>>, %arg11: memref<64x128xf32, #tpu.memory_space<vmem>>, %arg12: memref<64x128xf32, #tpu.memory_space<vmem>>, %arg13: memref<64x128xf32, #tpu.memory_space<vmem>>) attributes {dimension_semantics = [#tpu.dimension_semantics<arbitrary>], iteration_bounds = array<i64: 5>, scalar_prefetch = 0 : i64, scratch_operands = 2 : i64, tpu.core_type = #tpu.core_type<tc>, window_params = [{transform_indices = @transform_0, window_bounds = array<i64: 2000, 128>}, {transform_indices = @transform_1, window_bounds = array<i64: 1, 2000, 128>}, {transform_indices = @transform_2, window_bounds = array<i64: 1, 2000, 128>}, {pipeline_mode = #tpu.pipeline_mode<synchronous>, transform_indices = @transform_3, window_bounds = array<i64: 128, 128>}, {pipeline_mode = #tpu.pipeline_mode<synchronous>, transform_indices = @transform_4, window_bounds = array<i64: 1, 128>}, {pipeline_mode = #tpu.pipeline_mode<synchronous>, transform_indices = @transform_5, window_bounds = array<i64: 128, 128>}, {pipeline_mode = #tpu.pipeline_mode<synchronous>, transform_indices = @transform_6, window_bounds = array<i64: 1, 128>}, {transform_indices = @transform_7, window_bounds = array<i64: 2000, 1>}, {pipeline_mode = #tpu.pipeline_mode<synchronous>, transform_indices = @transform_8, window_bounds = array<i64: 1, 128>}, {pipeline_mode = #tpu.pipeline_mode<synchronous>, transform_indices = @transform_9, window_bounds = array<i64: 1, 128>}, {pipeline_mode = #tpu.pipeline_mode<synchronous>, transform_indices = @transform_10, window_bounds = array<i64: 64, 128>}]} {
    %eq3A = arith.constant 0 : i32
    %eq3A_0 = arith.cmpi eq, %arg0, %eq3A : i32
    %convert_element_type3A = arith.extui %eq3A_0 : i1 to i32
    %cond3A = arith.constant 0 : i32
    %cond3A_1 = arith.cmpi ne, %convert_element_type3A, %cond3A : i32
    scf.if %cond3A_1 {
      %broadcast_in_dim3A_67 = arith.constant 0.000000e+00 : f32
      %broadcast_in_dim3A_68 = vector.broadcast %broadcast_in_dim3A_67 : f32 to vector<64x128xf32>
      %swap3A_69 = arith.constant 0 : index
      %swap3A_70 = arith.constant 0 : index
      %swap3A_71 = vector.load %arg12[%swap3A_69, %swap3A_70] : memref<64x128xf32, #tpu.memory_space<vmem>>, vector<64x128xf32>
      tpu.vector_store %arg12[%swap3A_69, %swap3A_70], %broadcast_in_dim3A_68 {strides = array<i32>} : memref<64x128xf32, #tpu.memory_space<vmem>>, vector<64x128xf32>,
      %broadcast_in_dim3A_72 = arith.constant 0.000000e+00 : f32
      %broadcast_in_dim3A_73 = vector.broadcast %broadcast_in_dim3A_72 : f32 to vector<64x128xf32>
      %swap3A_74 = arith.constant 0 : index
      %swap3A_75 = arith.constant 0 : index
      %swap3A_76 = vector.load %arg13[%swap3A_74, %swap3A_75] : memref<64x128xf32, #tpu.memory_space<vmem>>, vector<64x128xf32>
      tpu.vector_store %arg13[%swap3A_74, %swap3A_75], %broadcast_in_dim3A_73 {strides = array<i32>} : memref<64x128xf32, #tpu.memory_space<vmem>>, vector<64x128xf32>,
    } else {
    }
    %get3A = arith.constant 0 : index
    %get3A_2 = arith.constant 0 : index
    %get3A_3 = vector.load %arg1[%get3A, %get3A_2] : memref<2000x128xf32, #tpu.memory_space<vmem>>, vector<2000x128xf32>
    %get3A_4 = arith.constant 0 : index
    %get3A_5 = arith.constant 0 : index
    %get3A_6 = arith.constant 0 : index
    %get3A_7 = vector.load %arg2[%get3A_4, %get3A_5, %get3A_6] : memref<1x2000x128xf32, #tpu.memory_space<vmem>>, vector<1x2000x128xf32>
    %get3A_8 = vector.shape_cast %get3A_7 : vector<1x2000x128xf32> to vector<2000x128xf32>
    %add3A = arith.addf %get3A_3, %get3A_8 : vector<2000x128xf32>
    %get3A_9 = arith.constant 0 : index
    %get3A_10 = arith.constant 0 : index
    %get3A_11 = arith.constant 0 : index
    %get3A_12 = vector.load %arg3[%get3A_9, %get3A_10, %get3A_11] : memref<1x2000x128xf32, #tpu.memory_space<vmem>>, vector<1x2000x128xf32>
    %get3A_13 = vector.shape_cast %get3A_12 : vector<1x2000x128xf32> to vector<2000x128xf32>
    %add3A_14 = arith.addf %add3A, %get3A_13 : vector<2000x128xf32>
    %get3A_15 = arith.constant 0 : index
    %get3A_16 = arith.constant 0 : index
    %get3A_17 = vector.load %arg4[%get3A_15, %get3A_16] : memref<128x128xf32, #tpu.memory_space<vmem>>, vector<128x128xf32>
    %dot_general3A = arith.constant dense<0.000000e+00> : vector<2000x128xf32>
    %dot_general3A_18 = tpu.matmul %add3A_14, %get3A_17, %dot_general3A {dimension_numbers = #tpu.dot_dimension_numbers<[1], [0], [0], [1], [0, 0, 1, 1], [], []>, transpose_lhs_hint = false} : vector<2000x128xf32>, vector<128x128xf32>, vector<2000x128xf32> -> vector<2000x128xf32>
    %get3A_19 = arith.constant 0 : index
    %get3A_20 = arith.constant 0 : index
    %get3A_21 = vector.load %arg5[%get3A_19, %get3A_20] : memref<1x128xf32, #tpu.memory_space<vmem>>, vector<1x128xf32>
    %add3A_22 = vector.broadcast %get3A_21 : vector<1x128xf32> to vector<2000x128xf32>
    %add3A_23 = arith.addf %dot_general3A_18, %add3A_22 : vector<2000x128xf32>
    %max3A = arith.constant 0.000000e+00 : f32
    %max3A_24 = vector.broadcast %max3A : f32 to vector<2000x128xf32>
    %max3A_25 = arith.maximumf %add3A_23, %max3A_24 : vector<2000x128xf32>
    %get3A_26 = arith.constant 0 : index
    %get3A_27 = arith.constant 0 : index
    %get3A_28 = vector.load %arg6[%get3A_26, %get3A_27] : memref<128x128xf32, #tpu.memory_space<vmem>>, vector<128x128xf32>
    %dot_general3A_29 = arith.constant dense<0.000000e+00> : vector<2000x128xf32>
    %dot_general3A_30 = tpu.matmul %max3A_25, %get3A_28, %dot_general3A_29 {dimension_numbers = #tpu.dot_dimension_numbers<[1], [0], [0], [1], [0, 0, 1, 1], [], []>, transpose_lhs_hint = false} : vector<2000x128xf32>, vector<128x128xf32>, vector<2000x128xf32> -> vector<2000x128xf32>
    %get3A_31 = arith.constant 0 : index
    %get3A_32 = arith.constant 0 : index
    %get3A_33 = vector.load %arg7[%get3A_31, %get3A_32] : memref<1x128xf32, #tpu.memory_space<vmem>>, vector<1x128xf32>
    %add3A_34 = vector.broadcast %get3A_33 : vector<1x128xf32> to vector<2000x128xf32>
    %add3A_35 = arith.addf %dot_general3A_30, %add3A_34 : vector<2000x128xf32>
    %get3A_36 = arith.constant 0 : index
    %get3A_37 = arith.constant 0 : index
    %get3A_38 = vector.load %arg8[%get3A_36, %get3A_37] : memref<2000x1xi32, #tpu.memory_space<vmem>>, vector<2000x1xi32>
    %iota3A = tpu.iota {dimensions = array<i32: 1>} : vector<1x64xi32>
    %eq3A_39 = vector.broadcast %get3A_38 : vector<2000x1xi32> to vector<2000x64xi32>
    %eq3A_40 = vector.broadcast %iota3A : vector<1x64xi32> to vector<2000x64xi32>
    %eq3A_41 = arith.cmpi eq, %eq3A_39, %eq3A_40 : vector<2000x64xi32>
    %convert_element_type3A_42 = arith.extui %eq3A_41 : vector<2000x64xi1> to vector<2000x64xi32>
    %convert_element_type3A_43 = arith.sitofp %convert_element_type3A_42 : vector<2000x64xi32> to vector<2000x64xf32>
    %get3A_44 = arith.constant 0 : index
    %get3A_45 = arith.constant 0 : index
    %get3A_46 = vector.load %arg12[%get3A_44, %get3A_45] : memref<64x128xf32, #tpu.memory_space<vmem>>, vector<64x128xf32>
    %dot_general3A_47 = arith.constant dense<0.000000e+00> : vector<64x128xf32>
    %dot_general3A_48 = tpu.matmul %convert_element_type3A_43, %add3A_35, %dot_general3A_47 {dimension_numbers = #tpu.dot_dimension_numbers<[0], [0], [1], [1], [0, 1, 1, 1], [], []>, transpose_lhs_hint = false} : vector<2000x64xf32>, vector<2000x128xf32>, vector<64x128xf32> -> vector<64x128xf32>
    %add3A_49 = arith.addf %get3A_46, %dot_general3A_48 : vector<64x128xf32>
    %swap3A = arith.constant 0 : index
    %swap3A_50 = arith.constant 0 : index
    %swap3A_51 = vector.load %arg12[%swap3A, %swap3A_50] : memref<64x128xf32, #tpu.memory_space<vmem>>, vector<64x128xf32>
    tpu.vector_store %arg12[%swap3A, %swap3A_50], %add3A_49 {strides = array<i32>} : memref<64x128xf32, #tpu.memory_space<vmem>>, vector<64x128xf32>,
    %get3A_52 = arith.constant 0 : index
    %get3A_53 = arith.constant 0 : index
    %get3A_54 = vector.load %arg13[%get3A_52, %get3A_53] : memref<64x128xf32, #tpu.memory_space<vmem>>, vector<64x128xf32>
    %broadcast_in_dim3A = arith.constant 1.000000e+00 : f32
    %broadcast_in_dim3A_55 = vector.broadcast %broadcast_in_dim3A : f32 to vector<2000x128xf32>
    %dot_general3A_56 = arith.constant dense<0.000000e+00> : vector<64x128xf32>
    %dot_general3A_57 = tpu.matmul %convert_element_type3A_43, %broadcast_in_dim3A_55, %dot_general3A_56 {dimension_numbers = #tpu.dot_dimension_numbers<[0], [0], [1], [1], [0, 1, 1, 1], [], []>, transpose_lhs_hint = false} : vector<2000x64xf32>, vector<2000x128xf32>, vector<64x128xf32> -> vector<64x128xf32>
    %add3A_58 = arith.addf %get3A_54, %dot_general3A_57 : vector<64x128xf32>
    %swap3A_59 = arith.constant 0 : index
    %swap3A_60 = arith.constant 0 : index
    %swap3A_61 = vector.load %arg13[%swap3A_59, %swap3A_60] : memref<64x128xf32, #tpu.memory_space<vmem>>, vector<64x128xf32>
    tpu.vector_store %arg13[%swap3A_59, %swap3A_60], %add3A_58 {strides = array<i32>} : memref<64x128xf32, #tpu.memory_space<vmem>>, vector<64x128xf32>,
    %eq3A_62 = arith.constant 4 : i32
    %eq3A_63 = arith.cmpi eq, %arg0, %eq3A_62 : i32
    %convert_element_type3A_64 = arith.extui %eq3A_63 : i1 to i32
    %cond3A_65 = arith.constant 0 : i32
    %cond3A_66 = arith.cmpi ne, %convert_element_type3A_64, %cond3A_65 : i32
    scf.if %cond3A_66 {
      %get3A_67 = arith.constant 0 : index
      %get3A_68 = arith.constant 0 : index
      %get3A_69 = vector.load %arg12[%get3A_67, %get3A_68] : memref<64x128xf32, #tpu.memory_space<vmem>>, vector<64x128xf32>
      %get3A_70 = arith.constant 0 : index
      %get3A_71 = arith.constant 0 : index
      %get3A_72 = vector.load %arg13[%get3A_70, %get3A_71] : memref<64x128xf32, #tpu.memory_space<vmem>>, vector<64x128xf32>
      %max3A_73 = arith.constant 1.000000e+00 : f32
      %max3A_74 = vector.broadcast %max3A_73 : f32 to vector<64x128xf32>
      %max3A_75 = arith.maximumf %get3A_72, %max3A_74 : vector<64x128xf32>
      %div3A = arith.divf %get3A_69, %max3A_75 : vector<64x128xf32>
      %reduce_sum3A = arith.constant dense<0.000000e+00> : vector<64xf32>
      %reduce_sum3A_76 = vector.multi_reduction <add>, %div3A, %reduce_sum3A [1] : vector<64x128xf32> to vector<64xf32>
      %broadcast_in_dim3A_77 = vector.shape_cast %reduce_sum3A_76 : vector<64xf32> to vector<64x1xf32>
      %div3A_78 = arith.constant 1.280000e+02 : f32
      %div3A_79 = vector.broadcast %div3A_78 : f32 to vector<64x1xf32>
      %div3A_80 = arith.divf %broadcast_in_dim3A_77, %div3A_79 : vector<64x1xf32>
      %sub3A = vector.broadcast %div3A_80 : vector<64x1xf32> to vector<64x128xf32>
      %sub3A_81 = arith.subf %div3A, %sub3A : vector<64x128xf32>
      %integer_pow3A = arith.mulf %sub3A_81, %sub3A_81 : vector<64x128xf32>
      %reduce_sum3A_82 = arith.constant dense<0.000000e+00> : vector<64xf32>
      %reduce_sum3A_83 = vector.multi_reduction <add>, %integer_pow3A, %reduce_sum3A_82 [1] : vector<64x128xf32> to vector<64xf32>
      %broadcast_in_dim3A_84 = vector.shape_cast %reduce_sum3A_83 : vector<64xf32> to vector<64x1xf32>
      %div3A_85 = arith.constant 1.280000e+02 : f32
      %div3A_86 = vector.broadcast %div3A_85 : f32 to vector<64x1xf32>
      %div3A_87 = arith.divf %broadcast_in_dim3A_84, %div3A_86 : vector<64x1xf32>
      %sub3A_88 = vector.broadcast %div3A_80 : vector<64x1xf32> to vector<64x128xf32>
      %sub3A_89 = arith.subf %div3A, %sub3A_88 : vector<64x128xf32>
      %add3A_90 = arith.constant 9.99999974E-6 : f32
      %add3A_91 = vector.broadcast %add3A_90 : f32 to vector<64x1xf32>
      %add3A_92 = arith.addf %div3A_87, %add3A_91 : vector<64x1xf32>
      %rsqrt3A = math.rsqrt %add3A_92 : vector<64x1xf32>
      %mul3A = vector.broadcast %rsqrt3A : vector<64x1xf32> to vector<64x128xf32>
      %mul3A_93 = arith.mulf %sub3A_89, %mul3A : vector<64x128xf32>
      %get3A_94 = arith.constant 0 : index
      %get3A_95 = arith.constant 0 : index
      %get3A_96 = vector.load %arg9[%get3A_94, %get3A_95] : memref<1x128xf32, #tpu.memory_space<vmem>>, vector<1x128xf32>
      %mul3A_97 = vector.broadcast %get3A_96 : vector<1x128xf32> to vector<64x128xf32>
      %mul3A_98 = arith.mulf %mul3A_93, %mul3A_97 : vector<64x128xf32>
      %get3A_99 = arith.constant 0 : index
      %get3A_100 = arith.constant 0 : index
      %get3A_101 = vector.load %arg10[%get3A_99, %get3A_100] : memref<1x128xf32, #tpu.memory_space<vmem>>, vector<1x128xf32>
      %add3A_102 = vector.broadcast %get3A_101 : vector<1x128xf32> to vector<64x128xf32>
      %add3A_103 = arith.addf %mul3A_98, %add3A_102 : vector<64x128xf32>
      %swap3A_104 = arith.constant 0 : index
      %swap3A_105 = arith.constant 0 : index
      %swap3A_106 = vector.load %arg11[%swap3A_104, %swap3A_105] : memref<64x128xf32, #tpu.memory_space<vmem>>, vector<64x128xf32>
      tpu.vector_store %arg11[%swap3A_104, %swap3A_105], %add3A_103 {strides = array<i32>} : memref<64x128xf32, #tpu.memory_space<vmem>>, vector<64x128xf32>,
    } else {
    }
    return
  }
  func.func @transform_0(%arg0: i32) -> (i32, i32) {
    %c0_i32 = arith.constant 0 : i32
    %c0_i32_0 = arith.constant 0 : i32
    return %arg0, %c0_i32 : i32, i32
  }
  func.func @transform_1(%arg0: i32) -> (i32, i32, i32) {
    %c0_i32 = arith.constant 0 : i32
    %c0_i32_0 = arith.constant 0 : i32
    %c0_i32_1 = arith.constant 0 : i32
    return %c0_i32, %arg0, %c0_i32_0 : i32, i32, i32
  }
  func.func @transform_2(%arg0: i32) -> (i32, i32, i32) {
    %c1_i32 = arith.constant 1 : i32
    %c0_i32 = arith.constant 0 : i32
    %c0_i32_0 = arith.constant 0 : i32
    return %c1_i32, %arg0, %c0_i32 : i32, i32, i32
  }
  func.func @transform_3(%arg0: i32) -> (i32, i32) {
    %c0_i32 = arith.constant 0 : i32
    %c0_i32_0 = arith.constant 0 : i32
    %c0_i32_1 = arith.constant 0 : i32
    return %c0_i32, %c0_i32_0 : i32, i32
  }
  func.func @transform_4(%arg0: i32) -> (i32, i32) {
    %c0_i32 = arith.constant 0 : i32
    %c0_i32_0 = arith.constant 0 : i32
    %c0_i32_1 = arith.constant 0 : i32
    return %c0_i32, %c0_i32_0 : i32, i32
  }
  func.func @transform_5(%arg0: i32) -> (i32, i32) {
    %c0_i32 = arith.constant 0 : i32
    %c0_i32_0 = arith.constant 0 : i32
    %c0_i32_1 = arith.constant 0 : i32
    return %c0_i32, %c0_i32_0 : i32, i32
  }
  func.func @transform_6(%arg0: i32) -> (i32, i32) {
    %c0_i32 = arith.constant 0 : i32
    %c0_i32_0 = arith.constant 0 : i32
    %c0_i32_1 = arith.constant 0 : i32
    return %c0_i32, %c0_i32_0 : i32, i32
  }
  func.func @transform_7(%arg0: i32) -> (i32, i32) {
    %c0_i32 = arith.constant 0 : i32
    %c0_i32_0 = arith.constant 0 : i32
    return %arg0, %c0_i32 : i32, i32
  }
  func.func @transform_8(%arg0: i32) -> (i32, i32) {
    %c0_i32 = arith.constant 0 : i32
    %c0_i32_0 = arith.constant 0 : i32
    %c0_i32_1 = arith.constant 0 : i32
    return %c0_i32, %c0_i32_0 : i32, i32
  }
  func.func @transform_9(%arg0: i32) -> (i32, i32) {
    %c0_i32 = arith.constant 0 : i32
    %c0_i32_0 = arith.constant 0 : i32
    %c0_i32_1 = arith.constant 0 : i32
    return %c0_i32, %c0_i32_0 : i32, i32
  }
  func.func @transform_10(%arg0: i32) -> (i32, i32) {
    %c0_i32 = arith.constant 0 : i32
    %c0_i32_0 = arith.constant 0 : i32
    %c0_i32_1 = arith.constant 0 : i32
    return %c0_i32, %c0_i32_0 : i32, i32
  }
}

</mosaic_0001>

<sc_bundles>
// kernel: kernel.11.cloned.1.call-start
scs
__scs_entry_jumppad:
0x0: {  	(pc) =	sbr.rel $0x88, $3  }
0x1: {  	(tag) =	ssettag $0x0;
	lr =	simm.s32 $0x1  }
0x2: {  	[smem:$0x3F90] =	sst lr;
	_ =	strace $0xD0000000  }
0x3: {  	_ = 	snop  }
0x4: {  	_ = 	snop  }
0x5: {  	_ = 	snop  }
0x6: {  	_ = 	snop  }
0x7: {  	_ = 	snop  }
__scs_overlays_trampoline_lowered:
0x8: {  	[smem:$0x3F9F] =	sst s0  }
0x9: {  	[smem:$0x3FA0] =	sst s1  }
0xa: {  	[smem:$0x3FA1] =	sst s2  }
0xb: {  	[smem:$0x3FA2] =	sst s3  }
0xc: {  	[smem:$0x3FA3] =	sst s4  }
0xd: {  	[smem:$0x3FA4] =	sst s5  }
0xe: {  	[smem:$0x3FA5] =	sst s6  }
0xf: {  	[smem:$0x3FA6] =	sst s7  }
0x10: {  	[smem:$0x3FA7] =	sst s8  }
0x11: {  	[smem:$0x3FA8] =	sst s9;
	s0 =	simm.s32 @!p0 $0x0  }
0x12: {  	s1 =	sld [smem:$0x3F8E];
	s0 =	simm.s32 @p0 $0x1  }
0x13: {  	[smem:$0x3FA9] =	sst s0;
	s0 =	simm.s32 @!p1 $0x0  }
0x14: {  	s2 =	sld [smem:$0x3F8D];
	s0 =	simm.s32 @p1 $0x1  }
0x15: {  	[smem:$0x3FAA] =	sst s0;
	s0 =	simm.s32 @!p2 $0x0  }
0x16: {  	s3 =	sld [smem:$0x3FDB];
	s0 =	simm.s32 @p2 $0x1  }
0x17: {  	s4 =	simm.s32 $0x1BF5;
	[smem:$0x3FAC] =	sst s0  }
0x18: {  	s0 =	sld [smem:$0x3F8F];
	_ =	swait.ge [sflag:s4], $0x0  }
0x19: {  	s7 =	sld [smem:$0x3F90]  }
0x1a: {  	s8 =	sadd.s32 $0xFFFFE003, lr  }
0x1b: {  	s9 =	sadd.s32 $0xFFFFFEF7, lr;
	s5 =	simm.s32 $0xFFFFFFFF;
	p2 =	slt.u32 s8, $0xFFFFF086  }
0x1c: {  	p1 =	slt.u32 s9, $0xF7A;
	s5 =	simm.s32 @!p2 $0x0  }
0x1d: {  	s5 =	simm.s32 @p1 $0x1;
	p0 =	seq.s32 s7, s2  }
0x1e: {  	s7 =	smul.u32 @!p0 $0xF7A, s2;
	p2 =	seq.s32 @!p0 s5, $0x0  }
0x1f: {  	s9 =	smul.u32 $0xF7A, s1;
	s8 =	simm.s32 @!p0 $0x1BF5;
	p2 =	por !p2, p0  }
0x20: {  	[sflag:s8] =	ssyncset.s32 @!p0 $0xFFFFF086;
	s6 =	sadd.s32 @!p0 s3, s7;
	s7 =	simm.s32 @!p0 $0x108  }
0x21: {  	s3 =	sadd.s32 s3, s9;
	s6 =	sadd.s32 @!p0 $0x88, s6;
	s7 =	simm.s32 @p2 $0x1082  }
0x22: {  	[simem:s7], [sflag:s8] =	dma.local @!p0 [hbm:s6], $0xF7A  }
0x23: {  	s9 =	sor.u32 $0xD0000000, s2;
	s6 =	simm.s32 $0x108;
	_ =	swait.ge @!p0 [sflag:s8], $0x0  }
0x24: {  	s3 =	sadd.s32 $0x88, s3;
	s6 =	simm.s32 @!p1 $0x1082;
	[sflag:s4] =	ssyncset.s32 $0xFFFFF086  }
0x25: {  	[simem:s6], [sflag:s4] =	dma.local [hbm:s3], $0xF7A  }
0x26: {  	[smem:$0x3F90] =	sst s1;
	(tag) =	ssettag s2;
	_ =	strace s9  }
0x27: {  	s1 =	sld [smem:$0x3FA0]  }
0x28: {  	s2 =	sld [smem:$0x3FA1]  }
0x29: {  	s4 =	sld [smem:$0x3FA3]  }
0x2a: {  	p0 =	seq.s32 s5, $0x0;
	s5 =	sld [smem:$0x3FA4]  }
0x2b: {  	s6 =	sld [smem:$0x3FA5]  }
0x2c: {  	s7 =	sld [smem:$0x3FA6]  }
0x2d: {  	s3 =	simm.s32 $0x108;
	s8 =	sld [smem:$0x3FA7]  }
0x2e: {  	s3 =	simm.s32 @!p0 $0x1082;
	s9 =	sld [smem:$0x3FA8]  }
0x2f: {  	lr =	sadd.s32 s0, s3;
	s0 =	sld [smem:$0x3F9F]  }
0x30: {  	s3 =	sld [smem:$0x3FA2]  }
0x31: {  	[smem:$0x3FAB] =	sst s10  }
0x32: {  	s10 =	sld [smem:$0x3FA9];
	_ =	sdelay $0x3  }
0x33: {  	p0 =	seq.s32 s10, $0x1;
	s10 =	sld [smem:$0x3FAB];
	_ =	sdelay $0x3  }
0x34: {  	[smem:$0x3FAB] =	sst s10  }
0x35: {  	s10 =	sld [smem:$0x3FAA];
	_ =	sdelay $0x3  }
0x36: {  	p1 =	seq.s32 s10, $0x1;
	s10 =	sld [smem:$0x3FAB];
	_ =	sdelay $0x3  }
0x37: {  	[smem:$0x3FAB] =	sst s10  }
0x38: {  	s10 =	sld [smem:$0x3FAC]  }
0x39: {  	_ = 	snop;
	(pc) =	sbr.ind lr, $3  }
0x3a: {  	_ = 	snop  }
0x3b: {  	_ = 	snop  }
0x3c: {  	p2 =	seq.s32 s10, $0x1;
	s10 =	sld [smem:$0x3FAB]  }
0x3d: {  	_ =	shalt  }
0x3e: {  	_ =	shalt  }
0x3f: {  	_ =	shalt  }
0x40: {  	_ =	shalt  }
0x41: {  	_ =	shalt  }
0x42: {  	_ =	shalt  }
0x43: {  	_ =	shalt  }
0x44: {  	_ =	shalt  }
0x45: {  	_ =	shalt  }
0x46: {  	_ =	shalt  }
0x47: {  	_ =	shalt  }
0x48: {  	_ =	shalt  }
0x49: {  	_ =	shalt  }
0x4a: {  	_ =	shalt  }
0x4b: {  	_ =	shalt  }
0x4c: {  	_ =	shalt  }
0x4d: {  	_ =	shalt  }
0x4e: {  	_ =	shalt  }
0x4f: {  	_ =	shalt  }
0x50: {  	_ =	shalt  }
0x51: {  	_ =	shalt  }
0x52: {  	_ =	shalt  }
0x53: {  	_ =	shalt  }
0x54: {  	_ =	shalt  }
0x55: {  	_ =	shalt  }
0x56: {  	_ =	shalt  }
0x57: {  	_ =	shalt  }
0x58: {  	_ =	shalt  }
0x59: {  	_ =	shalt  }
0x5a: {  	_ =	shalt  }
0x5b: {  	_ =	shalt  }
0x5c: {  	_ =	shalt  }
0x5d: {  	_ =	shalt  }
0x5e: {  	_ =	shalt  }
0x5f: {  	_ =	shalt  }
0x60: {  	_ =	shalt  }
0x61: {  	_ =	shalt  }
0x62: {  	_ =	shalt  }
0x63: {  	_ =	shalt  }
0x64: {  	_ =	shalt  }
0x65: {  	_ =	shalt  }
0x66: {  	_ =	shalt  }
0x67: {  	_ =	shalt  }
0x68: {  	_ =	shalt  }
0x69: {  	_ =	shalt  }
0x6a: {  	_ =	shalt  }
0x6b: {  	_ =	shalt  }
0x6c: {  	_ =	shalt  }
0x6d: {  	_ =	shalt  }
0x6e: {  	_ =	shalt  }
0x6f: {  	_ =	shalt  }
0x70: {  	_ =	shalt  }
0x71: {  	_ =	shalt  }
0x72: {  	_ =	shalt  }
0x73: {  	_ =	shalt  }
0x74: {  	_ =	shalt  }
0x75: {  	_ =	shalt  }
0x76: {  	_ =	shalt  }
0x77: {  	_ =	shalt  }
0x78: {  	_ =	shalt  }
0x79: {  	_ =	shalt  }
0x7a: {  	_ =	shalt  }
0x7b: {  	_ =	shalt  }
0x7c: {  	_ =	shalt  }
0x7d: {  	_ =	shalt  }
0x7e: {  	_ =	shalt  }
0x7f: {  	_ =	shalt  }
0x80: {  	_ =	shalt  }
0x81: {  	_ =	shalt  }
0x82: {  	_ =	shalt  }
0x83: {  	_ =	shalt  }
0x84: {  	_ =	shalt  }
0x85: {  	_ =	shalt  }
0x86: {  	_ =	shalt  }
0x87: {  	_ =	shalt  }
.Lfunc_end0:
.L_simem_size_0:
called_computation.1_lowered:
.L_overlay_start_0:
0x88: {  	s2 =	sld [smem:$0x3FD9]  }
0x89: {  	s3 =	sld [smem:$0x3FFE];
	_ =	sdelay $0x1  }
0x8a: {  	s1 =	srdreg.scid  }
0x8b: {  	s0 =	sand.u32 $0x1, s1  }
0x8c: {  	s16 =	sshll.u32 s0, $0xA;
	s2 =	sadd.s32 s3, s2  }
0x8d: {  	s2 =	sadd.s32 s2, s16  }
0x8e: {  	[smem:$0x3FB7] =	sst s2  }
0x8f: {  	_ = 	snop  }
0x90: {  	(tm) =	ssettm $0x1  }
0x91: {  	s17 =	sld [smem:$0x3FFB];
	_ =	sdelay $0x3  }
0x92: {  	_ =	strace s17  }
0x93: {  	s2 =	sld [smem:$0x3FFC];
	_ =	sdelay $0x3  }
0x94: {  	_ =	strace s2  }
0x95: {  	s2 =	sld [smem:$0x3FFD];
	_ =	sdelay $0x3  }
0x96: {  	_ =	strace s2  }
0x97: {  	_ =	strace $0x8FFFFFFF  }
0x98: {  	s18 =	sld [smem:$0x3FDB];
	_ =	sdelay $0x1  }
0x99: {  	s19 =	simm.s32 $_scs_section_size  }
0x9a: {  	s4 =	simm.s32 $_size__tile_overlayer_lowered;
	s5 =	simm.s32 $_tile_overlayer_lowered  }
0x9b: {  	s22 =	simm.s32 $0x1BFF;
	s21 =	sshll.u32 s5, $0x1;
	s2 =	sadd.s32 s19, s18  }
0x9c: {  	s6 =	simm.s32 $0x0;
	s20 =	sshll.u32 s4, $0x1;
	s4 =	sadd.s32 s21, s2  }
0x9d: {  	[timem:s6], [sflag:s22] =	dma.local [hbm:s4], s20  }
0x9e: {  	_ =	swait.ge [sflag:s22], s20  }
0x9f: {  	s3 =	ssub.s32 $0x0, s20;
	[sflag:s22] =	ssyncset.done $0x0  }
0xa0: {  	[sflag:s22] =	ssyncadd.s32 s3;
	_ =	sdelay $0x1  }
0xa1: {  	s23 =	simm.s32 $0x1B8B  }
0xa2: {  	_ =	swait.ge [sflag:s23], $0x1  }
0xa3: {  	[sflag:s23] =	ssyncset.done $0x0  }
0xa4: {  	s25 =	simm.s32 $0x1B8E;
	s24 =	sld [smem:$0x3FFE];
	[sflag:s23] =	ssyncadd.s32 $0xFFFFFFFF  }
0xa5: {  	s26 =	simm.s32 $execute0_lowered;
	[smem:$0x3FD2] =	sst s25  }
0xa6: {  	s4 =	sshll.u32 s26, $0x1;
	_ =	strace $0x80000049;
	[dreg:$0x1] =	wrdreg $0xFFFFFFFF  }
0xa7: {  	s28 =	simm.s32 $_size_execute0_lowered;
	s2 =	sadd.s32 s2, s4;
	[dreg:$0x0] =	wrdreg $0x0  }
0xa8: {  	s4 =	sshll.u32 s28, $0x1;
	[dreg:$0x2] =	wrdreg s2  }
0xa9: {  	[dreg:$0x3] =	wrdreg s4  }
0xaa: {  	[dreg:$0x4] =	wrdreg $0xC0  }
0xab: {  	_ =	task [dreg:s6], $0x5FFFF  }
0xac: {  	[dreg:$0x1] =	wrdreg $0xFFFFFFFF  }
0xad: {  	[dreg:$0x0] =	wrdreg $0x60  }
0xae: {  	[dreg:$0x2] =	wrdreg s24  }
0xaf: {  	[dreg:$0x3] =	wrdreg $0xBC000  }
0xb0: {  	[dreg:$0x4] =	wrdreg $0x9  }
0xb1: {  	_ =	task.clear_ibuf [dreg:s6], $0x5FFFF;
	_ =	strace $0x90000049  }
0xb2: {  	s29 =	simm.s32 $0x9;
	_ =	strace $0x8000004B  }
0xb3: {  	_ =	swait.ge [sflag:s29], $0x1  }
0xb4: {  	[sflag:s29] =	ssyncadd.s32 $0xFFFFFFFF  }
0xb5: {  	_ =	strace $0x9000004B  }
0xb6: {  	_ =	sfence  }
0xb7: {  	s30 =	sld [smem:$0x0];
	_ =	sdelay $0x2  }
0xb8: {  	s31 =	sshll.u32 s1, $0xD;
	s1 =	sshrl.u32 s1, $0x2  }
0xb9: {  	s3 =	sand.u32 $0x4000, s31;
	s1 =	sadd.s32 s1, s30  }
0xba: {  	s0 =	sor.u32 s3, s0;
	s1 =	sshll.u32 s1, $0x11  }
0xbb: {  	s0 =	sor.u32 s1, s0  }
0xbc: {  	s0 =	sadd.s32 $0x8F2B, s0  }
0xbd: {  	[sflag:s0] =	ssyncadd.remote.s32 $0x1  }
0xbe: {  	_ =	sfence.sel $0xFFFF  }
0xbf: {  	[dreg:$0x0] =	wrdreg $0xFFFFFFFF;
	(pc) =	sbr.abs _section_cstart, $3  }
0xc0: {  	[dreg:$0x1] =	wrdreg $0xFFFFFFFF  }
0xc1: {  	_ =	task.clear_ibuf [dreg:s6], $0x2FFFF;
	_ =	strace $0x9FFFFFFF  }
0xc2: {  	(tm) =	ssettm $0x7FFFFFFF  }
0xc3: {  	_ =	shalt  }
tec
execute0_lowered:
.L_overlay_start_1:
0x0: {  	(tag) =	ssettag $0x1  }
0x1: {  	s0 =	rddreg [dreg:$0x0]  }
0x2: {  	s1 =	rddreg [dreg:$0x1];
	s2 =	simm.s32 $0x0;
	s3 =	srdreg.scid  }
0x3: {  	s11 =	stileid.u32;
	[smem:$0x7FF] =	sst s2;
	s4 =	sadd.s32 $0x23800, s0  }
0x4: {  	s5 =	sadd.s32 $0x3800, s0;
	s3 =	sand.u32 $0x1, s3;
	s8 =	smul.u32 $0x2800, s11  }
0x5: {  	s7 =	sshll.u32 s11, $0xF;
	s22 =	smul.u32 $0x50000, s11;
	s10 =	sshll.u32 s3, $0xE  }
0x6: {  	s6 =	sadd.s32 $0x13800, s0;
	s9 =	smul.u32 $0x28000, s3;
	s7 =	sor.u32 s10, s7  }
0x7: {  	_ =	strace $0x8000004A;
	s3 =	ssub.s32 $0x2, s3;
	s10 =	sshrl.u32 s7, $0x3  }
0x8: {  	s16 =	sshrl.u32 s3, $0x1;
	s8 =	sadd.s32 s8, s9;
	s18 =	sadd.s32 s5, s10  }
0x9: {  	s3 =	ssub.s32 s3, s16;
	s19 =	sadd.s32 s6, s10;
	[dreg:$0x3] =	wrdreg s18  }
0xa: {  	s17 =	sor.u32 $0x10, s10;
	s15 =	smax.u32 s3, $0x1;
	[dreg:$0x4] =	wrdreg s19  }
0xb: {  	s0 =	sadd.s32 s8, s0;
	s20 =	sadd.s32 s5, s17;
	[dreg:$0x13] =	wrdreg s15  }
0xc: {  	s21 =	sor.u32 $0x20, s10;
	s8 =	sadd.s32 s6, s17;
	[dreg:$0x5] =	wrdreg s20  }
0xd: {  	s24 =	sor.u32 $0x30, s10;
	s23 =	sadd.s32 s5, s21;
	[dreg:$0x6] =	wrdreg s8  }
0xe: {  	s10 =	sor.u32 $0x40, s10;
	s25 =	sadd.s32 s5, s24;
	[dreg:$0x7] =	wrdreg s23  }
0xf: {  	s9 =	sshrl.u32 s22, $0x2;
	s26 =	sadd.s32 s5, s10;
	[dreg:$0x9] =	wrdreg s25  }
0x10: {  	s17 =	sadd.s32 s9, s1;
	s9 =	sadd.s32 s6, s10;
	[dreg:$0xb] =	wrdreg s26  }
0x11: {  	s0 =	sadd.s32 $0x4AA00, s0;
	[dreg:$0xc] =	wrdreg s9  }
0x12: {  	s8 =	sadd.s32 s6, s21;
	[dreg:$0x12] =	wrdreg s0  }
0x13: {  	s10 =	sadd.s32 $0x1400, s17;
	[dreg:$0x8] =	wrdreg s8  }
0x14: {  	s11 =	sadd.s32 $0x2800, s17;
	[dreg:$0xd] =	wrdreg s10  }
0x15: {  	s12 =	sadd.s32 $0x3C00, s17;
	[dreg:$0xe] =	wrdreg s11  }
0x16: {  	s13 =	sadd.s32 $0x5000, s17;
	[dreg:$0xf] =	wrdreg s12  }
0x17: {  	s14 =	sadd.s32 $0x6400, s17;
	[dreg:$0x10] =	wrdreg s13  }
0x18: {  	s16 =	sadd.s32 $0x7800, s17;
	[dreg:$0x11] =	wrdreg s14  }
0x19: {  	s18 =	sadd.s32 $0x8C00, s17;
	[dreg:$0x14] =	wrdreg s16  }
0x1a: {  	s19 =	sadd.s32 $0xA000, s17;
	[dreg:$0x15] =	wrdreg s18  }
0x1b: {  	s28 =	simm.s32 $0x4;
	s20 =	sadd.s32 $0xB400, s17;
	[dreg:$0x16] =	wrdreg s19  }
0x1c: {  	s29 =	simm.s32 $0x8000;
	s21 =	sadd.s32 $0xC800, s17;
	[dreg:$0x17] =	wrdreg s20  }
0x1d: {  	s30 =	simm.s32 $0x2;
	s22 =	sadd.s32 $0xDC00, s17;
	[dreg:$0x18] =	wrdreg s21  }
0x1e: {  	s31 =	simm.s32 $0x3;
	s23 =	sadd.s32 $0xF000, s17;
	[dreg:$0x19] =	wrdreg s22  }
0x1f: {  	s25 =	sadd.s32 $0x11800, s17;
	s26 =	sadd.s32 $0x12C00, s17;
	[dreg:$0x1a] =	wrdreg s23  }
0x20: {  	s0 =	simm.s32 $0x0;
	s8 =	sadd.s32 s6, s24;
	[dreg:$0x1c] =	wrdreg s25  }
0x21: {  	s24 =	sadd.s32 $0x10400, s17;
	[dreg:$0x1d] =	wrdreg s26;
	s10 =	simm.s32 $0x480  }
0x22: {  	s12 =	simm.s32 $0x500;
	s16 =	simm.s32 $0x180;
	s18 =	simm.s32 $0x580  }
0x23: {  	s19 =	simm.s32 $0x1;
	s20 =	simm.s32 $0x50;
	s21 =	simm.s32 $0x800  }
0x24: {  	s22 =	simm.s32 $0x3000;
	s23 =	simm.s32 $0x5800;
	s25 =	simm.s32 $0x600  }
0x25: {  	s26 =	simm.s32 $0xA800;
	s11 =	simm.s32 $0x5;
	[dreg:$0xa] =	wrdreg s8  }
0x26: {  	v0 =	vimm.f32 $0.0e+00;
	[dreg:$0x1b] =	wrdreg s24;
	s8 =	simm.s32 $0x400;
	s24 =	simm.s32 $0x200  }
.LBB2_1:
0x27: {  	s3 =	rddreg [dreg:$0x3]  }
0x28: {  	[tilespmem:s2], [sflag:$0x1] =	stream.linear.gather [hbm4b:s3+s2], $0x80, $0x38;
	[tilespmem:$0x1FC00] =	vst v63  }
0x29: {  	s13 =	rddreg [dreg:$0x4]  }
0x2a: {  	[tilespmem:s8], [sflag:$0x1] =	stream.linear.gather [hbm4b:s13+s2], $0x80, $0x38;
	[tilespmem:$0x1FC00] =	vst v63  }
0x2b: {  	s14 =	rddreg [dreg:$0x5];
	s9 =	simm.s32 $0x80  }
0x2c: {  	[tilespmem:s9], [sflag:$0x1] =	stream.linear.gather [hbm4b:s14+s2], $0x80, $0x38;
	[tilespmem:$0x1FC00] =	vst v63  }
0x2d: {  	s15 =	rddreg [dreg:$0x6]  }
0x2e: {  	[tilespmem:s10], [sflag:$0x1] =	stream.linear.gather [hbm4b:s15+s2], $0x80, $0x38;
	[tilespmem:$0x1FC00] =	vst v63  }
0x2f: {  	s13 =	rddreg [dreg:$0x7];
	s14 =	simm.s32 $0x100  }
0x30: {  	[tilespmem:s14], [sflag:$0x1] =	stream.linear.gather [hbm4b:s13+s2], $0x80, $0x38;
	[tilespmem:$0x1FC00] =	vst v63  }
0x31: {  	s15 =	rddreg [dreg:$0x8]  }
0x32: {  	[tilespmem:s12], [sflag:$0x1] =	stream.linear.gather [hbm4b:s15+s2], $0x80, $0x38;
	[tilespmem:$0x1FC00] =	vst v63  }
0x33: {  	s12 =	rddreg [dreg:$0x9]  }
0x34: {  	[tilespmem:s16], [sflag:$0x1] =	stream.linear.gather [hbm4b:s12+s2], $0x80, $0x38;
	[tilespmem:$0x1FC00] =	vst v63  }
0x35: {  	s13 =	rddreg [dreg:$0xa]  }
0x36: {  	[tilespmem:s18], [sflag:$0x1] =	stream.linear.gather [hbm4b:s13+s2], $0x80, $0x38;
	[tilespmem:$0x1FC00] =	vst v63  }
0x37: {  	_ =	swait.ge [sflag:s19], $0x80  }
0x38: {  	[sflag:s19] =	ssyncset.done $0x0  }
0x39: {  	[sflag:s19] =	ssyncadd.s32 $0xFFFFFF80  }
0x3a: {  	_ =	swait.ge [sflag:s19], $0x80  }
0x3b: {  	[sflag:s19] =	ssyncset.done $0x0  }
0x3c: {  	[sflag:s19] =	ssyncadd.s32 $0xFFFFFF80  }
0x3d: {  	[tilespmem:s21], [sflag:$0x2] =	stream.indirect.gather [hbm4b:s4+s20], $0x80, s2, s20, $0xb8;
	[tilespmem:$0x1FC00] =	vst v63  }
0x3e: {  	_ =	swait.ge [sflag:s19], $0x80  }
0x3f: {  	[sflag:s19] =	ssyncset.done $0x0  }
0x40: {  	[sflag:s19] =	ssyncadd.s32 $0xFFFFFF80  }
0x41: {  	_ =	swait.ge [sflag:s19], $0x80  }
0x42: {  	[sflag:s19] =	ssyncset.done $0x0  }
0x43: {  	[sflag:s19] =	ssyncadd.s32 $0xFFFFFF80  }
0x44: {  	[tilespmem:s22], [sflag:$0x2] =	stream.indirect.gather [hbm4b:s4+s20], $0x80, s9, s20, $0xb8;
	[tilespmem:$0x1FC00] =	vst v63  }
0x45: {  	_ =	swait.ge [sflag:s19], $0x80  }
0x46: {  	[sflag:s19] =	ssyncset.done $0x0  }
0x47: {  	[sflag:s19] =	ssyncadd.s32 $0xFFFFFF80  }
0x48: {  	_ =	swait.ge [sflag:s19], $0x80  }
0x49: {  	[sflag:s19] =	ssyncset.done $0x0  }
0x4a: {  	[sflag:s19] =	ssyncadd.s32 $0xFFFFFF80  }
0x4b: {  	[tilespmem:s23], [sflag:$0x2] =	stream.indirect.gather [hbm4b:s4+s20], $0x80, s14, s20, $0xb8;
	[tilespmem:$0x1FC00] =	vst v63  }
0x4c: {  	s14 =	rddreg [dreg:$0xb]  }
0x4d: {  	[tilespmem:s24], [sflag:$0x1] =	stream.linear.gather [hbm4b:s14+s2], $0x80, $0x38;
	[tilespmem:$0x1FC00] =	vst v63  }
0x4e: {  	s3 =	simm.s32 $0x0;
	s12 =	simm.s32 $0x200;
	s15 =	rddreg [dreg:$0xc]  }
0x4f: {  	[tilespmem:s25], [sflag:$0x1] =	stream.linear.gather [hbm4b:s15+s2], $0x80, $0x38;
	[tilespmem:$0x1FC00] =	vst v63  }
.LBB2_2:
0x50: {  	p0 =	sne.s32 s12, $0x4E00;
	[tilespmem:s3+$0xA870] =	vst v0  }
0x51: {  	[tilespmem:s3+$0xA800] =	vst v0  }
0x52: {  	[tilespmem:s3+$0xA810] =	vst v0  }
.Ltmp0:
0x53: {  	[tilespmem:s3+$0xA820] =	vst v0;
	(pc) =	sbr.rel @p0 .LBB2_2-.Ltmp0, $4  }
0x54: {  	[tilespmem:s3+$0xA830] =	vst v0  }
0x55: {  	[tilespmem:s3+$0xA840] =	vst v0  }
0x56: {  	[tilespmem:s3+$0xA850] =	vst v0  }
0x57: {  	[tilespmem:s3+$0xA860] =	vst v0;
	s3 =	sshra.s32 s12, $0x2;
	s12 =	sadd.s32 $0x200, s12  }
0x58: {  	[tilespmem:s3+$0xA870] =	vst v0  }
0x59: {  	[tilespmem:s3+$0xA800] =	vst v0  }
0x5a: {  	[tilespmem:s3+$0xA810] =	vst v0  }
0x5b: {  	[tilespmem:s3+$0xA820] =	vst v0  }
0x5c: {  	[tilespmem:s3+$0xA830] =	vst v0  }
0x5d: {  	[tilespmem:s3+$0xA840] =	vst v0  }
0x5e: {  	[tilespmem:s3+$0xA850] =	vst v0  }
0x5f: {  	[tilespmem:s3+$0xA860] =	vst v0  }
0x60: {  	[spmem:s17] =	stream.linear.scatter [tilespmem:s26], [sflag:$0x4], $0x1400, $0x38;
	[tilespmem:$0x1FC00] =	vst v63  }
0x61: {  	s13 =	rddreg [dreg:$0xd]  }
0x62: {  	[spmem:s13] =	stream.linear.scatter [tilespmem:s26], [sflag:$0x4], $0x1400, $0x38;
	[tilespmem:$0x1FC00] =	vst v63  }
0x63: {  	s14 =	rddreg [dreg:$0xe]  }
0x64: {  	[spmem:s14] =	stream.linear.scatter [tilespmem:s26], [sflag:$0x4], $0x1400, $0x38;
	[tilespmem:$0x1FC00] =	vst v63  }
0x65: {  	s15 =	rddreg [dreg:$0xf]  }
0x66: {  	[spmem:s15] =	stream.linear.scatter [tilespmem:s26], [sflag:$0x4], $0x1400, $0x38;
	[tilespmem:$0x1FC00] =	vst v63  }
0x67: {  	s9 =	rddreg [dreg:$0x10]  }
0x68: {  	[spmem:s9] =	stream.linear.scatter [tilespmem:s26], [sflag:$0x4], $0x1400, $0x38;
	[tilespmem:$0x1FC00] =	vst v63  }
0x69: {  	s10 =	rddreg [dreg:$0x11]  }
0x6a: {  	[spmem:s10] =	stream.linear.scatter [tilespmem:s26], [sflag:$0x4], $0x1400, $0x38;
	[tilespmem:$0x1FC00] =	vst v63  }
0x6b: {  	s12 =	rddreg [dreg:$0x14]  }
0x6c: {  	[spmem:s12] =	stream.linear.scatter [tilespmem:s26], [sflag:$0x4], $0x1400, $0x38;
	[tilespmem:$0x1FC00] =	vst v63  }
0x6d: {  	s13 =	rddreg [dreg:$0x15]  }
0x6e: {  	[spmem:s13] =	stream.linear.scatter [tilespmem:s26], [sflag:$0x4], $0x1400, $0x38;
	[tilespmem:$0x1FC00] =	vst v63  }
0x6f: {  	s14 =	rddreg [dreg:$0x16]  }
0x70: {  	[spmem:s14] =	stream.linear.scatter [tilespmem:s26], [sflag:$0x4], $0x1400, $0x38;
	[tilespmem:$0x1FC00] =	vst v63  }
0x71: {  	s15 =	rddreg [dreg:$0x17]  }
0x72: {  	[spmem:s15] =	stream.linear.scatter [tilespmem:s26], [sflag:$0x4], $0x1400, $0x38;
	[tilespmem:$0x1FC00] =	vst v63  }
0x73: {  	s9 =	rddreg [dreg:$0x18]  }
0x74: {  	[spmem:s9] =	stream.linear.scatter [tilespmem:s26], [sflag:$0x4], $0x1400, $0x38;
	[tilespmem:$0x1FC00] =	vst v63  }
0x75: {  	s10 =	rddreg [dreg:$0x19]  }
0x76: {  	[spmem:s10] =	stream.linear.scatter [tilespmem:s26], [sflag:$0x4], $0x1400, $0x38;
	[tilespmem:$0x1FC00] =	vst v63  }
0x77: {  	s12 =	rddreg [dreg:$0x1a]  }
0x78: {  	[spmem:s12] =	stream.linear.scatter [tilespmem:s26], [sflag:$0x4], $0x1400, $0x38;
	[tilespmem:$0x1FC00] =	vst v63  }
0x79: {  	s13 =	rddreg [dreg:$0x1b]  }
0x7a: {  	[spmem:s13] =	stream.linear.scatter [tilespmem:s26], [sflag:$0x4], $0x1400, $0x38;
	[tilespmem:$0x1FC00] =	vst v63  }
0x7b: {  	s14 =	rddreg [dreg:$0x1c]  }
0x7c: {  	[spmem:s14] =	stream.linear.scatter [tilespmem:s26], [sflag:$0x4], $0x1400, $0x38;
	[tilespmem:$0x1FC00] =	vst v63  }
0x7d: {  	s15 =	rddreg [dreg:$0x1d]  }
0x7e: {  	[spmem:s15] =	stream.linear.scatter [tilespmem:s26], [sflag:$0x4], $0x1400, $0x38;
	[tilespmem:$0x1FC00] =	vst v63  }
0x7f: {  	_ =	swait.ge [sflag:s28], $0x1400  }
0x80: {  	[sflag:s28] =	ssyncset.done $0x0  }
0x81: {  	[sflag:s28] =	ssyncadd.s32 $0xFFFFEC00  }
0x82: {  	_ =	swait.ge [sflag:s28], $0x1400  }
0x83: {  	[sflag:s28] =	ssyncset.done $0x0  }
0x84: {  	[sflag:s28] =	ssyncadd.s32 $0xFFFFEC00  }
0x85: {  	_ =	swait.ge [sflag:s28], $0x1400  }
0x86: {  	[sflag:s28] =	ssyncset.done $0x0  }
0x87: {  	[sflag:s28] =	ssyncadd.s32 $0xFFFFEC00  }
0x88: {  	_ =	swait.ge [sflag:s28], $0x1400  }
0x89: {  	[sflag:s28] =	ssyncset.done $0x0  }
0x8a: {  	[sflag:s28] =	ssyncadd.s32 $0xFFFFEC00  }
0x8b: {  	_ =	swait.ge [sflag:s28], $0x1400  }
0x8c: {  	[sflag:s28] =	ssyncset.done $0x0  }
0x8d: {  	[sflag:s28] =	ssyncadd.s32 $0xFFFFEC00  }
0x8e: {  	_ =	swait.ge [sflag:s28], $0x1400  }
0x8f: {  	[sflag:s28] =	ssyncset.done $0x0  }
0x90: {  	[sflag:s28] =	ssyncadd.s32 $0xFFFFEC00  }
0x91: {  	_ =	swait.ge [sflag:s28], $0x1400  }
0x92: {  	[sflag:s28] =	ssyncset.done $0x0  }
0x93: {  	[sflag:s28] =	ssyncadd.s32 $0xFFFFEC00  }
0x94: {  	_ =	swait.ge [sflag:s28], $0x1400  }
0x95: {  	[sflag:s28] =	ssyncset.done $0x0  }
0x96: {  	[sflag:s28] =	ssyncadd.s32 $0xFFFFEC00  }
0x97: {  	_ =	swait.ge [sflag:s28], $0x1400  }
0x98: {  	[sflag:s28] =	ssyncset.done $0x0  }
0x99: {  	[sflag:s28] =	ssyncadd.s32 $0xFFFFEC00  }
0x9a: {  	_ =	swait.ge [sflag:s28], $0x1400  }
0x9b: {  	[sflag:s28] =	ssyncset.done $0x0  }
0x9c: {  	[sflag:s28] =	ssyncadd.s32 $0xFFFFEC00  }
0x9d: {  	_ =	swait.ge [sflag:s28], $0x1400  }
0x9e: {  	[sflag:s28] =	ssyncset.done $0x0  }
0x9f: {  	[sflag:s28] =	ssyncadd.s32 $0xFFFFEC00  }
0xa0: {  	_ =	swait.ge [sflag:s28], $0x1400  }
0xa1: {  	[sflag:s28] =	ssyncset.done $0x0  }
0xa2: {  	[sflag:s28] =	ssyncadd.s32 $0xFFFFEC00  }
0xa3: {  	_ =	swait.ge [sflag:s28], $0x1400  }
0xa4: {  	[sflag:s28] =	ssyncset.done $0x0  }
0xa5: {  	[sflag:s28] =	ssyncadd.s32 $0xFFFFEC00  }
0xa6: {  	_ =	swait.ge [sflag:s28], $0x1400  }
0xa7: {  	[sflag:s28] =	ssyncset.done $0x0  }
0xa8: {  	[sflag:s28] =	ssyncadd.s32 $0xFFFFEC00  }
0xa9: {  	_ =	swait.ge [sflag:s28], $0x1400  }
0xaa: {  	[sflag:s28] =	ssyncset.done $0x0  }
0xab: {  	[sflag:s28] =	ssyncadd.s32 $0xFFFFEC00  }
0xac: {  	_ =	swait.ge [sflag:s28], $0x1400  }
0xad: {  	[sflag:s28] =	ssyncset.done $0x0  }
0xae: {  	[sflag:s28] =	ssyncadd.s32 $0xFFFFEC00  }
0xaf: {  	[bflag:$0x0] =	sbarrier.arrive $0xFFFF  }
0xb0: {  	_ =	swait.ge [sflag:s19], $0x80  }
0xb1: {  	[sflag:s19] =	ssyncset.done $0x0  }
0xb2: {  	[sflag:s19] =	ssyncadd.s32 $0xFFFFFF80  }
0xb3: {  	_ =	swait.ge [sflag:s19], $0x80  }
0xb4: {  	[sflag:s19] =	ssyncset.done $0x0  }
0xb5: {  	s12 =	simm.s32 $0x5;
	[sflag:s19] =	ssyncadd.s32 $0xFFFFFF80  }
0xb6: {  	[tilespmem:s29], [sflag:$0x2] =	stream.indirect.gather [hbm4b:s4+s20], $0x80, s16, s20, $0xb8;
	[tilespmem:$0x1FC00] =	vst v63  }
0xb7: {  	s3 =	smul.u32 $0xCD, s12;
	_ =	swait.ge [sflag:s30], $0x2800  }
0xb8: {  	[sflag:s30] =	ssyncset.done $0x0  }
0xb9: {  	s13 =	simm.s32 $0x280;
	s9 =	sshrl.u32 s3, $0xA;
	[sflag:s30] =	ssyncadd.s32 $0xFFFFD800  }
0xba: {  	[spmem:s1] =	stream.indirect.scatter.add.f32 [tilespmem:s21], [sflag:$0x3], $0x80, s8, s20, $0xb8;
	[tilespmem:$0x1FC00] =	vst v63  }
0xbb: {  	s14 =	sand.u32 $0x7C00, s13;
	s8 =	sand.u32 $0x3F, s9  }
0xbc: {  	s13 =	sand.u32 $0x380, s13;
	s14 =	sadd.s32 s7, s14;
	s8 =	smul.u32 $0x5, s8  }
0xbd: {  	s13 =	sor.u32 s13, s14;
	s14 =	sadd.s32 $0xFFFFFF33, s3  }
0xbe: {  	s3 =	sadd.s32 $0xFFFFFCCC, s3;
	_ =	swait.ge [sflag:s31], $0x2800;
	s8 =	ssub.s32 $0x5, s8  }
0xbf: {  	s13 =	sshrl.u32 s13, $0x3;
	[sflag:s31] =	ssyncset.done $0x0;
	s8 =	sand.u32 $0xFF, s8  }
0xc0: {  	s10 =	sadd.s32 s5, s13;
	[sflag:s31] =	ssyncadd.s32 $0xFFFFD800;
	s8 =	sshll.u32 s8, $0x7  }
0xc1: {  	[tilespmem:s8], [sflag:$0x1] =	stream.linear.gather [hbm4b:s10+s2], $0x80, $0x38;
	[tilespmem:$0x1FC00] =	vst v63  }
0xc2: {  	s3 =	sshrl.u32 s3, $0xA;
	s13 =	sadd.s32 s6, s13;
	s8 =	sor.u32 $0x400, s8  }
0xc3: {  	[tilespmem:s8], [sflag:$0x1] =	stream.linear.gather [hbm4b:s13+s2], $0x80, $0x38;
	[tilespmem:$0x1FC00] =	vst v63  }
0xc4: {  	s15 =	simm.s32 $0x4;
	s3 =	sand.u32 $0x3F, s3;
	s8 =	sshrl.u32 s14, $0xA  }
0xc5: {  	s10 =	smul.u32 $0x5, s3;
	s8 =	sand.u32 $0x3F, s8;
	_ =	swait.ge [sflag:s19], $0x80  }
0xc6: {  	s13 =	sand.u32 $0x3, s15;
	s8 =	smul.u32 $0x5, s8;
	[sflag:s19] =	ssyncset.done $0x0  }
0xc7: {  	s9 =	simm.s32 $0x1;
	s13 =	smul.u32 $0xA000, s13;
	[sflag:s19] =	ssyncadd.s32 $0xFFFFFF80  }
0xc8: {  	s14 =	sand.u32 $0x3, s9;
	s8 =	ssub.s32 $0x4, s8;
	_ =	swait.ge [sflag:s19], $0x80  }
0xc9: {  	s13 =	sshrl.u32 s13, $0x2;
	s8 =	sand.u32 $0xFF, s8;
	[sflag:s19] =	ssyncset.done $0x0  }
0xca: {  	s13 =	sadd.s32 $0x800, s13;
	[sflag:s19] =	ssyncadd.s32 $0xFFFFFF80;
	s8 =	sshll.u32 s8, $0x7  }
0xcb: {  	[tilespmem:s13], [sflag:$0x2] =	stream.indirect.gather [hbm4b:s4+s20], $0x80, s8, s20, $0xb8;
	[tilespmem:$0x1FC00] =	vst v63  }
0xcc: {  	s8 =	smul.u32 $0xA000, s14  }
0xcd: {  	s3 =	simm.s32 $0x300;
	s13 =	ssub.s32 $0x1, s10  }
0xce: {  	_ =	swait.ge [sflag:s30], $0x2800;
	s15 =	sand.u32 $0xF7, s13;
	s8 =	sshrl.u32 s8, $0x2  }
0xcf: {  	[sflag:s30] =	ssyncset.done $0x0;
	s13 =	sadd.s32 $0x800, s8;
	s8 =	sshll.u32 s15, $0x7  }
.LBB2_4:
0xd0: {  	[sflag:s30] =	ssyncadd.s32 $0xFFFFD800  }
0xd1: {  	s8 =	sor.u32 $0x400, s8;
	s12 =	sadd.s32 $0x1, s12;
	s14 =	smov.u32 s3  }
0xd2: {  	[spmem:s1] =	stream.indirect.scatter.add.f32 [tilespmem:s13], [sflag:$0x3], $0x80, s8, s20, $0xb8;
	[tilespmem:$0x1FC00] =	vst v63  }
0xd3: {  	p0 =	sne.s32 s3, $0x3E00;
	s3 =	sadd.s32 $0x80, s3;
	s8 =	smul.u32 $0xCD, s12  }
0xd4: {  	s15 =	sadd.s32 $0xFFFFFFFF, s12;
	s10 =	sand.u32 $0x7C00, s14  }
0xd5: {  	s13 =	sshrl.u32 s8, $0xA;
	s9 =	sadd.s32 $0xFFFFFF33, s8;
	s8 =	sadd.s32 $0xFFFFFCCC, s8  }
0xd6: {  	s14 =	sand.u32 $0x380, s14;
	s13 =	sand.u32 $0x3F, s13;
	s9 =	sshrl.u32 s9, $0xA  }
0xd7: {  	s10 =	sadd.s32 s7, s10;
	s13 =	smul.u32 $0x5, s13;
	s9 =	sand.u32 $0x3F, s9  }
0xd8: {  	s10 =	sor.u32 s14, s10;
	s9 =	smul.u32 $0x5, s9  }
0xd9: {  	s10 =	sshrl.u32 s10, $0x3;
	s13 =	ssub.s32 s12, s13;
	_ =	swait.ge [sflag:s31], $0x2800  }
0xda: {  	s8 =	sshrl.u32 s8, $0xA;
	s13 =	sand.u32 $0xFF, s13;
	[sflag:s31] =	ssyncset.done $0x0  }
0xdb: {  	s14 =	sadd.s32 s5, s10;
	s13 =	sshll.u32 s13, $0x7;
	[sflag:s31] =	ssyncadd.s32 $0xFFFFD800  }
0xdc: {  	[tilespmem:s13], [sflag:$0x1] =	stream.linear.gather [hbm4b:s14+s2], $0x80, $0x38;
	[tilespmem:$0x1FC00] =	vst v63  }
0xdd: {  	s10 =	sadd.s32 s6, s10;
	s9 =	ssub.s32 s15, s9;
	s13 =	sor.u32 $0x400, s13  }
0xde: {  	[tilespmem:s13], [sflag:$0x1] =	stream.linear.gather [hbm4b:s10+s2], $0x80, $0x38;
	[tilespmem:$0x1FC00] =	vst v63  }
0xdf: {  	s9 =	sand.u32 $0xFF, s9;
	s10 =	sand.u32 $0x3, s15;
	_ =	swait.ge [sflag:s19], $0x80  }
0xe0: {  	s8 =	sand.u32 $0x3F, s8;
	s10 =	smul.u32 $0xA000, s10;
	[sflag:s19] =	ssyncset.done $0x0  }
0xe1: {  	s8 =	smul.u32 $0x5, s8;
	[sflag:s19] =	ssyncadd.s32 $0xFFFFFF80  }
0xe2: {  	s9 =	sshll.u32 s9, $0x7;
	s10 =	sshrl.u32 s10, $0x2;
	_ =	swait.ge [sflag:s19], $0x80  }
0xe3: {  	s13 =	sadd.s32 $0xFFFFFFFC, s12;
	s10 =	sadd.s32 $0x800, s10;
	[sflag:s19] =	ssyncset.done $0x0  }
.Ltmp1:
0xe4: {  	s14 =	sand.u32 $0x3, s13;
	[sflag:s19] =	ssyncadd.s32 $0xFFFFFF80;
	(pc) =	sbr.rel @p0 .LBB2_4-.Ltmp1, $4  }
0xe5: {  	s8 =	ssub.s32 s13, s8;
	s13 =	smul.u32 $0xA000, s14  }
0xe6: {  	[tilespmem:s10], [sflag:$0x2] =	stream.indirect.gather [hbm4b:s4+s20], $0x80, s9, s20, $0xb8;
	[tilespmem:$0x1FC00] =	vst v63  }
0xe7: {  	s8 =	sand.u32 $0xF7, s8;
	s9 =	sshrl.u32 s13, $0x2;
	_ =	swait.ge [sflag:s30], $0x2800  }
0xe8: {  	s8 =	sshll.u32 s8, $0x7;
	s13 =	sadd.s32 $0x800, s9;
	[sflag:s30] =	ssyncset.done $0x0  }
0xe9: {  	[sflag:s30] =	ssyncadd.s32 $0xFFFFD800;
	s3 =	sor.u32 $0x400, s8  }
0xea: {  	[spmem:s1] =	stream.indirect.scatter.add.f32 [tilespmem:s13], [sflag:$0x3], $0x80, s3, s20, $0xb8;
	[tilespmem:$0x1FC00] =	vst v63  }
0xeb: {  	_ =	swait.ge [sflag:s31], $0x2800  }
0xec: {  	[sflag:s31] =	ssyncset.done $0x0  }
0xed: {  	[sflag:s31] =	ssyncadd.s32 $0xFFFFD800  }
0xee: {  	_ =	swait.ge [sflag:s19], $0x80  }
0xef: {  	[sflag:s19] =	ssyncset.done $0x0  }
0xf0: {  	[sflag:s19] =	ssyncadd.s32 $0xFFFFFF80  }
0xf1: {  	_ =	swait.ge [sflag:s19], $0x80  }
0xf2: {  	[sflag:s19] =	ssyncset.done $0x0  }
0xf3: {  	[sflag:s19] =	ssyncadd.s32 $0xFFFFFF80  }
0xf4: {  	[tilespmem:s21], [sflag:$0x2] =	stream.indirect.gather [hbm4b:s4+s20], $0x80, s24, s20, $0xb8;
	[tilespmem:$0x1FC00] =	vst v63  }
0xf5: {  	_ =	swait.ge [sflag:s30], $0x2800  }
0xf6: {  	[sflag:s30] =	ssyncset.done $0x0  }
0xf7: {  	s10 =	simm.s32 $0x480;
	[sflag:s30] =	ssyncadd.s32 $0xFFFFD800  }
0xf8: {  	[spmem:s1] =	stream.indirect.scatter.add.f32 [tilespmem:s22], [sflag:$0x3], $0x80, s10, s20, $0xb8;
	[tilespmem:$0x1FC00] =	vst v63  }
0xf9: {  	_ =	swait.ge [sflag:s31], $0x2800  }
0xfa: {  	[sflag:s31] =	ssyncset.done $0x0  }
0xfb: {  	[sflag:s31] =	ssyncadd.s32 $0xFFFFD800  }
0xfc: {  	_ =	swait.ge [sflag:s30], $0x2800  }
0xfd: {  	[sflag:s30] =	ssyncset.done $0x0  }
0xfe: {  	s12 =	simm.s32 $0x500;
	[sflag:s30] =	ssyncadd.s32 $0xFFFFD800  }
0xff: {  	[spmem:s1] =	stream.indirect.scatter.add.f32 [tilespmem:s23], [sflag:$0x3], $0x80, s12, s20, $0xb8;
	[tilespmem:$0x1FC00] =	vst v63  }
0x100: {  	_ =	swait.ge [sflag:s31], $0x2800  }
0x101: {  	[sflag:s31] =	ssyncset.done $0x0  }
0x102: {  	[sflag:s31] =	ssyncadd.s32 $0xFFFFD800  }
0x103: {  	_ =	swait.ge [sflag:s30], $0x2800  }
0x104: {  	[sflag:s30] =	ssyncset.done $0x0  }
0x105: {  	[sflag:s30] =	ssyncadd.s32 $0xFFFFD800  }
0x106: {  	[spmem:s1] =	stream.indirect.scatter.add.f32 [tilespmem:s29], [sflag:$0x3], $0x80, s18, s20, $0xb8;
	[tilespmem:$0x1FC00] =	vst v63  }
0x107: {  	_ =	swait.ge [sflag:s31], $0x2800  }
0x108: {  	[sflag:s31] =	ssyncset.done $0x0  }
0x109: {  	[sflag:s31] =	ssyncadd.s32 $0xFFFFD800  }
0x10a: {  	_ =	swait.ge [sflag:s30], $0x2800  }
0x10b: {  	[sflag:s30] =	ssyncset.done $0x0  }
0x10c: {  	[sflag:s30] =	ssyncadd.s32 $0xFFFFD800  }
0x10d: {  	[spmem:s1] =	stream.indirect.scatter.add.f32 [tilespmem:s21], [sflag:$0x3], $0x80, s25, s20, $0xb8;
	[tilespmem:$0x1FC00] =	vst v63  }
0x10e: {  	_ =	swait.ge [sflag:s31], $0x2800  }
0x10f: {  	[sflag:s31] =	ssyncset.done $0x0  }
0x110: {  	s13 =	stileid.u32;
	[sflag:s31] =	ssyncadd.s32 $0xFFFFD800  }
0x111: {  	s3 =	sshll.u32 s13, $0x6;
	[bflag:$0x0] =	sbarrier.arrive $0xFFFF  }
0x112: {  	s14 =	sshrl.u32 s17, $0x3;
	s3 =	sor.u32 $0x1C05, s3;
	s9 =	rddreg [dreg:$0x12]  }
0x113: {  	[hbm:s9], [sflag:s3] =	dma.local [spmem:s14], $0x2800  }
0x114: {  	_ =	swait.ge [sflag:s11], $0x2800  }
0x115: {  	s0 =	sadd.s32 $0x1, s0;
	s15 =	rddreg [dreg:$0x13]  }
0x116: {  	p0 =	sne.s32 s0, s15  }
.Ltmp2:
0x117: {  	_ = 	snop;
	(pc) =	sbr.rel @p0 .LBB2_1-.Ltmp2, $3  }
0x118: {  	_ =	sdelay $0x1  }
0x119: {  	[sflag:s11] =	ssyncset.done $0x0  }
0x11a: {  	s8 =	simm.s32 $0x400;
	[sflag:s11] =	ssyncadd.s32 $0xFFFFD800  }
0x11b: {  	_ =	sfence.sel $0x180000  }
0x11c: {  	[bflag:$0x0] =	sbarrier.arrive $0xFFFF  }
0x11d: {  	_ =	strace $0x9000004A  }
0x11e: {  	s0 =	stileid.u32;
	[bflag:$0x2] =	sbarrier.arrive $0xFFFF  }
0x11f: {  	p0 =	sne.s32 s0, $0x0;
	s0 =	rddreg [dreg:$0x2]  }
0x120: {  	s0 =	sadd.s32 @!p0 $0x100000, s0  }
0x121: {  	[sflag:s0] =	ssyncadd.tile.s32 @!p0 $0x1;
	_ =	shalt  }
.Lfunc_end2:
_tile_overlayer_lowered:
.L_overlay_start_2:
0x122: {  	(tag) =	ssettag $0x2  }
0x123: {  	s0 =	rddreg [dreg:$0x0];
	s2 =	stileid.u32  }
0x124: {  	s1 =	rddreg [dreg:$0x1];
	p0 =	sne.s32 s2, $0x0  }
0x125: {  	s3 =	rddreg [dreg:$0x2];
	[bflag:$0x3] =	sbarrier.arrive $0xFFFF;
	s2 =	simm.s32 @!p0 $0x1C05  }
0x126: {  	[timem:s3], [sflag:s2] =	dma.local @!p0 [hbm:s0], s1  }
0x127: {  	s0 =	simm.s32 @!p0 $0x5  }
0x128: {  	_ =	swait.ge @!p0 [sflag:s0], s1  }
0x129: {  	s1 =	ssub.s32 @!p0 $0x0, s1;
	[sflag:s0] =	ssyncset.done @!p0 $0x0  }
0x12a: {  	[sflag:s0] =	ssyncadd.s32 @!p0 s1  }
0x12b: {  	[bflag:$0x3] =	sbarrier.arrive $0xFFFF  }
0x12c: {  	_ =	shalt  }

// kernel: kernel.14.cloned.1.call-start
scs
__scs_entry_jumppad:
0x0: {  	(pc) =	sbr.rel $0x88, $3  }
0x1: {  	(tag) =	ssettag $0x0;
	lr =	simm.s32 $0x1  }
0x2: {  	[smem:$0x3F90] =	sst lr;
	_ =	strace $0xD0000000  }
0x3: {  	_ = 	snop  }
0x4: {  	_ = 	snop  }
0x5: {  	_ = 	snop  }
0x6: {  	_ = 	snop  }
0x7: {  	_ = 	snop  }
__scs_overlays_trampoline_lowered:
0x8: {  	[smem:$0x3F9F] =	sst s0  }
0x9: {  	[smem:$0x3FA0] =	sst s1  }
0xa: {  	[smem:$0x3FA1] =	sst s2  }
0xb: {  	[smem:$0x3FA2] =	sst s3  }
0xc: {  	[smem:$0x3FA3] =	sst s4  }
0xd: {  	[smem:$0x3FA4] =	sst s5  }
0xe: {  	[smem:$0x3FA5] =	sst s6  }
0xf: {  	[smem:$0x3FA6] =	sst s7  }
0x10: {  	[smem:$0x3FA7] =	sst s8  }
0x11: {  	[smem:$0x3FA8] =	sst s9;
	s0 =	simm.s32 @!p0 $0x0  }
0x12: {  	s1 =	sld [smem:$0x3F8E];
	s0 =	simm.s32 @p0 $0x1  }
0x13: {  	[smem:$0x3FA9] =	sst s0;
	s0 =	simm.s32 @!p1 $0x0  }
0x14: {  	s2 =	sld [smem:$0x3F8D];
	s0 =	simm.s32 @p1 $0x1  }
0x15: {  	[smem:$0x3FAA] =	sst s0;
	s0 =	simm.s32 @!p2 $0x0  }
0x16: {  	s3 =	sld [smem:$0x3FDB];
	s0 =	simm.s32 @p2 $0x1  }
0x17: {  	s4 =	simm.s32 $0x1BF5;
	[smem:$0x3FAC] =	sst s0  }
0x18: {  	s0 =	sld [smem:$0x3F8F];
	_ =	swait.ge [sflag:s4], $0x0  }
0x19: {  	s7 =	sld [smem:$0x3F90]  }
0x1a: {  	s8 =	sadd.s32 $0xFFFFE003, lr  }
0x1b: {  	s9 =	sadd.s32 $0xFFFFFEF7, lr;
	s5 =	simm.s32 $0xFFFFFFFF;
	p2 =	slt.u32 s8, $0xFFFFF086  }
0x1c: {  	p1 =	slt.u32 s9, $0xF7A;
	s5 =	simm.s32 @!p2 $0x0  }
0x1d: {  	s5 =	simm.s32 @p1 $0x1;
	p0 =	seq.s32 s7, s2  }
0x1e: {  	s7 =	smul.u32 @!p0 $0xF7A, s2;
	p2 =	seq.s32 @!p0 s5, $0x0  }
0x1f: {  	s9 =	smul.u32 $0xF7A, s1;
	s8 =	simm.s32 @!p0 $0x1BF5;
	p2 =	por !p2, p0  }
0x20: {  	[sflag:s8] =	ssyncset.s32 @!p0 $0xFFFFF086;
	s6 =	sadd.s32 @!p0 s3, s7;
	s7 =	simm.s32 @!p0 $0x108  }
0x21: {  	s3 =	sadd.s32 s3, s9;
	s6 =	sadd.s32 @!p0 $0x88, s6;
	s7 =	simm.s32 @p2 $0x1082  }
0x22: {  	[simem:s7], [sflag:s8] =	dma.local @!p0 [hbm:s6], $0xF7A  }
0x23: {  	s9 =	sor.u32 $0xD0000000, s2;
	s6 =	simm.s32 $0x108;
	_ =	swait.ge @!p0 [sflag:s8], $0x0  }
0x24: {  	s3 =	sadd.s32 $0x88, s3;
	s6 =	simm.s32 @!p1 $0x1082;
	[sflag:s4] =	ssyncset.s32 $0xFFFFF086  }
0x25: {  	[simem:s6], [sflag:s4] =	dma.local [hbm:s3], $0xF7A  }
0x26: {  	[smem:$0x3F90] =	sst s1;
	(tag) =	ssettag s2;
	_ =	strace s9  }
0x27: {  	s1 =	sld [smem:$0x3FA0]  }
0x28: {  	s2 =	sld [smem:$0x3FA1]  }
0x29: {  	s4 =	sld [smem:$0x3FA3]  }
0x2a: {  	p0 =	seq.s32 s5, $0x0;
	s5 =	sld [smem:$0x3FA4]  }
0x2b: {  	s6 =	sld [smem:$0x3FA5]  }
0x2c: {  	s7 =	sld [smem:$0x3FA6]  }
0x2d: {  	s3 =	simm.s32 $0x108;
	s8 =	sld [smem:$0x3FA7]  }
0x2e: {  	s3 =	simm.s32 @!p0 $0x1082;
	s9 =	sld [smem:$0x3FA8]  }
0x2f: {  	lr =	sadd.s32 s0, s3;
	s0 =	sld [smem:$0x3F9F]  }
0x30: {  	s3 =	sld [smem:$0x3FA2]  }
0x31: {  	[smem:$0x3FAB] =	sst s10  }
0x32: {  	s10 =	sld [smem:$0x3FA9];
	_ =	sdelay $0x3  }
0x33: {  	p0 =	seq.s32 s10, $0x1;
	s10 =	sld [smem:$0x3FAB];
	_ =	sdelay $0x3  }
0x34: {  	[smem:$0x3FAB] =	sst s10  }
0x35: {  	s10 =	sld [smem:$0x3FAA];
	_ =	sdelay $0x3  }
0x36: {  	p1 =	seq.s32 s10, $0x1;
	s10 =	sld [smem:$0x3FAB];
	_ =	sdelay $0x3  }
0x37: {  	[smem:$0x3FAB] =	sst s10  }
0x38: {  	s10 =	sld [smem:$0x3FAC]  }
0x39: {  	_ = 	snop;
	(pc) =	sbr.ind lr, $3  }
0x3a: {  	_ = 	snop  }
0x3b: {  	_ = 	snop  }
0x3c: {  	p2 =	seq.s32 s10, $0x1;
	s10 =	sld [smem:$0x3FAB]  }
0x3d: {  	_ =	shalt  }
0x3e: {  	_ =	shalt  }
0x3f: {  	_ =	shalt  }
0x40: {  	_ =	shalt  }
0x41: {  	_ =	shalt  }
0x42: {  	_ =	shalt  }
0x43: {  	_ =	shalt  }
0x44: {  	_ =	shalt  }
0x45: {  	_ =	shalt  }
0x46: {  	_ =	shalt  }
0x47: {  	_ =	shalt  }
0x48: {  	_ =	shalt  }
0x49: {  	_ =	shalt  }
0x4a: {  	_ =	shalt  }
0x4b: {  	_ =	shalt  }
0x4c: {  	_ =	shalt  }
0x4d: {  	_ =	shalt  }
0x4e: {  	_ =	shalt  }
0x4f: {  	_ =	shalt  }
0x50: {  	_ =	shalt  }
0x51: {  	_ =	shalt  }
0x52: {  	_ =	shalt  }
0x53: {  	_ =	shalt  }
0x54: {  	_ =	shalt  }
0x55: {  	_ =	shalt  }
0x56: {  	_ =	shalt  }
0x57: {  	_ =	shalt  }
0x58: {  	_ =	shalt  }
0x59: {  	_ =	shalt  }
0x5a: {  	_ =	shalt  }
0x5b: {  	_ =	shalt  }
0x5c: {  	_ =	shalt  }
0x5d: {  	_ =	shalt  }
0x5e: {  	_ =	shalt  }
0x5f: {  	_ =	shalt  }
0x60: {  	_ =	shalt  }
0x61: {  	_ =	shalt  }
0x62: {  	_ =	shalt  }
0x63: {  	_ =	shalt  }
0x64: {  	_ =	shalt  }
0x65: {  	_ =	shalt  }
0x66: {  	_ =	shalt  }
0x67: {  	_ =	shalt  }
0x68: {  	_ =	shalt  }
0x69: {  	_ =	shalt  }
0x6a: {  	_ =	shalt  }
0x6b: {  	_ =	shalt  }
0x6c: {  	_ =	shalt  }
0x6d: {  	_ =	shalt  }
0x6e: {  	_ =	shalt  }
0x6f: {  	_ =	shalt  }
0x70: {  	_ =	shalt  }
0x71: {  	_ =	shalt  }
0x72: {  	_ =	shalt  }
0x73: {  	_ =	shalt  }
0x74: {  	_ =	shalt  }
0x75: {  	_ =	shalt  }
0x76: {  	_ =	shalt  }
0x77: {  	_ =	shalt  }
0x78: {  	_ =	shalt  }
0x79: {  	_ =	shalt  }
0x7a: {  	_ =	shalt  }
0x7b: {  	_ =	shalt  }
0x7c: {  	_ =	shalt  }
0x7d: {  	_ =	shalt  }
0x7e: {  	_ =	shalt  }
0x7f: {  	_ =	shalt  }
0x80: {  	_ =	shalt  }
0x81: {  	_ =	shalt  }
0x82: {  	_ =	shalt  }
0x83: {  	_ =	shalt  }
0x84: {  	_ =	shalt  }
0x85: {  	_ =	shalt  }
0x86: {  	_ =	shalt  }
0x87: {  	_ =	shalt  }
.Lfunc_end0:
.L_simem_size_0:
called_computation.2_lowered:
.L_overlay_start_0:
0x88: {  	s2 =	sld [smem:$0x3FD9]  }
0x89: {  	s3 =	sld [smem:$0x3FFE];
	_ =	sdelay $0x1  }
0x8a: {  	s1 =	srdreg.scid  }
0x8b: {  	s0 =	sand.u32 $0x1, s1  }
0x8c: {  	s16 =	sshll.u32 s0, $0xA;
	s2 =	sadd.s32 s3, s2  }
0x8d: {  	s2 =	sadd.s32 s2, s16  }
0x8e: {  	[smem:$0x3FB7] =	sst s2  }
0x8f: {  	_ = 	snop  }
0x90: {  	(tm) =	ssettm $0x1  }
0x91: {  	s17 =	sld [smem:$0x3FFB];
	_ =	sdelay $0x3  }
0x92: {  	_ =	strace s17  }
0x93: {  	s2 =	sld [smem:$0x3FFC];
	_ =	sdelay $0x3  }
0x94: {  	_ =	strace s2  }
0x95: {  	s2 =	sld [smem:$0x3FFD];
	_ =	sdelay $0x3  }
0x96: {  	_ =	strace s2  }
0x97: {  	_ =	strace $0x8FFFFFFF  }
0x98: {  	s18 =	sld [smem:$0x3FDB];
	_ =	sdelay $0x1  }
0x99: {  	s19 =	simm.s32 $_scs_section_size  }
0x9a: {  	s4 =	simm.s32 $_size__tile_overlayer_lowered;
	s5 =	simm.s32 $_tile_overlayer_lowered  }
0x9b: {  	s22 =	simm.s32 $0x1BFF;
	s21 =	sshll.u32 s5, $0x1;
	s2 =	sadd.s32 s19, s18  }
0x9c: {  	s6 =	simm.s32 $0x0;
	s20 =	sshll.u32 s4, $0x1;
	s4 =	sadd.s32 s21, s2  }
0x9d: {  	[timem:s6], [sflag:s22] =	dma.local [hbm:s4], s20  }
0x9e: {  	_ =	swait.ge [sflag:s22], s20  }
0x9f: {  	s3 =	ssub.s32 $0x0, s20;
	[sflag:s22] =	ssyncset.done $0x0  }
0xa0: {  	[sflag:s22] =	ssyncadd.s32 s3;
	_ =	sdelay $0x1  }
0xa1: {  	s23 =	simm.s32 $0x1B8B  }
0xa2: {  	_ =	swait.ge [sflag:s23], $0x1  }
0xa3: {  	[sflag:s23] =	ssyncset.done $0x0  }
0xa4: {  	s25 =	simm.s32 $0x1B8E;
	s24 =	sld [smem:$0x3FFE];
	[sflag:s23] =	ssyncadd.s32 $0xFFFFFFFF  }
0xa5: {  	s26 =	simm.s32 $execute0_lowered;
	[smem:$0x3FD2] =	sst s25  }
0xa6: {  	s4 =	sshll.u32 s26, $0x1;
	_ =	strace $0x8000004C;
	[dreg:$0x1] =	wrdreg $0xFFFFFFFF  }
0xa7: {  	s28 =	simm.s32 $_size_execute0_lowered;
	s2 =	sadd.s32 s2, s4;
	[dreg:$0x0] =	wrdreg $0x0  }
0xa8: {  	s4 =	sshll.u32 s28, $0x1;
	[dreg:$0x2] =	wrdreg s2  }
0xa9: {  	[dreg:$0x3] =	wrdreg s4  }
0xaa: {  	[dreg:$0x4] =	wrdreg $0xC0  }
0xab: {  	_ =	task [dreg:s6], $0x5FFFF  }
0xac: {  	[dreg:$0x1] =	wrdreg $0xFFFFFFFF  }
0xad: {  	[dreg:$0x0] =	wrdreg $0x60  }
0xae: {  	[dreg:$0x2] =	wrdreg s24  }
0xaf: {  	[dreg:$0x3] =	wrdreg $0xBC000  }
0xb0: {  	[dreg:$0x4] =	wrdreg $0x9  }
0xb1: {  	_ =	task.clear_ibuf [dreg:s6], $0x5FFFF;
	_ =	strace $0x9000004C  }
0xb2: {  	s29 =	simm.s32 $0x9;
	_ =	strace $0x8000004E  }
0xb3: {  	_ =	swait.ge [sflag:s29], $0x1  }
0xb4: {  	[sflag:s29] =	ssyncadd.s32 $0xFFFFFFFF  }
0xb5: {  	_ =	strace $0x9000004E  }
0xb6: {  	_ =	sfence  }
0xb7: {  	s30 =	sld [smem:$0x0];
	_ =	sdelay $0x2  }
0xb8: {  	s31 =	sshll.u32 s1, $0xD;
	s1 =	sshrl.u32 s1, $0x2  }
0xb9: {  	s3 =	sand.u32 $0x4000, s31;
	s1 =	sadd.s32 s1, s30  }
0xba: {  	s0 =	sor.u32 s3, s0;
	s1 =	sshll.u32 s1, $0x11  }
0xbb: {  	s0 =	sor.u32 s1, s0  }
0xbc: {  	s0 =	sadd.s32 $0x8F2B, s0  }
0xbd: {  	[sflag:s0] =	ssyncadd.remote.s32 $0x1  }
0xbe: {  	_ =	sfence.sel $0xFFFF  }
0xbf: {  	[dreg:$0x0] =	wrdreg $0xFFFFFFFF;
	(pc) =	sbr.abs _section_cstart, $3  }
0xc0: {  	[dreg:$0x1] =	wrdreg $0xFFFFFFFF  }
0xc1: {  	_ =	task.clear_ibuf [dreg:s6], $0x2FFFF;
	_ =	strace $0x9FFFFFFF  }
0xc2: {  	(tm) =	ssettm $0x7FFFFFFF  }
0xc3: {  	_ =	shalt  }
tec
execute0_lowered:
.L_overlay_start_1:
0x0: {  	(tag) =	ssettag $0x1  }
0x1: {  	s0 =	rddreg [dreg:$0x0]  }
0x2: {  	s1 =	rddreg [dreg:$0x1];
	s2 =	simm.s32 $0x0;
	s3 =	srdreg.scid  }
0x3: {  	s11 =	stileid.u32;
	[smem:$0x7FF] =	sst s2;
	s4 =	sadd.s32 $0x23800, s0  }
0x4: {  	s5 =	sadd.s32 $0x3800, s0;
	s3 =	sand.u32 $0x1, s3;
	s8 =	smul.u32 $0x2800, s11  }
0x5: {  	s7 =	sshll.u32 s11, $0xF;
	s22 =	smul.u32 $0x50000, s11;
	s10 =	sshll.u32 s3, $0xE  }
0x6: {  	s6 =	sadd.s32 $0x13800, s0;
	s9 =	smul.u32 $0x28000, s3;
	s7 =	sor.u32 s10, s7  }
0x7: {  	_ =	strace $0x8000004D;
	s3 =	ssub.s32 $0x2, s3;
	s10 =	sshrl.u32 s7, $0x3  }
0x8: {  	s16 =	sshrl.u32 s3, $0x1;
	s8 =	sadd.s32 s8, s9;
	s18 =	sadd.s32 s5, s10  }
0x9: {  	s3 =	ssub.s32 s3, s16;
	s19 =	sadd.s32 s6, s10;
	[dreg:$0x3] =	wrdreg s18  }
0xa: {  	s17 =	sor.u32 $0x10, s10;
	s15 =	smax.u32 s3, $0x1;
	[dreg:$0x4] =	wrdreg s19  }
0xb: {  	s0 =	sadd.s32 s8, s0;
	s20 =	sadd.s32 s5, s17;
	[dreg:$0x13] =	wrdreg s15  }
0xc: {  	s21 =	sor.u32 $0x20, s10;
	s8 =	sadd.s32 s6, s17;
	[dreg:$0x5] =	wrdreg s20  }
0xd: {  	s24 =	sor.u32 $0x30, s10;
	s23 =	sadd.s32 s5, s21;
	[dreg:$0x6] =	wrdreg s8  }
0xe: {  	s10 =	sor.u32 $0x40, s10;
	s25 =	sadd.s32 s5, s24;
	[dreg:$0x7] =	wrdreg s23  }
0xf: {  	s9 =	sshrl.u32 s22, $0x2;
	s26 =	sadd.s32 s5, s10;
	[dreg:$0x9] =	wrdreg s25  }
0x10: {  	s17 =	sadd.s32 s9, s1;
	s9 =	sadd.s32 s6, s10;
	[dreg:$0xb] =	wrdreg s26  }
0x11: {  	s0 =	sadd.s32 $0x4AA00, s0;
	[dreg:$0xc] =	wrdreg s9  }
0x12: {  	s8 =	sadd.s32 s6, s21;
	[dreg:$0x12] =	wrdreg s0  }
0x13: {  	s10 =	sadd.s32 $0x1400, s17;
	[dreg:$0x8] =	wrdreg s8  }
0x14: {  	s11 =	sadd.s32 $0x2800, s17;
	[dreg:$0xd] =	wrdreg s10  }
0x15: {  	s12 =	sadd.s32 $0x3C00, s17;
	[dreg:$0xe] =	wrdreg s11  }
0x16: {  	s13 =	sadd.s32 $0x5000, s17;
	[dreg:$0xf] =	wrdreg s12  }
0x17: {  	s14 =	sadd.s32 $0x6400, s17;
	[dreg:$0x10] =	wrdreg s13  }
0x18: {  	s16 =	sadd.s32 $0x7800, s17;
	[dreg:$0x11] =	wrdreg s14  }
0x19: {  	s18 =	sadd.s32 $0x8C00, s17;
	[dreg:$0x14] =	wrdreg s16  }
0x1a: {  	s19 =	sadd.s32 $0xA000, s17;
	[dreg:$0x15] =	wrdreg s18  }
0x1b: {  	s28 =	simm.s32 $0x4;
	s20 =	sadd.s32 $0xB400, s17;
	[dreg:$0x16] =	wrdreg s19  }
0x1c: {  	s29 =	simm.s32 $0x8000;
	s21 =	sadd.s32 $0xC800, s17;
	[dreg:$0x17] =	wrdreg s20  }
0x1d: {  	s30 =	simm.s32 $0x2;
	s22 =	sadd.s32 $0xDC00, s17;
	[dreg:$0x18] =	wrdreg s21  }
0x1e: {  	s31 =	simm.s32 $0x3;
	s23 =	sadd.s32 $0xF000, s17;
	[dreg:$0x19] =	wrdreg s22  }
0x1f: {  	s25 =	sadd.s32 $0x11800, s17;
	s26 =	sadd.s32 $0x12C00, s17;
	[dreg:$0x1a] =	wrdreg s23  }
0x20: {  	s0 =	simm.s32 $0x0;
	s8 =	sadd.s32 s6, s24;
	[dreg:$0x1c] =	wrdreg s25  }
0x21: {  	s24 =	sadd.s32 $0x10400, s17;
	[dreg:$0x1d] =	wrdreg s26;
	s10 =	simm.s32 $0x480  }
0x22: {  	s12 =	simm.s32 $0x500;
	s16 =	simm.s32 $0x180;
	s18 =	simm.s32 $0x580  }
0x23: {  	s19 =	simm.s32 $0x1;
	s20 =	simm.s32 $0x50;
	s21 =	simm.s32 $0x800  }
0x24: {  	s22 =	simm.s32 $0x3000;
	s23 =	simm.s32 $0x5800;
	s25 =	simm.s32 $0x600  }
0x25: {  	s26 =	simm.s32 $0xA800;
	s11 =	simm.s32 $0x5;
	[dreg:$0xa] =	wrdreg s8  }
0x26: {  	v0 =	vimm.f32 $0.0e+00;
	[dreg:$0x1b] =	wrdreg s24;
	s8 =	simm.s32 $0x400;
	s24 =	simm.s32 $0x200  }
.LBB2_1:
0x27: {  	s3 =	rddreg [dreg:$0x3]  }
0x28: {  	[tilespmem:s2], [sflag:$0x1] =	stream.linear.gather [hbm4b:s3+s2], $0x80, $0x38;
	[tilespmem:$0x1FC00] =	vst v63  }
0x29: {  	s13 =	rddreg [dreg:$0x4]  }
0x2a: {  	[tilespmem:s8], [sflag:$0x1] =	stream.linear.gather [hbm4b:s13+s2], $0x80, $0x38;
	[tilespmem:$0x1FC00] =	vst v63  }
0x2b: {  	s14 =	rddreg [dreg:$0x5];
	s9 =	simm.s32 $0x80  }
0x2c: {  	[tilespmem:s9], [sflag:$0x1] =	stream.linear.gather [hbm4b:s14+s2], $0x80, $0x38;
	[tilespmem:$0x1FC00] =	vst v63  }
0x2d: {  	s15 =	rddreg [dreg:$0x6]  }
0x2e: {  	[tilespmem:s10], [sflag:$0x1] =	stream.linear.gather [hbm4b:s15+s2], $0x80, $0x38;
	[tilespmem:$0x1FC00] =	vst v63  }
0x2f: {  	s13 =	rddreg [dreg:$0x7];
	s14 =	simm.s32 $0x100  }
0x30: {  	[tilespmem:s14], [sflag:$0x1] =	stream.linear.gather [hbm4b:s13+s2], $0x80, $0x38;
	[tilespmem:$0x1FC00] =	vst v63  }
0x31: {  	s15 =	rddreg [dreg:$0x8]  }
0x32: {  	[tilespmem:s12], [sflag:$0x1] =	stream.linear.gather [hbm4b:s15+s2], $0x80, $0x38;
	[tilespmem:$0x1FC00] =	vst v63  }
0x33: {  	s12 =	rddreg [dreg:$0x9]  }
0x34: {  	[tilespmem:s16], [sflag:$0x1] =	stream.linear.gather [hbm4b:s12+s2], $0x80, $0x38;
	[tilespmem:$0x1FC00] =	vst v63  }
0x35: {  	s13 =	rddreg [dreg:$0xa]  }
0x36: {  	[tilespmem:s18], [sflag:$0x1] =	stream.linear.gather [hbm4b:s13+s2], $0x80, $0x38;
	[tilespmem:$0x1FC00] =	vst v63  }
0x37: {  	_ =	swait.ge [sflag:s19], $0x80  }
0x38: {  	[sflag:s19] =	ssyncset.done $0x0  }
0x39: {  	[sflag:s19] =	ssyncadd.s32 $0xFFFFFF80  }
0x3a: {  	_ =	swait.ge [sflag:s19], $0x80  }
0x3b: {  	[sflag:s19] =	ssyncset.done $0x0  }
0x3c: {  	[sflag:s19] =	ssyncadd.s32 $0xFFFFFF80  }
0x3d: {  	[tilespmem:s21], [sflag:$0x2] =	stream.indirect.gather [hbm4b:s4+s20], $0x80, s2, s20, $0xb8;
	[tilespmem:$0x1FC00] =	vst v63  }
0x3e: {  	_ =	swait.ge [sflag:s19], $0x80  }
0x3f: {  	[sflag:s19] =	ssyncset.done $0x0  }
0x40: {  	[sflag:s19] =	ssyncadd.s32 $0xFFFFFF80  }
0x41: {  	_ =	swait.ge [sflag:s19], $0x80  }
0x42: {  	[sflag:s19] =	ssyncset.done $0x0  }
0x43: {  	[sflag:s19] =	ssyncadd.s32 $0xFFFFFF80  }
0x44: {  	[tilespmem:s22], [sflag:$0x2] =	stream.indirect.gather [hbm4b:s4+s20], $0x80, s9, s20, $0xb8;
	[tilespmem:$0x1FC00] =	vst v63  }
0x45: {  	_ =	swait.ge [sflag:s19], $0x80  }
0x46: {  	[sflag:s19] =	ssyncset.done $0x0  }
0x47: {  	[sflag:s19] =	ssyncadd.s32 $0xFFFFFF80  }
0x48: {  	_ =	swait.ge [sflag:s19], $0x80  }
0x49: {  	[sflag:s19] =	ssyncset.done $0x0  }
0x4a: {  	[sflag:s19] =	ssyncadd.s32 $0xFFFFFF80  }
0x4b: {  	[tilespmem:s23], [sflag:$0x2] =	stream.indirect.gather [hbm4b:s4+s20], $0x80, s14, s20, $0xb8;
	[tilespmem:$0x1FC00] =	vst v63  }
0x4c: {  	s14 =	rddreg [dreg:$0xb]  }
0x4d: {  	[tilespmem:s24], [sflag:$0x1] =	stream.linear.gather [hbm4b:s14+s2], $0x80, $0x38;
	[tilespmem:$0x1FC00] =	vst v63  }
0x4e: {  	s3 =	simm.s32 $0x0;
	s12 =	simm.s32 $0x200;
	s15 =	rddreg [dreg:$0xc]  }
0x4f: {  	[tilespmem:s25], [sflag:$0x1] =	stream.linear.gather [hbm4b:s15+s2], $0x80, $0x38;
	[tilespmem:$0x1FC00] =	vst v63  }
.LBB2_2:
0x50: {  	p0 =	sne.s32 s12, $0x4E00;
	[tilespmem:s3+$0xA870] =	vst v0  }
0x51: {  	[tilespmem:s3+$0xA800] =	vst v0  }
0x52: {  	[tilespmem:s3+$0xA810] =	vst v0  }
.Ltmp0:
0x53: {  	[tilespmem:s3+$0xA820] =	vst v0;
	(pc) =	sbr.rel @p0 .LBB2_2-.Ltmp0, $4  }
0x54: {  	[tilespmem:s3+$0xA830] =	vst v0  }
0x55: {  	[tilespmem:s3+$0xA840] =	vst v0  }
0x56: {  	[tilespmem:s3+$0xA850] =	vst v0  }
0x57: {  	[tilespmem:s3+$0xA860] =	vst v0;
	s3 =	sshra.s32 s12, $0x2;
	s12 =	sadd.s32 $0x200, s12  }
0x58: {  	[tilespmem:s3+$0xA870] =	vst v0  }
0x59: {  	[tilespmem:s3+$0xA800] =	vst v0  }
0x5a: {  	[tilespmem:s3+$0xA810] =	vst v0  }
0x5b: {  	[tilespmem:s3+$0xA820] =	vst v0  }
0x5c: {  	[tilespmem:s3+$0xA830] =	vst v0  }
0x5d: {  	[tilespmem:s3+$0xA840] =	vst v0  }
0x5e: {  	[tilespmem:s3+$0xA850] =	vst v0  }
0x5f: {  	[tilespmem:s3+$0xA860] =	vst v0  }
0x60: {  	[spmem:s17] =	stream.linear.scatter [tilespmem:s26], [sflag:$0x4], $0x1400, $0x38;
	[tilespmem:$0x1FC00] =	vst v63  }
0x61: {  	s13 =	rddreg [dreg:$0xd]  }
0x62: {  	[spmem:s13] =	stream.linear.scatter [tilespmem:s26], [sflag:$0x4], $0x1400, $0x38;
	[tilespmem:$0x1FC00] =	vst v63  }
0x63: {  	s14 =	rddreg [dreg:$0xe]  }
0x64: {  	[spmem:s14] =	stream.linear.scatter [tilespmem:s26], [sflag:$0x4], $0x1400, $0x38;
	[tilespmem:$0x1FC00] =	vst v63  }
0x65: {  	s15 =	rddreg [dreg:$0xf]  }
0x66: {  	[spmem:s15] =	stream.linear.scatter [tilespmem:s26], [sflag:$0x4], $0x1400, $0x38;
	[tilespmem:$0x1FC00] =	vst v63  }
0x67: {  	s9 =	rddreg [dreg:$0x10]  }
0x68: {  	[spmem:s9] =	stream.linear.scatter [tilespmem:s26], [sflag:$0x4], $0x1400, $0x38;
	[tilespmem:$0x1FC00] =	vst v63  }
0x69: {  	s10 =	rddreg [dreg:$0x11]  }
0x6a: {  	[spmem:s10] =	stream.linear.scatter [tilespmem:s26], [sflag:$0x4], $0x1400, $0x38;
	[tilespmem:$0x1FC00] =	vst v63  }
0x6b: {  	s12 =	rddreg [dreg:$0x14]  }
0x6c: {  	[spmem:s12] =	stream.linear.scatter [tilespmem:s26], [sflag:$0x4], $0x1400, $0x38;
	[tilespmem:$0x1FC00] =	vst v63  }
0x6d: {  	s13 =	rddreg [dreg:$0x15]  }
0x6e: {  	[spmem:s13] =	stream.linear.scatter [tilespmem:s26], [sflag:$0x4], $0x1400, $0x38;
	[tilespmem:$0x1FC00] =	vst v63  }
0x6f: {  	s14 =	rddreg [dreg:$0x16]  }
0x70: {  	[spmem:s14] =	stream.linear.scatter [tilespmem:s26], [sflag:$0x4], $0x1400, $0x38;
	[tilespmem:$0x1FC00] =	vst v63  }
0x71: {  	s15 =	rddreg [dreg:$0x17]  }
0x72: {  	[spmem:s15] =	stream.linear.scatter [tilespmem:s26], [sflag:$0x4], $0x1400, $0x38;
	[tilespmem:$0x1FC00] =	vst v63  }
0x73: {  	s9 =	rddreg [dreg:$0x18]  }
0x74: {  	[spmem:s9] =	stream.linear.scatter [tilespmem:s26], [sflag:$0x4], $0x1400, $0x38;
	[tilespmem:$0x1FC00] =	vst v63  }
0x75: {  	s10 =	rddreg [dreg:$0x19]  }
0x76: {  	[spmem:s10] =	stream.linear.scatter [tilespmem:s26], [sflag:$0x4], $0x1400, $0x38;
	[tilespmem:$0x1FC00] =	vst v63  }
0x77: {  	s12 =	rddreg [dreg:$0x1a]  }
0x78: {  	[spmem:s12] =	stream.linear.scatter [tilespmem:s26], [sflag:$0x4], $0x1400, $0x38;
	[tilespmem:$0x1FC00] =	vst v63  }
0x79: {  	s13 =	rddreg [dreg:$0x1b]  }
0x7a: {  	[spmem:s13] =	stream.linear.scatter [tilespmem:s26], [sflag:$0x4], $0x1400, $0x38;
	[tilespmem:$0x1FC00] =	vst v63  }
0x7b: {  	s14 =	rddreg [dreg:$0x1c]  }
0x7c: {  	[spmem:s14] =	stream.linear.scatter [tilespmem:s26], [sflag:$0x4], $0x1400, $0x38;
	[tilespmem:$0x1FC00] =	vst v63  }
0x7d: {  	s15 =	rddreg [dreg:$0x1d]  }
0x7e: {  	[spmem:s15] =	stream.linear.scatter [tilespmem:s26], [sflag:$0x4], $0x1400, $0x38;
	[tilespmem:$0x1FC00] =	vst v63  }
0x7f: {  	_ =	swait.ge [sflag:s28], $0x1400  }
0x80: {  	[sflag:s28] =	ssyncset.done $0x0  }
0x81: {  	[sflag:s28] =	ssyncadd.s32 $0xFFFFEC00  }
0x82: {  	_ =	swait.ge [sflag:s28], $0x1400  }
0x83: {  	[sflag:s28] =	ssyncset.done $0x0  }
0x84: {  	[sflag:s28] =	ssyncadd.s32 $0xFFFFEC00  }
0x85: {  	_ =	swait.ge [sflag:s28], $0x1400  }
0x86: {  	[sflag:s28] =	ssyncset.done $0x0  }
0x87: {  	[sflag:s28] =	ssyncadd.s32 $0xFFFFEC00  }
0x88: {  	_ =	swait.ge [sflag:s28], $0x1400  }
0x89: {  	[sflag:s28] =	ssyncset.done $0x0  }
0x8a: {  	[sflag:s28] =	ssyncadd.s32 $0xFFFFEC00  }
0x8b: {  	_ =	swait.ge [sflag:s28], $0x1400  }
0x8c: {  	[sflag:s28] =	ssyncset.done $0x0  }
0x8d: {  	[sflag:s28] =	ssyncadd.s32 $0xFFFFEC00  }
0x8e: {  	_ =	swait.ge [sflag:s28], $0x1400  }
0x8f: {  	[sflag:s28] =	ssyncset.done $0x0  }
0x90: {  	[sflag:s28] =	ssyncadd.s32 $0xFFFFEC00  }
0x91: {  	_ =	swait.ge [sflag:s28], $0x1400  }
0x92: {  	[sflag:s28] =	ssyncset.done $0x0  }
0x93: {  	[sflag:s28] =	ssyncadd.s32 $0xFFFFEC00  }
0x94: {  	_ =	swait.ge [sflag:s28], $0x1400  }
0x95: {  	[sflag:s28] =	ssyncset.done $0x0  }
0x96: {  	[sflag:s28] =	ssyncadd.s32 $0xFFFFEC00  }
0x97: {  	_ =	swait.ge [sflag:s28], $0x1400  }
0x98: {  	[sflag:s28] =	ssyncset.done $0x0  }
0x99: {  	[sflag:s28] =	ssyncadd.s32 $0xFFFFEC00  }
0x9a: {  	_ =	swait.ge [sflag:s28], $0x1400  }
0x9b: {  	[sflag:s28] =	ssyncset.done $0x0  }
0x9c: {  	[sflag:s28] =	ssyncadd.s32 $0xFFFFEC00  }
0x9d: {  	_ =	swait.ge [sflag:s28], $0x1400  }
0x9e: {  	[sflag:s28] =	ssyncset.done $0x0  }
0x9f: {  	[sflag:s28] =	ssyncadd.s32 $0xFFFFEC00  }
0xa0: {  	_ =	swait.ge [sflag:s28], $0x1400  }
0xa1: {  	[sflag:s28] =	ssyncset.done $0x0  }
0xa2: {  	[sflag:s28] =	ssyncadd.s32 $0xFFFFEC00  }
0xa3: {  	_ =	swait.ge [sflag:s28], $0x1400  }
0xa4: {  	[sflag:s28] =	ssyncset.done $0x0  }
0xa5: {  	[sflag:s28] =	ssyncadd.s32 $0xFFFFEC00  }
0xa6: {  	_ =	swait.ge [sflag:s28], $0x1400  }
0xa7: {  	[sflag:s28] =	ssyncset.done $0x0  }
0xa8: {  	[sflag:s28] =	ssyncadd.s32 $0xFFFFEC00  }
0xa9: {  	_ =	swait.ge [sflag:s28], $0x1400  }
0xaa: {  	[sflag:s28] =	ssyncset.done $0x0  }
0xab: {  	[sflag:s28] =	ssyncadd.s32 $0xFFFFEC00  }
0xac: {  	_ =	swait.ge [sflag:s28], $0x1400  }
0xad: {  	[sflag:s28] =	ssyncset.done $0x0  }
0xae: {  	[sflag:s28] =	ssyncadd.s32 $0xFFFFEC00  }
0xaf: {  	[bflag:$0x0] =	sbarrier.arrive $0xFFFF  }
0xb0: {  	_ =	swait.ge [sflag:s19], $0x80  }
0xb1: {  	[sflag:s19] =	ssyncset.done $0x0  }
0xb2: {  	[sflag:s19] =	ssyncadd.s32 $0xFFFFFF80  }
0xb3: {  	_ =	swait.ge [sflag:s19], $0x80  }
0xb4: {  	[sflag:s19] =	ssyncset.done $0x0  }
0xb5: {  	s12 =	simm.s32 $0x5;
	[sflag:s19] =	ssyncadd.s32 $0xFFFFFF80  }
0xb6: {  	[tilespmem:s29], [sflag:$0x2] =	stream.indirect.gather [hbm4b:s4+s20], $0x80, s16, s20, $0xb8;
	[tilespmem:$0x1FC00] =	vst v63  }
0xb7: {  	s3 =	smul.u32 $0xCD, s12;
	_ =	swait.ge [sflag:s30], $0x2800  }
0xb8: {  	[sflag:s30] =	ssyncset.done $0x0  }
0xb9: {  	s13 =	simm.s32 $0x280;
	s9 =	sshrl.u32 s3, $0xA;
	[sflag:s30] =	ssyncadd.s32 $0xFFFFD800  }
0xba: {  	[spmem:s1] =	stream.indirect.scatter.add.f32 [tilespmem:s21], [sflag:$0x3], $0x80, s8, s20, $0xb8;
	[tilespmem:$0x1FC00] =	vst v63  }
0xbb: {  	s14 =	sand.u32 $0x7C00, s13;
	s8 =	sand.u32 $0x3F, s9  }
0xbc: {  	s13 =	sand.u32 $0x380, s13;
	s14 =	sadd.s32 s7, s14;
	s8 =	smul.u32 $0x5, s8  }
0xbd: {  	s13 =	sor.u32 s13, s14;
	s14 =	sadd.s32 $0xFFFFFF33, s3  }
0xbe: {  	s3 =	sadd.s32 $0xFFFFFCCC, s3;
	_ =	swait.ge [sflag:s31], $0x2800;
	s8 =	ssub.s32 $0x5, s8  }
0xbf: {  	s13 =	sshrl.u32 s13, $0x3;
	[sflag:s31] =	ssyncset.done $0x0;
	s8 =	sand.u32 $0xFF, s8  }
0xc0: {  	s10 =	sadd.s32 s5, s13;
	[sflag:s31] =	ssyncadd.s32 $0xFFFFD800;
	s8 =	sshll.u32 s8, $0x7  }
0xc1: {  	[tilespmem:s8], [sflag:$0x1] =	stream.linear.gather [hbm4b:s10+s2], $0x80, $0x38;
	[tilespmem:$0x1FC00] =	vst v63  }
0xc2: {  	s3 =	sshrl.u32 s3, $0xA;
	s13 =	sadd.s32 s6, s13;
	s8 =	sor.u32 $0x400, s8  }
0xc3: {  	[tilespmem:s8], [sflag:$0x1] =	stream.linear.gather [hbm4b:s13+s2], $0x80, $0x38;
	[tilespmem:$0x1FC00] =	vst v63  }
0xc4: {  	s15 =	simm.s32 $0x4;
	s3 =	sand.u32 $0x3F, s3;
	s8 =	sshrl.u32 s14, $0xA  }
0xc5: {  	s10 =	smul.u32 $0x5, s3;
	s8 =	sand.u32 $0x3F, s8;
	_ =	swait.ge [sflag:s19], $0x80  }
0xc6: {  	s13 =	sand.u32 $0x3, s15;
	s8 =	smul.u32 $0x5, s8;
	[sflag:s19] =	ssyncset.done $0x0  }
0xc7: {  	s9 =	simm.s32 $0x1;
	s13 =	smul.u32 $0xA000, s13;
	[sflag:s19] =	ssyncadd.s32 $0xFFFFFF80  }
0xc8: {  	s14 =	sand.u32 $0x3, s9;
	s8 =	ssub.s32 $0x4, s8;
	_ =	swait.ge [sflag:s19], $0x80  }
0xc9: {  	s13 =	sshrl.u32 s13, $0x2;
	s8 =	sand.u32 $0xFF, s8;
	[sflag:s19] =	ssyncset.done $0x0  }
0xca: {  	s13 =	sadd.s32 $0x800, s13;
	[sflag:s19] =	ssyncadd.s32 $0xFFFFFF80;
	s8 =	sshll.u32 s8, $0x7  }
0xcb: {  	[tilespmem:s13], [sflag:$0x2] =	stream.indirect.gather [hbm4b:s4+s20], $0x80, s8, s20, $0xb8;
	[tilespmem:$0x1FC00] =	vst v63  }
0xcc: {  	s8 =	smul.u32 $0xA000, s14  }
0xcd: {  	s3 =	simm.s32 $0x300;
	s13 =	ssub.s32 $0x1, s10  }
0xce: {  	_ =	swait.ge [sflag:s30], $0x2800;
	s15 =	sand.u32 $0xF7, s13;
	s8 =	sshrl.u32 s8, $0x2  }
0xcf: {  	[sflag:s30] =	ssyncset.done $0x0;
	s13 =	sadd.s32 $0x800, s8;
	s8 =	sshll.u32 s15, $0x7  }
.LBB2_4:
0xd0: {  	[sflag:s30] =	ssyncadd.s32 $0xFFFFD800  }
0xd1: {  	s8 =	sor.u32 $0x400, s8;
	s12 =	sadd.s32 $0x1, s12;
	s14 =	smov.u32 s3  }
0xd2: {  	[spmem:s1] =	stream.indirect.scatter.add.f32 [tilespmem:s13], [sflag:$0x3], $0x80, s8, s20, $0xb8;
	[tilespmem:$0x1FC00] =	vst v63  }
0xd3: {  	p0 =	sne.s32 s3, $0x3E00;
	s3 =	sadd.s32 $0x80, s3;
	s8 =	smul.u32 $0xCD, s12  }
0xd4: {  	s15 =	sadd.s32 $0xFFFFFFFF, s12;
	s10 =	sand.u32 $0x7C00, s14  }
0xd5: {  	s13 =	sshrl.u32 s8, $0xA;
	s9 =	sadd.s32 $0xFFFFFF33, s8;
	s8 =	sadd.s32 $0xFFFFFCCC, s8  }
0xd6: {  	s14 =	sand.u32 $0x380, s14;
	s13 =	sand.u32 $0x3F, s13;
	s9 =	sshrl.u32 s9, $0xA  }
0xd7: {  	s10 =	sadd.s32 s7, s10;
	s13 =	smul.u32 $0x5, s13;
	s9 =	sand.u32 $0x3F, s9  }
0xd8: {  	s10 =	sor.u32 s14, s10;
	s9 =	smul.u32 $0x5, s9  }
0xd9: {  	s10 =	sshrl.u32 s10, $0x3;
	s13 =	ssub.s32 s12, s13;
	_ =	swait.ge [sflag:s31], $0x2800  }
0xda: {  	s8 =	sshrl.u32 s8, $0xA;
	s13 =	sand.u32 $0xFF, s13;
	[sflag:s31] =	ssyncset.done $0x0  }
0xdb: {  	s14 =	sadd.s32 s5, s10;
	s13 =	sshll.u32 s13, $0x7;
	[sflag:s31] =	ssyncadd.s32 $0xFFFFD800  }
0xdc: {  	[tilespmem:s13], [sflag:$0x1] =	stream.linear.gather [hbm4b:s14+s2], $0x80, $0x38;
	[tilespmem:$0x1FC00] =	vst v63  }
0xdd: {  	s10 =	sadd.s32 s6, s10;
	s9 =	ssub.s32 s15, s9;
	s13 =	sor.u32 $0x400, s13  }
0xde: {  	[tilespmem:s13], [sflag:$0x1] =	stream.linear.gather [hbm4b:s10+s2], $0x80, $0x38;
	[tilespmem:$0x1FC00] =	vst v63  }
0xdf: {  	s9 =	sand.u32 $0xFF, s9;
	s10 =	sand.u32 $0x3, s15;
	_ =	swait.ge [sflag:s19], $0x80  }
0xe0: {  	s8 =	sand.u32 $0x3F, s8;
	s10 =	smul.u32 $0xA000, s10;
	[sflag:s19] =	ssyncset.done $0x0  }
0xe1: {  	s8 =	smul.u32 $0x5, s8;
	[sflag:s19] =	ssyncadd.s32 $0xFFFFFF80  }
0xe2: {  	s9 =	sshll.u32 s9, $0x7;
	s10 =	sshrl.u32 s10, $0x2;
	_ =	swait.ge [sflag:s19], $0x80  }
0xe3: {  	s13 =	sadd.s32 $0xFFFFFFFC, s12;
	s10 =	sadd.s32 $0x800, s10;
	[sflag:s19] =	ssyncset.done $0x0  }
.Ltmp1:
0xe4: {  	s14 =	sand.u32 $0x3, s13;
	[sflag:s19] =	ssyncadd.s32 $0xFFFFFF80;
	(pc) =	sbr.rel @p0 .LBB2_4-.Ltmp1, $4  }
0xe5: {  	s8 =	ssub.s32 s13, s8;
	s13 =	smul.u32 $0xA000, s14  }
0xe6: {  	[tilespmem:s10], [sflag:$0x2] =	stream.indirect.gather [hbm4b:s4+s20], $0x80, s9, s20, $0xb8;
	[tilespmem:$0x1FC00] =	vst v63  }
0xe7: {  	s8 =	sand.u32 $0xF7, s8;
	s9 =	sshrl.u32 s13, $0x2;
	_ =	swait.ge [sflag:s30], $0x2800  }
0xe8: {  	s8 =	sshll.u32 s8, $0x7;
	s13 =	sadd.s32 $0x800, s9;
	[sflag:s30] =	ssyncset.done $0x0  }
0xe9: {  	[sflag:s30] =	ssyncadd.s32 $0xFFFFD800;
	s3 =	sor.u32 $0x400, s8  }
0xea: {  	[spmem:s1] =	stream.indirect.scatter.add.f32 [tilespmem:s13], [sflag:$0x3], $0x80, s3, s20, $0xb8;
	[tilespmem:$0x1FC00] =	vst v63  }
0xeb: {  	_ =	swait.ge [sflag:s31], $0x2800  }
0xec: {  	[sflag:s31] =	ssyncset.done $0x0  }
0xed: {  	[sflag:s31] =	ssyncadd.s32 $0xFFFFD800  }
0xee: {  	_ =	swait.ge [sflag:s19], $0x80  }
0xef: {  	[sflag:s19] =	ssyncset.done $0x0  }
0xf0: {  	[sflag:s19] =	ssyncadd.s32 $0xFFFFFF80  }
0xf1: {  	_ =	swait.ge [sflag:s19], $0x80  }
0xf2: {  	[sflag:s19] =	ssyncset.done $0x0  }
0xf3: {  	[sflag:s19] =	ssyncadd.s32 $0xFFFFFF80  }
0xf4: {  	[tilespmem:s21], [sflag:$0x2] =	stream.indirect.gather [hbm4b:s4+s20], $0x80, s24, s20, $0xb8;
	[tilespmem:$0x1FC00] =	vst v63  }
0xf5: {  	_ =	swait.ge [sflag:s30], $0x2800  }
0xf6: {  	[sflag:s30] =	ssyncset.done $0x0  }
0xf7: {  	s10 =	simm.s32 $0x480;
	[sflag:s30] =	ssyncadd.s32 $0xFFFFD800  }
0xf8: {  	[spmem:s1] =	stream.indirect.scatter.add.f32 [tilespmem:s22], [sflag:$0x3], $0x80, s10, s20, $0xb8;
	[tilespmem:$0x1FC00] =	vst v63  }
0xf9: {  	_ =	swait.ge [sflag:s31], $0x2800  }
0xfa: {  	[sflag:s31] =	ssyncset.done $0x0  }
0xfb: {  	[sflag:s31] =	ssyncadd.s32 $0xFFFFD800  }
0xfc: {  	_ =	swait.ge [sflag:s30], $0x2800  }
0xfd: {  	[sflag:s30] =	ssyncset.done $0x0  }
0xfe: {  	s12 =	simm.s32 $0x500;
	[sflag:s30] =	ssyncadd.s32 $0xFFFFD800  }
0xff: {  	[spmem:s1] =	stream.indirect.scatter.add.f32 [tilespmem:s23], [sflag:$0x3], $0x80, s12, s20, $0xb8;
	[tilespmem:$0x1FC00] =	vst v63  }
0x100: {  	_ =	swait.ge [sflag:s31], $0x2800  }
0x101: {  	[sflag:s31] =	ssyncset.done $0x0  }
0x102: {  	[sflag:s31] =	ssyncadd.s32 $0xFFFFD800  }
0x103: {  	_ =	swait.ge [sflag:s30], $0x2800  }
0x104: {  	[sflag:s30] =	ssyncset.done $0x0  }
0x105: {  	[sflag:s30] =	ssyncadd.s32 $0xFFFFD800  }
0x106: {  	[spmem:s1] =	stream.indirect.scatter.add.f32 [tilespmem:s29], [sflag:$0x3], $0x80, s18, s20, $0xb8;
	[tilespmem:$0x1FC00] =	vst v63  }
0x107: {  	_ =	swait.ge [sflag:s31], $0x2800  }
0x108: {  	[sflag:s31] =	ssyncset.done $0x0  }
0x109: {  	[sflag:s31] =	ssyncadd.s32 $0xFFFFD800  }
0x10a: {  	_ =	swait.ge [sflag:s30], $0x2800  }
0x10b: {  	[sflag:s30] =	ssyncset.done $0x0  }
0x10c: {  	[sflag:s30] =	ssyncadd.s32 $0xFFFFD800  }
0x10d: {  	[spmem:s1] =	stream.indirect.scatter.add.f32 [tilespmem:s21], [sflag:$0x3], $0x80, s25, s20, $0xb8;
	[tilespmem:$0x1FC00] =	vst v63  }
0x10e: {  	_ =	swait.ge [sflag:s31], $0x2800  }
0x10f: {  	[sflag:s31] =	ssyncset.done $0x0  }
0x110: {  	s13 =	stileid.u32;
	[sflag:s31] =	ssyncadd.s32 $0xFFFFD800  }
0x111: {  	s3 =	sshll.u32 s13, $0x6;
	[bflag:$0x0] =	sbarrier.arrive $0xFFFF  }
0x112: {  	s14 =	sshrl.u32 s17, $0x3;
	s3 =	sor.u32 $0x1C05, s3;
	s9 =	rddreg [dreg:$0x12]  }
0x113: {  	[hbm:s9], [sflag:s3] =	dma.local [spmem:s14], $0x2800  }
0x114: {  	_ =	swait.ge [sflag:s11], $0x2800  }
0x115: {  	s0 =	sadd.s32 $0x1, s0;
	s15 =	rddreg [dreg:$0x13]  }
0x116: {  	p0 =	sne.s32 s0, s15  }
.Ltmp2:
0x117: {  	_ = 	snop;
	(pc) =	sbr.rel @p0 .LBB2_1-.Ltmp2, $3  }
0x118: {  	_ =	sdelay $0x1  }
0x119: {  	[sflag:s11] =	ssyncset.done $0x0  }
0x11a: {  	s8 =	simm.s32 $0x400;
	[sflag:s11] =	ssyncadd.s32 $0xFFFFD800  }
0x11b: {  	_ =	sfence.sel $0x180000  }
0x11c: {  	[bflag:$0x0] =	sbarrier.arrive $0xFFFF  }
0x11d: {  	_ =	strace $0x9000004D  }
0x11e: {  	s0 =	stileid.u32;
	[bflag:$0x2] =	sbarrier.arrive $0xFFFF  }
0x11f: {  	p0 =	sne.s32 s0, $0x0;
	s0 =	rddreg [dreg:$0x2]  }
0x120: {  	s0 =	sadd.s32 @!p0 $0x100000, s0  }
0x121: {  	[sflag:s0] =	ssyncadd.tile.s32 @!p0 $0x1;
	_ =	shalt  }
.Lfunc_end2:
_tile_overlayer_lowered:
.L_overlay_start_2:
0x122: {  	(tag) =	ssettag $0x2  }
0x123: {  	s0 =	rddreg [dreg:$0x0];
	s2 =	stileid.u32  }
0x124: {  	s1 =	rddreg [dreg:$0x1];
	p0 =	sne.s32 s2, $0x0  }
0x125: {  	s3 =	rddreg [dreg:$0x2];
	[bflag:$0x3] =	sbarrier.arrive $0xFFFF;
	s2 =	simm.s32 @!p0 $0x1C05  }
0x126: {  	[timem:s3], [sflag:s2] =	dma.local @!p0 [hbm:s0], s1  }
0x127: {  	s0 =	simm.s32 @!p0 $0x5  }
0x128: {  	_ =	swait.ge @!p0 [sflag:s0], s1  }
0x129: {  	s1 =	ssub.s32 @!p0 $0x0, s1;
	[sflag:s0] =	ssyncset.done @!p0 $0x0  }
0x12a: {  	[sflag:s0] =	ssyncadd.s32 @!p0 s1  }
0x12b: {  	[bflag:$0x3] =	sbarrier.arrive $0xFFFF  }
0x12c: {  	_ =	shalt  }

// kernel: kernel.8.cloned.1.call-start
scs
__scs_entry_jumppad:
0x0: {  	(pc) =	sbr.rel $0x88, $3  }
0x1: {  	(tag) =	ssettag $0x0;
	lr =	simm.s32 $0x1  }
0x2: {  	[smem:$0x3F90] =	sst lr;
	_ =	strace $0xD0000000  }
0x3: {  	_ = 	snop  }
0x4: {  	_ = 	snop  }
0x5: {  	_ = 	snop  }
0x6: {  	_ = 	snop  }
0x7: {  	_ = 	snop  }
__scs_overlays_trampoline_lowered:
0x8: {  	[smem:$0x3F9F] =	sst s0  }
0x9: {  	[smem:$0x3FA0] =	sst s1  }
0xa: {  	[smem:$0x3FA1] =	sst s2  }
0xb: {  	[smem:$0x3FA2] =	sst s3  }
0xc: {  	[smem:$0x3FA3] =	sst s4  }
0xd: {  	[smem:$0x3FA4] =	sst s5  }
0xe: {  	[smem:$0x3FA5] =	sst s6  }
0xf: {  	[smem:$0x3FA6] =	sst s7  }
0x10: {  	[smem:$0x3FA7] =	sst s8  }
0x11: {  	[smem:$0x3FA8] =	sst s9;
	s0 =	simm.s32 @!p0 $0x0  }
0x12: {  	s1 =	sld [smem:$0x3F8E];
	s0 =	simm.s32 @p0 $0x1  }
0x13: {  	[smem:$0x3FA9] =	sst s0;
	s0 =	simm.s32 @!p1 $0x0  }
0x14: {  	s2 =	sld [smem:$0x3F8D];
	s0 =	simm.s32 @p1 $0x1  }
0x15: {  	[smem:$0x3FAA] =	sst s0;
	s0 =	simm.s32 @!p2 $0x0  }
0x16: {  	s3 =	sld [smem:$0x3FDB];
	s0 =	simm.s32 @p2 $0x1  }
0x17: {  	s4 =	simm.s32 $0x1BF5;
	[smem:$0x3FAC] =	sst s0  }
0x18: {  	s0 =	sld [smem:$0x3F8F];
	_ =	swait.ge [sflag:s4], $0x0  }
0x19: {  	s7 =	sld [smem:$0x3F90]  }
0x1a: {  	s8 =	sadd.s32 $0xFFFFE003, lr  }
0x1b: {  	s9 =	sadd.s32 $0xFFFFFEF7, lr;
	s5 =	simm.s32 $0xFFFFFFFF;
	p2 =	slt.u32 s8, $0xFFFFF086  }
0x1c: {  	p1 =	slt.u32 s9, $0xF7A;
	s5 =	simm.s32 @!p2 $0x0  }
0x1d: {  	s5 =	simm.s32 @p1 $0x1;
	p0 =	seq.s32 s7, s2  }
0x1e: {  	s7 =	smul.u32 @!p0 $0xF7A, s2;
	p2 =	seq.s32 @!p0 s5, $0x0  }
0x1f: {  	s9 =	smul.u32 $0xF7A, s1;
	s8 =	simm.s32 @!p0 $0x1BF5;
	p2 =	por !p2, p0  }
0x20: {  	[sflag:s8] =	ssyncset.s32 @!p0 $0xFFFFF086;
	s6 =	sadd.s32 @!p0 s3, s7;
	s7 =	simm.s32 @!p0 $0x108  }
0x21: {  	s3 =	sadd.s32 s3, s9;
	s6 =	sadd.s32 @!p0 $0x88, s6;
	s7 =	simm.s32 @p2 $0x1082  }
0x22: {  	[simem:s7], [sflag:s8] =	dma.local @!p0 [hbm:s6], $0xF7A  }
0x23: {  	s9 =	sor.u32 $0xD0000000, s2;
	s6 =	simm.s32 $0x108;
	_ =	swait.ge @!p0 [sflag:s8], $0x0  }
0x24: {  	s3 =	sadd.s32 $0x88, s3;
	s6 =	simm.s32 @!p1 $0x1082;
	[sflag:s4] =	ssyncset.s32 $0xFFFFF086  }
0x25: {  	[simem:s6], [sflag:s4] =	dma.local [hbm:s3], $0xF7A  }
0x26: {  	[smem:$0x3F90] =	sst s1;
	(tag) =	ssettag s2;
	_ =	strace s9  }
0x27: {  	s1 =	sld [smem:$0x3FA0]  }
0x28: {  	s2 =	sld [smem:$0x3FA1]  }
0x29: {  	s4 =	sld [smem:$0x3FA3]  }
0x2a: {  	p0 =	seq.s32 s5, $0x0;
	s5 =	sld [smem:$0x3FA4]  }
0x2b: {  	s6 =	sld [smem:$0x3FA5]  }
0x2c: {  	s7 =	sld [smem:$0x3FA6]  }
0x2d: {  	s3 =	simm.s32 $0x108;
	s8 =	sld [smem:$0x3FA7]  }
0x2e: {  	s3 =	simm.s32 @!p0 $0x1082;
	s9 =	sld [smem:$0x3FA8]  }
0x2f: {  	lr =	sadd.s32 s0, s3;
	s0 =	sld [smem:$0x3F9F]  }
0x30: {  	s3 =	sld [smem:$0x3FA2]  }
0x31: {  	[smem:$0x3FAB] =	sst s10  }
0x32: {  	s10 =	sld [smem:$0x3FA9];
	_ =	sdelay $0x3  }
0x33: {  	p0 =	seq.s32 s10, $0x1;
	s10 =	sld [smem:$0x3FAB];
	_ =	sdelay $0x3  }
0x34: {  	[smem:$0x3FAB] =	sst s10  }
0x35: {  	s10 =	sld [smem:$0x3FAA];
	_ =	sdelay $0x3  }
0x36: {  	p1 =	seq.s32 s10, $0x1;
	s10 =	sld [smem:$0x3FAB];
	_ =	sdelay $0x3  }
0x37: {  	[smem:$0x3FAB] =	sst s10  }
0x38: {  	s10 =	sld [smem:$0x3FAC]  }
0x39: {  	_ = 	snop;
	(pc) =	sbr.ind lr, $3  }
0x3a: {  	_ = 	snop  }
0x3b: {  	_ = 	snop  }
0x3c: {  	p2 =	seq.s32 s10, $0x1;
	s10 =	sld [smem:$0x3FAB]  }
0x3d: {  	_ =	shalt  }
0x3e: {  	_ =	shalt  }
0x3f: {  	_ =	shalt  }
0x40: {  	_ =	shalt  }
0x41: {  	_ =	shalt  }
0x42: {  	_ =	shalt  }
0x43: {  	_ =	shalt  }
0x44: {  	_ =	shalt  }
0x45: {  	_ =	shalt  }
0x46: {  	_ =	shalt  }
0x47: {  	_ =	shalt  }
0x48: {  	_ =	shalt  }
0x49: {  	_ =	shalt  }
0x4a: {  	_ =	shalt  }
0x4b: {  	_ =	shalt  }
0x4c: {  	_ =	shalt  }
0x4d: {  	_ =	shalt  }
0x4e: {  	_ =	shalt  }
0x4f: {  	_ =	shalt  }
0x50: {  	_ =	shalt  }
0x51: {  	_ =	shalt  }
0x52: {  	_ =	shalt  }
0x53: {  	_ =	shalt  }
0x54: {  	_ =	shalt  }
0x55: {  	_ =	shalt  }
0x56: {  	_ =	shalt  }
0x57: {  	_ =	shalt  }
0x58: {  	_ =	shalt  }
0x59: {  	_ =	shalt  }
0x5a: {  	_ =	shalt  }
0x5b: {  	_ =	shalt  }
0x5c: {  	_ =	shalt  }
0x5d: {  	_ =	shalt  }
0x5e: {  	_ =	shalt  }
0x5f: {  	_ =	shalt  }
0x60: {  	_ =	shalt  }
0x61: {  	_ =	shalt  }
0x62: {  	_ =	shalt  }
0x63: {  	_ =	shalt  }
0x64: {  	_ =	shalt  }
0x65: {  	_ =	shalt  }
0x66: {  	_ =	shalt  }
0x67: {  	_ =	shalt  }
0x68: {  	_ =	shalt  }
0x69: {  	_ =	shalt  }
0x6a: {  	_ =	shalt  }
0x6b: {  	_ =	shalt  }
0x6c: {  	_ =	shalt  }
0x6d: {  	_ =	shalt  }
0x6e: {  	_ =	shalt  }
0x6f: {  	_ =	shalt  }
0x70: {  	_ =	shalt  }
0x71: {  	_ =	shalt  }
0x72: {  	_ =	shalt  }
0x73: {  	_ =	shalt  }
0x74: {  	_ =	shalt  }
0x75: {  	_ =	shalt  }
0x76: {  	_ =	shalt  }
0x77: {  	_ =	shalt  }
0x78: {  	_ =	shalt  }
0x79: {  	_ =	shalt  }
0x7a: {  	_ =	shalt  }
0x7b: {  	_ =	shalt  }
0x7c: {  	_ =	shalt  }
0x7d: {  	_ =	shalt  }
0x7e: {  	_ =	shalt  }
0x7f: {  	_ =	shalt  }
0x80: {  	_ =	shalt  }
0x81: {  	_ =	shalt  }
0x82: {  	_ =	shalt  }
0x83: {  	_ =	shalt  }
0x84: {  	_ =	shalt  }
0x85: {  	_ =	shalt  }
0x86: {  	_ =	shalt  }
0x87: {  	_ =	shalt  }
.Lfunc_end0:
.L_simem_size_0:
called_computation_lowered:
.L_overlay_start_0:
0x88: {  	s2 =	sld [smem:$0x3FD9]  }
0x89: {  	s3 =	sld [smem:$0x3FFE];
	_ =	sdelay $0x1  }
0x8a: {  	s1 =	srdreg.scid  }
0x8b: {  	s0 =	sand.u32 $0x1, s1  }
0x8c: {  	s17 =	sshll.u32 s0, $0xA;
	s2 =	sadd.s32 s3, s2  }
0x8d: {  	s2 =	sadd.s32 s2, s17  }
0x8e: {  	[smem:$0x3FB7] =	sst s2  }
0x8f: {  	_ = 	snop  }
0x90: {  	s2 =	sld [smem:$0x3FC9];
	(tm) =	ssettm $0x1  }
0x91: {  	s18 =	sld [smem:$0x3FFB];
	_ =	sdelay $0x3  }
0x92: {  	_ =	strace s18  }
0x93: {  	s3 =	sld [smem:$0x3FFC];
	_ =	sdelay $0x3  }
0x94: {  	_ =	strace s3  }
0x95: {  	s3 =	sld [smem:$0x3FFD];
	_ =	sdelay $0x3  }
0x96: {  	_ =	strace s3  }
0x97: {  	_ =	strace $0x8FFFFFFF  }
0x98: {  	s19 =	sld [smem:$0x3FDB];
	_ =	sdelay $0x1  }
0x99: {  	s4 =	simm.s32 $_scs_section_size  }
0x9a: {  	s5 =	simm.s32 $_size__tile_overlayer_lowered;
	s6 =	simm.s32 $_tile_overlayer_lowered  }
0x9b: {  	s22 =	simm.s32 $0x1BFF;
	s21 =	sshll.u32 s6, $0x1;
	s3 =	sadd.s32 s4, s19  }
0x9c: {  	s7 =	simm.s32 $0x0;
	s20 =	sshll.u32 s5, $0x1;
	s5 =	sadd.s32 s21, s3  }
0x9d: {  	[timem:s7], [sflag:s22] =	dma.local [hbm:s5], s20  }
0x9e: {  	_ =	swait.ge [sflag:s22], s20  }
0x9f: {  	s4 =	ssub.s32 $0x0, s20;
	[sflag:s22] =	ssyncset.done $0x0  }
0xa0: {  	[sflag:s22] =	ssyncadd.s32 s4;
	_ =	sdelay $0x1  }
0xa1: {  	s23 =	simm.s32 $0x1B8B  }
0xa2: {  	_ =	swait.ge [sflag:s23], $0x1  }
0xa3: {  	[sflag:s23] =	ssyncset.done $0x0  }
0xa4: {  	s25 =	simm.s32 $0x1B8E;
	s24 =	sld [smem:$0x3FFE];
	[sflag:s23] =	ssyncadd.s32 $0xFFFFFFFF  }
0xa5: {  	s26 =	simm.s32 $execute0_lowered;
	[smem:$0x3FD2] =	sst s25  }
0xa6: {  	s5 =	sshll.u32 s26, $0x1;
	_ =	strace $0x80000046;
	[dreg:$0x1] =	wrdreg $0xFFFFFFFF  }
0xa7: {  	s28 =	simm.s32 $_size_execute0_lowered;
	s3 =	sadd.s32 s3, s5;
	[dreg:$0x0] =	wrdreg $0x0  }
0xa8: {  	s5 =	sshll.u32 s28, $0x1;
	[dreg:$0x2] =	wrdreg s3  }
0xa9: {  	[dreg:$0x3] =	wrdreg s5  }
0xaa: {  	[dreg:$0x4] =	wrdreg $0xC0  }
0xab: {  	_ =	task [dreg:s7], $0x5FFFF  }
0xac: {  	[dreg:$0x1] =	wrdreg $0xFFFFFFFF  }
0xad: {  	[dreg:$0x0] =	wrdreg $0x60  }
0xae: {  	[dreg:$0x2] =	wrdreg s2  }
0xaf: {  	[dreg:$0x3] =	wrdreg s24  }
0xb0: {  	[dreg:$0x4] =	wrdreg $0xBC000  }
0xb1: {  	[dreg:$0x5] =	wrdreg $0x9  }
0xb2: {  	_ =	task.clear_ibuf [dreg:s7], $0x6FFFF;
	_ =	strace $0x90000046  }
0xb3: {  	s29 =	simm.s32 $0x9;
	_ =	strace $0x80000048  }
0xb4: {  	_ =	swait.ge [sflag:s29], $0x1  }
0xb5: {  	[sflag:s29] =	ssyncadd.s32 $0xFFFFFFFF  }
0xb6: {  	_ =	strace $0x90000048  }
0xb7: {  	_ =	sfence  }
0xb8: {  	s30 =	sld [smem:$0x0];
	_ =	sdelay $0x2  }
0xb9: {  	s31 =	sshll.u32 s1, $0xD;
	s1 =	sshrl.u32 s1, $0x2  }
0xba: {  	s3 =	sand.u32 $0x4000, s31;
	s1 =	sadd.s32 s1, s30  }
0xbb: {  	s0 =	sor.u32 s3, s0;
	s1 =	sshll.u32 s1, $0x11  }
0xbc: {  	s0 =	sor.u32 s1, s0  }
0xbd: {  	s0 =	sadd.s32 $0x8F2B, s0  }
0xbe: {  	[sflag:s0] =	ssyncadd.remote.s32 $0x1  }
0xbf: {  	_ =	sfence.sel $0xFFFF  }
0xc0: {  	[dreg:$0x0] =	wrdreg $0xFFFFFFFF;
	(pc) =	sbr.abs _section_cstart, $3  }
0xc1: {  	[dreg:$0x1] =	wrdreg $0xFFFFFFFF  }
0xc2: {  	_ =	task.clear_ibuf [dreg:s7], $0x2FFFF;
	_ =	strace $0x9FFFFFFF  }
0xc3: {  	(tm) =	ssettm $0x7FFFFFFF  }
tec
execute0_lowered:
.L_overlay_start_1:
0x0: {  	(tag) =	ssettag $0x1  }
0x1: {  	s1 =	rddreg [dreg:$0x0]  }
0x2: {  	s0 =	rddreg [dreg:$0x1]  }
0x3: {  	s2 =	rddreg [dreg:$0x2];
	s4 =	simm.s32 $0x0;
	s3 =	srdreg.scid  }
0x4: {  	s11 =	stileid.u32;
	[smem:$0x7FF] =	sst s4  }
0x5: {  	s5 =	sadd.s32 $0x3800, s0;
	s3 =	sand.u32 $0x1, s3;
	s8 =	smul.u32 $0x2800, s11  }
0x6: {  	s7 =	sshll.u32 s11, $0xF;
	s22 =	smul.u32 $0x50000, s11;
	s10 =	sshll.u32 s3, $0xE  }
0x7: {  	s6 =	sadd.s32 $0x13800, s0;
	s9 =	smul.u32 $0x28000, s3;
	s7 =	sor.u32 s10, s7  }
0x8: {  	_ =	strace $0x80000047;
	s3 =	ssub.s32 $0x2, s3;
	s10 =	sshrl.u32 s7, $0x3  }
0x9: {  	s16 =	sshrl.u32 s3, $0x1;
	s8 =	sadd.s32 s8, s9;
	s18 =	sadd.s32 s5, s10  }
0xa: {  	s3 =	ssub.s32 s3, s16;
	s19 =	sadd.s32 s6, s10;
	[dreg:$0x4] =	wrdreg s18  }
0xb: {  	s17 =	sor.u32 $0x10, s10;
	s15 =	smax.u32 s3, $0x1;
	[dreg:$0x5] =	wrdreg s19  }
0xc: {  	s0 =	sadd.s32 s8, s0;
	s20 =	sadd.s32 s5, s17;
	[dreg:$0x14] =	wrdreg s15  }
0xd: {  	s21 =	sor.u32 $0x20, s10;
	s8 =	sadd.s32 s6, s17;
	[dreg:$0x6] =	wrdreg s20  }
0xe: {  	s24 =	sor.u32 $0x30, s10;
	s23 =	sadd.s32 s5, s21;
	[dreg:$0x7] =	wrdreg s8  }
0xf: {  	s10 =	sor.u32 $0x40, s10;
	s25 =	sadd.s32 s5, s24;
	[dreg:$0x8] =	wrdreg s23  }
0x10: {  	s9 =	sshrl.u32 s22, $0x2;
	s26 =	sadd.s32 s5, s10;
	[dreg:$0xa] =	wrdreg s25  }
0x11: {  	s17 =	sadd.s32 s9, s2;
	s9 =	sadd.s32 s6, s10;
	[dreg:$0xc] =	wrdreg s26  }
0x12: {  	s0 =	sadd.s32 $0x23800, s0;
	[dreg:$0xd] =	wrdreg s9  }
0x13: {  	s8 =	sadd.s32 s6, s21;
	[dreg:$0x13] =	wrdreg s0  }
0x14: {  	s10 =	sadd.s32 $0x1400, s17;
	[dreg:$0x9] =	wrdreg s8  }
0x15: {  	s11 =	sadd.s32 $0x2800, s17;
	[dreg:$0xe] =	wrdreg s10  }
0x16: {  	s12 =	sadd.s32 $0x3C00, s17;
	[dreg:$0xf] =	wrdreg s11  }
0x17: {  	s13 =	sadd.s32 $0x5000, s17;
	[dreg:$0x10] =	wrdreg s12  }
0x18: {  	s14 =	sadd.s32 $0x6400, s17;
	[dreg:$0x11] =	wrdreg s13  }
0x19: {  	s16 =	sadd.s32 $0x7800, s17;
	[dreg:$0x12] =	wrdreg s14  }
0x1a: {  	s18 =	sadd.s32 $0x8C00, s17;
	[dreg:$0x15] =	wrdreg s16  }
0x1b: {  	s19 =	sadd.s32 $0xA000, s17;
	[dreg:$0x16] =	wrdreg s18  }
0x1c: {  	s28 =	simm.s32 $0x4;
	s20 =	sadd.s32 $0xB400, s17;
	[dreg:$0x17] =	wrdreg s19  }
0x1d: {  	s29 =	simm.s32 $0x8000;
	s21 =	sadd.s32 $0xC800, s17;
	[dreg:$0x18] =	wrdreg s20  }
0x1e: {  	s30 =	simm.s32 $0x2;
	s22 =	sadd.s32 $0xDC00, s17;
	[dreg:$0x19] =	wrdreg s21  }
0x1f: {  	s31 =	simm.s32 $0x3;
	s23 =	sadd.s32 $0xF000, s17;
	[dreg:$0x1a] =	wrdreg s22  }
0x20: {  	s25 =	sadd.s32 $0x11800, s17;
	s26 =	sadd.s32 $0x12C00, s17;
	[dreg:$0x1b] =	wrdreg s23  }
0x21: {  	s0 =	simm.s32 $0x0;
	s8 =	sadd.s32 s6, s24;
	[dreg:$0x1d] =	wrdreg s25  }
0x22: {  	s24 =	sadd.s32 $0x10400, s17;
	[dreg:$0x1e] =	wrdreg s26;
	s10 =	simm.s32 $0x480  }
0x23: {  	s12 =	simm.s32 $0x500;
	s16 =	simm.s32 $0x180;
	s18 =	simm.s32 $0x580  }
0x24: {  	s19 =	simm.s32 $0x1;
	s20 =	simm.s32 $0x50;
	s21 =	simm.s32 $0x800  }
0x25: {  	s22 =	simm.s32 $0x3000;
	s23 =	simm.s32 $0x5800;
	s25 =	simm.s32 $0x600  }
0x26: {  	s26 =	simm.s32 $0xA800;
	s11 =	simm.s32 $0x5;
	[dreg:$0xb] =	wrdreg s8  }
0x27: {  	v0 =	vimm.f32 $0.0e+00;
	[dreg:$0x1c] =	wrdreg s24;
	s8 =	simm.s32 $0x400;
	s24 =	simm.s32 $0x200  }
.LBB2_1:
0x28: {  	s3 =	rddreg [dreg:$0x4]  }
0x29: {  	[tilespmem:s4], [sflag:$0x1] =	stream.linear.gather [hbm4b:s3+s4], $0x80, $0x38;
	[tilespmem:$0x1FC00] =	vst v63  }
0x2a: {  	s13 =	rddreg [dreg:$0x5]  }
0x2b: {  	[tilespmem:s8], [sflag:$0x1] =	stream.linear.gather [hbm4b:s13+s4], $0x80, $0x38;
	[tilespmem:$0x1FC00] =	vst v63  }
0x2c: {  	s14 =	rddreg [dreg:$0x6];
	s9 =	simm.s32 $0x80  }
0x2d: {  	[tilespmem:s9], [sflag:$0x1] =	stream.linear.gather [hbm4b:s14+s4], $0x80, $0x38;
	[tilespmem:$0x1FC00] =	vst v63  }
0x2e: {  	s15 =	rddreg [dreg:$0x7]  }
0x2f: {  	[tilespmem:s10], [sflag:$0x1] =	stream.linear.gather [hbm4b:s15+s4], $0x80, $0x38;
	[tilespmem:$0x1FC00] =	vst v63  }
0x30: {  	s13 =	rddreg [dreg:$0x8];
	s14 =	simm.s32 $0x100  }
0x31: {  	[tilespmem:s14], [sflag:$0x1] =	stream.linear.gather [hbm4b:s13+s4], $0x80, $0x38;
	[tilespmem:$0x1FC00] =	vst v63  }
0x32: {  	s15 =	rddreg [dreg:$0x9]  }
0x33: {  	[tilespmem:s12], [sflag:$0x1] =	stream.linear.gather [hbm4b:s15+s4], $0x80, $0x38;
	[tilespmem:$0x1FC00] =	vst v63  }
0x34: {  	s12 =	rddreg [dreg:$0xa]  }
0x35: {  	[tilespmem:s16], [sflag:$0x1] =	stream.linear.gather [hbm4b:s12+s4], $0x80, $0x38;
	[tilespmem:$0x1FC00] =	vst v63  }
0x36: {  	s13 =	rddreg [dreg:$0xb]  }
0x37: {  	[tilespmem:s18], [sflag:$0x1] =	stream.linear.gather [hbm4b:s13+s4], $0x80, $0x38;
	[tilespmem:$0x1FC00] =	vst v63  }
0x38: {  	_ =	swait.ge [sflag:s19], $0x80  }
0x39: {  	[sflag:s19] =	ssyncset.done $0x0  }
0x3a: {  	[sflag:s19] =	ssyncadd.s32 $0xFFFFFF80  }
0x3b: {  	_ =	swait.ge [sflag:s19], $0x80  }
0x3c: {  	[sflag:s19] =	ssyncset.done $0x0  }
0x3d: {  	[sflag:s19] =	ssyncadd.s32 $0xFFFFFF80  }
0x3e: {  	[tilespmem:s21], [sflag:$0x2] =	stream.indirect.gather [hbm4b:s1+s20], $0x80, s4, s20, $0xb8;
	[tilespmem:$0x1FC00] =	vst v63  }
0x3f: {  	_ =	swait.ge [sflag:s19], $0x80  }
0x40: {  	[sflag:s19] =	ssyncset.done $0x0  }
0x41: {  	[sflag:s19] =	ssyncadd.s32 $0xFFFFFF80  }
0x42: {  	_ =	swait.ge [sflag:s19], $0x80  }
0x43: {  	[sflag:s19] =	ssyncset.done $0x0  }
0x44: {  	[sflag:s19] =	ssyncadd.s32 $0xFFFFFF80  }
0x45: {  	[tilespmem:s22], [sflag:$0x2] =	stream.indirect.gather [hbm4b:s1+s20], $0x80, s9, s20, $0xb8;
	[tilespmem:$0x1FC00] =	vst v63  }
0x46: {  	_ =	swait.ge [sflag:s19], $0x80  }
0x47: {  	[sflag:s19] =	ssyncset.done $0x0  }
0x48: {  	[sflag:s19] =	ssyncadd.s32 $0xFFFFFF80  }
0x49: {  	_ =	swait.ge [sflag:s19], $0x80  }
0x4a: {  	[sflag:s19] =	ssyncset.done $0x0  }
0x4b: {  	[sflag:s19] =	ssyncadd.s32 $0xFFFFFF80  }
0x4c: {  	[tilespmem:s23], [sflag:$0x2] =	stream.indirect.gather [hbm4b:s1+s20], $0x80, s14, s20, $0xb8;
	[tilespmem:$0x1FC00] =	vst v63  }
0x4d: {  	s14 =	rddreg [dreg:$0xc]  }
0x4e: {  	[tilespmem:s24], [sflag:$0x1] =	stream.linear.gather [hbm4b:s14+s4], $0x80, $0x38;
	[tilespmem:$0x1FC00] =	vst v63  }
0x4f: {  	s3 =	simm.s32 $0x0;
	s12 =	simm.s32 $0x200;
	s15 =	rddreg [dreg:$0xd]  }
0x50: {  	[tilespmem:s25], [sflag:$0x1] =	stream.linear.gather [hbm4b:s15+s4], $0x80, $0x38;
	[tilespmem:$0x1FC00] =	vst v63  }
.LBB2_2:
0x51: {  	p0 =	sne.s32 s12, $0x4E00;
	[tilespmem:s3+$0xA870] =	vst v0  }
0x52: {  	[tilespmem:s3+$0xA800] =	vst v0  }
0x53: {  	[tilespmem:s3+$0xA810] =	vst v0  }
.Ltmp0:
0x54: {  	[tilespmem:s3+$0xA820] =	vst v0;
	(pc) =	sbr.rel @p0 .LBB2_2-.Ltmp0, $4  }
0x55: {  	[tilespmem:s3+$0xA830] =	vst v0  }
0x56: {  	[tilespmem:s3+$0xA840] =	vst v0  }
0x57: {  	[tilespmem:s3+$0xA850] =	vst v0  }
0x58: {  	[tilespmem:s3+$0xA860] =	vst v0;
	s3 =	sshra.s32 s12, $0x2;
	s12 =	sadd.s32 $0x200, s12  }
0x59: {  	[tilespmem:s3+$0xA870] =	vst v0  }
0x5a: {  	[tilespmem:s3+$0xA800] =	vst v0  }
0x5b: {  	[tilespmem:s3+$0xA810] =	vst v0  }
0x5c: {  	[tilespmem:s3+$0xA820] =	vst v0  }
0x5d: {  	[tilespmem:s3+$0xA830] =	vst v0  }
0x5e: {  	[tilespmem:s3+$0xA840] =	vst v0  }
0x5f: {  	[tilespmem:s3+$0xA850] =	vst v0  }
0x60: {  	[tilespmem:s3+$0xA860] =	vst v0  }
0x61: {  	[spmem:s17] =	stream.linear.scatter [tilespmem:s26], [sflag:$0x4], $0x1400, $0x38;
	[tilespmem:$0x1FC00] =	vst v63  }
0x62: {  	s13 =	rddreg [dreg:$0xe]  }
0x63: {  	[spmem:s13] =	stream.linear.scatter [tilespmem:s26], [sflag:$0x4], $0x1400, $0x38;
	[tilespmem:$0x1FC00] =	vst v63  }
0x64: {  	s14 =	rddreg [dreg:$0xf]  }
0x65: {  	[spmem:s14] =	stream.linear.scatter [tilespmem:s26], [sflag:$0x4], $0x1400, $0x38;
	[tilespmem:$0x1FC00] =	vst v63  }
0x66: {  	s15 =	rddreg [dreg:$0x10]  }
0x67: {  	[spmem:s15] =	stream.linear.scatter [tilespmem:s26], [sflag:$0x4], $0x1400, $0x38;
	[tilespmem:$0x1FC00] =	vst v63  }
0x68: {  	s9 =	rddreg [dreg:$0x11]  }
0x69: {  	[spmem:s9] =	stream.linear.scatter [tilespmem:s26], [sflag:$0x4], $0x1400, $0x38;
	[tilespmem:$0x1FC00] =	vst v63  }
0x6a: {  	s10 =	rddreg [dreg:$0x12]  }
0x6b: {  	[spmem:s10] =	stream.linear.scatter [tilespmem:s26], [sflag:$0x4], $0x1400, $0x38;
	[tilespmem:$0x1FC00] =	vst v63  }
0x6c: {  	s12 =	rddreg [dreg:$0x15]  }
0x6d: {  	[spmem:s12] =	stream.linear.scatter [tilespmem:s26], [sflag:$0x4], $0x1400, $0x38;
	[tilespmem:$0x1FC00] =	vst v63  }
0x6e: {  	s13 =	rddreg [dreg:$0x16]  }
0x6f: {  	[spmem:s13] =	stream.linear.scatter [tilespmem:s26], [sflag:$0x4], $0x1400, $0x38;
	[tilespmem:$0x1FC00] =	vst v63  }
0x70: {  	s14 =	rddreg [dreg:$0x17]  }
0x71: {  	[spmem:s14] =	stream.linear.scatter [tilespmem:s26], [sflag:$0x4], $0x1400, $0x38;
	[tilespmem:$0x1FC00] =	vst v63  }
0x72: {  	s15 =	rddreg [dreg:$0x18]  }
0x73: {  	[spmem:s15] =	stream.linear.scatter [tilespmem:s26], [sflag:$0x4], $0x1400, $0x38;
	[tilespmem:$0x1FC00] =	vst v63  }
0x74: {  	s9 =	rddreg [dreg:$0x19]  }
0x75: {  	[spmem:s9] =	stream.linear.scatter [tilespmem:s26], [sflag:$0x4], $0x1400, $0x38;
	[tilespmem:$0x1FC00] =	vst v63  }
0x76: {  	s10 =	rddreg [dreg:$0x1a]  }
0x77: {  	[spmem:s10] =	stream.linear.scatter [tilespmem:s26], [sflag:$0x4], $0x1400, $0x38;
	[tilespmem:$0x1FC00] =	vst v63  }
0x78: {  	s12 =	rddreg [dreg:$0x1b]  }
0x79: {  	[spmem:s12] =	stream.linear.scatter [tilespmem:s26], [sflag:$0x4], $0x1400, $0x38;
	[tilespmem:$0x1FC00] =	vst v63  }
0x7a: {  	s13 =	rddreg [dreg:$0x1c]  }
0x7b: {  	[spmem:s13] =	stream.linear.scatter [tilespmem:s26], [sflag:$0x4], $0x1400, $0x38;
	[tilespmem:$0x1FC00] =	vst v63  }
0x7c: {  	s14 =	rddreg [dreg:$0x1d]  }
0x7d: {  	[spmem:s14] =	stream.linear.scatter [tilespmem:s26], [sflag:$0x4], $0x1400, $0x38;
	[tilespmem:$0x1FC00] =	vst v63  }
0x7e: {  	s15 =	rddreg [dreg:$0x1e]  }
0x7f: {  	[spmem:s15] =	stream.linear.scatter [tilespmem:s26], [sflag:$0x4], $0x1400, $0x38;
	[tilespmem:$0x1FC00] =	vst v63  }
0x80: {  	_ =	swait.ge [sflag:s28], $0x1400  }
0x81: {  	[sflag:s28] =	ssyncset.done $0x0  }
0x82: {  	[sflag:s28] =	ssyncadd.s32 $0xFFFFEC00  }
0x83: {  	_ =	swait.ge [sflag:s28], $0x1400  }
0x84: {  	[sflag:s28] =	ssyncset.done $0x0  }
0x85: {  	[sflag:s28] =	ssyncadd.s32 $0xFFFFEC00  }
0x86: {  	_ =	swait.ge [sflag:s28], $0x1400  }
0x87: {  	[sflag:s28] =	ssyncset.done $0x0  }
0x88: {  	[sflag:s28] =	ssyncadd.s32 $0xFFFFEC00  }
0x89: {  	_ =	swait.ge [sflag:s28], $0x1400  }
0x8a: {  	[sflag:s28] =	ssyncset.done $0x0  }
0x8b: {  	[sflag:s28] =	ssyncadd.s32 $0xFFFFEC00  }
0x8c: {  	_ =	swait.ge [sflag:s28], $0x1400  }
0x8d: {  	[sflag:s28] =	ssyncset.done $0x0  }
0x8e: {  	[sflag:s28] =	ssyncadd.s32 $0xFFFFEC00  }
0x8f: {  	_ =	swait.ge [sflag:s28], $0x1400  }
0x90: {  	[sflag:s28] =	ssyncset.done $0x0  }
0x91: {  	[sflag:s28] =	ssyncadd.s32 $0xFFFFEC00  }
0x92: {  	_ =	swait.ge [sflag:s28], $0x1400  }
0x93: {  	[sflag:s28] =	ssyncset.done $0x0  }
0x94: {  	[sflag:s28] =	ssyncadd.s32 $0xFFFFEC00  }
0x95: {  	_ =	swait.ge [sflag:s28], $0x1400  }
0x96: {  	[sflag:s28] =	ssyncset.done $0x0  }
0x97: {  	[sflag:s28] =	ssyncadd.s32 $0xFFFFEC00  }
0x98: {  	_ =	swait.ge [sflag:s28], $0x1400  }
0x99: {  	[sflag:s28] =	ssyncset.done $0x0  }
0x9a: {  	[sflag:s28] =	ssyncadd.s32 $0xFFFFEC00  }
0x9b: {  	_ =	swait.ge [sflag:s28], $0x1400  }
0x9c: {  	[sflag:s28] =	ssyncset.done $0x0  }
0x9d: {  	[sflag:s28] =	ssyncadd.s32 $0xFFFFEC00  }
0x9e: {  	_ =	swait.ge [sflag:s28], $0x1400  }
0x9f: {  	[sflag:s28] =	ssyncset.done $0x0  }
0xa0: {  	[sflag:s28] =	ssyncadd.s32 $0xFFFFEC00  }
0xa1: {  	_ =	swait.ge [sflag:s28], $0x1400  }
0xa2: {  	[sflag:s28] =	ssyncset.done $0x0  }
0xa3: {  	[sflag:s28] =	ssyncadd.s32 $0xFFFFEC00  }
0xa4: {  	_ =	swait.ge [sflag:s28], $0x1400  }
0xa5: {  	[sflag:s28] =	ssyncset.done $0x0  }
0xa6: {  	[sflag:s28] =	ssyncadd.s32 $0xFFFFEC00  }
0xa7: {  	_ =	swait.ge [sflag:s28], $0x1400  }
0xa8: {  	[sflag:s28] =	ssyncset.done $0x0  }
0xa9: {  	[sflag:s28] =	ssyncadd.s32 $0xFFFFEC00  }
0xaa: {  	_ =	swait.ge [sflag:s28], $0x1400  }
0xab: {  	[sflag:s28] =	ssyncset.done $0x0  }
0xac: {  	[sflag:s28] =	ssyncadd.s32 $0xFFFFEC00  }
0xad: {  	_ =	swait.ge [sflag:s28], $0x1400  }
0xae: {  	[sflag:s28] =	ssyncset.done $0x0  }
0xaf: {  	[sflag:s28] =	ssyncadd.s32 $0xFFFFEC00  }
0xb0: {  	[bflag:$0x0] =	sbarrier.arrive $0xFFFF  }
0xb1: {  	_ =	swait.ge [sflag:s19], $0x80  }
0xb2: {  	[sflag:s19] =	ssyncset.done $0x0  }
0xb3: {  	[sflag:s19] =	ssyncadd.s32 $0xFFFFFF80  }
0xb4: {  	_ =	swait.ge [sflag:s19], $0x80  }
0xb5: {  	[sflag:s19] =	ssyncset.done $0x0  }
0xb6: {  	s12 =	simm.s32 $0x5;
	[sflag:s19] =	ssyncadd.s32 $0xFFFFFF80  }
0xb7: {  	[tilespmem:s29], [sflag:$0x2] =	stream.indirect.gather [hbm4b:s1+s20], $0x80, s16, s20, $0xb8;
	[tilespmem:$0x1FC00] =	vst v63  }
0xb8: {  	s3 =	smul.u32 $0xCD, s12;
	_ =	swait.ge [sflag:s30], $0x2800  }
0xb9: {  	[sflag:s30] =	ssyncset.done $0x0  }
0xba: {  	s13 =	simm.s32 $0x280;
	s9 =	sshrl.u32 s3, $0xA;
	[sflag:s30] =	ssyncadd.s32 $0xFFFFD800  }
0xbb: {  	[spmem:s2] =	stream.indirect.scatter.add.f32 [tilespmem:s21], [sflag:$0x3], $0x80, s8, s20, $0xb8;
	[tilespmem:$0x1FC00] =	vst v63  }
0xbc: {  	s14 =	sand.u32 $0x7C00, s13;
	s8 =	sand.u32 $0x3F, s9  }
0xbd: {  	s13 =	sand.u32 $0x380, s13;
	s14 =	sadd.s32 s7, s14;
	s8 =	smul.u32 $0x5, s8  }
0xbe: {  	s13 =	sor.u32 s13, s14;
	s14 =	sadd.s32 $0xFFFFFF33, s3  }
0xbf: {  	s3 =	sadd.s32 $0xFFFFFCCC, s3;
	_ =	swait.ge [sflag:s31], $0x2800;
	s8 =	ssub.s32 $0x5, s8  }
0xc0: {  	s13 =	sshrl.u32 s13, $0x3;
	[sflag:s31] =	ssyncset.done $0x0;
	s8 =	sand.u32 $0xFF, s8  }
0xc1: {  	s10 =	sadd.s32 s5, s13;
	[sflag:s31] =	ssyncadd.s32 $0xFFFFD800;
	s8 =	sshll.u32 s8, $0x7  }
0xc2: {  	[tilespmem:s8], [sflag:$0x1] =	stream.linear.gather [hbm4b:s10+s4], $0x80, $0x38;
	[tilespmem:$0x1FC00] =	vst v63  }
0xc3: {  	s3 =	sshrl.u32 s3, $0xA;
	s13 =	sadd.s32 s6, s13;
	s8 =	sor.u32 $0x400, s8  }
0xc4: {  	[tilespmem:s8], [sflag:$0x1] =	stream.linear.gather [hbm4b:s13+s4], $0x80, $0x38;
	[tilespmem:$0x1FC00] =	vst v63  }
0xc5: {  	s15 =	simm.s32 $0x4;
	s3 =	sand.u32 $0x3F, s3;
	s8 =	sshrl.u32 s14, $0xA  }
0xc6: {  	s10 =	smul.u32 $0x5, s3;
	s8 =	sand.u32 $0x3F, s8;
	_ =	swait.ge [sflag:s19], $0x80  }
0xc7: {  	s13 =	sand.u32 $0x3, s15;
	s8 =	smul.u32 $0x5, s8;
	[sflag:s19] =	ssyncset.done $0x0  }
0xc8: {  	s9 =	simm.s32 $0x1;
	s13 =	smul.u32 $0xA000, s13;
	[sflag:s19] =	ssyncadd.s32 $0xFFFFFF80  }
0xc9: {  	s14 =	sand.u32 $0x3, s9;
	s8 =	ssub.s32 $0x4, s8;
	_ =	swait.ge [sflag:s19], $0x80  }
0xca: {  	s13 =	sshrl.u32 s13, $0x2;
	s8 =	sand.u32 $0xFF, s8;
	[sflag:s19] =	ssyncset.done $0x0  }
0xcb: {  	s13 =	sadd.s32 $0x800, s13;
	[sflag:s19] =	ssyncadd.s32 $0xFFFFFF80;
	s8 =	sshll.u32 s8, $0x7  }
0xcc: {  	[tilespmem:s13], [sflag:$0x2] =	stream.indirect.gather [hbm4b:s1+s20], $0x80, s8, s20, $0xb8;
	[tilespmem:$0x1FC00] =	vst v63  }
0xcd: {  	s8 =	smul.u32 $0xA000, s14  }
0xce: {  	s3 =	simm.s32 $0x300;
	s13 =	ssub.s32 $0x1, s10  }
0xcf: {  	_ =	swait.ge [sflag:s30], $0x2800;
	s15 =	sand.u32 $0xF7, s13;
	s8 =	sshrl.u32 s8, $0x2  }
0xd0: {  	[sflag:s30] =	ssyncset.done $0x0;
	s13 =	sadd.s32 $0x800, s8;
	s8 =	sshll.u32 s15, $0x7  }
.LBB2_4:
0xd1: {  	[sflag:s30] =	ssyncadd.s32 $0xFFFFD800  }
0xd2: {  	s8 =	sor.u32 $0x400, s8;
	s12 =	sadd.s32 $0x1, s12;
	s14 =	smov.u32 s3  }
0xd3: {  	[spmem:s2] =	stream.indirect.scatter.add.f32 [tilespmem:s13], [sflag:$0x3], $0x80, s8, s20, $0xb8;
	[tilespmem:$0x1FC00] =	vst v63  }
0xd4: {  	p0 =	sne.s32 s3, $0x3E00;
	s3 =	sadd.s32 $0x80, s3;
	s8 =	smul.u32 $0xCD, s12  }
0xd5: {  	s15 =	sadd.s32 $0xFFFFFFFF, s12;
	s10 =	sand.u32 $0x7C00, s14  }
0xd6: {  	s13 =	sshrl.u32 s8, $0xA;
	s9 =	sadd.s32 $0xFFFFFF33, s8;
	s8 =	sadd.s32 $0xFFFFFCCC, s8  }
0xd7: {  	s14 =	sand.u32 $0x380, s14;
	s13 =	sand.u32 $0x3F, s13;
	s9 =	sshrl.u32 s9, $0xA  }
0xd8: {  	s10 =	sadd.s32 s7, s10;
	s13 =	smul.u32 $0x5, s13;
	s9 =	sand.u32 $0x3F, s9  }
0xd9: {  	s10 =	sor.u32 s14, s10;
	s9 =	smul.u32 $0x5, s9  }
0xda: {  	s10 =	sshrl.u32 s10, $0x3;
	s13 =	ssub.s32 s12, s13;
	_ =	swait.ge [sflag:s31], $0x2800  }
0xdb: {  	s8 =	sshrl.u32 s8, $0xA;
	s13 =	sand.u32 $0xFF, s13;
	[sflag:s31] =	ssyncset.done $0x0  }
0xdc: {  	s14 =	sadd.s32 s5, s10;
	s13 =	sshll.u32 s13, $0x7;
	[sflag:s31] =	ssyncadd.s32 $0xFFFFD800  }
0xdd: {  	[tilespmem:s13], [sflag:$0x1] =	stream.linear.gather [hbm4b:s14+s4], $0x80, $0x38;
	[tilespmem:$0x1FC00] =	vst v63  }
0xde: {  	s10 =	sadd.s32 s6, s10;
	s9 =	ssub.s32 s15, s9;
	s13 =	sor.u32 $0x400, s13  }
0xdf: {  	[tilespmem:s13], [sflag:$0x1] =	stream.linear.gather [hbm4b:s10+s4], $0x80, $0x38;
	[tilespmem:$0x1FC00] =	vst v63  }
0xe0: {  	s9 =	sand.u32 $0xFF, s9;
	s10 =	sand.u32 $0x3, s15;
	_ =	swait.ge [sflag:s19], $0x80  }
0xe1: {  	s8 =	sand.u32 $0x3F, s8;
	s10 =	smul.u32 $0xA000, s10;
	[sflag:s19] =	ssyncset.done $0x0  }
0xe2: {  	s8 =	smul.u32 $0x5, s8;
	[sflag:s19] =	ssyncadd.s32 $0xFFFFFF80  }
0xe3: {  	s9 =	sshll.u32 s9, $0x7;
	s10 =	sshrl.u32 s10, $0x2;
	_ =	swait.ge [sflag:s19], $0x80  }
0xe4: {  	s13 =	sadd.s32 $0xFFFFFFFC, s12;
	s10 =	sadd.s32 $0x800, s10;
	[sflag:s19] =	ssyncset.done $0x0  }
.Ltmp1:
0xe5: {  	s14 =	sand.u32 $0x3, s13;
	[sflag:s19] =	ssyncadd.s32 $0xFFFFFF80;
	(pc) =	sbr.rel @p0 .LBB2_4-.Ltmp1, $4  }
0xe6: {  	s8 =	ssub.s32 s13, s8;
	s13 =	smul.u32 $0xA000, s14  }
0xe7: {  	[tilespmem:s10], [sflag:$0x2] =	stream.indirect.gather [hbm4b:s1+s20], $0x80, s9, s20, $0xb8;
	[tilespmem:$0x1FC00] =	vst v63  }
0xe8: {  	s8 =	sand.u32 $0xF7, s8;
	s9 =	sshrl.u32 s13, $0x2;
	_ =	swait.ge [sflag:s30], $0x2800  }
0xe9: {  	s8 =	sshll.u32 s8, $0x7;
	s13 =	sadd.s32 $0x800, s9;
	[sflag:s30] =	ssyncset.done $0x0  }
0xea: {  	[sflag:s30] =	ssyncadd.s32 $0xFFFFD800;
	s3 =	sor.u32 $0x400, s8  }
0xeb: {  	[spmem:s2] =	stream.indirect.scatter.add.f32 [tilespmem:s13], [sflag:$0x3], $0x80, s3, s20, $0xb8;
	[tilespmem:$0x1FC00] =	vst v63  }
0xec: {  	_ =	swait.ge [sflag:s31], $0x2800  }
0xed: {  	[sflag:s31] =	ssyncset.done $0x0  }
0xee: {  	[sflag:s31] =	ssyncadd.s32 $0xFFFFD800  }
0xef: {  	_ =	swait.ge [sflag:s19], $0x80  }
0xf0: {  	[sflag:s19] =	ssyncset.done $0x0  }
0xf1: {  	[sflag:s19] =	ssyncadd.s32 $0xFFFFFF80  }
0xf2: {  	_ =	swait.ge [sflag:s19], $0x80  }
0xf3: {  	[sflag:s19] =	ssyncset.done $0x0  }
0xf4: {  	[sflag:s19] =	ssyncadd.s32 $0xFFFFFF80  }
0xf5: {  	[tilespmem:s21], [sflag:$0x2] =	stream.indirect.gather [hbm4b:s1+s20], $0x80, s24, s20, $0xb8;
	[tilespmem:$0x1FC00] =	vst v63  }
0xf6: {  	_ =	swait.ge [sflag:s30], $0x2800  }
0xf7: {  	[sflag:s30] =	ssyncset.done $0x0  }
0xf8: {  	s10 =	simm.s32 $0x480;
	[sflag:s30] =	ssyncadd.s32 $0xFFFFD800  }
0xf9: {  	[spmem:s2] =	stream.indirect.scatter.add.f32 [tilespmem:s22], [sflag:$0x3], $0x80, s10, s20, $0xb8;
	[tilespmem:$0x1FC00] =	vst v63  }
0xfa: {  	_ =	swait.ge [sflag:s31], $0x2800  }
0xfb: {  	[sflag:s31] =	ssyncset.done $0x0  }
0xfc: {  	[sflag:s31] =	ssyncadd.s32 $0xFFFFD800  }
0xfd: {  	_ =	swait.ge [sflag:s30], $0x2800  }
0xfe: {  	[sflag:s30] =	ssyncset.done $0x0  }
0xff: {  	s12 =	simm.s32 $0x500;
	[sflag:s30] =	ssyncadd.s32 $0xFFFFD800  }
0x100: {  	[spmem:s2] =	stream.indirect.scatter.add.f32 [tilespmem:s23], [sflag:$0x3], $0x80, s12, s20, $0xb8;
	[tilespmem:$0x1FC00] =	vst v63  }
0x101: {  	_ =	swait.ge [sflag:s31], $0x2800  }
0x102: {  	[sflag:s31] =	ssyncset.done $0x0  }
0x103: {  	[sflag:s31] =	ssyncadd.s32 $0xFFFFD800  }
0x104: {  	_ =	swait.ge [sflag:s30], $0x2800  }
0x105: {  	[sflag:s30] =	ssyncset.done $0x0  }
0x106: {  	[sflag:s30] =	ssyncadd.s32 $0xFFFFD800  }
0x107: {  	[spmem:s2] =	stream.indirect.scatter.add.f32 [tilespmem:s29], [sflag:$0x3], $0x80, s18, s20, $0xb8;
	[tilespmem:$0x1FC00] =	vst v63  }
0x108: {  	_ =	swait.ge [sflag:s31], $0x2800  }
0x109: {  	[sflag:s31] =	ssyncset.done $0x0  }
0x10a: {  	[sflag:s31] =	ssyncadd.s32 $0xFFFFD800  }
0x10b: {  	_ =	swait.ge [sflag:s30], $0x2800  }
0x10c: {  	[sflag:s30] =	ssyncset.done $0x0  }
0x10d: {  	[sflag:s30] =	ssyncadd.s32 $0xFFFFD800  }
0x10e: {  	[spmem:s2] =	stream.indirect.scatter.add.f32 [tilespmem:s21], [sflag:$0x3], $0x80, s25, s20, $0xb8;
	[tilespmem:$0x1FC00] =	vst v63  }
0x10f: {  	_ =	swait.ge [sflag:s31], $0x2800  }
0x110: {  	[sflag:s31] =	ssyncset.done $0x0  }
0x111: {  	s13 =	stileid.u32;
	[sflag:s31] =	ssyncadd.s32 $0xFFFFD800  }
0x112: {  	s3 =	sshll.u32 s13, $0x6;
	[bflag:$0x0] =	sbarrier.arrive $0xFFFF  }
0x113: {  	s14 =	sshrl.u32 s17, $0x3;
	s3 =	sor.u32 $0x1C05, s3;
	s9 =	rddreg [dreg:$0x13]  }
0x114: {  	[hbm:s9], [sflag:s3] =	dma.local [spmem:s14], $0x2800  }
0x115: {  	_ =	swait.ge [sflag:s11], $0x2800  }
0x116: {  	s0 =	sadd.s32 $0x1, s0;
	s15 =	rddreg [dreg:$0x14]  }
0x117: {  	p0 =	sne.s32 s0, s15  }
.Ltmp2:
0x118: {  	_ = 	snop;
	(pc) =	sbr.rel @p0 .LBB2_1-.Ltmp2, $3  }
0x119: {  	_ =	sdelay $0x1  }
0x11a: {  	[sflag:s11] =	ssyncset.done $0x0  }
0x11b: {  	s8 =	simm.s32 $0x400;
	[sflag:s11] =	ssyncadd.s32 $0xFFFFD800  }
0x11c: {  	_ =	sfence.sel $0x180000  }
0x11d: {  	[bflag:$0x0] =	sbarrier.arrive $0xFFFF  }
0x11e: {  	_ =	strace $0x90000047  }
0x11f: {  	s0 =	stileid.u32;
	[bflag:$0x2] =	sbarrier.arrive $0xFFFF  }
0x120: {  	p0 =	sne.s32 s0, $0x0;
	s0 =	rddreg [dreg:$0x3]  }
0x121: {  	s0 =	sadd.s32 @!p0 $0x100000, s0  }
0x122: {  	[sflag:s0] =	ssyncadd.tile.s32 @!p0 $0x1;
	_ =	shalt  }
.Lfunc_end2:
_tile_overlayer_lowered:
.L_overlay_start_2:
0x123: {  	(tag) =	ssettag $0x2  }
0x124: {  	s0 =	rddreg [dreg:$0x0];
	s2 =	stileid.u32  }
0x125: {  	s1 =	rddreg [dreg:$0x1];
	p0 =	sne.s32 s2, $0x0  }
0x126: {  	s3 =	rddreg [dreg:$0x2];
	[bflag:$0x3] =	sbarrier.arrive $0xFFFF;
	s2 =	simm.s32 @!p0 $0x1C05  }
0x127: {  	[timem:s3], [sflag:s2] =	dma.local @!p0 [hbm:s0], s1  }
0x128: {  	s0 =	simm.s32 @!p0 $0x5  }
0x129: {  	_ =	swait.ge @!p0 [sflag:s0], s1  }
0x12a: {  	s1 =	ssub.s32 @!p0 $0x0, s1;
	[sflag:s0] =	ssyncset.done @!p0 $0x0  }
0x12b: {  	[sflag:s0] =	ssyncadd.s32 @!p0 s1  }
0x12c: {  	[bflag:$0x3] =	sbarrier.arrive $0xFFFF  }
0x12d: {  	_ =	shalt  }

</sc_bundles>
